<compile_context>
chip_gen: v7x
topology: tpu7x:2x2x1
jax: 0.10.2.dev20260603
libtpu: 0.0.44.dev20260713+nightly
codegen_flags: <defaults>
</compile_context>

<pallas_src>
import functools

import jax
import jax.numpy as jnp
from jax import lax
from jax.experimental import pallas as pl
from jax.experimental.pallas import tpu as pltpu
from jax.experimental.pallas import tpu_sc as plsc

N = 10000
F = 128
E = 320000
NPAD = 10240
NC = 2
NS = 16
NW = NC * NS
K = 64
CHT = (-(-E // (NW * K)) + 7) // 8 * 8
EPAD = NW * K * CHT
RPT = NPAD // NS
RB = 2048
GRID = NPAD // RB


def _deg_body(dst_hbm, out_hbm, dstb, hist):
    cid = lax.axis_index("c")
    sid = lax.axis_index("s")
    wid = sid * NC + cid
    pltpu.sync_copy(dst_hbm.at[pl.ds(wid * CHT, CHT)], dstb)
    zero16 = jnp.zeros((16,), jnp.float32)

    def zbody(i, carry):
        hist[pl.ds(i * 16, 16)] = zero16
        return carry

    lax.fori_loop(0, NPAD // 16, zbody, 0)

    ones16 = jnp.ones((16,), jnp.float32)

    def ebody(i, carry):
        j = i // (K // 16)
        g = i % (K // 16)
        idx = dstb[j, pl.ds(g * 16, 16)]
        plsc.addupdate_scatter(hist, [idx], ones16)
        return carry

    lax.fori_loop(0, CHT * (K // 16), ebody, 0)
    pltpu.sync_copy(hist, out_hbm.at[wid, 0])


NBUF = 4
CHT_A = 296
CHT_B = (EPAD // K - 16 * CHT_A) // 16


def _seg_pipeline(tbl_hbm, eidx_hbm, acc, eb, rows, gsem, ssem, isem,
                  base, ng):
    pltpu.sync_copy(eidx_hbm.at[pl.ds(base, NBUF)], eb.at[0])
    pltpu.async_copy(eidx_hbm.at[pl.ds(base + NBUF, NBUF)], eb.at[1], isem)
    for b in range(NBUF):
        pltpu.async_copy(tbl_hbm.at[eb.at[0, b, 0]], rows[b], gsem[b])

    def group(g, carry):
        slot = lax.rem(g, 2)
        nslot = 1 - slot
        for b in range(NBUF):
            pltpu.make_async_copy(
                tbl_hbm.at[eb.at[slot, b, 0]], rows[b], gsem[b]).wait()
            pltpu.async_copy(
                rows[b], acc.at[eb.at[slot, b, 1]], ssem[b], add=True)

        @pl.when(g + 1 < ng)
        def _():
            pltpu.make_async_copy(
                eidx_hbm.at[pl.ds(base, NBUF)], eb.at[nslot], isem).wait()
            for b in range(NBUF):
                pltpu.make_async_copy(
                    rows[b], acc.at[eb.at[slot, b, 1]], ssem[b]).wait()
                pltpu.async_copy(
                    tbl_hbm.at[eb.at[nslot, b, 0]], rows[b], gsem[b])

        @pl.when(g + 2 < ng)
        def _():
            pltpu.async_copy(
                eidx_hbm.at[pl.ds(base + (g + 2) * NBUF, NBUF)],
                eb.at[slot], isem)
        return carry

    lax.fori_loop(0, ng, group, 0)
    for b in range(NBUF):
        pltpu.make_async_copy(rows[b], acc.at[eb.at[0, b, 1]], ssem[b]).wait()


def _segsum_body(tbl_hbm, eidx_hbm, out_hbm,
                 eb, r0, r1, r2, r3, acc,
                 g0, g1, g2, g3, s0, s1, s2, s3, isem):
    rows = [r0, r1, r2, r3]
    gsem = [g0, g1, g2, g3]
    ssem = [s0, s1, s2, s3]
    cid = lax.axis_index("c")
    sid = lax.axis_index("s")
    zero16 = jnp.zeros((16,), jnp.float32)

    def zbody(i, carry):
        rows[0][i // (F // 16), pl.ds((i % (F // 16)) * 16, 16)] = zero16
        return carry

    lax.fori_loop(0, (K * F) // 16, zbody, 0)
    for t in range(RPT // K):
        pltpu.sync_copy(rows[0], acc.at[pl.ds(sid * RPT + t * K, K)])
    plsc.subcore_barrier()

    @pl.when(cid == 0)
    def _():
        _seg_pipeline(tbl_hbm, eidx_hbm, acc, eb, rows, gsem, ssem, isem,
                      sid * CHT_A, CHT_A // NBUF)

    if CHT_B > 0:
        @pl.when(cid == 1)
        def _():
            _seg_pipeline(tbl_hbm, eidx_hbm, acc, eb, rows, gsem, ssem, isem,
                          16 * CHT_A + sid * CHT_B, CHT_B // NBUF)

    plsc.subcore_barrier()
    pltpu.sync_copy(acc.at[pl.ds(sid * RPT, RPT)],
                    out_hbm.at[cid, pl.ds(sid * RPT, RPT)])


@functools.lru_cache(maxsize=None)
def _sc_kernels():
    mesh = plsc.VectorSubcoreMesh(
        core_axis_name="c", subcore_axis_name="s",
        num_cores=NC, num_subcores=NS)
    cparams = pltpu.CompilerParams(needs_layout_passes=False)
    deg = pl.kernel(
        _deg_body,
        out_type=jax.ShapeDtypeStruct((NW, 1, NPAD), jnp.float32),
        mesh=mesh,
        compiler_params=cparams,
        scratch_types=[
            pltpu.VMEM((CHT, K), jnp.int32),
            pltpu.VMEM((NPAD,), jnp.float32),
        ],
    )
    segsum = pl.kernel(
        _segsum_body,
        out_type=jax.ShapeDtypeStruct((NC, NPAD, F), jnp.float32),
        mesh=mesh,
        compiler_params=cparams,
        scratch_types=(
            [pltpu.VMEM((2, NBUF, 2, K), jnp.int32)]
            + [pltpu.VMEM((K, F), jnp.float32) for _ in range(NBUF)]
            + [pltpu.VMEM_SHARED((NPAD, F), jnp.float32)]
            + [pltpu.SemaphoreType.DMA for _ in range(2 * NBUF + 1)]
        ),
    )
    return deg, segsum



def _mlp_body(x_ref, w1_ref, b1_ref, w2_ref, b2_ref, wr_ref, br_ref,
              h_ref, res_ref):
    x = x_ref[...]
    h1 = jnp.maximum(jnp.dot(x, w1_ref[...],
                             preferred_element_type=jnp.float32)
                     + b1_ref[...], 0.0)
    h = jnp.maximum(jnp.dot(h1, w2_ref[...],
                            preferred_element_type=jnp.float32)
                    + b2_ref[...], 0.0)
    h_ref[...] = h
    res_ref[...] = jnp.dot(h, wr_ref[...],
                           preferred_element_type=jnp.float32) + br_ref[...]


def _scale_body(degp_ref, h_ref, dinv_ref, s_ref):
    deg = jnp.sum(degp_ref[...], axis=0)
    dinv = lax.rsqrt(jnp.maximum(deg, 1.0))
    dinv_ref[...] = dinv
    s_ref[...] = h_ref[...] * dinv[:, None]


def _update_body(part_ref, h_ref, dinv_ref, f_ref, s_ref):
    agg = part_ref[0] + part_ref[1]
    dinv = dinv_ref[...][:, None]
    f = h_ref[...] - agg * dinv
    f_ref[...] = f
    s_ref[...] = f * dinv


def _final_body(part_ref, h_ref, f1_ref, dinv_ref, res_ref,
                wa_ref, ba_ref, wf1_ref, bf1_ref, wf2_ref, bf2_ref,
                w3_ref, b3_ref, w4_ref, b4_ref, out_ref):
    dinv = dinv_ref[...][:, None]
    f0 = h_ref[...]
    f1 = f1_ref[...]
    f2 = f1 - (part_ref[0] + part_ref[1]) * dinv
    br0 = 3.0 * f0 - 3.0 * f1 + 0.75 * f2
    br1 = 3.0 * f1 - 1.5 * f2
    br2 = 0.75 * f2
    wa = wa_ref[...]
    ba = ba_ref[...]
    s0 = jnp.dot(br0, wa, preferred_element_type=jnp.float32) + ba
    s1 = jnp.dot(br1, wa, preferred_element_type=jnp.float32) + ba
    s2 = jnp.dot(br2, wa, preferred_element_type=jnp.float32) + ba
    m = jnp.maximum(jnp.maximum(s0, s1), s2)
    e0 = jnp.exp(s0 - m)
    e1 = jnp.exp(s1 - m)
    e2 = jnp.exp(s2 - m)
    den = e0 + e1 + e2
    attn = (e0 * br0 + e1 * br1 + e2 * br2) / den
    mean = (br0 + br1 + br2) * (1.0 / 3.0)
    z = jnp.maximum(
        jnp.dot(attn, wf1_ref[0:F, :], preferred_element_type=jnp.float32)
        + jnp.dot(mean, wf1_ref[F:2 * F, :], preferred_element_type=jnp.float32)
        + bf1_ref[...], 0.0)
    logit_fw = jnp.dot(z, wf2_ref[...],
                       preferred_element_type=jnp.float32) + bf2_ref[...]
    fw = 1.0 / (1.0 + jnp.exp(-logit_fw))
    fused = 0.1 * fw * attn + (1.0 - fw) * mean + 0.8 * res_ref[...]
    h3 = jnp.maximum(jnp.dot(fused, w3_ref[...],
                             preferred_element_type=jnp.float32)
                     + b3_ref[...], 0.0)
    out_ref[...] = jnp.dot(h3, w4_ref[...],
                           preferred_element_type=jnp.float32) + b4_ref[...]


def _row_spec():
    return pl.BlockSpec((RB, F), lambda i: (i, 0))


def _full_spec(shape):
    nd = len(shape)
    return pl.BlockSpec(shape, lambda i: (0,) * nd)


def _mlp_call(x, W1, b1, W2, b2, Wres, bres):
    return pl.pallas_call(
        _mlp_body,
        grid=(GRID,),
        in_specs=[_row_spec(), _full_spec((F, F)), _full_spec((1, F)),
                  _full_spec((F, F)), _full_spec((1, F)),
                  _full_spec((F, F)), _full_spec((1, F))],
        out_specs=[_row_spec(), _row_spec()],
        out_shape=[jax.ShapeDtypeStruct((NPAD, F), jnp.float32),
                   jax.ShapeDtypeStruct((NPAD, F), jnp.float32)],
    )(x, W1, b1, W2, b2, Wres, bres)


def _scale_call(degp, h):
    return pl.pallas_call(
        _scale_body,
        grid=(GRID,),
        in_specs=[pl.BlockSpec((NW, RB), lambda i: (0, i)), _row_spec()],
        out_specs=[pl.BlockSpec((RB,), lambda i: (i,)), _row_spec()],
        out_shape=[jax.ShapeDtypeStruct((NPAD,), jnp.float32),
                   jax.ShapeDtypeStruct((NPAD, F), jnp.float32)],
    )(degp, h)


def _update_call(part, h, dinv):
    return pl.pallas_call(
        _update_body,
        grid=(GRID,),
        in_specs=[pl.BlockSpec((NC, RB, F), lambda i: (0, i, 0)),
                  _row_spec(), pl.BlockSpec((RB,), lambda i: (i,))],
        out_specs=[_row_spec(), _row_spec()],
        out_shape=[jax.ShapeDtypeStruct((NPAD, F), jnp.float32),
                   jax.ShapeDtypeStruct((NPAD, F), jnp.float32)],
    )(part, h, dinv)


def _final_call(part, h, f1, dinv, res,
                Wattn, battn, Wf1, bf1, Wf2, bf2, W3, b3, W4, b4):
    return pl.pallas_call(
        _final_body,
        grid=(GRID,),
        in_specs=[pl.BlockSpec((NC, RB, F), lambda i: (0, i, 0)),
                  _row_spec(), _row_spec(),
                  pl.BlockSpec((RB,), lambda i: (i,)), _row_spec(),
                  _full_spec((F, 1)), _full_spec((1, 1)),
                  _full_spec((2 * F, F)), _full_spec((1, F)),
                  _full_spec((F, 1)), _full_spec((1, 1)),
                  _full_spec((F, F)), _full_spec((1, F)),
                  _full_spec((F, 2)), _full_spec((1, 2))],
        out_specs=pl.BlockSpec((RB, 2), lambda i: (i, 0)),
        out_shape=jax.ShapeDtypeStruct((NPAD, 2), jnp.float32),
    )(part, h, f1, dinv, res,
      Wattn, battn, Wf1, bf1, Wf2, bf2, W3, b3, W4, b4)



def kernel(in_feat, edge_index, W1, b1, W2, b2, Wres, bres, Wattn, battn,
           Wf1, bf1, Wf2, bf2, W3, b3, W4, b4):
    src = edge_index[0].astype(jnp.int32)
    dst = edge_index[1].astype(jnp.int32)
    npadE = EPAD - E
    src_p = jnp.concatenate(
        [src, jnp.zeros((npadE,), jnp.int32)]).reshape(EPAD // K, K)
    dst_p = jnp.concatenate(
        [dst, jnp.full((npadE,), N, jnp.int32)]).reshape(EPAD // K, K)
    eidx = jnp.stack([src_p, dst_p], axis=1)
    x_p = jnp.pad(in_feat, ((0, NPAD - N), (0, 0)))

    b1r = b1.reshape(1, F)
    b2r = b2.reshape(1, F)
    bresr = bres.reshape(1, F)
    battnr = battn.reshape(1, 1)
    bf1r = bf1.reshape(1, F)
    bf2r = bf2.reshape(1, 1)
    b3r = b3.reshape(1, F)
    b4r = b4.reshape(1, 2)

    _deg_kernel, _segsum_kernel = _sc_kernels()
    deg_part = _deg_kernel(dst_p).reshape(NW, NPAD)
    h_pre, res = _mlp_call(x_p, W1, b1r, W2, b2r, Wres, bresr)
    dinv, s1 = _scale_call(deg_part, h_pre)
    part1 = _segsum_kernel(s1, eidx)
    f1, s2 = _update_call(part1, h_pre, dinv)
    part2 = _segsum_kernel(s2, eidx)
    logits_p = _final_call(part2, h_pre, f1, dinv, res,
                           Wattn, battnr, Wf1, bf1r, Wf2, bf2r,
                           W3, b3r, W4, b4r)
    return logits_p[:N]

# --- scband reference (transcript-rebuilt; emitter-appended) ---
"""Pipeline reference for scband-adcgnn-amazon-81398220194637 (READ-ONLY COPY).

The authoritative reference and input builder live on the scoring server;
editing this copy changes nothing except your own understanding.
"""

import jax, jax.numpy as jnp
import numpy as np

N_NODES = 10000
N_EDGES = 320000
IN_FEATS = 128
H_FEATS = 128
NUM_CLASSES = 2
# calculate_theta2(d=2) precomputed (Bernstein basis coefficients, lowest power first)
THETAS = [[3.0, -3.0, 0.75], [0.0, 3.0, -1.5], [0.0, 0.0, 0.75]]


def setup_inputs(seed: int = 0) -> dict:
    key = jax.random.key(seed)
    ks = jax.random.split(key, 20)
    s = 0.05
    inp = {}
    inp["in_feat"] = jax.random.normal(ks[0], (N_NODES, IN_FEATS), dtype=jnp.float32)
    inp["edge_index"] = jax.random.randint(ks[1], (2, N_EDGES), 0, N_NODES)
    inp["W1"] = jax.random.normal(ks[2], (IN_FEATS, H_FEATS), dtype=jnp.float32) * s
    inp["b1"] = jnp.zeros((H_FEATS,), dtype=jnp.float32)
    inp["W2"] = jax.random.normal(ks[3], (H_FEATS, H_FEATS), dtype=jnp.float32) * s
    inp["b2"] = jnp.zeros((H_FEATS,), dtype=jnp.float32)
    inp["Wres"] = jax.random.normal(ks[4], (H_FEATS, H_FEATS), dtype=jnp.float32) * s
    inp["bres"] = jnp.zeros((H_FEATS,), dtype=jnp.float32)
    inp["Wattn"] = jax.random.normal(ks[5], (H_FEATS, 1), dtype=jnp.float32) * s
    inp["battn"] = jnp.zeros((1,), dtype=jnp.float32)
    inp["Wf1"] = jax.random.normal(ks[6], (2 * H_FEATS, H_FEATS), dtype=jnp.float32) * s
    inp["bf1"] = jnp.zeros((H_FEATS,), dtype=jnp.float32)
    inp["Wf2"] = jax.random.normal(ks[7], (H_FEATS, 1), dtype=jnp.float32) * s
    inp["bf2"] = jnp.zeros((1,), dtype=jnp.float32)
    inp["W3"] = jax.random.normal(ks[8], (H_FEATS, H_FEATS), dtype=jnp.float32) * s
    inp["b3"] = jnp.zeros((H_FEATS,), dtype=jnp.float32)
    inp["W4"] = jax.random.normal(ks[9], (H_FEATS, NUM_CLASSES), dtype=jnp.float32) * s
    inp["b4"] = jnp.zeros((NUM_CLASSES,), dtype=jnp.float32)
    return inp


def _poly_conv(feat, theta, D_invsqrt, src, dst, n):
    # h = theta[0]*feat; feat_{k} = feat_{k-1} - Dinv * A @ (Dinv * feat_{k-1}); h += theta[k]*feat_k
    h = theta[0] * feat
    for k in range(1, len(theta)):
        agg = jax.ops.segment_sum((feat * D_invsqrt)[src], dst, num_segments=n)
        feat = feat - agg * D_invsqrt
        h = h + theta[k] * feat
    return h


def _forward(in_feat, W1, b1, W2, b2, Wres, bres, Wattn, battn, Wf1, bf1, Wf2, bf2, W3, b3, W4, b4, src, dst):
    n = in_feat.shape[0]
    ones_e = jnp.ones((src.shape[0],), dtype=jnp.float32)
    in_deg = jax.ops.segment_sum(ones_e, dst, num_segments=n)
    D_invsqrt = jnp.power(jnp.maximum(in_deg, 1.0), -0.5)[:, None]
    h_pre = jax.nn.relu(in_feat @ W1 + b1)
    h_pre = jax.nn.relu(h_pre @ W2 + b2)
    # dropout is identity at inference
    res = h_pre @ Wres + bres
    branches = [_poly_conv(h_pre, th, D_invsqrt, src, dst, n) for th in THETAS]
    h_stack = jnp.stack(branches, axis=1)  # [N, B, F]
    B = h_stack.shape[1]
    attn_scores = (h_stack.reshape(-1, h_stack.shape[-1]) @ Wattn + battn).reshape(n, B)
    attn_weights = jax.nn.softmax(attn_scores, axis=1)[..., None]
    attn_fused = jnp.sum(h_stack * attn_weights, axis=1)
    mean_fused = jnp.mean(h_stack, axis=1)
    fusion_input = jnp.concatenate([attn_fused, mean_fused], axis=-1)
    fusion_weight = jax.nn.sigmoid(jax.nn.relu(fusion_input @ Wf1 + bf1) @ Wf2 + bf2)
    fused = 0.1 * fusion_weight * attn_fused + (1.0 - fusion_weight) * mean_fused
    fused = fused + 0.8 * res
    fused = jax.nn.relu(fused @ W3 + b3)
    logits = fused @ W4 + b4
    return logits


def reference(in_feat, edge_index, W1, b1, W2, b2, Wres, bres, Wattn, battn, Wf1, bf1, Wf2, bf2, W3, b3, W4, b4):
    src = edge_index[0]
    dst = edge_index[1]
    return _forward(in_feat, W1, b1, W2, b2, Wres, bres, Wattn, battn, Wf1, bf1, Wf2, bf2, W3, b3, W4, b4, src, dst)

if __name__ == "__main__":
    import jax
    _d = setup_inputs()
    print(jax.jit(kernel)(*tuple(_d.values())))

</pallas_src>

<mosaic_0001>
#map = affine_map<(d0, d1) -> (0, 0)>
#map1 = affine_map<(d0, d1) -> (0, 0, 0)>
module attributes {stable_mosaic.version = 14 : i64} {
  func.func @_segsum_body(%arg0: i32, %arg1: i32, %arg2: memref<10240x128xf32, #tpu.memory_space<hbm>>, %arg3: memref<5120x2x64xi32, #tpu.memory_space<hbm>>, %arg4: memref<2x10240x128xf32, #tpu.memory_space<hbm>>, %arg5: memref<2x4x2x64xi32, #tpu.memory_space<vmem>>, %arg6: memref<64x128xf32, #tpu.memory_space<vmem>>, %arg7: memref<64x128xf32, #tpu.memory_space<vmem>>, %arg8: memref<64x128xf32, #tpu.memory_space<vmem>>, %arg9: memref<64x128xf32, #tpu.memory_space<vmem>>, %arg10: memref<10240x128xf32, #tpu.memory_space<vmem_shared>>, %arg11: memref<!tpu.dma_semaphore, #tpu.memory_space<semaphore_mem>>, %arg12: memref<!tpu.dma_semaphore, #tpu.memory_space<semaphore_mem>>, %arg13: memref<!tpu.dma_semaphore, #tpu.memory_space<semaphore_mem>>, %arg14: memref<!tpu.dma_semaphore, #tpu.memory_space<semaphore_mem>>, %arg15: memref<!tpu.dma_semaphore, #tpu.memory_space<semaphore_mem>>, %arg16: memref<!tpu.dma_semaphore, #tpu.memory_space<semaphore_mem>>, %arg17: memref<!tpu.dma_semaphore, #tpu.memory_space<semaphore_mem>>, %arg18: memref<!tpu.dma_semaphore, #tpu.memory_space<semaphore_mem>>, %arg19: memref<!tpu.dma_semaphore, #tpu.memory_space<semaphore_mem>>) attributes {dimension_semantics = [#tpu.dimension_semantics<core_parallel>, #tpu.dimension_semantics<subcore_parallel>], iteration_bounds = array<i64: 2, 16>, scalar_prefetch = 0 : i64, scratch_operands = 15 : i64, tpu.core_type = #tpu.core_type<sc_vector_subcore>, window_params = [{transform_indices = #map}, {transform_indices = #map1}, {transform_indices = #map1}]} {
    %broadcast_in_dim3A = arith.constant 0.000000e+00 : f32
    %broadcast_in_dim3A_0 = vector.broadcast %broadcast_in_dim3A : f32 to vector<16xf32>
    %scan3A = arith.constant 0 : i32
    %scan3A_1 = arith.constant 0 : i32
    %scan3A_2 = arith.constant 512 : i32
    %scan3A_3 = arith.addi %scan3A_1, %scan3A_2 : i32
    %scan3A_4 = arith.constant 1 : i32
    scf.for %scan3A_56 = %scan3A_1 to %scan3A_3 step %scan3A_4  : i32 {
      %jit3A = arith.constant 8 : i32
      %div3A = arith.divsi %scan3A_56, %jit3A : i32
      %sign3A = arith.constant 0 : i32
      %sign3A_57 = arith.cmpi sgt, %scan3A_56, %sign3A : i32
      %sign3A_58 = arith.extui %sign3A_57 : i1 to i32
      %sign3A_59 = arith.constant 0 : i32
      %sign3A_60 = arith.cmpi slt, %scan3A_56, %sign3A_59 : i32
      %sign3A_61 = arith.extui %sign3A_60 : i1 to i32
      %sign3A_62 = arith.subi %sign3A_58, %sign3A_61 : i32
      %sign3A_63 = arith.constant 0 : i32
      %sign3A_64 = arith.cmpi sgt, %jit3A, %sign3A_63 : i32
      %sign3A_65 = arith.extui %sign3A_64 : i1 to i32
      %sign3A_66 = arith.constant 0 : i32
      %sign3A_67 = arith.cmpi slt, %jit3A, %sign3A_66 : i32
      %sign3A_68 = arith.extui %sign3A_67 : i1 to i32
      %sign3A_69 = arith.subi %sign3A_65, %sign3A_68 : i32
      %ne3A = arith.cmpi ne, %sign3A_62, %sign3A_69 : i32
      %rem3A = arith.remsi %scan3A_56, %jit3A : i32
      %ne3A_70 = arith.constant 0 : i32
      %ne3A_71 = arith.cmpi ne, %rem3A, %ne3A_70 : i32
      %and3A = arith.andi %ne3A, %ne3A_71 : i1
      %sub3A = arith.constant 1 : i32
      %sub3A_72 = arith.subi %div3A, %sub3A : i32
      %select_n3A = arith.select %and3A, %sub3A_72, %div3A : i32
      %jit3A_73 = arith.constant 8 : i32
      %eq3A_74 = arith.constant 0 : i32
      %eq3A_75 = arith.cmpi eq, %jit3A_73, %eq3A_74 : i32
      %jit3A_76 = arith.constant 1 : i32
      %select_n3A_77 = arith.select %eq3A_75, %jit3A_76, %jit3A_73 : i32
      %rem3A_78 = arith.remsi %scan3A_56, %select_n3A_77 : i32
      %ne3A_79 = arith.constant 0 : i32
      %ne3A_80 = arith.cmpi ne, %rem3A_78, %ne3A_79 : i32
      %lt3A = arith.constant 0 : i32
      %lt3A_81 = arith.cmpi slt, %rem3A_78, %lt3A : i32
      %lt3A_82 = arith.constant 0 : i32
      %lt3A_83 = arith.cmpi slt, %select_n3A_77, %lt3A_82 : i32
      %ne3A_84 = arith.xori %lt3A_81, %lt3A_83 : i1
      %and3A_85 = arith.andi %ne3A_84, %ne3A_80 : i1
      %add3A_86 = arith.addi %rem3A_78, %select_n3A_77 : i32
      %select_n3A_87 = arith.select %and3A_85, %add3A_86, %rem3A_78 : i32
      %mul3A_88 = arith.constant 16 : i32
      %mul3A_89 = arith.muli %select_n3A_87, %mul3A_88 : i32
      %swap3A = arith.index_cast %select_n3A : i32 to index
      %swap3A_90 = arith.index_cast %mul3A_89 : i32 to index
      %swap3A_91 = tpu.vector_load %arg6[%swap3A, %swap3A_90] {strides = array<i32>} : memref<64x128xf32, #tpu.memory_space<vmem>>, vector<16xf32>,
      tpu.vector_store %arg6[%swap3A, %swap3A_90], %broadcast_in_dim3A_0 {strides = array<i32>} : memref<64x128xf32, #tpu.memory_space<vmem>>, vector<16xf32>,
    }
    %scan3A_5 = arith.constant 512 : i32
    %mul3A = arith.constant 640 : i32
    %mul3A_6 = arith.muli %arg1, %mul3A : i32
    %add3A = arith.constant 0 : i32
    %add3A_7 = arith.addi %mul3A_6, %add3A : i32
    "tpu.region"() ({
      %run_scoped3A = tpu.sem_alloc : memref<!tpu.dma_semaphore, #tpu.memory_space<semaphore_mem>>
      %dma_start3A = arith.constant 0 : i32
      %dma_start3A_56 = tpu.memref_slice %arg10[%add3A_7, %dma_start3A] : memref<10240x128xf32, #tpu.memory_space<vmem_shared>> -> memref<64x128xf32, #tpu.memory_space<vmem_shared>>
      %dma_start3A_57 = arith.constant 0 : i32
      %dma_start3A_58 = tpu.memref_slice %arg10[%add3A_7, %dma_start3A_57] : memref<10240x128xf32, #tpu.memory_space<vmem_shared>> -> memref<64x128xf32, #tpu.memory_space<vmem_shared>>
      tpu.enqueue_dma source(%arg6 : memref<64x128xf32, #tpu.memory_space<vmem>>) target(%dma_start3A_58 : memref<64x128xf32, #tpu.memory_space<vmem_shared>>) target_semaphore(%run_scoped3A : memref<!tpu.dma_semaphore, #tpu.memory_space<semaphore_mem>>)
      %dma_wait3A = arith.constant 0 : i32
      %dma_wait3A_59 = tpu.memref_slice %arg10[%add3A_7, %dma_wait3A] : memref<10240x128xf32, #tpu.memory_space<vmem_shared>> -> memref<64x128xf32, #tpu.memory_space<vmem_shared>>
      %dma_wait3A_60 = arith.constant 0 : i32
      %dma_wait3A_61 = tpu.memref_slice %arg10[%add3A_7, %dma_wait3A_60] : memref<10240x128xf32, #tpu.memory_space<vmem_shared>> -> memref<64x128xf32, #tpu.memory_space<vmem_shared>>
      tpu.wait_dma2 semaphore(%run_scoped3A : memref<!tpu.dma_semaphore, #tpu.memory_space<semaphore_mem>>) src(%arg6 : memref<64x128xf32, #tpu.memory_space<vmem>>) dst(%dma_wait3A_61 : memref<64x128xf32, #tpu.memory_space<vmem_shared>>)
      tpu.yield
    }) : () -> ()
    %mul3A_8 = arith.constant 640 : i32
    %mul3A_9 = arith.muli %arg1, %mul3A_8 : i32
    %add3A_10 = arith.constant 64 : i32
    %add3A_11 = arith.addi %mul3A_9, %add3A_10 : i32
    "tpu.region"() ({
      %run_scoped3A = tpu.sem_alloc : memref<!tpu.dma_semaphore, #tpu.memory_space<semaphore_mem>>
      %dma_start3A = arith.constant 0 : i32
      %dma_start3A_56 = tpu.memref_slice %arg10[%add3A_11, %dma_start3A] : memref<10240x128xf32, #tpu.memory_space<vmem_shared>> -> memref<64x128xf32, #tpu.memory_space<vmem_shared>>
      %dma_start3A_57 = arith.constant 0 : i32
      %dma_start3A_58 = tpu.memref_slice %arg10[%add3A_11, %dma_start3A_57] : memref<10240x128xf32, #tpu.memory_space<vmem_shared>> -> memref<64x128xf32, #tpu.memory_space<vmem_shared>>
      tpu.enqueue_dma source(%arg6 : memref<64x128xf32, #tpu.memory_space<vmem>>) target(%dma_start3A_58 : memref<64x128xf32, #tpu.memory_space<vmem_shared>>) target_semaphore(%run_scoped3A : memref<!tpu.dma_semaphore, #tpu.memory_space<semaphore_mem>>)
      %dma_wait3A = arith.constant 0 : i32
      %dma_wait3A_59 = tpu.memref_slice %arg10[%add3A_11, %dma_wait3A] : memref<10240x128xf32, #tpu.memory_space<vmem_shared>> -> memref<64x128xf32, #tpu.memory_space<vmem_shared>>
      %dma_wait3A_60 = arith.constant 0 : i32
      %dma_wait3A_61 = tpu.memref_slice %arg10[%add3A_11, %dma_wait3A_60] : memref<10240x128xf32, #tpu.memory_space<vmem_shared>> -> memref<64x128xf32, #tpu.memory_space<vmem_shared>>
      tpu.wait_dma2 semaphore(%run_scoped3A : memref<!tpu.dma_semaphore, #tpu.memory_space<semaphore_mem>>) src(%arg6 : memref<64x128xf32, #tpu.memory_space<vmem>>) dst(%dma_wait3A_61 : memref<64x128xf32, #tpu.memory_space<vmem_shared>>)
      tpu.yield
    }) : () -> ()
    %mul3A_12 = arith.constant 640 : i32
    %mul3A_13 = arith.muli %arg1, %mul3A_12 : i32
    %add3A_14 = arith.constant 128 : i32
    %add3A_15 = arith.addi %mul3A_13, %add3A_14 : i32
    "tpu.region"() ({
      %run_scoped3A = tpu.sem_alloc : memref<!tpu.dma_semaphore, #tpu.memory_space<semaphore_mem>>
      %dma_start3A = arith.constant 0 : i32
      %dma_start3A_56 = tpu.memref_slice %arg10[%add3A_15, %dma_start3A] : memref<10240x128xf32, #tpu.memory_space<vmem_shared>> -> memref<64x128xf32, #tpu.memory_space<vmem_shared>>
      %dma_start3A_57 = arith.constant 0 : i32
      %dma_start3A_58 = tpu.memref_slice %arg10[%add3A_15, %dma_start3A_57] : memref<10240x128xf32, #tpu.memory_space<vmem_shared>> -> memref<64x128xf32, #tpu.memory_space<vmem_shared>>
      tpu.enqueue_dma source(%arg6 : memref<64x128xf32, #tpu.memory_space<vmem>>) target(%dma_start3A_58 : memref<64x128xf32, #tpu.memory_space<vmem_shared>>) target_semaphore(%run_scoped3A : memref<!tpu.dma_semaphore, #tpu.memory_space<semaphore_mem>>)
      %dma_wait3A = arith.constant 0 : i32
      %dma_wait3A_59 = tpu.memref_slice %arg10[%add3A_15, %dma_wait3A] : memref<10240x128xf32, #tpu.memory_space<vmem_shared>> -> memref<64x128xf32, #tpu.memory_space<vmem_shared>>
      %dma_wait3A_60 = arith.constant 0 : i32
      %dma_wait3A_61 = tpu.memref_slice %arg10[%add3A_15, %dma_wait3A_60] : memref<10240x128xf32, #tpu.memory_space<vmem_shared>> -> memref<64x128xf32, #tpu.memory_space<vmem_shared>>
      tpu.wait_dma2 semaphore(%run_scoped3A : memref<!tpu.dma_semaphore, #tpu.memory_space<semaphore_mem>>) src(%arg6 : memref<64x128xf32, #tpu.memory_space<vmem>>) dst(%dma_wait3A_61 : memref<64x128xf32, #tpu.memory_space<vmem_shared>>)
      tpu.yield
    }) : () -> ()
    %mul3A_16 = arith.constant 640 : i32
    %mul3A_17 = arith.muli %arg1, %mul3A_16 : i32
    %add3A_18 = arith.constant 192 : i32
    %add3A_19 = arith.addi %mul3A_17, %add3A_18 : i32
    "tpu.region"() ({
      %run_scoped3A = tpu.sem_alloc : memref<!tpu.dma_semaphore, #tpu.memory_space<semaphore_mem>>
      %dma_start3A = arith.constant 0 : i32
      %dma_start3A_56 = tpu.memref_slice %arg10[%add3A_19, %dma_start3A] : memref<10240x128xf32, #tpu.memory_space<vmem_shared>> -> memref<64x128xf32, #tpu.memory_space<vmem_shared>>
      %dma_start3A_57 = arith.constant 0 : i32
      %dma_start3A_58 = tpu.memref_slice %arg10[%add3A_19, %dma_start3A_57] : memref<10240x128xf32, #tpu.memory_space<vmem_shared>> -> memref<64x128xf32, #tpu.memory_space<vmem_shared>>
      tpu.enqueue_dma source(%arg6 : memref<64x128xf32, #tpu.memory_space<vmem>>) target(%dma_start3A_58 : memref<64x128xf32, #tpu.memory_space<vmem_shared>>) target_semaphore(%run_scoped3A : memref<!tpu.dma_semaphore, #tpu.memory_space<semaphore_mem>>)
      %dma_wait3A = arith.constant 0 : i32
      %dma_wait3A_59 = tpu.memref_slice %arg10[%add3A_19, %dma_wait3A] : memref<10240x128xf32, #tpu.memory_space<vmem_shared>> -> memref<64x128xf32, #tpu.memory_space<vmem_shared>>
      %dma_wait3A_60 = arith.constant 0 : i32
      %dma_wait3A_61 = tpu.memref_slice %arg10[%add3A_19, %dma_wait3A_60] : memref<10240x128xf32, #tpu.memory_space<vmem_shared>> -> memref<64x128xf32, #tpu.memory_space<vmem_shared>>
      tpu.wait_dma2 semaphore(%run_scoped3A : memref<!tpu.dma_semaphore, #tpu.memory_space<semaphore_mem>>) src(%arg6 : memref<64x128xf32, #tpu.memory_space<vmem>>) dst(%dma_wait3A_61 : memref<64x128xf32, #tpu.memory_space<vmem_shared>>)
      tpu.yield
    }) : () -> ()
    %mul3A_20 = arith.constant 640 : i32
    %mul3A_21 = arith.muli %arg1, %mul3A_20 : i32
    %add3A_22 = arith.constant 256 : i32
    %add3A_23 = arith.addi %mul3A_21, %add3A_22 : i32
    "tpu.region"() ({
      %run_scoped3A = tpu.sem_alloc : memref<!tpu.dma_semaphore, #tpu.memory_space<semaphore_mem>>
      %dma_start3A = arith.constant 0 : i32
      %dma_start3A_56 = tpu.memref_slice %arg10[%add3A_23, %dma_start3A] : memref<10240x128xf32, #tpu.memory_space<vmem_shared>> -> memref<64x128xf32, #tpu.memory_space<vmem_shared>>
      %dma_start3A_57 = arith.constant 0 : i32
      %dma_start3A_58 = tpu.memref_slice %arg10[%add3A_23, %dma_start3A_57] : memref<10240x128xf32, #tpu.memory_space<vmem_shared>> -> memref<64x128xf32, #tpu.memory_space<vmem_shared>>
      tpu.enqueue_dma source(%arg6 : memref<64x128xf32, #tpu.memory_space<vmem>>) target(%dma_start3A_58 : memref<64x128xf32, #tpu.memory_space<vmem_shared>>) target_semaphore(%run_scoped3A : memref<!tpu.dma_semaphore, #tpu.memory_space<semaphore_mem>>)
      %dma_wait3A = arith.constant 0 : i32
      %dma_wait3A_59 = tpu.memref_slice %arg10[%add3A_23, %dma_wait3A] : memref<10240x128xf32, #tpu.memory_space<vmem_shared>> -> memref<64x128xf32, #tpu.memory_space<vmem_shared>>
      %dma_wait3A_60 = arith.constant 0 : i32
      %dma_wait3A_61 = tpu.memref_slice %arg10[%add3A_23, %dma_wait3A_60] : memref<10240x128xf32, #tpu.memory_space<vmem_shared>> -> memref<64x128xf32, #tpu.memory_space<vmem_shared>>
      tpu.wait_dma2 semaphore(%run_scoped3A : memref<!tpu.dma_semaphore, #tpu.memory_space<semaphore_mem>>) src(%arg6 : memref<64x128xf32, #tpu.memory_space<vmem>>) dst(%dma_wait3A_61 : memref<64x128xf32, #tpu.memory_space<vmem_shared>>)
      tpu.yield
    }) : () -> ()
    %mul3A_24 = arith.constant 640 : i32
    %mul3A_25 = arith.muli %arg1, %mul3A_24 : i32
    %add3A_26 = arith.constant 320 : i32
    %add3A_27 = arith.addi %mul3A_25, %add3A_26 : i32
    "tpu.region"() ({
      %run_scoped3A = tpu.sem_alloc : memref<!tpu.dma_semaphore, #tpu.memory_space<semaphore_mem>>
      %dma_start3A = arith.constant 0 : i32
      %dma_start3A_56 = tpu.memref_slice %arg10[%add3A_27, %dma_start3A] : memref<10240x128xf32, #tpu.memory_space<vmem_shared>> -> memref<64x128xf32, #tpu.memory_space<vmem_shared>>
      %dma_start3A_57 = arith.constant 0 : i32
      %dma_start3A_58 = tpu.memref_slice %arg10[%add3A_27, %dma_start3A_57] : memref<10240x128xf32, #tpu.memory_space<vmem_shared>> -> memref<64x128xf32, #tpu.memory_space<vmem_shared>>
      tpu.enqueue_dma source(%arg6 : memref<64x128xf32, #tpu.memory_space<vmem>>) target(%dma_start3A_58 : memref<64x128xf32, #tpu.memory_space<vmem_shared>>) target_semaphore(%run_scoped3A : memref<!tpu.dma_semaphore, #tpu.memory_space<semaphore_mem>>)
      %dma_wait3A = arith.constant 0 : i32
      %dma_wait3A_59 = tpu.memref_slice %arg10[%add3A_27, %dma_wait3A] : memref<10240x128xf32, #tpu.memory_space<vmem_shared>> -> memref<64x128xf32, #tpu.memory_space<vmem_shared>>
      %dma_wait3A_60 = arith.constant 0 : i32
      %dma_wait3A_61 = tpu.memref_slice %arg10[%add3A_27, %dma_wait3A_60] : memref<10240x128xf32, #tpu.memory_space<vmem_shared>> -> memref<64x128xf32, #tpu.memory_space<vmem_shared>>
      tpu.wait_dma2 semaphore(%run_scoped3A : memref<!tpu.dma_semaphore, #tpu.memory_space<semaphore_mem>>) src(%arg6 : memref<64x128xf32, #tpu.memory_space<vmem>>) dst(%dma_wait3A_61 : memref<64x128xf32, #tpu.memory_space<vmem_shared>>)
      tpu.yield
    }) : () -> ()
    %mul3A_28 = arith.constant 640 : i32
    %mul3A_29 = arith.muli %arg1, %mul3A_28 : i32
    %add3A_30 = arith.constant 384 : i32
    %add3A_31 = arith.addi %mul3A_29, %add3A_30 : i32
    "tpu.region"() ({
      %run_scoped3A = tpu.sem_alloc : memref<!tpu.dma_semaphore, #tpu.memory_space<semaphore_mem>>
      %dma_start3A = arith.constant 0 : i32
      %dma_start3A_56 = tpu.memref_slice %arg10[%add3A_31, %dma_start3A] : memref<10240x128xf32, #tpu.memory_space<vmem_shared>> -> memref<64x128xf32, #tpu.memory_space<vmem_shared>>
      %dma_start3A_57 = arith.constant 0 : i32
      %dma_start3A_58 = tpu.memref_slice %arg10[%add3A_31, %dma_start3A_57] : memref<10240x128xf32, #tpu.memory_space<vmem_shared>> -> memref<64x128xf32, #tpu.memory_space<vmem_shared>>
      tpu.enqueue_dma source(%arg6 : memref<64x128xf32, #tpu.memory_space<vmem>>) target(%dma_start3A_58 : memref<64x128xf32, #tpu.memory_space<vmem_shared>>) target_semaphore(%run_scoped3A : memref<!tpu.dma_semaphore, #tpu.memory_space<semaphore_mem>>)
      %dma_wait3A = arith.constant 0 : i32
      %dma_wait3A_59 = tpu.memref_slice %arg10[%add3A_31, %dma_wait3A] : memref<10240x128xf32, #tpu.memory_space<vmem_shared>> -> memref<64x128xf32, #tpu.memory_space<vmem_shared>>
      %dma_wait3A_60 = arith.constant 0 : i32
      %dma_wait3A_61 = tpu.memref_slice %arg10[%add3A_31, %dma_wait3A_60] : memref<10240x128xf32, #tpu.memory_space<vmem_shared>> -> memref<64x128xf32, #tpu.memory_space<vmem_shared>>
      tpu.wait_dma2 semaphore(%run_scoped3A : memref<!tpu.dma_semaphore, #tpu.memory_space<semaphore_mem>>) src(%arg6 : memref<64x128xf32, #tpu.memory_space<vmem>>) dst(%dma_wait3A_61 : memref<64x128xf32, #tpu.memory_space<vmem_shared>>)
      tpu.yield
    }) : () -> ()
    %mul3A_32 = arith.constant 640 : i32
    %mul3A_33 = arith.muli %arg1, %mul3A_32 : i32
    %add3A_34 = arith.constant 448 : i32
    %add3A_35 = arith.addi %mul3A_33, %add3A_34 : i32
    "tpu.region"() ({
      %run_scoped3A = tpu.sem_alloc : memref<!tpu.dma_semaphore, #tpu.memory_space<semaphore_mem>>
      %dma_start3A = arith.constant 0 : i32
      %dma_start3A_56 = tpu.memref_slice %arg10[%add3A_35, %dma_start3A] : memref<10240x128xf32, #tpu.memory_space<vmem_shared>> -> memref<64x128xf32, #tpu.memory_space<vmem_shared>>
      %dma_start3A_57 = arith.constant 0 : i32
      %dma_start3A_58 = tpu.memref_slice %arg10[%add3A_35, %dma_start3A_57] : memref<10240x128xf32, #tpu.memory_space<vmem_shared>> -> memref<64x128xf32, #tpu.memory_space<vmem_shared>>
      tpu.enqueue_dma source(%arg6 : memref<64x128xf32, #tpu.memory_space<vmem>>) target(%dma_start3A_58 : memref<64x128xf32, #tpu.memory_space<vmem_shared>>) target_semaphore(%run_scoped3A : memref<!tpu.dma_semaphore, #tpu.memory_space<semaphore_mem>>)
      %dma_wait3A = arith.constant 0 : i32
      %dma_wait3A_59 = tpu.memref_slice %arg10[%add3A_35, %dma_wait3A] : memref<10240x128xf32, #tpu.memory_space<vmem_shared>> -> memref<64x128xf32, #tpu.memory_space<vmem_shared>>
      %dma_wait3A_60 = arith.constant 0 : i32
      %dma_wait3A_61 = tpu.memref_slice %arg10[%add3A_35, %dma_wait3A_60] : memref<10240x128xf32, #tpu.memory_space<vmem_shared>> -> memref<64x128xf32, #tpu.memory_space<vmem_shared>>
      tpu.wait_dma2 semaphore(%run_scoped3A : memref<!tpu.dma_semaphore, #tpu.memory_space<semaphore_mem>>) src(%arg6 : memref<64x128xf32, #tpu.memory_space<vmem>>) dst(%dma_wait3A_61 : memref<64x128xf32, #tpu.memory_space<vmem_shared>>)
      tpu.yield
    }) : () -> ()
    %mul3A_36 = arith.constant 640 : i32
    %mul3A_37 = arith.muli %arg1, %mul3A_36 : i32
    %add3A_38 = arith.constant 512 : i32
    %add3A_39 = arith.addi %mul3A_37, %add3A_38 : i32
    "tpu.region"() ({
      %run_scoped3A = tpu.sem_alloc : memref<!tpu.dma_semaphore, #tpu.memory_space<semaphore_mem>>
      %dma_start3A = arith.constant 0 : i32
      %dma_start3A_56 = tpu.memref_slice %arg10[%add3A_39, %dma_start3A] : memref<10240x128xf32, #tpu.memory_space<vmem_shared>> -> memref<64x128xf32, #tpu.memory_space<vmem_shared>>
      %dma_start3A_57 = arith.constant 0 : i32
      %dma_start3A_58 = tpu.memref_slice %arg10[%add3A_39, %dma_start3A_57] : memref<10240x128xf32, #tpu.memory_space<vmem_shared>> -> memref<64x128xf32, #tpu.memory_space<vmem_shared>>
      tpu.enqueue_dma source(%arg6 : memref<64x128xf32, #tpu.memory_space<vmem>>) target(%dma_start3A_58 : memref<64x128xf32, #tpu.memory_space<vmem_shared>>) target_semaphore(%run_scoped3A : memref<!tpu.dma_semaphore, #tpu.memory_space<semaphore_mem>>)
      %dma_wait3A = arith.constant 0 : i32
      %dma_wait3A_59 = tpu.memref_slice %arg10[%add3A_39, %dma_wait3A] : memref<10240x128xf32, #tpu.memory_space<vmem_shared>> -> memref<64x128xf32, #tpu.memory_space<vmem_shared>>
      %dma_wait3A_60 = arith.constant 0 : i32
      %dma_wait3A_61 = tpu.memref_slice %arg10[%add3A_39, %dma_wait3A_60] : memref<10240x128xf32, #tpu.memory_space<vmem_shared>> -> memref<64x128xf32, #tpu.memory_space<vmem_shared>>
      tpu.wait_dma2 semaphore(%run_scoped3A : memref<!tpu.dma_semaphore, #tpu.memory_space<semaphore_mem>>) src(%arg6 : memref<64x128xf32, #tpu.memory_space<vmem>>) dst(%dma_wait3A_61 : memref<64x128xf32, #tpu.memory_space<vmem_shared>>)
      tpu.yield
    }) : () -> ()
    %mul3A_40 = arith.constant 640 : i32
    %mul3A_41 = arith.muli %arg1, %mul3A_40 : i32
    %add3A_42 = arith.constant 576 : i32
    %add3A_43 = arith.addi %mul3A_41, %add3A_42 : i32
    "tpu.region"() ({
      %run_scoped3A = tpu.sem_alloc : memref<!tpu.dma_semaphore, #tpu.memory_space<semaphore_mem>>
      %dma_start3A = arith.constant 0 : i32
      %dma_start3A_56 = tpu.memref_slice %arg10[%add3A_43, %dma_start3A] : memref<10240x128xf32, #tpu.memory_space<vmem_shared>> -> memref<64x128xf32, #tpu.memory_space<vmem_shared>>
      %dma_start3A_57 = arith.constant 0 : i32
      %dma_start3A_58 = tpu.memref_slice %arg10[%add3A_43, %dma_start3A_57] : memref<10240x128xf32, #tpu.memory_space<vmem_shared>> -> memref<64x128xf32, #tpu.memory_space<vmem_shared>>
      tpu.enqueue_dma source(%arg6 : memref<64x128xf32, #tpu.memory_space<vmem>>) target(%dma_start3A_58 : memref<64x128xf32, #tpu.memory_space<vmem_shared>>) target_semaphore(%run_scoped3A : memref<!tpu.dma_semaphore, #tpu.memory_space<semaphore_mem>>)
      %dma_wait3A = arith.constant 0 : i32
      %dma_wait3A_59 = tpu.memref_slice %arg10[%add3A_43, %dma_wait3A] : memref<10240x128xf32, #tpu.memory_space<vmem_shared>> -> memref<64x128xf32, #tpu.memory_space<vmem_shared>>
      %dma_wait3A_60 = arith.constant 0 : i32
      %dma_wait3A_61 = tpu.memref_slice %arg10[%add3A_43, %dma_wait3A_60] : memref<10240x128xf32, #tpu.memory_space<vmem_shared>> -> memref<64x128xf32, #tpu.memory_space<vmem_shared>>
      tpu.wait_dma2 semaphore(%run_scoped3A : memref<!tpu.dma_semaphore, #tpu.memory_space<semaphore_mem>>) src(%arg6 : memref<64x128xf32, #tpu.memory_space<vmem>>) dst(%dma_wait3A_61 : memref<64x128xf32, #tpu.memory_space<vmem_shared>>)
      tpu.yield
    }) : () -> ()
    %barrier3A = arith.constant 0 : index
    tpu.barrier barrier_id(%barrier3A)
    %eq3A = arith.constant 0 : i32
    %eq3A_44 = arith.cmpi eq, %arg0, %eq3A : i32
    %convert_element_type3A = arith.extui %eq3A_44 : i1 to i32
    %cond3A = arith.constant 0 : i32
    %cond3A_45 = arith.cmpi ne, %convert_element_type3A, %cond3A : i32
    scf.if %cond3A_45 {
      %mul3A_56 = arith.constant 296 : i32
      %mul3A_57 = arith.muli %arg1, %mul3A_56 : i32
      %run_scoped3A = arith.constant 0 : i32
      "tpu.region"() ({
        %run_scoped3A_153 = tpu.sem_alloc : memref<!tpu.dma_semaphore, #tpu.memory_space<semaphore_mem>>
        %dma_start3A_154 = arith.constant 0 : i32
        %dma_start3A_155 = arith.constant 0 : i32
        %dma_start3A_156 = arith.constant 0 : i32
        %dma_start3A_157 = tpu.memref_slice %arg5[%run_scoped3A, %dma_start3A_154, %dma_start3A_155, %dma_start3A_156] : memref<2x4x2x64xi32, #tpu.memory_space<vmem>> -> memref<1x4x2x64xi32, #tpu.memory_space<vmem>>
        %dma_start3A_158 = tpu.memref_squeeze %dma_start3A_157 : memref<1x4x2x64xi32, #tpu.memory_space<vmem>> -> memref<4x2x64xi32, #tpu.memory_space<vmem>>
        %dma_start3A_159 = arith.constant 0 : i32
        %dma_start3A_160 = arith.constant 0 : i32
        %dma_start3A_161 = tpu.memref_slice %arg3[%mul3A_57, %dma_start3A_159, %dma_start3A_160] : memref<5120x2x64xi32, #tpu.memory_space<hbm>> -> memref<4x2x64xi32, #tpu.memory_space<hbm>>
        %dma_start3A_162 = arith.constant 0 : i32
        %dma_start3A_163 = arith.constant 0 : i32
        %dma_start3A_164 = arith.constant 0 : i32
        %dma_start3A_165 = tpu.memref_slice %arg5[%run_scoped3A, %dma_start3A_162, %dma_start3A_163, %dma_start3A_164] : memref<2x4x2x64xi32, #tpu.memory_space<vmem>> -> memref<1x4x2x64xi32, #tpu.memory_space<vmem>>
        %dma_start3A_166 = tpu.memref_squeeze %dma_start3A_165 : memref<1x4x2x64xi32, #tpu.memory_space<vmem>> -> memref<4x2x64xi32, #tpu.memory_space<vmem>>
        %dma_start3A_167 = arith.constant 0 : i32
        %dma_start3A_168 = arith.constant 0 : i32
        %dma_start3A_169 = tpu.memref_slice %arg3[%mul3A_57, %dma_start3A_167, %dma_start3A_168] : memref<5120x2x64xi32, #tpu.memory_space<hbm>> -> memref<4x2x64xi32, #tpu.memory_space<hbm>>
        tpu.enqueue_dma source(%dma_start3A_169 : memref<4x2x64xi32, #tpu.memory_space<hbm>>) target(%dma_start3A_166 : memref<4x2x64xi32, #tpu.memory_space<vmem>>) target_semaphore(%run_scoped3A_153 : memref<!tpu.dma_semaphore, #tpu.memory_space<semaphore_mem>>)
        %dma_wait3A_170 = arith.constant 0 : i32
        %dma_wait3A_171 = arith.constant 0 : i32
        %dma_wait3A_172 = arith.constant 0 : i32
        %dma_wait3A_173 = tpu.memref_slice %arg5[%run_scoped3A, %dma_wait3A_170, %dma_wait3A_171, %dma_wait3A_172] : memref<2x4x2x64xi32, #tpu.memory_space<vmem>> -> memref<1x4x2x64xi32, #tpu.memory_space<vmem>>
        %dma_wait3A_174 = tpu.memref_squeeze %dma_wait3A_173 : memref<1x4x2x64xi32, #tpu.memory_space<vmem>> -> memref<4x2x64xi32, #tpu.memory_space<vmem>>
        %dma_wait3A_175 = arith.constant 0 : i32
        %dma_wait3A_176 = arith.constant 0 : i32
        %dma_wait3A_177 = tpu.memref_slice %arg3[%mul3A_57, %dma_wait3A_175, %dma_wait3A_176] : memref<5120x2x64xi32, #tpu.memory_space<hbm>> -> memref<4x2x64xi32, #tpu.memory_space<hbm>>
        %dma_wait3A_178 = arith.constant 0 : i32
        %dma_wait3A_179 = arith.constant 0 : i32
        %dma_wait3A_180 = arith.constant 0 : i32
        %dma_wait3A_181 = tpu.memref_slice %arg5[%run_scoped3A, %dma_wait3A_178, %dma_wait3A_179, %dma_wait3A_180] : memref<2x4x2x64xi32, #tpu.memory_space<vmem>> -> memref<1x4x2x64xi32, #tpu.memory_space<vmem>>
        %dma_wait3A_182 = tpu.memref_squeeze %dma_wait3A_181 : memref<1x4x2x64xi32, #tpu.memory_space<vmem>> -> memref<4x2x64xi32, #tpu.memory_space<vmem>>
        %dma_wait3A_183 = arith.constant 0 : i32
        %dma_wait3A_184 = arith.constant 0 : i32
        %dma_wait3A_185 = tpu.memref_slice %arg3[%mul3A_57, %dma_wait3A_183, %dma_wait3A_184] : memref<5120x2x64xi32, #tpu.memory_space<hbm>> -> memref<4x2x64xi32, #tpu.memory_space<hbm>>
        tpu.wait_dma2 semaphore(%run_scoped3A_153 : memref<!tpu.dma_semaphore, #tpu.memory_space<semaphore_mem>>) src(%dma_wait3A_185 : memref<4x2x64xi32, #tpu.memory_space<hbm>>) dst(%dma_wait3A_182 : memref<4x2x64xi32, #tpu.memory_space<vmem>>)
        tpu.yield
      }) : () -> ()
      %add3A_58 = arith.constant 4 : i32
      %add3A_59 = arith.addi %mul3A_57, %add3A_58 : i32
      %dma_start3A = arith.constant 1 : i32
      %dma_start3A_60 = arith.constant 0 : i32
      %dma_start3A_61 = arith.constant 0 : i32
      %dma_start3A_62 = arith.constant 0 : i32
      %dma_start3A_63 = tpu.memref_slice %arg5[%dma_start3A, %dma_start3A_60, %dma_start3A_61, %dma_start3A_62] : memref<2x4x2x64xi32, #tpu.memory_space<vmem>> -> memref<1x4x2x64xi32, #tpu.memory_space<vmem>>
      %dma_start3A_64 = tpu.memref_squeeze %dma_start3A_63 : memref<1x4x2x64xi32, #tpu.memory_space<vmem>> -> memref<4x2x64xi32, #tpu.memory_space<vmem>>
      %dma_start3A_65 = arith.constant 0 : i32
      %dma_start3A_66 = arith.constant 0 : i32
      %dma_start3A_67 = tpu.memref_slice %arg3[%add3A_59, %dma_start3A_65, %dma_start3A_66] : memref<5120x2x64xi32, #tpu.memory_space<hbm>> -> memref<4x2x64xi32, #tpu.memory_space<hbm>>
      %dma_start3A_68 = arith.constant 0 : i32
      %dma_start3A_69 = arith.constant 0 : i32
      %dma_start3A_70 = arith.constant 0 : i32
      %dma_start3A_71 = tpu.memref_slice %arg5[%dma_start3A, %dma_start3A_68, %dma_start3A_69, %dma_start3A_70] : memref<2x4x2x64xi32, #tpu.memory_space<vmem>> -> memref<1x4x2x64xi32, #tpu.memory_space<vmem>>
      %dma_start3A_72 = tpu.memref_squeeze %dma_start3A_71 : memref<1x4x2x64xi32, #tpu.memory_space<vmem>> -> memref<4x2x64xi32, #tpu.memory_space<vmem>>
      %dma_start3A_73 = arith.constant 0 : i32
      %dma_start3A_74 = arith.constant 0 : i32
      %dma_start3A_75 = tpu.memref_slice %arg3[%add3A_59, %dma_start3A_73, %dma_start3A_74] : memref<5120x2x64xi32, #tpu.memory_space<hbm>> -> memref<4x2x64xi32, #tpu.memory_space<hbm>>
      tpu.enqueue_dma source(%dma_start3A_75 : memref<4x2x64xi32, #tpu.memory_space<hbm>>) target(%dma_start3A_72 : memref<4x2x64xi32, #tpu.memory_space<vmem>>) target_semaphore(%arg19 : memref<!tpu.dma_semaphore, #tpu.memory_space<semaphore_mem>>)
      %dma_start3A_76 = arith.constant 0 : i32
      %dma_start3A_77 = arith.constant 0 : i32
      %dma_start3A_78 = arith.constant 0 : i32
      %dma_start3A_79 = arith.constant 0 : i32
      %dma_start3A_80 = tpu.memref_slice %arg5[%dma_start3A_76, %dma_start3A_77, %dma_start3A_78, %dma_start3A_79] : memref<2x4x2x64xi32, #tpu.memory_space<vmem>> -> memref<1x1x1x64xi32, #tpu.memory_space<vmem>>
      %dma_start3A_81 = tpu.memref_squeeze %dma_start3A_80 : memref<1x1x1x64xi32, #tpu.memory_space<vmem>> -> memref<64xi32, #tpu.memory_space<vmem>>
      %dma_start3A_82 = arith.constant 0 : i32
      %dma_start3A_83 = arith.constant 0 : i32
      %dma_start3A_84 = tpu.memref_slice %arg2[%dma_start3A_82, %dma_start3A_83] : memref<10240x128xf32, #tpu.memory_space<hbm>> -> memref<10240x128xf32, #tpu.memory_space<hbm>>
      tpu.enqueue_indirect_dma source(%dma_start3A_84 : memref<10240x128xf32, #tpu.memory_space<hbm>>) target(%arg6 : memref<64x128xf32, #tpu.memory_space<vmem>>) offsets(%dma_start3A_81 : memref<64xi32, #tpu.memory_space<vmem>>) semaphore(%arg11 : memref<!tpu.dma_semaphore, #tpu.memory_space<semaphore_mem>>)
      %dma_start3A_85 = arith.constant 0 : i32
      %dma_start3A_86 = arith.constant 1 : i32
      %dma_start3A_87 = arith.constant 0 : i32
      %dma_start3A_88 = arith.constant 0 : i32
      %dma_start3A_89 = tpu.memref_slice %arg5[%dma_start3A_85, %dma_start3A_86, %dma_start3A_87, %dma_start3A_88] : memref<2x4x2x64xi32, #tpu.memory_space<vmem>> -> memref<1x1x1x64xi32, #tpu.memory_space<vmem>>
      %dma_start3A_90 = tpu.memref_squeeze %dma_start3A_89 : memref<1x1x1x64xi32, #tpu.memory_space<vmem>> -> memref<64xi32, #tpu.memory_space<vmem>>
      %dma_start3A_91 = arith.constant 0 : i32
      %dma_start3A_92 = arith.constant 0 : i32
      %dma_start3A_93 = tpu.memref_slice %arg2[%dma_start3A_91, %dma_start3A_92] : memref<10240x128xf32, #tpu.memory_space<hbm>> -> memref<10240x128xf32, #tpu.memory_space<hbm>>
      tpu.enqueue_indirect_dma source(%dma_start3A_93 : memref<10240x128xf32, #tpu.memory_space<hbm>>) target(%arg7 : memref<64x128xf32, #tpu.memory_space<vmem>>) offsets(%dma_start3A_90 : memref<64xi32, #tpu.memory_space<vmem>>) semaphore(%arg12 : memref<!tpu.dma_semaphore, #tpu.memory_space<semaphore_mem>>)
      %dma_start3A_94 = arith.constant 0 : i32
      %dma_start3A_95 = arith.constant 2 : i32
      %dma_start3A_96 = arith.constant 0 : i32
      %dma_start3A_97 = arith.constant 0 : i32
      %dma_start3A_98 = tpu.memref_slice %arg5[%dma_start3A_94, %dma_start3A_95, %dma_start3A_96, %dma_start3A_97] : memref<2x4x2x64xi32, #tpu.memory_space<vmem>> -> memref<1x1x1x64xi32, #tpu.memory_space<vmem>>
      %dma_start3A_99 = tpu.memref_squeeze %dma_start3A_98 : memref<1x1x1x64xi32, #tpu.memory_space<vmem>> -> memref<64xi32, #tpu.memory_space<vmem>>
      %dma_start3A_100 = arith.constant 0 : i32
      %dma_start3A_101 = arith.constant 0 : i32
      %dma_start3A_102 = tpu.memref_slice %arg2[%dma_start3A_100, %dma_start3A_101] : memref<10240x128xf32, #tpu.memory_space<hbm>> -> memref<10240x128xf32, #tpu.memory_space<hbm>>
      tpu.enqueue_indirect_dma source(%dma_start3A_102 : memref<10240x128xf32, #tpu.memory_space<hbm>>) target(%arg8 : memref<64x128xf32, #tpu.memory_space<vmem>>) offsets(%dma_start3A_99 : memref<64xi32, #tpu.memory_space<vmem>>) semaphore(%arg13 : memref<!tpu.dma_semaphore, #tpu.memory_space<semaphore_mem>>)
      %dma_start3A_103 = arith.constant 0 : i32
      %dma_start3A_104 = arith.constant 3 : i32
      %dma_start3A_105 = arith.constant 0 : i32
      %dma_start3A_106 = arith.constant 0 : i32
      %dma_start3A_107 = tpu.memref_slice %arg5[%dma_start3A_103, %dma_start3A_104, %dma_start3A_105, %dma_start3A_106] : memref<2x4x2x64xi32, #tpu.memory_space<vmem>> -> memref<1x1x1x64xi32, #tpu.memory_space<vmem>>
      %dma_start3A_108 = tpu.memref_squeeze %dma_start3A_107 : memref<1x1x1x64xi32, #tpu.memory_space<vmem>> -> memref<64xi32, #tpu.memory_space<vmem>>
      %dma_start3A_109 = arith.constant 0 : i32
      %dma_start3A_110 = arith.constant 0 : i32
      %dma_start3A_111 = tpu.memref_slice %arg2[%dma_start3A_109, %dma_start3A_110] : memref<10240x128xf32, #tpu.memory_space<hbm>> -> memref<10240x128xf32, #tpu.memory_space<hbm>>
      tpu.enqueue_indirect_dma source(%dma_start3A_111 : memref<10240x128xf32, #tpu.memory_space<hbm>>) target(%arg9 : memref<64x128xf32, #tpu.memory_space<vmem>>) offsets(%dma_start3A_108 : memref<64xi32, #tpu.memory_space<vmem>>) semaphore(%arg14 : memref<!tpu.dma_semaphore, #tpu.memory_space<semaphore_mem>>)
      %scan3A_112 = arith.constant 0 : i32
      %scan3A_113 = arith.constant 0 : i32
      %scan3A_114 = arith.constant 74 : i32
      %scan3A_115 = arith.addi %scan3A_113, %scan3A_114 : i32
      %scan3A_116 = arith.constant 1 : i32
      scf.for %scan3A_153 = %scan3A_113 to %scan3A_115 step %scan3A_116  : i32 {
        %rem3A = arith.constant 2 : i32
        %rem3A_154 = arith.remsi %scan3A_153, %rem3A : i32
        %sub3A = arith.constant 1 : i32
        %sub3A_155 = arith.subi %sub3A, %rem3A_154 : i32
        %dma_wait3A_156 = arith.constant 0 : i32
        %dma_wait3A_157 = arith.constant 0 : i32
        %dma_wait3A_158 = arith.constant 0 : i32
        %dma_wait3A_159 = tpu.memref_slice %arg5[%rem3A_154, %dma_wait3A_156, %dma_wait3A_157, %dma_wait3A_158] : memref<2x4x2x64xi32, #tpu.memory_space<vmem>> -> memref<1x1x1x64xi32, #tpu.memory_space<vmem>>
        %dma_wait3A_160 = tpu.memref_squeeze %dma_wait3A_159 : memref<1x1x1x64xi32, #tpu.memory_space<vmem>> -> memref<64xi32, #tpu.memory_space<vmem>>
        %dma_wait3A_161 = arith.constant 0 : i32
        %dma_wait3A_162 = arith.constant 0 : i32
        %dma_wait3A_163 = tpu.memref_slice %arg2[%dma_wait3A_161, %dma_wait3A_162] : memref<10240x128xf32, #tpu.memory_space<hbm>> -> memref<10240x128xf32, #tpu.memory_space<hbm>>
        tpu.wait_indirect_dma semaphore(%arg11 : memref<!tpu.dma_semaphore, #tpu.memory_space<semaphore_mem>>) src(%dma_wait3A_163 : memref<10240x128xf32, #tpu.memory_space<hbm>>) dst(%arg6 : memref<64x128xf32, #tpu.memory_space<vmem>>)
        %dma_start3A_164 = arith.constant 0 : i32
        %dma_start3A_165 = arith.constant 1 : i32
        %dma_start3A_166 = arith.constant 0 : i32
        %dma_start3A_167 = tpu.memref_slice %arg5[%rem3A_154, %dma_start3A_164, %dma_start3A_165, %dma_start3A_166] : memref<2x4x2x64xi32, #tpu.memory_space<vmem>> -> memref<1x1x1x64xi32, #tpu.memory_space<vmem>>
        %dma_start3A_168 = tpu.memref_squeeze %dma_start3A_167 : memref<1x1x1x64xi32, #tpu.memory_space<vmem>> -> memref<64xi32, #tpu.memory_space<vmem>>
        %dma_start3A_169 = arith.constant 0 : i32
        %dma_start3A_170 = arith.constant 0 : i32
        %dma_start3A_171 = tpu.memref_slice %arg10[%dma_start3A_169, %dma_start3A_170] : memref<10240x128xf32, #tpu.memory_space<vmem_shared>> -> memref<10240x128xf32, #tpu.memory_space<vmem_shared>>
        tpu.enqueue_indirect_dma source(%arg6 : memref<64x128xf32, #tpu.memory_space<vmem>>) target(%dma_start3A_171 : memref<10240x128xf32, #tpu.memory_space<vmem_shared>>) offsets(%dma_start3A_168 : memref<64xi32, #tpu.memory_space<vmem>>) semaphore(%arg15 : memref<!tpu.dma_semaphore, #tpu.memory_space<semaphore_mem>>) {add = true}
        %dma_wait3A_172 = arith.constant 1 : i32
        %dma_wait3A_173 = arith.constant 0 : i32
        %dma_wait3A_174 = arith.constant 0 : i32
        %dma_wait3A_175 = tpu.memref_slice %arg5[%rem3A_154, %dma_wait3A_172, %dma_wait3A_173, %dma_wait3A_174] : memref<2x4x2x64xi32, #tpu.memory_space<vmem>> -> memref<1x1x1x64xi32, #tpu.memory_space<vmem>>
        %dma_wait3A_176 = tpu.memref_squeeze %dma_wait3A_175 : memref<1x1x1x64xi32, #tpu.memory_space<vmem>> -> memref<64xi32, #tpu.memory_space<vmem>>
        %dma_wait3A_177 = arith.constant 0 : i32
        %dma_wait3A_178 = arith.constant 0 : i32
        %dma_wait3A_179 = tpu.memref_slice %arg2[%dma_wait3A_177, %dma_wait3A_178] : memref<10240x128xf32, #tpu.memory_space<hbm>> -> memref<10240x128xf32, #tpu.memory_space<hbm>>
        tpu.wait_indirect_dma semaphore(%arg12 : memref<!tpu.dma_semaphore, #tpu.memory_space<semaphore_mem>>) src(%dma_wait3A_179 : memref<10240x128xf32, #tpu.memory_space<hbm>>) dst(%arg7 : memref<64x128xf32, #tpu.memory_space<vmem>>)
        %dma_start3A_180 = arith.constant 1 : i32
        %dma_start3A_181 = arith.constant 1 : i32
        %dma_start3A_182 = arith.constant 0 : i32
        %dma_start3A_183 = tpu.memref_slice %arg5[%rem3A_154, %dma_start3A_180, %dma_start3A_181, %dma_start3A_182] : memref<2x4x2x64xi32, #tpu.memory_space<vmem>> -> memref<1x1x1x64xi32, #tpu.memory_space<vmem>>
        %dma_start3A_184 = tpu.memref_squeeze %dma_start3A_183 : memref<1x1x1x64xi32, #tpu.memory_space<vmem>> -> memref<64xi32, #tpu.memory_space<vmem>>
        %dma_start3A_185 = arith.constant 0 : i32
        %dma_start3A_186 = arith.constant 0 : i32
        %dma_start3A_187 = tpu.memref_slice %arg10[%dma_start3A_185, %dma_start3A_186] : memref<10240x128xf32, #tpu.memory_space<vmem_shared>> -> memref<10240x128xf32, #tpu.memory_space<vmem_shared>>
        tpu.enqueue_indirect_dma source(%arg7 : memref<64x128xf32, #tpu.memory_space<vmem>>) target(%dma_start3A_187 : memref<10240x128xf32, #tpu.memory_space<vmem_shared>>) offsets(%dma_start3A_184 : memref<64xi32, #tpu.memory_space<vmem>>) semaphore(%arg16 : memref<!tpu.dma_semaphore, #tpu.memory_space<semaphore_mem>>) {add = true}
        %dma_wait3A_188 = arith.constant 2 : i32
        %dma_wait3A_189 = arith.constant 0 : i32
        %dma_wait3A_190 = arith.constant 0 : i32
        %dma_wait3A_191 = tpu.memref_slice %arg5[%rem3A_154, %dma_wait3A_188, %dma_wait3A_189, %dma_wait3A_190] : memref<2x4x2x64xi32, #tpu.memory_space<vmem>> -> memref<1x1x1x64xi32, #tpu.memory_space<vmem>>
        %dma_wait3A_192 = tpu.memref_squeeze %dma_wait3A_191 : memref<1x1x1x64xi32, #tpu.memory_space<vmem>> -> memref<64xi32, #tpu.memory_space<vmem>>
        %dma_wait3A_193 = arith.constant 0 : i32
        %dma_wait3A_194 = arith.constant 0 : i32
        %dma_wait3A_195 = tpu.memref_slice %arg2[%dma_wait3A_193, %dma_wait3A_194] : memref<10240x128xf32, #tpu.memory_space<hbm>> -> memref<10240x128xf32, #tpu.memory_space<hbm>>
        tpu.wait_indirect_dma semaphore(%arg13 : memref<!tpu.dma_semaphore, #tpu.memory_space<semaphore_mem>>) src(%dma_wait3A_195 : memref<10240x128xf32, #tpu.memory_space<hbm>>) dst(%arg8 : memref<64x128xf32, #tpu.memory_space<vmem>>)
        %dma_start3A_196 = arith.constant 2 : i32
        %dma_start3A_197 = arith.constant 1 : i32
        %dma_start3A_198 = arith.constant 0 : i32
        %dma_start3A_199 = tpu.memref_slice %arg5[%rem3A_154, %dma_start3A_196, %dma_start3A_197, %dma_start3A_198] : memref<2x4x2x64xi32, #tpu.memory_space<vmem>> -> memref<1x1x1x64xi32, #tpu.memory_space<vmem>>
        %dma_start3A_200 = tpu.memref_squeeze %dma_start3A_199 : memref<1x1x1x64xi32, #tpu.memory_space<vmem>> -> memref<64xi32, #tpu.memory_space<vmem>>
        %dma_start3A_201 = arith.constant 0 : i32
        %dma_start3A_202 = arith.constant 0 : i32
        %dma_start3A_203 = tpu.memref_slice %arg10[%dma_start3A_201, %dma_start3A_202] : memref<10240x128xf32, #tpu.memory_space<vmem_shared>> -> memref<10240x128xf32, #tpu.memory_space<vmem_shared>>
        tpu.enqueue_indirect_dma source(%arg8 : memref<64x128xf32, #tpu.memory_space<vmem>>) target(%dma_start3A_203 : memref<10240x128xf32, #tpu.memory_space<vmem_shared>>) offsets(%dma_start3A_200 : memref<64xi32, #tpu.memory_space<vmem>>) semaphore(%arg17 : memref<!tpu.dma_semaphore, #tpu.memory_space<semaphore_mem>>) {add = true}
        %dma_wait3A_204 = arith.constant 3 : i32
        %dma_wait3A_205 = arith.constant 0 : i32
        %dma_wait3A_206 = arith.constant 0 : i32
        %dma_wait3A_207 = tpu.memref_slice %arg5[%rem3A_154, %dma_wait3A_204, %dma_wait3A_205, %dma_wait3A_206] : memref<2x4x2x64xi32, #tpu.memory_space<vmem>> -> memref<1x1x1x64xi32, #tpu.memory_space<vmem>>
        %dma_wait3A_208 = tpu.memref_squeeze %dma_wait3A_207 : memref<1x1x1x64xi32, #tpu.memory_space<vmem>> -> memref<64xi32, #tpu.memory_space<vmem>>
        %dma_wait3A_209 = arith.constant 0 : i32
        %dma_wait3A_210 = arith.constant 0 : i32
        %dma_wait3A_211 = tpu.memref_slice %arg2[%dma_wait3A_209, %dma_wait3A_210] : memref<10240x128xf32, #tpu.memory_space<hbm>> -> memref<10240x128xf32, #tpu.memory_space<hbm>>
        tpu.wait_indirect_dma semaphore(%arg14 : memref<!tpu.dma_semaphore, #tpu.memory_space<semaphore_mem>>) src(%dma_wait3A_211 : memref<10240x128xf32, #tpu.memory_space<hbm>>) dst(%arg9 : memref<64x128xf32, #tpu.memory_space<vmem>>)
        %dma_start3A_212 = arith.constant 3 : i32
        %dma_start3A_213 = arith.constant 1 : i32
        %dma_start3A_214 = arith.constant 0 : i32
        %dma_start3A_215 = tpu.memref_slice %arg5[%rem3A_154, %dma_start3A_212, %dma_start3A_213, %dma_start3A_214] : memref<2x4x2x64xi32, #tpu.memory_space<vmem>> -> memref<1x1x1x64xi32, #tpu.memory_space<vmem>>
        %dma_start3A_216 = tpu.memref_squeeze %dma_start3A_215 : memref<1x1x1x64xi32, #tpu.memory_space<vmem>> -> memref<64xi32, #tpu.memory_space<vmem>>
        %dma_start3A_217 = arith.constant 0 : i32
        %dma_start3A_218 = arith.constant 0 : i32
        %dma_start3A_219 = tpu.memref_slice %arg10[%dma_start3A_217, %dma_start3A_218] : memref<10240x128xf32, #tpu.memory_space<vmem_shared>> -> memref<10240x128xf32, #tpu.memory_space<vmem_shared>>
        tpu.enqueue_indirect_dma source(%arg9 : memref<64x128xf32, #tpu.memory_space<vmem>>) target(%dma_start3A_219 : memref<10240x128xf32, #tpu.memory_space<vmem_shared>>) offsets(%dma_start3A_216 : memref<64xi32, #tpu.memory_space<vmem>>) semaphore(%arg18 : memref<!tpu.dma_semaphore, #tpu.memory_space<semaphore_mem>>) {add = true}
        %add3A_220 = arith.constant 1 : i32
        %add3A_221 = arith.addi %scan3A_153, %add3A_220 : i32
        %lt3A = arith.constant 74 : i32
        %lt3A_222 = arith.cmpi slt, %add3A_221, %lt3A : i32
        %convert_element_type3A_223 = arith.extui %lt3A_222 : i1 to i32
        %cond3A_224 = arith.constant 0 : i32
        %cond3A_225 = arith.cmpi ne, %convert_element_type3A_223, %cond3A_224 : i32
        scf.if %cond3A_225 {
          %dma_wait3A_233 = arith.constant 0 : i32
          %dma_wait3A_234 = arith.constant 0 : i32
          %dma_wait3A_235 = arith.constant 0 : i32
          %dma_wait3A_236 = tpu.memref_slice %arg5[%sub3A_155, %dma_wait3A_233, %dma_wait3A_234, %dma_wait3A_235] : memref<2x4x2x64xi32, #tpu.memory_space<vmem>> -> memref<1x4x2x64xi32, #tpu.memory_space<vmem>>
          %dma_wait3A_237 = tpu.memref_squeeze %dma_wait3A_236 : memref<1x4x2x64xi32, #tpu.memory_space<vmem>> -> memref<4x2x64xi32, #tpu.memory_space<vmem>>
          %dma_wait3A_238 = arith.constant 0 : i32
          %dma_wait3A_239 = arith.constant 0 : i32
          %dma_wait3A_240 = tpu.memref_slice %arg3[%mul3A_57, %dma_wait3A_238, %dma_wait3A_239] : memref<5120x2x64xi32, #tpu.memory_space<hbm>> -> memref<4x2x64xi32, #tpu.memory_space<hbm>>
          %dma_wait3A_241 = arith.constant 0 : i32
          %dma_wait3A_242 = arith.constant 0 : i32
          %dma_wait3A_243 = arith.constant 0 : i32
          %dma_wait3A_244 = tpu.memref_slice %arg5[%sub3A_155, %dma_wait3A_241, %dma_wait3A_242, %dma_wait3A_243] : memref<2x4x2x64xi32, #tpu.memory_space<vmem>> -> memref<1x4x2x64xi32, #tpu.memory_space<vmem>>
          %dma_wait3A_245 = tpu.memref_squeeze %dma_wait3A_244 : memref<1x4x2x64xi32, #tpu.memory_space<vmem>> -> memref<4x2x64xi32, #tpu.memory_space<vmem>>
          %dma_wait3A_246 = arith.constant 0 : i32
          %dma_wait3A_247 = arith.constant 0 : i32
          %dma_wait3A_248 = tpu.memref_slice %arg3[%mul3A_57, %dma_wait3A_246, %dma_wait3A_247] : memref<5120x2x64xi32, #tpu.memory_space<hbm>> -> memref<4x2x64xi32, #tpu.memory_space<hbm>>
          tpu.wait_dma2 semaphore(%arg19 : memref<!tpu.dma_semaphore, #tpu.memory_space<semaphore_mem>>) src(%dma_wait3A_248 : memref<4x2x64xi32, #tpu.memory_space<hbm>>) dst(%dma_wait3A_245 : memref<4x2x64xi32, #tpu.memory_space<vmem>>)
          %dma_wait3A_249 = arith.constant 0 : i32
          %dma_wait3A_250 = arith.constant 1 : i32
          %dma_wait3A_251 = arith.constant 0 : i32
          %dma_wait3A_252 = tpu.memref_slice %arg5[%rem3A_154, %dma_wait3A_249, %dma_wait3A_250, %dma_wait3A_251] : memref<2x4x2x64xi32, #tpu.memory_space<vmem>> -> memref<1x1x1x64xi32, #tpu.memory_space<vmem>>
          %dma_wait3A_253 = tpu.memref_squeeze %dma_wait3A_252 : memref<1x1x1x64xi32, #tpu.memory_space<vmem>> -> memref<64xi32, #tpu.memory_space<vmem>>
          %dma_wait3A_254 = arith.constant 0 : i32
          %dma_wait3A_255 = arith.constant 0 : i32
          %dma_wait3A_256 = tpu.memref_slice %arg10[%dma_wait3A_254, %dma_wait3A_255] : memref<10240x128xf32, #tpu.memory_space<vmem_shared>> -> memref<10240x128xf32, #tpu.memory_space<vmem_shared>>
          tpu.wait_indirect_dma semaphore(%arg15 : memref<!tpu.dma_semaphore, #tpu.memory_space<semaphore_mem>>) src(%arg6 : memref<64x128xf32, #tpu.memory_space<vmem>>) dst(%dma_wait3A_256 : memref<10240x128xf32, #tpu.memory_space<vmem_shared>>)
          %dma_start3A_257 = arith.constant 0 : i32
          %dma_start3A_258 = arith.constant 0 : i32
          %dma_start3A_259 = arith.constant 0 : i32
          %dma_start3A_260 = tpu.memref_slice %arg5[%sub3A_155, %dma_start3A_257, %dma_start3A_258, %dma_start3A_259] : memref<2x4x2x64xi32, #tpu.memory_space<vmem>> -> memref<1x1x1x64xi32, #tpu.memory_space<vmem>>
          %dma_start3A_261 = tpu.memref_squeeze %dma_start3A_260 : memref<1x1x1x64xi32, #tpu.memory_space<vmem>> -> memref<64xi32, #tpu.memory_space<vmem>>
          %dma_start3A_262 = arith.constant 0 : i32
          %dma_start3A_263 = arith.constant 0 : i32
          %dma_start3A_264 = tpu.memref_slice %arg2[%dma_start3A_262, %dma_start3A_263] : memref<10240x128xf32, #tpu.memory_space<hbm>> -> memref<10240x128xf32, #tpu.memory_space<hbm>>
          tpu.enqueue_indirect_dma source(%dma_start3A_264 : memref<10240x128xf32, #tpu.memory_space<hbm>>) target(%arg6 : memref<64x128xf32, #tpu.memory_space<vmem>>) offsets(%dma_start3A_261 : memref<64xi32, #tpu.memory_space<vmem>>) semaphore(%arg11 : memref<!tpu.dma_semaphore, #tpu.memory_space<semaphore_mem>>)
          %dma_wait3A_265 = arith.constant 1 : i32
          %dma_wait3A_266 = arith.constant 1 : i32
          %dma_wait3A_267 = arith.constant 0 : i32
          %dma_wait3A_268 = tpu.memref_slice %arg5[%rem3A_154, %dma_wait3A_265, %dma_wait3A_266, %dma_wait3A_267] : memref<2x4x2x64xi32, #tpu.memory_space<vmem>> -> memref<1x1x1x64xi32, #tpu.memory_space<vmem>>
          %dma_wait3A_269 = tpu.memref_squeeze %dma_wait3A_268 : memref<1x1x1x64xi32, #tpu.memory_space<vmem>> -> memref<64xi32, #tpu.memory_space<vmem>>
          %dma_wait3A_270 = arith.constant 0 : i32
          %dma_wait3A_271 = arith.constant 0 : i32
          %dma_wait3A_272 = tpu.memref_slice %arg10[%dma_wait3A_270, %dma_wait3A_271] : memref<10240x128xf32, #tpu.memory_space<vmem_shared>> -> memref<10240x128xf32, #tpu.memory_space<vmem_shared>>
          tpu.wait_indirect_dma semaphore(%arg16 : memref<!tpu.dma_semaphore, #tpu.memory_space<semaphore_mem>>) src(%arg7 : memref<64x128xf32, #tpu.memory_space<vmem>>) dst(%dma_wait3A_272 : memref<10240x128xf32, #tpu.memory_space<vmem_shared>>)
          %dma_start3A_273 = arith.constant 1 : i32
          %dma_start3A_274 = arith.constant 0 : i32
          %dma_start3A_275 = arith.constant 0 : i32
          %dma_start3A_276 = tpu.memref_slice %arg5[%sub3A_155, %dma_start3A_273, %dma_start3A_274, %dma_start3A_275] : memref<2x4x2x64xi32, #tpu.memory_space<vmem>> -> memref<1x1x1x64xi32, #tpu.memory_space<vmem>>
          %dma_start3A_277 = tpu.memref_squeeze %dma_start3A_276 : memref<1x1x1x64xi32, #tpu.memory_space<vmem>> -> memref<64xi32, #tpu.memory_space<vmem>>
          %dma_start3A_278 = arith.constant 0 : i32
          %dma_start3A_279 = arith.constant 0 : i32
          %dma_start3A_280 = tpu.memref_slice %arg2[%dma_start3A_278, %dma_start3A_279] : memref<10240x128xf32, #tpu.memory_space<hbm>> -> memref<10240x128xf32, #tpu.memory_space<hbm>>
          tpu.enqueue_indirect_dma source(%dma_start3A_280 : memref<10240x128xf32, #tpu.memory_space<hbm>>) target(%arg7 : memref<64x128xf32, #tpu.memory_space<vmem>>) offsets(%dma_start3A_277 : memref<64xi32, #tpu.memory_space<vmem>>) semaphore(%arg12 : memref<!tpu.dma_semaphore, #tpu.memory_space<semaphore_mem>>)
          %dma_wait3A_281 = arith.constant 2 : i32
          %dma_wait3A_282 = arith.constant 1 : i32
          %dma_wait3A_283 = arith.constant 0 : i32
          %dma_wait3A_284 = tpu.memref_slice %arg5[%rem3A_154, %dma_wait3A_281, %dma_wait3A_282, %dma_wait3A_283] : memref<2x4x2x64xi32, #tpu.memory_space<vmem>> -> memref<1x1x1x64xi32, #tpu.memory_space<vmem>>
          %dma_wait3A_285 = tpu.memref_squeeze %dma_wait3A_284 : memref<1x1x1x64xi32, #tpu.memory_space<vmem>> -> memref<64xi32, #tpu.memory_space<vmem>>
          %dma_wait3A_286 = arith.constant 0 : i32
          %dma_wait3A_287 = arith.constant 0 : i32
          %dma_wait3A_288 = tpu.memref_slice %arg10[%dma_wait3A_286, %dma_wait3A_287] : memref<10240x128xf32, #tpu.memory_space<vmem_shared>> -> memref<10240x128xf32, #tpu.memory_space<vmem_shared>>
          tpu.wait_indirect_dma semaphore(%arg17 : memref<!tpu.dma_semaphore, #tpu.memory_space<semaphore_mem>>) src(%arg8 : memref<64x128xf32, #tpu.memory_space<vmem>>) dst(%dma_wait3A_288 : memref<10240x128xf32, #tpu.memory_space<vmem_shared>>)
          %dma_start3A_289 = arith.constant 2 : i32
          %dma_start3A_290 = arith.constant 0 : i32
          %dma_start3A_291 = arith.constant 0 : i32
          %dma_start3A_292 = tpu.memref_slice %arg5[%sub3A_155, %dma_start3A_289, %dma_start3A_290, %dma_start3A_291] : memref<2x4x2x64xi32, #tpu.memory_space<vmem>> -> memref<1x1x1x64xi32, #tpu.memory_space<vmem>>
          %dma_start3A_293 = tpu.memref_squeeze %dma_start3A_292 : memref<1x1x1x64xi32, #tpu.memory_space<vmem>> -> memref<64xi32, #tpu.memory_space<vmem>>
          %dma_start3A_294 = arith.constant 0 : i32
          %dma_start3A_295 = arith.constant 0 : i32
          %dma_start3A_296 = tpu.memref_slice %arg2[%dma_start3A_294, %dma_start3A_295] : memref<10240x128xf32, #tpu.memory_space<hbm>> -> memref<10240x128xf32, #tpu.memory_space<hbm>>
          tpu.enqueue_indirect_dma source(%dma_start3A_296 : memref<10240x128xf32, #tpu.memory_space<hbm>>) target(%arg8 : memref<64x128xf32, #tpu.memory_space<vmem>>) offsets(%dma_start3A_293 : memref<64xi32, #tpu.memory_space<vmem>>) semaphore(%arg13 : memref<!tpu.dma_semaphore, #tpu.memory_space<semaphore_mem>>)
          %dma_wait3A_297 = arith.constant 3 : i32
          %dma_wait3A_298 = arith.constant 1 : i32
          %dma_wait3A_299 = arith.constant 0 : i32
          %dma_wait3A_300 = tpu.memref_slice %arg5[%rem3A_154, %dma_wait3A_297, %dma_wait3A_298, %dma_wait3A_299] : memref<2x4x2x64xi32, #tpu.memory_space<vmem>> -> memref<1x1x1x64xi32, #tpu.memory_space<vmem>>
          %dma_wait3A_301 = tpu.memref_squeeze %dma_wait3A_300 : memref<1x1x1x64xi32, #tpu.memory_space<vmem>> -> memref<64xi32, #tpu.memory_space<vmem>>
          %dma_wait3A_302 = arith.constant 0 : i32
          %dma_wait3A_303 = arith.constant 0 : i32
          %dma_wait3A_304 = tpu.memref_slice %arg10[%dma_wait3A_302, %dma_wait3A_303] : memref<10240x128xf32, #tpu.memory_space<vmem_shared>> -> memref<10240x128xf32, #tpu.memory_space<vmem_shared>>
          tpu.wait_indirect_dma semaphore(%arg18 : memref<!tpu.dma_semaphore, #tpu.memory_space<semaphore_mem>>) src(%arg9 : memref<64x128xf32, #tpu.memory_space<vmem>>) dst(%dma_wait3A_304 : memref<10240x128xf32, #tpu.memory_space<vmem_shared>>)
          %dma_start3A_305 = arith.constant 3 : i32
          %dma_start3A_306 = arith.constant 0 : i32
          %dma_start3A_307 = arith.constant 0 : i32
          %dma_start3A_308 = tpu.memref_slice %arg5[%sub3A_155, %dma_start3A_305, %dma_start3A_306, %dma_start3A_307] : memref<2x4x2x64xi32, #tpu.memory_space<vmem>> -> memref<1x1x1x64xi32, #tpu.memory_space<vmem>>
          %dma_start3A_309 = tpu.memref_squeeze %dma_start3A_308 : memref<1x1x1x64xi32, #tpu.memory_space<vmem>> -> memref<64xi32, #tpu.memory_space<vmem>>
          %dma_start3A_310 = arith.constant 0 : i32
          %dma_start3A_311 = arith.constant 0 : i32
          %dma_start3A_312 = tpu.memref_slice %arg2[%dma_start3A_310, %dma_start3A_311] : memref<10240x128xf32, #tpu.memory_space<hbm>> -> memref<10240x128xf32, #tpu.memory_space<hbm>>
          tpu.enqueue_indirect_dma source(%dma_start3A_312 : memref<10240x128xf32, #tpu.memory_space<hbm>>) target(%arg9 : memref<64x128xf32, #tpu.memory_space<vmem>>) offsets(%dma_start3A_309 : memref<64xi32, #tpu.memory_space<vmem>>) semaphore(%arg14 : memref<!tpu.dma_semaphore, #tpu.memory_space<semaphore_mem>>)
        } else {
        }
        %add3A_226 = arith.constant 2 : i32
        %add3A_227 = arith.addi %scan3A_153, %add3A_226 : i32
        %lt3A_228 = arith.constant 74 : i32
        %lt3A_229 = arith.cmpi slt, %add3A_227, %lt3A_228 : i32
        %convert_element_type3A_230 = arith.extui %lt3A_229 : i1 to i32
        %cond3A_231 = arith.constant 0 : i32
        %cond3A_232 = arith.cmpi ne, %convert_element_type3A_230, %cond3A_231 : i32
        scf.if %cond3A_232 {
          %add3A_233 = arith.constant 2 : i32
          %add3A_234 = arith.addi %scan3A_153, %add3A_233 : i32
          %mul3A_235 = arith.constant 4 : i32
          %mul3A_236 = arith.muli %add3A_234, %mul3A_235 : i32
          %add3A_237 = arith.addi %mul3A_57, %mul3A_236 : i32
          %dma_start3A_238 = arith.constant 0 : i32
          %dma_start3A_239 = arith.constant 0 : i32
          %dma_start3A_240 = arith.constant 0 : i32
          %dma_start3A_241 = tpu.memref_slice %arg5[%rem3A_154, %dma_start3A_238, %dma_start3A_239, %dma_start3A_240] : memref<2x4x2x64xi32, #tpu.memory_space<vmem>> -> memref<1x4x2x64xi32, #tpu.memory_space<vmem>>
          %dma_start3A_242 = tpu.memref_squeeze %dma_start3A_241 : memref<1x4x2x64xi32, #tpu.memory_space<vmem>> -> memref<4x2x64xi32, #tpu.memory_space<vmem>>
          %dma_start3A_243 = arith.constant 0 : i32
          %dma_start3A_244 = arith.constant 0 : i32
          %dma_start3A_245 = tpu.memref_slice %arg3[%add3A_237, %dma_start3A_243, %dma_start3A_244] : memref<5120x2x64xi32, #tpu.memory_space<hbm>> -> memref<4x2x64xi32, #tpu.memory_space<hbm>>
          %dma_start3A_246 = arith.constant 0 : i32
          %dma_start3A_247 = arith.constant 0 : i32
          %dma_start3A_248 = arith.constant 0 : i32
          %dma_start3A_249 = tpu.memref_slice %arg5[%rem3A_154, %dma_start3A_246, %dma_start3A_247, %dma_start3A_248] : memref<2x4x2x64xi32, #tpu.memory_space<vmem>> -> memref<1x4x2x64xi32, #tpu.memory_space<vmem>>
          %dma_start3A_250 = tpu.memref_squeeze %dma_start3A_249 : memref<1x4x2x64xi32, #tpu.memory_space<vmem>> -> memref<4x2x64xi32, #tpu.memory_space<vmem>>
          %dma_start3A_251 = arith.constant 0 : i32
          %dma_start3A_252 = arith.constant 0 : i32
          %dma_start3A_253 = tpu.memref_slice %arg3[%add3A_237, %dma_start3A_251, %dma_start3A_252] : memref<5120x2x64xi32, #tpu.memory_space<hbm>> -> memref<4x2x64xi32, #tpu.memory_space<hbm>>
          tpu.enqueue_dma source(%dma_start3A_253 : memref<4x2x64xi32, #tpu.memory_space<hbm>>) target(%dma_start3A_250 : memref<4x2x64xi32, #tpu.memory_space<vmem>>) target_semaphore(%arg19 : memref<!tpu.dma_semaphore, #tpu.memory_space<semaphore_mem>>)
        } else {
        }
      }
      %scan3A_117 = arith.constant 74 : i32
      %dma_wait3A = arith.constant 0 : i32
      %dma_wait3A_118 = arith.constant 0 : i32
      %dma_wait3A_119 = arith.constant 1 : i32
      %dma_wait3A_120 = arith.constant 0 : i32
      %dma_wait3A_121 = tpu.memref_slice %arg5[%dma_wait3A, %dma_wait3A_118, %dma_wait3A_119, %dma_wait3A_120] : memref<2x4x2x64xi32, #tpu.memory_space<vmem>> -> memref<1x1x1x64xi32, #tpu.memory_space<vmem>>
      %dma_wait3A_122 = tpu.memref_squeeze %dma_wait3A_121 : memref<1x1x1x64xi32, #tpu.memory_space<vmem>> -> memref<64xi32, #tpu.memory_space<vmem>>
      %dma_wait3A_123 = arith.constant 0 : i32
      %dma_wait3A_124 = arith.constant 0 : i32
      %dma_wait3A_125 = tpu.memref_slice %arg10[%dma_wait3A_123, %dma_wait3A_124] : memref<10240x128xf32, #tpu.memory_space<vmem_shared>> -> memref<10240x128xf32, #tpu.memory_space<vmem_shared>>
      tpu.wait_indirect_dma semaphore(%arg15 : memref<!tpu.dma_semaphore, #tpu.memory_space<semaphore_mem>>) src(%arg6 : memref<64x128xf32, #tpu.memory_space<vmem>>) dst(%dma_wait3A_125 : memref<10240x128xf32, #tpu.memory_space<vmem_shared>>)
      %dma_wait3A_126 = arith.constant 0 : i32
      %dma_wait3A_127 = arith.constant 1 : i32
      %dma_wait3A_128 = arith.constant 1 : i32
      %dma_wait3A_129 = arith.constant 0 : i32
      %dma_wait3A_130 = tpu.memref_slice %arg5[%dma_wait3A_126, %dma_wait3A_127, %dma_wait3A_128, %dma_wait3A_129] : memref<2x4x2x64xi32, #tpu.memory_space<vmem>> -> memref<1x1x1x64xi32, #tpu.memory_space<vmem>>
      %dma_wait3A_131 = tpu.memref_squeeze %dma_wait3A_130 : memref<1x1x1x64xi32, #tpu.memory_space<vmem>> -> memref<64xi32, #tpu.memory_space<vmem>>
      %dma_wait3A_132 = arith.constant 0 : i32
      %dma_wait3A_133 = arith.constant 0 : i32
      %dma_wait3A_134 = tpu.memref_slice %arg10[%dma_wait3A_132, %dma_wait3A_133] : memref<10240x128xf32, #tpu.memory_space<vmem_shared>> -> memref<10240x128xf32, #tpu.memory_space<vmem_shared>>
      tpu.wait_indirect_dma semaphore(%arg16 : memref<!tpu.dma_semaphore, #tpu.memory_space<semaphore_mem>>) src(%arg7 : memref<64x128xf32, #tpu.memory_space<vmem>>) dst(%dma_wait3A_134 : memref<10240x128xf32, #tpu.memory_space<vmem_shared>>)
      %dma_wait3A_135 = arith.constant 0 : i32
      %dma_wait3A_136 = arith.constant 2 : i32
      %dma_wait3A_137 = arith.constant 1 : i32
      %dma_wait3A_138 = arith.constant 0 : i32
      %dma_wait3A_139 = tpu.memref_slice %arg5[%dma_wait3A_135, %dma_wait3A_136, %dma_wait3A_137, %dma_wait3A_138] : memref<2x4x2x64xi32, #tpu.memory_space<vmem>> -> memref<1x1x1x64xi32, #tpu.memory_space<vmem>>
      %dma_wait3A_140 = tpu.memref_squeeze %dma_wait3A_139 : memref<1x1x1x64xi32, #tpu.memory_space<vmem>> -> memref<64xi32, #tpu.memory_space<vmem>>
      %dma_wait3A_141 = arith.constant 0 : i32
      %dma_wait3A_142 = arith.constant 0 : i32
      %dma_wait3A_143 = tpu.memref_slice %arg10[%dma_wait3A_141, %dma_wait3A_142] : memref<10240x128xf32, #tpu.memory_space<vmem_shared>> -> memref<10240x128xf32, #tpu.memory_space<vmem_shared>>
      tpu.wait_indirect_dma semaphore(%arg17 : memref<!tpu.dma_semaphore, #tpu.memory_space<semaphore_mem>>) src(%arg8 : memref<64x128xf32, #tpu.memory_space<vmem>>) dst(%dma_wait3A_143 : memref<10240x128xf32, #tpu.memory_space<vmem_shared>>)
      %dma_wait3A_144 = arith.constant 0 : i32
      %dma_wait3A_145 = arith.constant 3 : i32
      %dma_wait3A_146 = arith.constant 1 : i32
      %dma_wait3A_147 = arith.constant 0 : i32
      %dma_wait3A_148 = tpu.memref_slice %arg5[%dma_wait3A_144, %dma_wait3A_145, %dma_wait3A_146, %dma_wait3A_147] : memref<2x4x2x64xi32, #tpu.memory_space<vmem>> -> memref<1x1x1x64xi32, #tpu.memory_space<vmem>>
      %dma_wait3A_149 = tpu.memref_squeeze %dma_wait3A_148 : memref<1x1x1x64xi32, #tpu.memory_space<vmem>> -> memref<64xi32, #tpu.memory_space<vmem>>
      %dma_wait3A_150 = arith.constant 0 : i32
      %dma_wait3A_151 = arith.constant 0 : i32
      %dma_wait3A_152 = tpu.memref_slice %arg10[%dma_wait3A_150, %dma_wait3A_151] : memref<10240x128xf32, #tpu.memory_space<vmem_shared>> -> memref<10240x128xf32, #tpu.memory_space<vmem_shared>>
      tpu.wait_indirect_dma semaphore(%arg18 : memref<!tpu.dma_semaphore, #tpu.memory_space<semaphore_mem>>) src(%arg9 : memref<64x128xf32, #tpu.memory_space<vmem>>) dst(%dma_wait3A_152 : memref<10240x128xf32, #tpu.memory_space<vmem_shared>>)
    } else {
    }
    %eq3A_46 = arith.constant 1 : i32
    %eq3A_47 = arith.cmpi eq, %arg0, %eq3A_46 : i32
    %convert_element_type3A_48 = arith.extui %eq3A_47 : i1 to i32
    %cond3A_49 = arith.constant 0 : i32
    %cond3A_50 = arith.cmpi ne, %convert_element_type3A_48, %cond3A_49 : i32
    scf.if %cond3A_50 {
      %mul3A_56 = arith.constant 24 : i32
      %mul3A_57 = arith.muli %arg1, %mul3A_56 : i32
      %add3A_58 = arith.constant 4736 : i32
      %add3A_59 = arith.addi %add3A_58, %mul3A_57 : i32
      %run_scoped3A = arith.constant 0 : i32
      "tpu.region"() ({
        %run_scoped3A_155 = tpu.sem_alloc : memref<!tpu.dma_semaphore, #tpu.memory_space<semaphore_mem>>
        %dma_start3A_156 = arith.constant 0 : i32
        %dma_start3A_157 = arith.constant 0 : i32
        %dma_start3A_158 = arith.constant 0 : i32
        %dma_start3A_159 = tpu.memref_slice %arg5[%run_scoped3A, %dma_start3A_156, %dma_start3A_157, %dma_start3A_158] : memref<2x4x2x64xi32, #tpu.memory_space<vmem>> -> memref<1x4x2x64xi32, #tpu.memory_space<vmem>>
        %dma_start3A_160 = tpu.memref_squeeze %dma_start3A_159 : memref<1x4x2x64xi32, #tpu.memory_space<vmem>> -> memref<4x2x64xi32, #tpu.memory_space<vmem>>
        %dma_start3A_161 = arith.constant 0 : i32
        %dma_start3A_162 = arith.constant 0 : i32
        %dma_start3A_163 = tpu.memref_slice %arg3[%add3A_59, %dma_start3A_161, %dma_start3A_162] : memref<5120x2x64xi32, #tpu.memory_space<hbm>> -> memref<4x2x64xi32, #tpu.memory_space<hbm>>
        %dma_start3A_164 = arith.constant 0 : i32
        %dma_start3A_165 = arith.constant 0 : i32
        %dma_start3A_166 = arith.constant 0 : i32
        %dma_start3A_167 = tpu.memref_slice %arg5[%run_scoped3A, %dma_start3A_164, %dma_start3A_165, %dma_start3A_166] : memref<2x4x2x64xi32, #tpu.memory_space<vmem>> -> memref<1x4x2x64xi32, #tpu.memory_space<vmem>>
        %dma_start3A_168 = tpu.memref_squeeze %dma_start3A_167 : memref<1x4x2x64xi32, #tpu.memory_space<vmem>> -> memref<4x2x64xi32, #tpu.memory_space<vmem>>
        %dma_start3A_169 = arith.constant 0 : i32
        %dma_start3A_170 = arith.constant 0 : i32
        %dma_start3A_171 = tpu.memref_slice %arg3[%add3A_59, %dma_start3A_169, %dma_start3A_170] : memref<5120x2x64xi32, #tpu.memory_space<hbm>> -> memref<4x2x64xi32, #tpu.memory_space<hbm>>
        tpu.enqueue_dma source(%dma_start3A_171 : memref<4x2x64xi32, #tpu.memory_space<hbm>>) target(%dma_start3A_168 : memref<4x2x64xi32, #tpu.memory_space<vmem>>) target_semaphore(%run_scoped3A_155 : memref<!tpu.dma_semaphore, #tpu.memory_space<semaphore_mem>>)
        %dma_wait3A_172 = arith.constant 0 : i32
        %dma_wait3A_173 = arith.constant 0 : i32
        %dma_wait3A_174 = arith.constant 0 : i32
        %dma_wait3A_175 = tpu.memref_slice %arg5[%run_scoped3A, %dma_wait3A_172, %dma_wait3A_173, %dma_wait3A_174] : memref<2x4x2x64xi32, #tpu.memory_space<vmem>> -> memref<1x4x2x64xi32, #tpu.memory_space<vmem>>
        %dma_wait3A_176 = tpu.memref_squeeze %dma_wait3A_175 : memref<1x4x2x64xi32, #tpu.memory_space<vmem>> -> memref<4x2x64xi32, #tpu.memory_space<vmem>>
        %dma_wait3A_177 = arith.constant 0 : i32
        %dma_wait3A_178 = arith.constant 0 : i32
        %dma_wait3A_179 = tpu.memref_slice %arg3[%add3A_59, %dma_wait3A_177, %dma_wait3A_178] : memref<5120x2x64xi32, #tpu.memory_space<hbm>> -> memref<4x2x64xi32, #tpu.memory_space<hbm>>
        %dma_wait3A_180 = arith.constant 0 : i32
        %dma_wait3A_181 = arith.constant 0 : i32
        %dma_wait3A_182 = arith.constant 0 : i32
        %dma_wait3A_183 = tpu.memref_slice %arg5[%run_scoped3A, %dma_wait3A_180, %dma_wait3A_181, %dma_wait3A_182] : memref<2x4x2x64xi32, #tpu.memory_space<vmem>> -> memref<1x4x2x64xi32, #tpu.memory_space<vmem>>
        %dma_wait3A_184 = tpu.memref_squeeze %dma_wait3A_183 : memref<1x4x2x64xi32, #tpu.memory_space<vmem>> -> memref<4x2x64xi32, #tpu.memory_space<vmem>>
        %dma_wait3A_185 = arith.constant 0 : i32
        %dma_wait3A_186 = arith.constant 0 : i32
        %dma_wait3A_187 = tpu.memref_slice %arg3[%add3A_59, %dma_wait3A_185, %dma_wait3A_186] : memref<5120x2x64xi32, #tpu.memory_space<hbm>> -> memref<4x2x64xi32, #tpu.memory_space<hbm>>
        tpu.wait_dma2 semaphore(%run_scoped3A_155 : memref<!tpu.dma_semaphore, #tpu.memory_space<semaphore_mem>>) src(%dma_wait3A_187 : memref<4x2x64xi32, #tpu.memory_space<hbm>>) dst(%dma_wait3A_184 : memref<4x2x64xi32, #tpu.memory_space<vmem>>)
        tpu.yield
      }) : () -> ()
      %add3A_60 = arith.constant 4 : i32
      %add3A_61 = arith.addi %add3A_59, %add3A_60 : i32
      %dma_start3A = arith.constant 1 : i32
      %dma_start3A_62 = arith.constant 0 : i32
      %dma_start3A_63 = arith.constant 0 : i32
      %dma_start3A_64 = arith.constant 0 : i32
      %dma_start3A_65 = tpu.memref_slice %arg5[%dma_start3A, %dma_start3A_62, %dma_start3A_63, %dma_start3A_64] : memref<2x4x2x64xi32, #tpu.memory_space<vmem>> -> memref<1x4x2x64xi32, #tpu.memory_space<vmem>>
      %dma_start3A_66 = tpu.memref_squeeze %dma_start3A_65 : memref<1x4x2x64xi32, #tpu.memory_space<vmem>> -> memref<4x2x64xi32, #tpu.memory_space<vmem>>
      %dma_start3A_67 = arith.constant 0 : i32
      %dma_start3A_68 = arith.constant 0 : i32
      %dma_start3A_69 = tpu.memref_slice %arg3[%add3A_61, %dma_start3A_67, %dma_start3A_68] : memref<5120x2x64xi32, #tpu.memory_space<hbm>> -> memref<4x2x64xi32, #tpu.memory_space<hbm>>
      %dma_start3A_70 = arith.constant 0 : i32
      %dma_start3A_71 = arith.constant 0 : i32
      %dma_start3A_72 = arith.constant 0 : i32
      %dma_start3A_73 = tpu.memref_slice %arg5[%dma_start3A, %dma_start3A_70, %dma_start3A_71, %dma_start3A_72] : memref<2x4x2x64xi32, #tpu.memory_space<vmem>> -> memref<1x4x2x64xi32, #tpu.memory_space<vmem>>
      %dma_start3A_74 = tpu.memref_squeeze %dma_start3A_73 : memref<1x4x2x64xi32, #tpu.memory_space<vmem>> -> memref<4x2x64xi32, #tpu.memory_space<vmem>>
      %dma_start3A_75 = arith.constant 0 : i32
      %dma_start3A_76 = arith.constant 0 : i32
      %dma_start3A_77 = tpu.memref_slice %arg3[%add3A_61, %dma_start3A_75, %dma_start3A_76] : memref<5120x2x64xi32, #tpu.memory_space<hbm>> -> memref<4x2x64xi32, #tpu.memory_space<hbm>>
      tpu.enqueue_dma source(%dma_start3A_77 : memref<4x2x64xi32, #tpu.memory_space<hbm>>) target(%dma_start3A_74 : memref<4x2x64xi32, #tpu.memory_space<vmem>>) target_semaphore(%arg19 : memref<!tpu.dma_semaphore, #tpu.memory_space<semaphore_mem>>)
      %dma_start3A_78 = arith.constant 0 : i32
      %dma_start3A_79 = arith.constant 0 : i32
      %dma_start3A_80 = arith.constant 0 : i32
      %dma_start3A_81 = arith.constant 0 : i32
      %dma_start3A_82 = tpu.memref_slice %arg5[%dma_start3A_78, %dma_start3A_79, %dma_start3A_80, %dma_start3A_81] : memref<2x4x2x64xi32, #tpu.memory_space<vmem>> -> memref<1x1x1x64xi32, #tpu.memory_space<vmem>>
      %dma_start3A_83 = tpu.memref_squeeze %dma_start3A_82 : memref<1x1x1x64xi32, #tpu.memory_space<vmem>> -> memref<64xi32, #tpu.memory_space<vmem>>
      %dma_start3A_84 = arith.constant 0 : i32
      %dma_start3A_85 = arith.constant 0 : i32
      %dma_start3A_86 = tpu.memref_slice %arg2[%dma_start3A_84, %dma_start3A_85] : memref<10240x128xf32, #tpu.memory_space<hbm>> -> memref<10240x128xf32, #tpu.memory_space<hbm>>
      tpu.enqueue_indirect_dma source(%dma_start3A_86 : memref<10240x128xf32, #tpu.memory_space<hbm>>) target(%arg6 : memref<64x128xf32, #tpu.memory_space<vmem>>) offsets(%dma_start3A_83 : memref<64xi32, #tpu.memory_space<vmem>>) semaphore(%arg11 : memref<!tpu.dma_semaphore, #tpu.memory_space<semaphore_mem>>)
      %dma_start3A_87 = arith.constant 0 : i32
      %dma_start3A_88 = arith.constant 1 : i32
      %dma_start3A_89 = arith.constant 0 : i32
      %dma_start3A_90 = arith.constant 0 : i32
      %dma_start3A_91 = tpu.memref_slice %arg5[%dma_start3A_87, %dma_start3A_88, %dma_start3A_89, %dma_start3A_90] : memref<2x4x2x64xi32, #tpu.memory_space<vmem>> -> memref<1x1x1x64xi32, #tpu.memory_space<vmem>>
      %dma_start3A_92 = tpu.memref_squeeze %dma_start3A_91 : memref<1x1x1x64xi32, #tpu.memory_space<vmem>> -> memref<64xi32, #tpu.memory_space<vmem>>
      %dma_start3A_93 = arith.constant 0 : i32
      %dma_start3A_94 = arith.constant 0 : i32
      %dma_start3A_95 = tpu.memref_slice %arg2[%dma_start3A_93, %dma_start3A_94] : memref<10240x128xf32, #tpu.memory_space<hbm>> -> memref<10240x128xf32, #tpu.memory_space<hbm>>
      tpu.enqueue_indirect_dma source(%dma_start3A_95 : memref<10240x128xf32, #tpu.memory_space<hbm>>) target(%arg7 : memref<64x128xf32, #tpu.memory_space<vmem>>) offsets(%dma_start3A_92 : memref<64xi32, #tpu.memory_space<vmem>>) semaphore(%arg12 : memref<!tpu.dma_semaphore, #tpu.memory_space<semaphore_mem>>)
      %dma_start3A_96 = arith.constant 0 : i32
      %dma_start3A_97 = arith.constant 2 : i32
      %dma_start3A_98 = arith.constant 0 : i32
      %dma_start3A_99 = arith.constant 0 : i32
      %dma_start3A_100 = tpu.memref_slice %arg5[%dma_start3A_96, %dma_start3A_97, %dma_start3A_98, %dma_start3A_99] : memref<2x4x2x64xi32, #tpu.memory_space<vmem>> -> memref<1x1x1x64xi32, #tpu.memory_space<vmem>>
      %dma_start3A_101 = tpu.memref_squeeze %dma_start3A_100 : memref<1x1x1x64xi32, #tpu.memory_space<vmem>> -> memref<64xi32, #tpu.memory_space<vmem>>
      %dma_start3A_102 = arith.constant 0 : i32
      %dma_start3A_103 = arith.constant 0 : i32
      %dma_start3A_104 = tpu.memref_slice %arg2[%dma_start3A_102, %dma_start3A_103] : memref<10240x128xf32, #tpu.memory_space<hbm>> -> memref<10240x128xf32, #tpu.memory_space<hbm>>
      tpu.enqueue_indirect_dma source(%dma_start3A_104 : memref<10240x128xf32, #tpu.memory_space<hbm>>) target(%arg8 : memref<64x128xf32, #tpu.memory_space<vmem>>) offsets(%dma_start3A_101 : memref<64xi32, #tpu.memory_space<vmem>>) semaphore(%arg13 : memref<!tpu.dma_semaphore, #tpu.memory_space<semaphore_mem>>)
      %dma_start3A_105 = arith.constant 0 : i32
      %dma_start3A_106 = arith.constant 3 : i32
      %dma_start3A_107 = arith.constant 0 : i32
      %dma_start3A_108 = arith.constant 0 : i32
      %dma_start3A_109 = tpu.memref_slice %arg5[%dma_start3A_105, %dma_start3A_106, %dma_start3A_107, %dma_start3A_108] : memref<2x4x2x64xi32, #tpu.memory_space<vmem>> -> memref<1x1x1x64xi32, #tpu.memory_space<vmem>>
      %dma_start3A_110 = tpu.memref_squeeze %dma_start3A_109 : memref<1x1x1x64xi32, #tpu.memory_space<vmem>> -> memref<64xi32, #tpu.memory_space<vmem>>
      %dma_start3A_111 = arith.constant 0 : i32
      %dma_start3A_112 = arith.constant 0 : i32
      %dma_start3A_113 = tpu.memref_slice %arg2[%dma_start3A_111, %dma_start3A_112] : memref<10240x128xf32, #tpu.memory_space<hbm>> -> memref<10240x128xf32, #tpu.memory_space<hbm>>
      tpu.enqueue_indirect_dma source(%dma_start3A_113 : memref<10240x128xf32, #tpu.memory_space<hbm>>) target(%arg9 : memref<64x128xf32, #tpu.memory_space<vmem>>) offsets(%dma_start3A_110 : memref<64xi32, #tpu.memory_space<vmem>>) semaphore(%arg14 : memref<!tpu.dma_semaphore, #tpu.memory_space<semaphore_mem>>)
      %scan3A_114 = arith.constant 0 : i32
      %scan3A_115 = arith.constant 0 : i32
      %scan3A_116 = arith.constant 6 : i32
      %scan3A_117 = arith.addi %scan3A_115, %scan3A_116 : i32
      %scan3A_118 = arith.constant 1 : i32
      scf.for %scan3A_155 = %scan3A_115 to %scan3A_117 step %scan3A_118  : i32 {
        %rem3A = arith.constant 2 : i32
        %rem3A_156 = arith.remsi %scan3A_155, %rem3A : i32
        %sub3A = arith.constant 1 : i32
        %sub3A_157 = arith.subi %sub3A, %rem3A_156 : i32
        %dma_wait3A_158 = arith.constant 0 : i32
        %dma_wait3A_159 = arith.constant 0 : i32
        %dma_wait3A_160 = arith.constant 0 : i32
        %dma_wait3A_161 = tpu.memref_slice %arg5[%rem3A_156, %dma_wait3A_158, %dma_wait3A_159, %dma_wait3A_160] : memref<2x4x2x64xi32, #tpu.memory_space<vmem>> -> memref<1x1x1x64xi32, #tpu.memory_space<vmem>>
        %dma_wait3A_162 = tpu.memref_squeeze %dma_wait3A_161 : memref<1x1x1x64xi32, #tpu.memory_space<vmem>> -> memref<64xi32, #tpu.memory_space<vmem>>
        %dma_wait3A_163 = arith.constant 0 : i32
        %dma_wait3A_164 = arith.constant 0 : i32
        %dma_wait3A_165 = tpu.memref_slice %arg2[%dma_wait3A_163, %dma_wait3A_164] : memref<10240x128xf32, #tpu.memory_space<hbm>> -> memref<10240x128xf32, #tpu.memory_space<hbm>>
        tpu.wait_indirect_dma semaphore(%arg11 : memref<!tpu.dma_semaphore, #tpu.memory_space<semaphore_mem>>) src(%dma_wait3A_165 : memref<10240x128xf32, #tpu.memory_space<hbm>>) dst(%arg6 : memref<64x128xf32, #tpu.memory_space<vmem>>)
        %dma_start3A_166 = arith.constant 0 : i32
        %dma_start3A_167 = arith.constant 1 : i32
        %dma_start3A_168 = arith.constant 0 : i32
        %dma_start3A_169 = tpu.memref_slice %arg5[%rem3A_156, %dma_start3A_166, %dma_start3A_167, %dma_start3A_168] : memref<2x4x2x64xi32, #tpu.memory_space<vmem>> -> memref<1x1x1x64xi32, #tpu.memory_space<vmem>>
        %dma_start3A_170 = tpu.memref_squeeze %dma_start3A_169 : memref<1x1x1x64xi32, #tpu.memory_space<vmem>> -> memref<64xi32, #tpu.memory_space<vmem>>
        %dma_start3A_171 = arith.constant 0 : i32
        %dma_start3A_172 = arith.constant 0 : i32
        %dma_start3A_173 = tpu.memref_slice %arg10[%dma_start3A_171, %dma_start3A_172] : memref<10240x128xf32, #tpu.memory_space<vmem_shared>> -> memref<10240x128xf32, #tpu.memory_space<vmem_shared>>
        tpu.enqueue_indirect_dma source(%arg6 : memref<64x128xf32, #tpu.memory_space<vmem>>) target(%dma_start3A_173 : memref<10240x128xf32, #tpu.memory_space<vmem_shared>>) offsets(%dma_start3A_170 : memref<64xi32, #tpu.memory_space<vmem>>) semaphore(%arg15 : memref<!tpu.dma_semaphore, #tpu.memory_space<semaphore_mem>>) {add = true}
        %dma_wait3A_174 = arith.constant 1 : i32
        %dma_wait3A_175 = arith.constant 0 : i32
        %dma_wait3A_176 = arith.constant 0 : i32
        %dma_wait3A_177 = tpu.memref_slice %arg5[%rem3A_156, %dma_wait3A_174, %dma_wait3A_175, %dma_wait3A_176] : memref<2x4x2x64xi32, #tpu.memory_space<vmem>> -> memref<1x1x1x64xi32, #tpu.memory_space<vmem>>
        %dma_wait3A_178 = tpu.memref_squeeze %dma_wait3A_177 : memref<1x1x1x64xi32, #tpu.memory_space<vmem>> -> memref<64xi32, #tpu.memory_space<vmem>>
        %dma_wait3A_179 = arith.constant 0 : i32
        %dma_wait3A_180 = arith.constant 0 : i32
        %dma_wait3A_181 = tpu.memref_slice %arg2[%dma_wait3A_179, %dma_wait3A_180] : memref<10240x128xf32, #tpu.memory_space<hbm>> -> memref<10240x128xf32, #tpu.memory_space<hbm>>
        tpu.wait_indirect_dma semaphore(%arg12 : memref<!tpu.dma_semaphore, #tpu.memory_space<semaphore_mem>>) src(%dma_wait3A_181 : memref<10240x128xf32, #tpu.memory_space<hbm>>) dst(%arg7 : memref<64x128xf32, #tpu.memory_space<vmem>>)
        %dma_start3A_182 = arith.constant 1 : i32
        %dma_start3A_183 = arith.constant 1 : i32
        %dma_start3A_184 = arith.constant 0 : i32
        %dma_start3A_185 = tpu.memref_slice %arg5[%rem3A_156, %dma_start3A_182, %dma_start3A_183, %dma_start3A_184] : memref<2x4x2x64xi32, #tpu.memory_space<vmem>> -> memref<1x1x1x64xi32, #tpu.memory_space<vmem>>
        %dma_start3A_186 = tpu.memref_squeeze %dma_start3A_185 : memref<1x1x1x64xi32, #tpu.memory_space<vmem>> -> memref<64xi32, #tpu.memory_space<vmem>>
        %dma_start3A_187 = arith.constant 0 : i32
        %dma_start3A_188 = arith.constant 0 : i32
        %dma_start3A_189 = tpu.memref_slice %arg10[%dma_start3A_187, %dma_start3A_188] : memref<10240x128xf32, #tpu.memory_space<vmem_shared>> -> memref<10240x128xf32, #tpu.memory_space<vmem_shared>>
        tpu.enqueue_indirect_dma source(%arg7 : memref<64x128xf32, #tpu.memory_space<vmem>>) target(%dma_start3A_189 : memref<10240x128xf32, #tpu.memory_space<vmem_shared>>) offsets(%dma_start3A_186 : memref<64xi32, #tpu.memory_space<vmem>>) semaphore(%arg16 : memref<!tpu.dma_semaphore, #tpu.memory_space<semaphore_mem>>) {add = true}
        %dma_wait3A_190 = arith.constant 2 : i32
        %dma_wait3A_191 = arith.constant 0 : i32
        %dma_wait3A_192 = arith.constant 0 : i32
        %dma_wait3A_193 = tpu.memref_slice %arg5[%rem3A_156, %dma_wait3A_190, %dma_wait3A_191, %dma_wait3A_192] : memref<2x4x2x64xi32, #tpu.memory_space<vmem>> -> memref<1x1x1x64xi32, #tpu.memory_space<vmem>>
        %dma_wait3A_194 = tpu.memref_squeeze %dma_wait3A_193 : memref<1x1x1x64xi32, #tpu.memory_space<vmem>> -> memref<64xi32, #tpu.memory_space<vmem>>
        %dma_wait3A_195 = arith.constant 0 : i32
        %dma_wait3A_196 = arith.constant 0 : i32
        %dma_wait3A_197 = tpu.memref_slice %arg2[%dma_wait3A_195, %dma_wait3A_196] : memref<10240x128xf32, #tpu.memory_space<hbm>> -> memref<10240x128xf32, #tpu.memory_space<hbm>>
        tpu.wait_indirect_dma semaphore(%arg13 : memref<!tpu.dma_semaphore, #tpu.memory_space<semaphore_mem>>) src(%dma_wait3A_197 : memref<10240x128xf32, #tpu.memory_space<hbm>>) dst(%arg8 : memref<64x128xf32, #tpu.memory_space<vmem>>)
        %dma_start3A_198 = arith.constant 2 : i32
        %dma_start3A_199 = arith.constant 1 : i32
        %dma_start3A_200 = arith.constant 0 : i32
        %dma_start3A_201 = tpu.memref_slice %arg5[%rem3A_156, %dma_start3A_198, %dma_start3A_199, %dma_start3A_200] : memref<2x4x2x64xi32, #tpu.memory_space<vmem>> -> memref<1x1x1x64xi32, #tpu.memory_space<vmem>>
        %dma_start3A_202 = tpu.memref_squeeze %dma_start3A_201 : memref<1x1x1x64xi32, #tpu.memory_space<vmem>> -> memref<64xi32, #tpu.memory_space<vmem>>
        %dma_start3A_203 = arith.constant 0 : i32
        %dma_start3A_204 = arith.constant 0 : i32
        %dma_start3A_205 = tpu.memref_slice %arg10[%dma_start3A_203, %dma_start3A_204] : memref<10240x128xf32, #tpu.memory_space<vmem_shared>> -> memref<10240x128xf32, #tpu.memory_space<vmem_shared>>
        tpu.enqueue_indirect_dma source(%arg8 : memref<64x128xf32, #tpu.memory_space<vmem>>) target(%dma_start3A_205 : memref<10240x128xf32, #tpu.memory_space<vmem_shared>>) offsets(%dma_start3A_202 : memref<64xi32, #tpu.memory_space<vmem>>) semaphore(%arg17 : memref<!tpu.dma_semaphore, #tpu.memory_space<semaphore_mem>>) {add = true}
        %dma_wait3A_206 = arith.constant 3 : i32
        %dma_wait3A_207 = arith.constant 0 : i32
        %dma_wait3A_208 = arith.constant 0 : i32
        %dma_wait3A_209 = tpu.memref_slice %arg5[%rem3A_156, %dma_wait3A_206, %dma_wait3A_207, %dma_wait3A_208] : memref<2x4x2x64xi32, #tpu.memory_space<vmem>> -> memref<1x1x1x64xi32, #tpu.memory_space<vmem>>
        %dma_wait3A_210 = tpu.memref_squeeze %dma_wait3A_209 : memref<1x1x1x64xi32, #tpu.memory_space<vmem>> -> memref<64xi32, #tpu.memory_space<vmem>>
        %dma_wait3A_211 = arith.constant 0 : i32
        %dma_wait3A_212 = arith.constant 0 : i32
        %dma_wait3A_213 = tpu.memref_slice %arg2[%dma_wait3A_211, %dma_wait3A_212] : memref<10240x128xf32, #tpu.memory_space<hbm>> -> memref<10240x128xf32, #tpu.memory_space<hbm>>
        tpu.wait_indirect_dma semaphore(%arg14 : memref<!tpu.dma_semaphore, #tpu.memory_space<semaphore_mem>>) src(%dma_wait3A_213 : memref<10240x128xf32, #tpu.memory_space<hbm>>) dst(%arg9 : memref<64x128xf32, #tpu.memory_space<vmem>>)
        %dma_start3A_214 = arith.constant 3 : i32
        %dma_start3A_215 = arith.constant 1 : i32
        %dma_start3A_216 = arith.constant 0 : i32
        %dma_start3A_217 = tpu.memref_slice %arg5[%rem3A_156, %dma_start3A_214, %dma_start3A_215, %dma_start3A_216] : memref<2x4x2x64xi32, #tpu.memory_space<vmem>> -> memref<1x1x1x64xi32, #tpu.memory_space<vmem>>
        %dma_start3A_218 = tpu.memref_squeeze %dma_start3A_217 : memref<1x1x1x64xi32, #tpu.memory_space<vmem>> -> memref<64xi32, #tpu.memory_space<vmem>>
        %dma_start3A_219 = arith.constant 0 : i32
        %dma_start3A_220 = arith.constant 0 : i32
        %dma_start3A_221 = tpu.memref_slice %arg10[%dma_start3A_219, %dma_start3A_220] : memref<10240x128xf32, #tpu.memory_space<vmem_shared>> -> memref<10240x128xf32, #tpu.memory_space<vmem_shared>>
        tpu.enqueue_indirect_dma source(%arg9 : memref<64x128xf32, #tpu.memory_space<vmem>>) target(%dma_start3A_221 : memref<10240x128xf32, #tpu.memory_space<vmem_shared>>) offsets(%dma_start3A_218 : memref<64xi32, #tpu.memory_space<vmem>>) semaphore(%arg18 : memref<!tpu.dma_semaphore, #tpu.memory_space<semaphore_mem>>) {add = true}
        %add3A_222 = arith.constant 1 : i32
        %add3A_223 = arith.addi %scan3A_155, %add3A_222 : i32
        %lt3A = arith.constant 6 : i32
        %lt3A_224 = arith.cmpi slt, %add3A_223, %lt3A : i32
        %convert_element_type3A_225 = arith.extui %lt3A_224 : i1 to i32
        %cond3A_226 = arith.constant 0 : i32
        %cond3A_227 = arith.cmpi ne, %convert_element_type3A_225, %cond3A_226 : i32
        scf.if %cond3A_227 {
          %dma_wait3A_235 = arith.constant 0 : i32
          %dma_wait3A_236 = arith.constant 0 : i32
          %dma_wait3A_237 = arith.constant 0 : i32
          %dma_wait3A_238 = tpu.memref_slice %arg5[%sub3A_157, %dma_wait3A_235, %dma_wait3A_236, %dma_wait3A_237] : memref<2x4x2x64xi32, #tpu.memory_space<vmem>> -> memref<1x4x2x64xi32, #tpu.memory_space<vmem>>
          %dma_wait3A_239 = tpu.memref_squeeze %dma_wait3A_238 : memref<1x4x2x64xi32, #tpu.memory_space<vmem>> -> memref<4x2x64xi32, #tpu.memory_space<vmem>>
          %dma_wait3A_240 = arith.constant 0 : i32
          %dma_wait3A_241 = arith.constant 0 : i32
          %dma_wait3A_242 = tpu.memref_slice %arg3[%add3A_59, %dma_wait3A_240, %dma_wait3A_241] : memref<5120x2x64xi32, #tpu.memory_space<hbm>> -> memref<4x2x64xi32, #tpu.memory_space<hbm>>
          %dma_wait3A_243 = arith.constant 0 : i32
          %dma_wait3A_244 = arith.constant 0 : i32
          %dma_wait3A_245 = arith.constant 0 : i32
          %dma_wait3A_246 = tpu.memref_slice %arg5[%sub3A_157, %dma_wait3A_243, %dma_wait3A_244, %dma_wait3A_245] : memref<2x4x2x64xi32, #tpu.memory_space<vmem>> -> memref<1x4x2x64xi32, #tpu.memory_space<vmem>>
          %dma_wait3A_247 = tpu.memref_squeeze %dma_wait3A_246 : memref<1x4x2x64xi32, #tpu.memory_space<vmem>> -> memref<4x2x64xi32, #tpu.memory_space<vmem>>
          %dma_wait3A_248 = arith.constant 0 : i32
          %dma_wait3A_249 = arith.constant 0 : i32
          %dma_wait3A_250 = tpu.memref_slice %arg3[%add3A_59, %dma_wait3A_248, %dma_wait3A_249] : memref<5120x2x64xi32, #tpu.memory_space<hbm>> -> memref<4x2x64xi32, #tpu.memory_space<hbm>>
          tpu.wait_dma2 semaphore(%arg19 : memref<!tpu.dma_semaphore, #tpu.memory_space<semaphore_mem>>) src(%dma_wait3A_250 : memref<4x2x64xi32, #tpu.memory_space<hbm>>) dst(%dma_wait3A_247 : memref<4x2x64xi32, #tpu.memory_space<vmem>>)
          %dma_wait3A_251 = arith.constant 0 : i32
          %dma_wait3A_252 = arith.constant 1 : i32
          %dma_wait3A_253 = arith.constant 0 : i32
          %dma_wait3A_254 = tpu.memref_slice %arg5[%rem3A_156, %dma_wait3A_251, %dma_wait3A_252, %dma_wait3A_253] : memref<2x4x2x64xi32, #tpu.memory_space<vmem>> -> memref<1x1x1x64xi32, #tpu.memory_space<vmem>>
          %dma_wait3A_255 = tpu.memref_squeeze %dma_wait3A_254 : memref<1x1x1x64xi32, #tpu.memory_space<vmem>> -> memref<64xi32, #tpu.memory_space<vmem>>
          %dma_wait3A_256 = arith.constant 0 : i32
          %dma_wait3A_257 = arith.constant 0 : i32
          %dma_wait3A_258 = tpu.memref_slice %arg10[%dma_wait3A_256, %dma_wait3A_257] : memref<10240x128xf32, #tpu.memory_space<vmem_shared>> -> memref<10240x128xf32, #tpu.memory_space<vmem_shared>>
          tpu.wait_indirect_dma semaphore(%arg15 : memref<!tpu.dma_semaphore, #tpu.memory_space<semaphore_mem>>) src(%arg6 : memref<64x128xf32, #tpu.memory_space<vmem>>) dst(%dma_wait3A_258 : memref<10240x128xf32, #tpu.memory_space<vmem_shared>>)
          %dma_start3A_259 = arith.constant 0 : i32
          %dma_start3A_260 = arith.constant 0 : i32
          %dma_start3A_261 = arith.constant 0 : i32
          %dma_start3A_262 = tpu.memref_slice %arg5[%sub3A_157, %dma_start3A_259, %dma_start3A_260, %dma_start3A_261] : memref<2x4x2x64xi32, #tpu.memory_space<vmem>> -> memref<1x1x1x64xi32, #tpu.memory_space<vmem>>
          %dma_start3A_263 = tpu.memref_squeeze %dma_start3A_262 : memref<1x1x1x64xi32, #tpu.memory_space<vmem>> -> memref<64xi32, #tpu.memory_space<vmem>>
          %dma_start3A_264 = arith.constant 0 : i32
          %dma_start3A_265 = arith.constant 0 : i32
          %dma_start3A_266 = tpu.memref_slice %arg2[%dma_start3A_264, %dma_start3A_265] : memref<10240x128xf32, #tpu.memory_space<hbm>> -> memref<10240x128xf32, #tpu.memory_space<hbm>>
          tpu.enqueue_indirect_dma source(%dma_start3A_266 : memref<10240x128xf32, #tpu.memory_space<hbm>>) target(%arg6 : memref<64x128xf32, #tpu.memory_space<vmem>>) offsets(%dma_start3A_263 : memref<64xi32, #tpu.memory_space<vmem>>) semaphore(%arg11 : memref<!tpu.dma_semaphore, #tpu.memory_space<semaphore_mem>>)
          %dma_wait3A_267 = arith.constant 1 : i32
          %dma_wait3A_268 = arith.constant 1 : i32
          %dma_wait3A_269 = arith.constant 0 : i32
          %dma_wait3A_270 = tpu.memref_slice %arg5[%rem3A_156, %dma_wait3A_267, %dma_wait3A_268, %dma_wait3A_269] : memref<2x4x2x64xi32, #tpu.memory_space<vmem>> -> memref<1x1x1x64xi32, #tpu.memory_space<vmem>>
          %dma_wait3A_271 = tpu.memref_squeeze %dma_wait3A_270 : memref<1x1x1x64xi32, #tpu.memory_space<vmem>> -> memref<64xi32, #tpu.memory_space<vmem>>
          %dma_wait3A_272 = arith.constant 0 : i32
          %dma_wait3A_273 = arith.constant 0 : i32
          %dma_wait3A_274 = tpu.memref_slice %arg10[%dma_wait3A_272, %dma_wait3A_273] : memref<10240x128xf32, #tpu.memory_space<vmem_shared>> -> memref<10240x128xf32, #tpu.memory_space<vmem_shared>>
          tpu.wait_indirect_dma semaphore(%arg16 : memref<!tpu.dma_semaphore, #tpu.memory_space<semaphore_mem>>) src(%arg7 : memref<64x128xf32, #tpu.memory_space<vmem>>) dst(%dma_wait3A_274 : memref<10240x128xf32, #tpu.memory_space<vmem_shared>>)
          %dma_start3A_275 = arith.constant 1 : i32
          %dma_start3A_276 = arith.constant 0 : i32
          %dma_start3A_277 = arith.constant 0 : i32
          %dma_start3A_278 = tpu.memref_slice %arg5[%sub3A_157, %dma_start3A_275, %dma_start3A_276, %dma_start3A_277] : memref<2x4x2x64xi32, #tpu.memory_space<vmem>> -> memref<1x1x1x64xi32, #tpu.memory_space<vmem>>
          %dma_start3A_279 = tpu.memref_squeeze %dma_start3A_278 : memref<1x1x1x64xi32, #tpu.memory_space<vmem>> -> memref<64xi32, #tpu.memory_space<vmem>>
          %dma_start3A_280 = arith.constant 0 : i32
          %dma_start3A_281 = arith.constant 0 : i32
          %dma_start3A_282 = tpu.memref_slice %arg2[%dma_start3A_280, %dma_start3A_281] : memref<10240x128xf32, #tpu.memory_space<hbm>> -> memref<10240x128xf32, #tpu.memory_space<hbm>>
          tpu.enqueue_indirect_dma source(%dma_start3A_282 : memref<10240x128xf32, #tpu.memory_space<hbm>>) target(%arg7 : memref<64x128xf32, #tpu.memory_space<vmem>>) offsets(%dma_start3A_279 : memref<64xi32, #tpu.memory_space<vmem>>) semaphore(%arg12 : memref<!tpu.dma_semaphore, #tpu.memory_space<semaphore_mem>>)
          %dma_wait3A_283 = arith.constant 2 : i32
          %dma_wait3A_284 = arith.constant 1 : i32
          %dma_wait3A_285 = arith.constant 0 : i32
          %dma_wait3A_286 = tpu.memref_slice %arg5[%rem3A_156, %dma_wait3A_283, %dma_wait3A_284, %dma_wait3A_285] : memref<2x4x2x64xi32, #tpu.memory_space<vmem>> -> memref<1x1x1x64xi32, #tpu.memory_space<vmem>>
          %dma_wait3A_287 = tpu.memref_squeeze %dma_wait3A_286 : memref<1x1x1x64xi32, #tpu.memory_space<vmem>> -> memref<64xi32, #tpu.memory_space<vmem>>
          %dma_wait3A_288 = arith.constant 0 : i32
          %dma_wait3A_289 = arith.constant 0 : i32
          %dma_wait3A_290 = tpu.memref_slice %arg10[%dma_wait3A_288, %dma_wait3A_289] : memref<10240x128xf32, #tpu.memory_space<vmem_shared>> -> memref<10240x128xf32, #tpu.memory_space<vmem_shared>>
          tpu.wait_indirect_dma semaphore(%arg17 : memref<!tpu.dma_semaphore, #tpu.memory_space<semaphore_mem>>) src(%arg8 : memref<64x128xf32, #tpu.memory_space<vmem>>) dst(%dma_wait3A_290 : memref<10240x128xf32, #tpu.memory_space<vmem_shared>>)
          %dma_start3A_291 = arith.constant 2 : i32
          %dma_start3A_292 = arith.constant 0 : i32
          %dma_start3A_293 = arith.constant 0 : i32
          %dma_start3A_294 = tpu.memref_slice %arg5[%sub3A_157, %dma_start3A_291, %dma_start3A_292, %dma_start3A_293] : memref<2x4x2x64xi32, #tpu.memory_space<vmem>> -> memref<1x1x1x64xi32, #tpu.memory_space<vmem>>
          %dma_start3A_295 = tpu.memref_squeeze %dma_start3A_294 : memref<1x1x1x64xi32, #tpu.memory_space<vmem>> -> memref<64xi32, #tpu.memory_space<vmem>>
          %dma_start3A_296 = arith.constant 0 : i32
          %dma_start3A_297 = arith.constant 0 : i32
          %dma_start3A_298 = tpu.memref_slice %arg2[%dma_start3A_296, %dma_start3A_297] : memref<10240x128xf32, #tpu.memory_space<hbm>> -> memref<10240x128xf32, #tpu.memory_space<hbm>>
          tpu.enqueue_indirect_dma source(%dma_start3A_298 : memref<10240x128xf32, #tpu.memory_space<hbm>>) target(%arg8 : memref<64x128xf32, #tpu.memory_space<vmem>>) offsets(%dma_start3A_295 : memref<64xi32, #tpu.memory_space<vmem>>) semaphore(%arg13 : memref<!tpu.dma_semaphore, #tpu.memory_space<semaphore_mem>>)
          %dma_wait3A_299 = arith.constant 3 : i32
          %dma_wait3A_300 = arith.constant 1 : i32
          %dma_wait3A_301 = arith.constant 0 : i32
          %dma_wait3A_302 = tpu.memref_slice %arg5[%rem3A_156, %dma_wait3A_299, %dma_wait3A_300, %dma_wait3A_301] : memref<2x4x2x64xi32, #tpu.memory_space<vmem>> -> memref<1x1x1x64xi32, #tpu.memory_space<vmem>>
          %dma_wait3A_303 = tpu.memref_squeeze %dma_wait3A_302 : memref<1x1x1x64xi32, #tpu.memory_space<vmem>> -> memref<64xi32, #tpu.memory_space<vmem>>
          %dma_wait3A_304 = arith.constant 0 : i32
          %dma_wait3A_305 = arith.constant 0 : i32
          %dma_wait3A_306 = tpu.memref_slice %arg10[%dma_wait3A_304, %dma_wait3A_305] : memref<10240x128xf32, #tpu.memory_space<vmem_shared>> -> memref<10240x128xf32, #tpu.memory_space<vmem_shared>>
          tpu.wait_indirect_dma semaphore(%arg18 : memref<!tpu.dma_semaphore, #tpu.memory_space<semaphore_mem>>) src(%arg9 : memref<64x128xf32, #tpu.memory_space<vmem>>) dst(%dma_wait3A_306 : memref<10240x128xf32, #tpu.memory_space<vmem_shared>>)
          %dma_start3A_307 = arith.constant 3 : i32
          %dma_start3A_308 = arith.constant 0 : i32
          %dma_start3A_309 = arith.constant 0 : i32
          %dma_start3A_310 = tpu.memref_slice %arg5[%sub3A_157, %dma_start3A_307, %dma_start3A_308, %dma_start3A_309] : memref<2x4x2x64xi32, #tpu.memory_space<vmem>> -> memref<1x1x1x64xi32, #tpu.memory_space<vmem>>
          %dma_start3A_311 = tpu.memref_squeeze %dma_start3A_310 : memref<1x1x1x64xi32, #tpu.memory_space<vmem>> -> memref<64xi32, #tpu.memory_space<vmem>>
          %dma_start3A_312 = arith.constant 0 : i32
          %dma_start3A_313 = arith.constant 0 : i32
          %dma_start3A_314 = tpu.memref_slice %arg2[%dma_start3A_312, %dma_start3A_313] : memref<10240x128xf32, #tpu.memory_space<hbm>> -> memref<10240x128xf32, #tpu.memory_space<hbm>>
          tpu.enqueue_indirect_dma source(%dma_start3A_314 : memref<10240x128xf32, #tpu.memory_space<hbm>>) target(%arg9 : memref<64x128xf32, #tpu.memory_space<vmem>>) offsets(%dma_start3A_311 : memref<64xi32, #tpu.memory_space<vmem>>) semaphore(%arg14 : memref<!tpu.dma_semaphore, #tpu.memory_space<semaphore_mem>>)
        } else {
        }
        %add3A_228 = arith.constant 2 : i32
        %add3A_229 = arith.addi %scan3A_155, %add3A_228 : i32
        %lt3A_230 = arith.constant 6 : i32
        %lt3A_231 = arith.cmpi slt, %add3A_229, %lt3A_230 : i32
        %convert_element_type3A_232 = arith.extui %lt3A_231 : i1 to i32
        %cond3A_233 = arith.constant 0 : i32
        %cond3A_234 = arith.cmpi ne, %convert_element_type3A_232, %cond3A_233 : i32
        scf.if %cond3A_234 {
          %add3A_235 = arith.constant 2 : i32
          %add3A_236 = arith.addi %scan3A_155, %add3A_235 : i32
          %mul3A_237 = arith.constant 4 : i32
          %mul3A_238 = arith.muli %add3A_236, %mul3A_237 : i32
          %add3A_239 = arith.addi %add3A_59, %mul3A_238 : i32
          %dma_start3A_240 = arith.constant 0 : i32
          %dma_start3A_241 = arith.constant 0 : i32
          %dma_start3A_242 = arith.constant 0 : i32
          %dma_start3A_243 = tpu.memref_slice %arg5[%rem3A_156, %dma_start3A_240, %dma_start3A_241, %dma_start3A_242] : memref<2x4x2x64xi32, #tpu.memory_space<vmem>> -> memref<1x4x2x64xi32, #tpu.memory_space<vmem>>
          %dma_start3A_244 = tpu.memref_squeeze %dma_start3A_243 : memref<1x4x2x64xi32, #tpu.memory_space<vmem>> -> memref<4x2x64xi32, #tpu.memory_space<vmem>>
          %dma_start3A_245 = arith.constant 0 : i32
          %dma_start3A_246 = arith.constant 0 : i32
          %dma_start3A_247 = tpu.memref_slice %arg3[%add3A_239, %dma_start3A_245, %dma_start3A_246] : memref<5120x2x64xi32, #tpu.memory_space<hbm>> -> memref<4x2x64xi32, #tpu.memory_space<hbm>>
          %dma_start3A_248 = arith.constant 0 : i32
          %dma_start3A_249 = arith.constant 0 : i32
          %dma_start3A_250 = arith.constant 0 : i32
          %dma_start3A_251 = tpu.memref_slice %arg5[%rem3A_156, %dma_start3A_248, %dma_start3A_249, %dma_start3A_250] : memref<2x4x2x64xi32, #tpu.memory_space<vmem>> -> memref<1x4x2x64xi32, #tpu.memory_space<vmem>>
          %dma_start3A_252 = tpu.memref_squeeze %dma_start3A_251 : memref<1x4x2x64xi32, #tpu.memory_space<vmem>> -> memref<4x2x64xi32, #tpu.memory_space<vmem>>
          %dma_start3A_253 = arith.constant 0 : i32
          %dma_start3A_254 = arith.constant 0 : i32
          %dma_start3A_255 = tpu.memref_slice %arg3[%add3A_239, %dma_start3A_253, %dma_start3A_254] : memref<5120x2x64xi32, #tpu.memory_space<hbm>> -> memref<4x2x64xi32, #tpu.memory_space<hbm>>
          tpu.enqueue_dma source(%dma_start3A_255 : memref<4x2x64xi32, #tpu.memory_space<hbm>>) target(%dma_start3A_252 : memref<4x2x64xi32, #tpu.memory_space<vmem>>) target_semaphore(%arg19 : memref<!tpu.dma_semaphore, #tpu.memory_space<semaphore_mem>>)
        } else {
        }
      }
      %scan3A_119 = arith.constant 6 : i32
      %dma_wait3A = arith.constant 0 : i32
      %dma_wait3A_120 = arith.constant 0 : i32
      %dma_wait3A_121 = arith.constant 1 : i32
      %dma_wait3A_122 = arith.constant 0 : i32
      %dma_wait3A_123 = tpu.memref_slice %arg5[%dma_wait3A, %dma_wait3A_120, %dma_wait3A_121, %dma_wait3A_122] : memref<2x4x2x64xi32, #tpu.memory_space<vmem>> -> memref<1x1x1x64xi32, #tpu.memory_space<vmem>>
      %dma_wait3A_124 = tpu.memref_squeeze %dma_wait3A_123 : memref<1x1x1x64xi32, #tpu.memory_space<vmem>> -> memref<64xi32, #tpu.memory_space<vmem>>
      %dma_wait3A_125 = arith.constant 0 : i32
      %dma_wait3A_126 = arith.constant 0 : i32
      %dma_wait3A_127 = tpu.memref_slice %arg10[%dma_wait3A_125, %dma_wait3A_126] : memref<10240x128xf32, #tpu.memory_space<vmem_shared>> -> memref<10240x128xf32, #tpu.memory_space<vmem_shared>>
      tpu.wait_indirect_dma semaphore(%arg15 : memref<!tpu.dma_semaphore, #tpu.memory_space<semaphore_mem>>) src(%arg6 : memref<64x128xf32, #tpu.memory_space<vmem>>) dst(%dma_wait3A_127 : memref<10240x128xf32, #tpu.memory_space<vmem_shared>>)
      %dma_wait3A_128 = arith.constant 0 : i32
      %dma_wait3A_129 = arith.constant 1 : i32
      %dma_wait3A_130 = arith.constant 1 : i32
      %dma_wait3A_131 = arith.constant 0 : i32
      %dma_wait3A_132 = tpu.memref_slice %arg5[%dma_wait3A_128, %dma_wait3A_129, %dma_wait3A_130, %dma_wait3A_131] : memref<2x4x2x64xi32, #tpu.memory_space<vmem>> -> memref<1x1x1x64xi32, #tpu.memory_space<vmem>>
      %dma_wait3A_133 = tpu.memref_squeeze %dma_wait3A_132 : memref<1x1x1x64xi32, #tpu.memory_space<vmem>> -> memref<64xi32, #tpu.memory_space<vmem>>
      %dma_wait3A_134 = arith.constant 0 : i32
      %dma_wait3A_135 = arith.constant 0 : i32
      %dma_wait3A_136 = tpu.memref_slice %arg10[%dma_wait3A_134, %dma_wait3A_135] : memref<10240x128xf32, #tpu.memory_space<vmem_shared>> -> memref<10240x128xf32, #tpu.memory_space<vmem_shared>>
      tpu.wait_indirect_dma semaphore(%arg16 : memref<!tpu.dma_semaphore, #tpu.memory_space<semaphore_mem>>) src(%arg7 : memref<64x128xf32, #tpu.memory_space<vmem>>) dst(%dma_wait3A_136 : memref<10240x128xf32, #tpu.memory_space<vmem_shared>>)
      %dma_wait3A_137 = arith.constant 0 : i32
      %dma_wait3A_138 = arith.constant 2 : i32
      %dma_wait3A_139 = arith.constant 1 : i32
      %dma_wait3A_140 = arith.constant 0 : i32
      %dma_wait3A_141 = tpu.memref_slice %arg5[%dma_wait3A_137, %dma_wait3A_138, %dma_wait3A_139, %dma_wait3A_140] : memref<2x4x2x64xi32, #tpu.memory_space<vmem>> -> memref<1x1x1x64xi32, #tpu.memory_space<vmem>>
      %dma_wait3A_142 = tpu.memref_squeeze %dma_wait3A_141 : memref<1x1x1x64xi32, #tpu.memory_space<vmem>> -> memref<64xi32, #tpu.memory_space<vmem>>
      %dma_wait3A_143 = arith.constant 0 : i32
      %dma_wait3A_144 = arith.constant 0 : i32
      %dma_wait3A_145 = tpu.memref_slice %arg10[%dma_wait3A_143, %dma_wait3A_144] : memref<10240x128xf32, #tpu.memory_space<vmem_shared>> -> memref<10240x128xf32, #tpu.memory_space<vmem_shared>>
      tpu.wait_indirect_dma semaphore(%arg17 : memref<!tpu.dma_semaphore, #tpu.memory_space<semaphore_mem>>) src(%arg8 : memref<64x128xf32, #tpu.memory_space<vmem>>) dst(%dma_wait3A_145 : memref<10240x128xf32, #tpu.memory_space<vmem_shared>>)
      %dma_wait3A_146 = arith.constant 0 : i32
      %dma_wait3A_147 = arith.constant 3 : i32
      %dma_wait3A_148 = arith.constant 1 : i32
      %dma_wait3A_149 = arith.constant 0 : i32
      %dma_wait3A_150 = tpu.memref_slice %arg5[%dma_wait3A_146, %dma_wait3A_147, %dma_wait3A_148, %dma_wait3A_149] : memref<2x4x2x64xi32, #tpu.memory_space<vmem>> -> memref<1x1x1x64xi32, #tpu.memory_space<vmem>>
      %dma_wait3A_151 = tpu.memref_squeeze %dma_wait3A_150 : memref<1x1x1x64xi32, #tpu.memory_space<vmem>> -> memref<64xi32, #tpu.memory_space<vmem>>
      %dma_wait3A_152 = arith.constant 0 : i32
      %dma_wait3A_153 = arith.constant 0 : i32
      %dma_wait3A_154 = tpu.memref_slice %arg10[%dma_wait3A_152, %dma_wait3A_153] : memref<10240x128xf32, #tpu.memory_space<vmem_shared>> -> memref<10240x128xf32, #tpu.memory_space<vmem_shared>>
      tpu.wait_indirect_dma semaphore(%arg18 : memref<!tpu.dma_semaphore, #tpu.memory_space<semaphore_mem>>) src(%arg9 : memref<64x128xf32, #tpu.memory_space<vmem>>) dst(%dma_wait3A_154 : memref<10240x128xf32, #tpu.memory_space<vmem_shared>>)
    } else {
    }
    %barrier3A_51 = arith.constant 0 : index
    tpu.barrier barrier_id(%barrier3A_51)
    %mul3A_52 = arith.constant 640 : i32
    %mul3A_53 = arith.muli %arg1, %mul3A_52 : i32
    %mul3A_54 = arith.constant 640 : i32
    %mul3A_55 = arith.muli %arg1, %mul3A_54 : i32
    "tpu.region"() ({
      %run_scoped3A = tpu.sem_alloc : memref<!tpu.dma_semaphore, #tpu.memory_space<semaphore_mem>>
      %dma_start3A = arith.constant 0 : i32
      %dma_start3A_56 = tpu.memref_slice %arg4[%arg0, %mul3A_55, %dma_start3A] : memref<2x10240x128xf32, #tpu.memory_space<hbm>> -> memref<1x640x128xf32, #tpu.memory_space<hbm>>
      %dma_start3A_57 = tpu.memref_squeeze %dma_start3A_56 : memref<1x640x128xf32, #tpu.memory_space<hbm>> -> memref<640x128xf32, #tpu.memory_space<hbm>>
      %dma_start3A_58 = arith.constant 0 : i32
      %dma_start3A_59 = tpu.memref_slice %arg10[%mul3A_53, %dma_start3A_58] : memref<10240x128xf32, #tpu.memory_space<vmem_shared>> -> memref<640x128xf32, #tpu.memory_space<vmem_shared>>
      tpu.enqueue_dma source(%dma_start3A_59 : memref<640x128xf32, #tpu.memory_space<vmem_shared>>) target(%dma_start3A_57 : memref<640x128xf32, #tpu.memory_space<hbm>>) target_semaphore(%run_scoped3A : memref<!tpu.dma_semaphore, #tpu.memory_space<semaphore_mem>>)
      %dma_wait3A = arith.constant 0 : i32
      %dma_wait3A_60 = tpu.memref_slice %arg4[%arg0, %mul3A_55, %dma_wait3A] : memref<2x10240x128xf32, #tpu.memory_space<hbm>> -> memref<1x640x128xf32, #tpu.memory_space<hbm>>
      %dma_wait3A_61 = tpu.memref_squeeze %dma_wait3A_60 : memref<1x640x128xf32, #tpu.memory_space<hbm>> -> memref<640x128xf32, #tpu.memory_space<hbm>>
      %dma_wait3A_62 = arith.constant 0 : i32
      %dma_wait3A_63 = tpu.memref_slice %arg10[%mul3A_53, %dma_wait3A_62] : memref<10240x128xf32, #tpu.memory_space<vmem_shared>> -> memref<640x128xf32, #tpu.memory_space<vmem_shared>>
      tpu.wait_dma2 semaphore(%run_scoped3A : memref<!tpu.dma_semaphore, #tpu.memory_space<semaphore_mem>>) src(%dma_wait3A_63 : memref<640x128xf32, #tpu.memory_space<vmem_shared>>) dst(%dma_wait3A_61 : memref<640x128xf32, #tpu.memory_space<hbm>>)
      tpu.yield
    }) : () -> ()
    return
  }
}

#map = affine_map<(d0, d1) -> (0, 0)>
#map1 = affine_map<(d0, d1) -> (0, 0, 0)>
module attributes {stable_mosaic.version = 14 : i64} {
  func.func @_deg_body(%arg0: i32, %arg1: i32, %arg2: memref<5120x64xi32, #tpu.memory_space<hbm>>, %arg3: memref<32x1x10240xf32, #tpu.memory_space<hbm>>, %arg4: memref<160x64xi32, #tpu.memory_space<vmem>>, %arg5: memref<10240xf32, #tpu.memory_space<vmem>>) attributes {dimension_semantics = [#tpu.dimension_semantics<core_parallel>, #tpu.dimension_semantics<subcore_parallel>], iteration_bounds = array<i64: 2, 16>, scalar_prefetch = 0 : i64, scratch_operands = 2 : i64, tpu.core_type = #tpu.core_type<sc_vector_subcore>, window_params = [{transform_indices = #map}, {transform_indices = #map1}]} {
    %mul3A = arith.constant 2 : i32
    %mul3A_0 = arith.muli %arg1, %mul3A : i32
    %add3A = arith.addi %mul3A_0, %arg0 : i32
    %mul3A_1 = arith.constant 160 : i32
    %mul3A_2 = arith.muli %add3A, %mul3A_1 : i32
    "tpu.region"() ({
      %run_scoped3A_17 = tpu.sem_alloc : memref<!tpu.dma_semaphore, #tpu.memory_space<semaphore_mem>>
      %dma_start3A = arith.constant 0 : i32
      %dma_start3A_18 = tpu.memref_slice %arg2[%mul3A_2, %dma_start3A] : memref<5120x64xi32, #tpu.memory_space<hbm>> -> memref<160x64xi32, #tpu.memory_space<hbm>>
      %dma_start3A_19 = arith.constant 0 : i32
      %dma_start3A_20 = tpu.memref_slice %arg2[%mul3A_2, %dma_start3A_19] : memref<5120x64xi32, #tpu.memory_space<hbm>> -> memref<160x64xi32, #tpu.memory_space<hbm>>
      tpu.enqueue_dma source(%dma_start3A_20 : memref<160x64xi32, #tpu.memory_space<hbm>>) target(%arg4 : memref<160x64xi32, #tpu.memory_space<vmem>>) target_semaphore(%run_scoped3A_17 : memref<!tpu.dma_semaphore, #tpu.memory_space<semaphore_mem>>)
      %dma_wait3A = arith.constant 0 : i32
      %dma_wait3A_21 = tpu.memref_slice %arg2[%mul3A_2, %dma_wait3A] : memref<5120x64xi32, #tpu.memory_space<hbm>> -> memref<160x64xi32, #tpu.memory_space<hbm>>
      %dma_wait3A_22 = arith.constant 0 : i32
      %dma_wait3A_23 = tpu.memref_slice %arg2[%mul3A_2, %dma_wait3A_22] : memref<5120x64xi32, #tpu.memory_space<hbm>> -> memref<160x64xi32, #tpu.memory_space<hbm>>
      tpu.wait_dma2 semaphore(%run_scoped3A_17 : memref<!tpu.dma_semaphore, #tpu.memory_space<semaphore_mem>>) src(%dma_wait3A_23 : memref<160x64xi32, #tpu.memory_space<hbm>>) dst(%arg4 : memref<160x64xi32, #tpu.memory_space<vmem>>)
      tpu.yield
    }) : () -> ()
    %broadcast_in_dim3A = arith.constant 0.000000e+00 : f32
    %broadcast_in_dim3A_3 = vector.broadcast %broadcast_in_dim3A : f32 to vector<16xf32>
    %scan3A = arith.constant 0 : i32
    %scan3A_4 = arith.constant 0 : i32
    %scan3A_5 = arith.constant 640 : i32
    %scan3A_6 = arith.addi %scan3A_4, %scan3A_5 : i32
    %scan3A_7 = arith.constant 1 : i32
    scf.for %scan3A_17 = %scan3A_4 to %scan3A_6 step %scan3A_7  : i32 {
      %mul3A_18 = arith.constant 16 : i32
      %mul3A_19 = arith.muli %scan3A_17, %mul3A_18 : i32
      %swap3A = arith.index_cast %mul3A_19 : i32 to index
      %swap3A_20 = tpu.vector_load %arg5[%swap3A] {strides = array<i32>} : memref<10240xf32, #tpu.memory_space<vmem>>, vector<16xf32>,
      tpu.vector_store %arg5[%swap3A], %broadcast_in_dim3A_3 {strides = array<i32>} : memref<10240xf32, #tpu.memory_space<vmem>>, vector<16xf32>,
    }
    %scan3A_8 = arith.constant 640 : i32
    %broadcast_in_dim3A_9 = arith.constant 1.000000e+00 : f32
    %broadcast_in_dim3A_10 = vector.broadcast %broadcast_in_dim3A_9 : f32 to vector<16xf32>
    %scan3A_11 = arith.constant 0 : i32
    %scan3A_12 = arith.constant 0 : i32
    %scan3A_13 = arith.constant 640 : i32
    %scan3A_14 = arith.addi %scan3A_12, %scan3A_13 : i32
    %scan3A_15 = arith.constant 1 : i32
    scf.for %scan3A_17 = %scan3A_12 to %scan3A_14 step %scan3A_15  : i32 {
      %jit3A = arith.constant 4 : i32
      %div3A = arith.divsi %scan3A_17, %jit3A : i32
      %sign3A = arith.constant 0 : i32
      %sign3A_18 = arith.cmpi sgt, %scan3A_17, %sign3A : i32
      %sign3A_19 = arith.extui %sign3A_18 : i1 to i32
      %sign3A_20 = arith.constant 0 : i32
      %sign3A_21 = arith.cmpi slt, %scan3A_17, %sign3A_20 : i32
      %sign3A_22 = arith.extui %sign3A_21 : i1 to i32
      %sign3A_23 = arith.subi %sign3A_19, %sign3A_22 : i32
      %sign3A_24 = arith.constant 0 : i32
      %sign3A_25 = arith.cmpi sgt, %jit3A, %sign3A_24 : i32
      %sign3A_26 = arith.extui %sign3A_25 : i1 to i32
      %sign3A_27 = arith.constant 0 : i32
      %sign3A_28 = arith.cmpi slt, %jit3A, %sign3A_27 : i32
      %sign3A_29 = arith.extui %sign3A_28 : i1 to i32
      %sign3A_30 = arith.subi %sign3A_26, %sign3A_29 : i32
      %ne3A = arith.cmpi ne, %sign3A_23, %sign3A_30 : i32
      %rem3A = arith.remsi %scan3A_17, %jit3A : i32
      %ne3A_31 = arith.constant 0 : i32
      %ne3A_32 = arith.cmpi ne, %rem3A, %ne3A_31 : i32
      %and3A = arith.andi %ne3A, %ne3A_32 : i1
      %sub3A = arith.constant 1 : i32
      %sub3A_33 = arith.subi %div3A, %sub3A : i32
      %select_n3A = arith.select %and3A, %sub3A_33, %div3A : i32
      %jit3A_34 = arith.constant 4 : i32
      %eq3A = arith.constant 0 : i32
      %eq3A_35 = arith.cmpi eq, %jit3A_34, %eq3A : i32
      %jit3A_36 = arith.constant 1 : i32
      %select_n3A_37 = arith.select %eq3A_35, %jit3A_36, %jit3A_34 : i32
      %rem3A_38 = arith.remsi %scan3A_17, %select_n3A_37 : i32
      %ne3A_39 = arith.constant 0 : i32
      %ne3A_40 = arith.cmpi ne, %rem3A_38, %ne3A_39 : i32
      %lt3A = arith.constant 0 : i32
      %lt3A_41 = arith.cmpi slt, %rem3A_38, %lt3A : i32
      %lt3A_42 = arith.constant 0 : i32
      %lt3A_43 = arith.cmpi slt, %select_n3A_37, %lt3A_42 : i32
      %ne3A_44 = arith.xori %lt3A_41, %lt3A_43 : i1
      %and3A_45 = arith.andi %ne3A_44, %ne3A_40 : i1
      %add3A_46 = arith.addi %rem3A_38, %select_n3A_37 : i32
      %select_n3A_47 = arith.select %and3A_45, %add3A_46, %rem3A_38 : i32
      %mul3A_48 = arith.constant 16 : i32
      %mul3A_49 = arith.muli %select_n3A_47, %mul3A_48 : i32
      %get3A = arith.index_cast %select_n3A : i32 to index
      %get3A_50 = arith.index_cast %mul3A_49 : i32 to index
      %get3A_51 = tpu.vector_load %arg4[%get3A, %get3A_50] {strides = array<i32>} : memref<160x64xi32, #tpu.memory_space<vmem>>, vector<16xi32>,
      tpu.vector_store_idx %arg5[%get3A_51], %broadcast_in_dim3A_10 {add = true} : memref<10240xf32, #tpu.memory_space<vmem>>[vector<16xi32>], vector<16xf32>,
    }
    %scan3A_16 = arith.constant 640 : i32
    %run_scoped3A = arith.constant 0 : i32
    "tpu.region"() ({
      %run_scoped3A_17 = tpu.sem_alloc : memref<!tpu.dma_semaphore, #tpu.memory_space<semaphore_mem>>
      %dma_start3A = arith.constant 0 : i32
      %dma_start3A_18 = tpu.memref_slice %arg3[%add3A, %run_scoped3A, %dma_start3A] : memref<32x1x10240xf32, #tpu.memory_space<hbm>> -> memref<1x1x10240xf32, #tpu.memory_space<hbm>>
      %dma_start3A_19 = tpu.memref_squeeze %dma_start3A_18 : memref<1x1x10240xf32, #tpu.memory_space<hbm>> -> memref<10240xf32, #tpu.memory_space<hbm>>
      %dma_start3A_20 = arith.constant 0 : i32
      %dma_start3A_21 = tpu.memref_slice %arg3[%add3A, %run_scoped3A, %dma_start3A_20] : memref<32x1x10240xf32, #tpu.memory_space<hbm>> -> memref<1x1x10240xf32, #tpu.memory_space<hbm>>
      %dma_start3A_22 = tpu.memref_squeeze %dma_start3A_21 : memref<1x1x10240xf32, #tpu.memory_space<hbm>> -> memref<10240xf32, #tpu.memory_space<hbm>>
      tpu.enqueue_dma source(%arg5 : memref<10240xf32, #tpu.memory_space<vmem>>) target(%dma_start3A_22 : memref<10240xf32, #tpu.memory_space<hbm>>) target_semaphore(%run_scoped3A_17 : memref<!tpu.dma_semaphore, #tpu.memory_space<semaphore_mem>>)
      %dma_wait3A = arith.constant 0 : i32
      %dma_wait3A_23 = tpu.memref_slice %arg3[%add3A, %run_scoped3A, %dma_wait3A] : memref<32x1x10240xf32, #tpu.memory_space<hbm>> -> memref<1x1x10240xf32, #tpu.memory_space<hbm>>
      %dma_wait3A_24 = tpu.memref_squeeze %dma_wait3A_23 : memref<1x1x10240xf32, #tpu.memory_space<hbm>> -> memref<10240xf32, #tpu.memory_space<hbm>>
      %dma_wait3A_25 = arith.constant 0 : i32
      %dma_wait3A_26 = tpu.memref_slice %arg3[%add3A, %run_scoped3A, %dma_wait3A_25] : memref<32x1x10240xf32, #tpu.memory_space<hbm>> -> memref<1x1x10240xf32, #tpu.memory_space<hbm>>
      %dma_wait3A_27 = tpu.memref_squeeze %dma_wait3A_26 : memref<1x1x10240xf32, #tpu.memory_space<hbm>> -> memref<10240xf32, #tpu.memory_space<hbm>>
      tpu.wait_dma2 semaphore(%run_scoped3A_17 : memref<!tpu.dma_semaphore, #tpu.memory_space<semaphore_mem>>) src(%arg5 : memref<10240xf32, #tpu.memory_space<vmem>>) dst(%dma_wait3A_27 : memref<10240xf32, #tpu.memory_space<hbm>>)
      tpu.yield
    }) : () -> ()
    return
  }
}

#map = affine_map<(d0, d1) -> (0, 0)>
#map1 = affine_map<(d0, d1) -> (0, 0, 0)>
module attributes {stable_mosaic.version = 14 : i64} {
  func.func @_segsum_body(%arg0: i32, %arg1: i32, %arg2: memref<10240x128xf32, #tpu.memory_space<hbm>>, %arg3: memref<5120x2x64xi32, #tpu.memory_space<hbm>>, %arg4: memref<2x10240x128xf32, #tpu.memory_space<hbm>>, %arg5: memref<2x4x2x64xi32, #tpu.memory_space<vmem>>, %arg6: memref<64x128xf32, #tpu.memory_space<vmem>>, %arg7: memref<64x128xf32, #tpu.memory_space<vmem>>, %arg8: memref<64x128xf32, #tpu.memory_space<vmem>>, %arg9: memref<64x128xf32, #tpu.memory_space<vmem>>, %arg10: memref<10240x128xf32, #tpu.memory_space<vmem_shared>>, %arg11: memref<!tpu.dma_semaphore, #tpu.memory_space<semaphore_mem>>, %arg12: memref<!tpu.dma_semaphore, #tpu.memory_space<semaphore_mem>>, %arg13: memref<!tpu.dma_semaphore, #tpu.memory_space<semaphore_mem>>, %arg14: memref<!tpu.dma_semaphore, #tpu.memory_space<semaphore_mem>>, %arg15: memref<!tpu.dma_semaphore, #tpu.memory_space<semaphore_mem>>, %arg16: memref<!tpu.dma_semaphore, #tpu.memory_space<semaphore_mem>>, %arg17: memref<!tpu.dma_semaphore, #tpu.memory_space<semaphore_mem>>, %arg18: memref<!tpu.dma_semaphore, #tpu.memory_space<semaphore_mem>>, %arg19: memref<!tpu.dma_semaphore, #tpu.memory_space<semaphore_mem>>) attributes {dimension_semantics = [#tpu.dimension_semantics<core_parallel>, #tpu.dimension_semantics<subcore_parallel>], iteration_bounds = array<i64: 2, 16>, scalar_prefetch = 0 : i64, scratch_operands = 15 : i64, tpu.core_type = #tpu.core_type<sc_vector_subcore>, window_params = [{transform_indices = #map}, {transform_indices = #map1}, {transform_indices = #map1}]} {
    %broadcast_in_dim3A = arith.constant 0.000000e+00 : f32
    %broadcast_in_dim3A_0 = vector.broadcast %broadcast_in_dim3A : f32 to vector<16xf32>
    %scan3A = arith.constant 0 : i32
    %scan3A_1 = arith.constant 0 : i32
    %scan3A_2 = arith.constant 512 : i32
    %scan3A_3 = arith.addi %scan3A_1, %scan3A_2 : i32
    %scan3A_4 = arith.constant 1 : i32
    scf.for %scan3A_56 = %scan3A_1 to %scan3A_3 step %scan3A_4  : i32 {
      %jit3A = arith.constant 8 : i32
      %div3A = arith.divsi %scan3A_56, %jit3A : i32
      %sign3A = arith.constant 0 : i32
      %sign3A_57 = arith.cmpi sgt, %scan3A_56, %sign3A : i32
      %sign3A_58 = arith.extui %sign3A_57 : i1 to i32
      %sign3A_59 = arith.constant 0 : i32
      %sign3A_60 = arith.cmpi slt, %scan3A_56, %sign3A_59 : i32
      %sign3A_61 = arith.extui %sign3A_60 : i1 to i32
      %sign3A_62 = arith.subi %sign3A_58, %sign3A_61 : i32
      %sign3A_63 = arith.constant 0 : i32
      %sign3A_64 = arith.cmpi sgt, %jit3A, %sign3A_63 : i32
      %sign3A_65 = arith.extui %sign3A_64 : i1 to i32
      %sign3A_66 = arith.constant 0 : i32
      %sign3A_67 = arith.cmpi slt, %jit3A, %sign3A_66 : i32
      %sign3A_68 = arith.extui %sign3A_67 : i1 to i32
      %sign3A_69 = arith.subi %sign3A_65, %sign3A_68 : i32
      %ne3A = arith.cmpi ne, %sign3A_62, %sign3A_69 : i32
      %rem3A = arith.remsi %scan3A_56, %jit3A : i32
      %ne3A_70 = arith.constant 0 : i32
      %ne3A_71 = arith.cmpi ne, %rem3A, %ne3A_70 : i32
      %and3A = arith.andi %ne3A, %ne3A_71 : i1
      %sub3A = arith.constant 1 : i32
      %sub3A_72 = arith.subi %div3A, %sub3A : i32
      %select_n3A = arith.select %and3A, %sub3A_72, %div3A : i32
      %jit3A_73 = arith.constant 8 : i32
      %eq3A_74 = arith.constant 0 : i32
      %eq3A_75 = arith.cmpi eq, %jit3A_73, %eq3A_74 : i32
      %jit3A_76 = arith.constant 1 : i32
      %select_n3A_77 = arith.select %eq3A_75, %jit3A_76, %jit3A_73 : i32
      %rem3A_78 = arith.remsi %scan3A_56, %select_n3A_77 : i32
      %ne3A_79 = arith.constant 0 : i32
      %ne3A_80 = arith.cmpi ne, %rem3A_78, %ne3A_79 : i32
      %lt3A = arith.constant 0 : i32
      %lt3A_81 = arith.cmpi slt, %rem3A_78, %lt3A : i32
      %lt3A_82 = arith.constant 0 : i32
      %lt3A_83 = arith.cmpi slt, %select_n3A_77, %lt3A_82 : i32
      %ne3A_84 = arith.xori %lt3A_81, %lt3A_83 : i1
      %and3A_85 = arith.andi %ne3A_84, %ne3A_80 : i1
      %add3A_86 = arith.addi %rem3A_78, %select_n3A_77 : i32
      %select_n3A_87 = arith.select %and3A_85, %add3A_86, %rem3A_78 : i32
      %mul3A_88 = arith.constant 16 : i32
      %mul3A_89 = arith.muli %select_n3A_87, %mul3A_88 : i32
      %swap3A = arith.index_cast %select_n3A : i32 to index
      %swap3A_90 = arith.index_cast %mul3A_89 : i32 to index
      %swap3A_91 = tpu.vector_load %arg6[%swap3A, %swap3A_90] {strides = array<i32>} : memref<64x128xf32, #tpu.memory_space<vmem>>, vector<16xf32>,
      tpu.vector_store %arg6[%swap3A, %swap3A_90], %broadcast_in_dim3A_0 {strides = array<i32>} : memref<64x128xf32, #tpu.memory_space<vmem>>, vector<16xf32>,
    }
    %scan3A_5 = arith.constant 512 : i32
    %mul3A = arith.constant 640 : i32
    %mul3A_6 = arith.muli %arg1, %mul3A : i32
    %add3A = arith.constant 0 : i32
    %add3A_7 = arith.addi %mul3A_6, %add3A : i32
    "tpu.region"() ({
      %run_scoped3A = tpu.sem_alloc : memref<!tpu.dma_semaphore, #tpu.memory_space<semaphore_mem>>
      %dma_start3A = arith.constant 0 : i32
      %dma_start3A_56 = tpu.memref_slice %arg10[%add3A_7, %dma_start3A] : memref<10240x128xf32, #tpu.memory_space<vmem_shared>> -> memref<64x128xf32, #tpu.memory_space<vmem_shared>>
      %dma_start3A_57 = arith.constant 0 : i32
      %dma_start3A_58 = tpu.memref_slice %arg10[%add3A_7, %dma_start3A_57] : memref<10240x128xf32, #tpu.memory_space<vmem_shared>> -> memref<64x128xf32, #tpu.memory_space<vmem_shared>>
      tpu.enqueue_dma source(%arg6 : memref<64x128xf32, #tpu.memory_space<vmem>>) target(%dma_start3A_58 : memref<64x128xf32, #tpu.memory_space<vmem_shared>>) target_semaphore(%run_scoped3A : memref<!tpu.dma_semaphore, #tpu.memory_space<semaphore_mem>>)
      %dma_wait3A = arith.constant 0 : i32
      %dma_wait3A_59 = tpu.memref_slice %arg10[%add3A_7, %dma_wait3A] : memref<10240x128xf32, #tpu.memory_space<vmem_shared>> -> memref<64x128xf32, #tpu.memory_space<vmem_shared>>
      %dma_wait3A_60 = arith.constant 0 : i32
      %dma_wait3A_61 = tpu.memref_slice %arg10[%add3A_7, %dma_wait3A_60] : memref<10240x128xf32, #tpu.memory_space<vmem_shared>> -> memref<64x128xf32, #tpu.memory_space<vmem_shared>>
      tpu.wait_dma2 semaphore(%run_scoped3A : memref<!tpu.dma_semaphore, #tpu.memory_space<semaphore_mem>>) src(%arg6 : memref<64x128xf32, #tpu.memory_space<vmem>>) dst(%dma_wait3A_61 : memref<64x128xf32, #tpu.memory_space<vmem_shared>>)
      tpu.yield
    }) : () -> ()
    %mul3A_8 = arith.constant 640 : i32
    %mul3A_9 = arith.muli %arg1, %mul3A_8 : i32
    %add3A_10 = arith.constant 64 : i32
    %add3A_11 = arith.addi %mul3A_9, %add3A_10 : i32
    "tpu.region"() ({
      %run_scoped3A = tpu.sem_alloc : memref<!tpu.dma_semaphore, #tpu.memory_space<semaphore_mem>>
      %dma_start3A = arith.constant 0 : i32
      %dma_start3A_56 = tpu.memref_slice %arg10[%add3A_11, %dma_start3A] : memref<10240x128xf32, #tpu.memory_space<vmem_shared>> -> memref<64x128xf32, #tpu.memory_space<vmem_shared>>
      %dma_start3A_57 = arith.constant 0 : i32
      %dma_start3A_58 = tpu.memref_slice %arg10[%add3A_11, %dma_start3A_57] : memref<10240x128xf32, #tpu.memory_space<vmem_shared>> -> memref<64x128xf32, #tpu.memory_space<vmem_shared>>
      tpu.enqueue_dma source(%arg6 : memref<64x128xf32, #tpu.memory_space<vmem>>) target(%dma_start3A_58 : memref<64x128xf32, #tpu.memory_space<vmem_shared>>) target_semaphore(%run_scoped3A : memref<!tpu.dma_semaphore, #tpu.memory_space<semaphore_mem>>)
      %dma_wait3A = arith.constant 0 : i32
      %dma_wait3A_59 = tpu.memref_slice %arg10[%add3A_11, %dma_wait3A] : memref<10240x128xf32, #tpu.memory_space<vmem_shared>> -> memref<64x128xf32, #tpu.memory_space<vmem_shared>>
      %dma_wait3A_60 = arith.constant 0 : i32
      %dma_wait3A_61 = tpu.memref_slice %arg10[%add3A_11, %dma_wait3A_60] : memref<10240x128xf32, #tpu.memory_space<vmem_shared>> -> memref<64x128xf32, #tpu.memory_space<vmem_shared>>
      tpu.wait_dma2 semaphore(%run_scoped3A : memref<!tpu.dma_semaphore, #tpu.memory_space<semaphore_mem>>) src(%arg6 : memref<64x128xf32, #tpu.memory_space<vmem>>) dst(%dma_wait3A_61 : memref<64x128xf32, #tpu.memory_space<vmem_shared>>)
      tpu.yield
    }) : () -> ()
    %mul3A_12 = arith.constant 640 : i32
    %mul3A_13 = arith.muli %arg1, %mul3A_12 : i32
    %add3A_14 = arith.constant 128 : i32
    %add3A_15 = arith.addi %mul3A_13, %add3A_14 : i32
    "tpu.region"() ({
      %run_scoped3A = tpu.sem_alloc : memref<!tpu.dma_semaphore, #tpu.memory_space<semaphore_mem>>
      %dma_start3A = arith.constant 0 : i32
      %dma_start3A_56 = tpu.memref_slice %arg10[%add3A_15, %dma_start3A] : memref<10240x128xf32, #tpu.memory_space<vmem_shared>> -> memref<64x128xf32, #tpu.memory_space<vmem_shared>>
      %dma_start3A_57 = arith.constant 0 : i32
      %dma_start3A_58 = tpu.memref_slice %arg10[%add3A_15, %dma_start3A_57] : memref<10240x128xf32, #tpu.memory_space<vmem_shared>> -> memref<64x128xf32, #tpu.memory_space<vmem_shared>>
      tpu.enqueue_dma source(%arg6 : memref<64x128xf32, #tpu.memory_space<vmem>>) target(%dma_start3A_58 : memref<64x128xf32, #tpu.memory_space<vmem_shared>>) target_semaphore(%run_scoped3A : memref<!tpu.dma_semaphore, #tpu.memory_space<semaphore_mem>>)
      %dma_wait3A = arith.constant 0 : i32
      %dma_wait3A_59 = tpu.memref_slice %arg10[%add3A_15, %dma_wait3A] : memref<10240x128xf32, #tpu.memory_space<vmem_shared>> -> memref<64x128xf32, #tpu.memory_space<vmem_shared>>
      %dma_wait3A_60 = arith.constant 0 : i32
      %dma_wait3A_61 = tpu.memref_slice %arg10[%add3A_15, %dma_wait3A_60] : memref<10240x128xf32, #tpu.memory_space<vmem_shared>> -> memref<64x128xf32, #tpu.memory_space<vmem_shared>>
      tpu.wait_dma2 semaphore(%run_scoped3A : memref<!tpu.dma_semaphore, #tpu.memory_space<semaphore_mem>>) src(%arg6 : memref<64x128xf32, #tpu.memory_space<vmem>>) dst(%dma_wait3A_61 : memref<64x128xf32, #tpu.memory_space<vmem_shared>>)
      tpu.yield
    }) : () -> ()
    %mul3A_16 = arith.constant 640 : i32
    %mul3A_17 = arith.muli %arg1, %mul3A_16 : i32
    %add3A_18 = arith.constant 192 : i32
    %add3A_19 = arith.addi %mul3A_17, %add3A_18 : i32
    "tpu.region"() ({
      %run_scoped3A = tpu.sem_alloc : memref<!tpu.dma_semaphore, #tpu.memory_space<semaphore_mem>>
      %dma_start3A = arith.constant 0 : i32
      %dma_start3A_56 = tpu.memref_slice %arg10[%add3A_19, %dma_start3A] : memref<10240x128xf32, #tpu.memory_space<vmem_shared>> -> memref<64x128xf32, #tpu.memory_space<vmem_shared>>
      %dma_start3A_57 = arith.constant 0 : i32
      %dma_start3A_58 = tpu.memref_slice %arg10[%add3A_19, %dma_start3A_57] : memref<10240x128xf32, #tpu.memory_space<vmem_shared>> -> memref<64x128xf32, #tpu.memory_space<vmem_shared>>
      tpu.enqueue_dma source(%arg6 : memref<64x128xf32, #tpu.memory_space<vmem>>) target(%dma_start3A_58 : memref<64x128xf32, #tpu.memory_space<vmem_shared>>) target_semaphore(%run_scoped3A : memref<!tpu.dma_semaphore, #tpu.memory_space<semaphore_mem>>)
      %dma_wait3A = arith.constant 0 : i32
      %dma_wait3A_59 = tpu.memref_slice %arg10[%add3A_19, %dma_wait3A] : memref<10240x128xf32, #tpu.memory_space<vmem_shared>> -> memref<64x128xf32, #tpu.memory_space<vmem_shared>>
      %dma_wait3A_60 = arith.constant 0 : i32
      %dma_wait3A_61 = tpu.memref_slice %arg10[%add3A_19, %dma_wait3A_60] : memref<10240x128xf32, #tpu.memory_space<vmem_shared>> -> memref<64x128xf32, #tpu.memory_space<vmem_shared>>
      tpu.wait_dma2 semaphore(%run_scoped3A : memref<!tpu.dma_semaphore, #tpu.memory_space<semaphore_mem>>) src(%arg6 : memref<64x128xf32, #tpu.memory_space<vmem>>) dst(%dma_wait3A_61 : memref<64x128xf32, #tpu.memory_space<vmem_shared>>)
      tpu.yield
    }) : () -> ()
    %mul3A_20 = arith.constant 640 : i32
    %mul3A_21 = arith.muli %arg1, %mul3A_20 : i32
    %add3A_22 = arith.constant 256 : i32
    %add3A_23 = arith.addi %mul3A_21, %add3A_22 : i32
    "tpu.region"() ({
      %run_scoped3A = tpu.sem_alloc : memref<!tpu.dma_semaphore, #tpu.memory_space<semaphore_mem>>
      %dma_start3A = arith.constant 0 : i32
      %dma_start3A_56 = tpu.memref_slice %arg10[%add3A_23, %dma_start3A] : memref<10240x128xf32, #tpu.memory_space<vmem_shared>> -> memref<64x128xf32, #tpu.memory_space<vmem_shared>>
      %dma_start3A_57 = arith.constant 0 : i32
      %dma_start3A_58 = tpu.memref_slice %arg10[%add3A_23, %dma_start3A_57] : memref<10240x128xf32, #tpu.memory_space<vmem_shared>> -> memref<64x128xf32, #tpu.memory_space<vmem_shared>>
      tpu.enqueue_dma source(%arg6 : memref<64x128xf32, #tpu.memory_space<vmem>>) target(%dma_start3A_58 : memref<64x128xf32, #tpu.memory_space<vmem_shared>>) target_semaphore(%run_scoped3A : memref<!tpu.dma_semaphore, #tpu.memory_space<semaphore_mem>>)
      %dma_wait3A = arith.constant 0 : i32
      %dma_wait3A_59 = tpu.memref_slice %arg10[%add3A_23, %dma_wait3A] : memref<10240x128xf32, #tpu.memory_space<vmem_shared>> -> memref<64x128xf32, #tpu.memory_space<vmem_shared>>
      %dma_wait3A_60 = arith.constant 0 : i32
      %dma_wait3A_61 = tpu.memref_slice %arg10[%add3A_23, %dma_wait3A_60] : memref<10240x128xf32, #tpu.memory_space<vmem_shared>> -> memref<64x128xf32, #tpu.memory_space<vmem_shared>>
      tpu.wait_dma2 semaphore(%run_scoped3A : memref<!tpu.dma_semaphore, #tpu.memory_space<semaphore_mem>>) src(%arg6 : memref<64x128xf32, #tpu.memory_space<vmem>>) dst(%dma_wait3A_61 : memref<64x128xf32, #tpu.memory_space<vmem_shared>>)
      tpu.yield
    }) : () -> ()
    %mul3A_24 = arith.constant 640 : i32
    %mul3A_25 = arith.muli %arg1, %mul3A_24 : i32
    %add3A_26 = arith.constant 320 : i32
    %add3A_27 = arith.addi %mul3A_25, %add3A_26 : i32
    "tpu.region"() ({
      %run_scoped3A = tpu.sem_alloc : memref<!tpu.dma_semaphore, #tpu.memory_space<semaphore_mem>>
      %dma_start3A = arith.constant 0 : i32
      %dma_start3A_56 = tpu.memref_slice %arg10[%add3A_27, %dma_start3A] : memref<10240x128xf32, #tpu.memory_space<vmem_shared>> -> memref<64x128xf32, #tpu.memory_space<vmem_shared>>
      %dma_start3A_57 = arith.constant 0 : i32
      %dma_start3A_58 = tpu.memref_slice %arg10[%add3A_27, %dma_start3A_57] : memref<10240x128xf32, #tpu.memory_space<vmem_shared>> -> memref<64x128xf32, #tpu.memory_space<vmem_shared>>
      tpu.enqueue_dma source(%arg6 : memref<64x128xf32, #tpu.memory_space<vmem>>) target(%dma_start3A_58 : memref<64x128xf32, #tpu.memory_space<vmem_shared>>) target_semaphore(%run_scoped3A : memref<!tpu.dma_semaphore, #tpu.memory_space<semaphore_mem>>)
      %dma_wait3A = arith.constant 0 : i32
      %dma_wait3A_59 = tpu.memref_slice %arg10[%add3A_27, %dma_wait3A] : memref<10240x128xf32, #tpu.memory_space<vmem_shared>> -> memref<64x128xf32, #tpu.memory_space<vmem_shared>>
      %dma_wait3A_60 = arith.constant 0 : i32
      %dma_wait3A_61 = tpu.memref_slice %arg10[%add3A_27, %dma_wait3A_60] : memref<10240x128xf32, #tpu.memory_space<vmem_shared>> -> memref<64x128xf32, #tpu.memory_space<vmem_shared>>
      tpu.wait_dma2 semaphore(%run_scoped3A : memref<!tpu.dma_semaphore, #tpu.memory_space<semaphore_mem>>) src(%arg6 : memref<64x128xf32, #tpu.memory_space<vmem>>) dst(%dma_wait3A_61 : memref<64x128xf32, #tpu.memory_space<vmem_shared>>)
      tpu.yield
    }) : () -> ()
    %mul3A_28 = arith.constant 640 : i32
    %mul3A_29 = arith.muli %arg1, %mul3A_28 : i32
    %add3A_30 = arith.constant 384 : i32
    %add3A_31 = arith.addi %mul3A_29, %add3A_30 : i32
    "tpu.region"() ({
      %run_scoped3A = tpu.sem_alloc : memref<!tpu.dma_semaphore, #tpu.memory_space<semaphore_mem>>
      %dma_start3A = arith.constant 0 : i32
      %dma_start3A_56 = tpu.memref_slice %arg10[%add3A_31, %dma_start3A] : memref<10240x128xf32, #tpu.memory_space<vmem_shared>> -> memref<64x128xf32, #tpu.memory_space<vmem_shared>>
      %dma_start3A_57 = arith.constant 0 : i32
      %dma_start3A_58 = tpu.memref_slice %arg10[%add3A_31, %dma_start3A_57] : memref<10240x128xf32, #tpu.memory_space<vmem_shared>> -> memref<64x128xf32, #tpu.memory_space<vmem_shared>>
      tpu.enqueue_dma source(%arg6 : memref<64x128xf32, #tpu.memory_space<vmem>>) target(%dma_start3A_58 : memref<64x128xf32, #tpu.memory_space<vmem_shared>>) target_semaphore(%run_scoped3A : memref<!tpu.dma_semaphore, #tpu.memory_space<semaphore_mem>>)
      %dma_wait3A = arith.constant 0 : i32
      %dma_wait3A_59 = tpu.memref_slice %arg10[%add3A_31, %dma_wait3A] : memref<10240x128xf32, #tpu.memory_space<vmem_shared>> -> memref<64x128xf32, #tpu.memory_space<vmem_shared>>
      %dma_wait3A_60 = arith.constant 0 : i32
      %dma_wait3A_61 = tpu.memref_slice %arg10[%add3A_31, %dma_wait3A_60] : memref<10240x128xf32, #tpu.memory_space<vmem_shared>> -> memref<64x128xf32, #tpu.memory_space<vmem_shared>>
      tpu.wait_dma2 semaphore(%run_scoped3A : memref<!tpu.dma_semaphore, #tpu.memory_space<semaphore_mem>>) src(%arg6 : memref<64x128xf32, #tpu.memory_space<vmem>>) dst(%dma_wait3A_61 : memref<64x128xf32, #tpu.memory_space<vmem_shared>>)
      tpu.yield
    }) : () -> ()
    %mul3A_32 = arith.constant 640 : i32
    %mul3A_33 = arith.muli %arg1, %mul3A_32 : i32
    %add3A_34 = arith.constant 448 : i32
    %add3A_35 = arith.addi %mul3A_33, %add3A_34 : i32
    "tpu.region"() ({
      %run_scoped3A = tpu.sem_alloc : memref<!tpu.dma_semaphore, #tpu.memory_space<semaphore_mem>>
      %dma_start3A = arith.constant 0 : i32
      %dma_start3A_56 = tpu.memref_slice %arg10[%add3A_35, %dma_start3A] : memref<10240x128xf32, #tpu.memory_space<vmem_shared>> -> memref<64x128xf32, #tpu.memory_space<vmem_shared>>
      %dma_start3A_57 = arith.constant 0 : i32
      %dma_start3A_58 = tpu.memref_slice %arg10[%add3A_35, %dma_start3A_57] : memref<10240x128xf32, #tpu.memory_space<vmem_shared>> -> memref<64x128xf32, #tpu.memory_space<vmem_shared>>
      tpu.enqueue_dma source(%arg6 : memref<64x128xf32, #tpu.memory_space<vmem>>) target(%dma_start3A_58 : memref<64x128xf32, #tpu.memory_space<vmem_shared>>) target_semaphore(%run_scoped3A : memref<!tpu.dma_semaphore, #tpu.memory_space<semaphore_mem>>)
      %dma_wait3A = arith.constant 0 : i32
      %dma_wait3A_59 = tpu.memref_slice %arg10[%add3A_35, %dma_wait3A] : memref<10240x128xf32, #tpu.memory_space<vmem_shared>> -> memref<64x128xf32, #tpu.memory_space<vmem_shared>>
      %dma_wait3A_60 = arith.constant 0 : i32
      %dma_wait3A_61 = tpu.memref_slice %arg10[%add3A_35, %dma_wait3A_60] : memref<10240x128xf32, #tpu.memory_space<vmem_shared>> -> memref<64x128xf32, #tpu.memory_space<vmem_shared>>
      tpu.wait_dma2 semaphore(%run_scoped3A : memref<!tpu.dma_semaphore, #tpu.memory_space<semaphore_mem>>) src(%arg6 : memref<64x128xf32, #tpu.memory_space<vmem>>) dst(%dma_wait3A_61 : memref<64x128xf32, #tpu.memory_space<vmem_shared>>)
      tpu.yield
    }) : () -> ()
    %mul3A_36 = arith.constant 640 : i32
    %mul3A_37 = arith.muli %arg1, %mul3A_36 : i32
    %add3A_38 = arith.constant 512 : i32
    %add3A_39 = arith.addi %mul3A_37, %add3A_38 : i32
    "tpu.region"() ({
      %run_scoped3A = tpu.sem_alloc : memref<!tpu.dma_semaphore, #tpu.memory_space<semaphore_mem>>
      %dma_start3A = arith.constant 0 : i32
      %dma_start3A_56 = tpu.memref_slice %arg10[%add3A_39, %dma_start3A] : memref<10240x128xf32, #tpu.memory_space<vmem_shared>> -> memref<64x128xf32, #tpu.memory_space<vmem_shared>>
      %dma_start3A_57 = arith.constant 0 : i32
      %dma_start3A_58 = tpu.memref_slice %arg10[%add3A_39, %dma_start3A_57] : memref<10240x128xf32, #tpu.memory_space<vmem_shared>> -> memref<64x128xf32, #tpu.memory_space<vmem_shared>>
      tpu.enqueue_dma source(%arg6 : memref<64x128xf32, #tpu.memory_space<vmem>>) target(%dma_start3A_58 : memref<64x128xf32, #tpu.memory_space<vmem_shared>>) target_semaphore(%run_scoped3A : memref<!tpu.dma_semaphore, #tpu.memory_space<semaphore_mem>>)
      %dma_wait3A = arith.constant 0 : i32
      %dma_wait3A_59 = tpu.memref_slice %arg10[%add3A_39, %dma_wait3A] : memref<10240x128xf32, #tpu.memory_space<vmem_shared>> -> memref<64x128xf32, #tpu.memory_space<vmem_shared>>
      %dma_wait3A_60 = arith.constant 0 : i32
      %dma_wait3A_61 = tpu.memref_slice %arg10[%add3A_39, %dma_wait3A_60] : memref<10240x128xf32, #tpu.memory_space<vmem_shared>> -> memref<64x128xf32, #tpu.memory_space<vmem_shared>>
      tpu.wait_dma2 semaphore(%run_scoped3A : memref<!tpu.dma_semaphore, #tpu.memory_space<semaphore_mem>>) src(%arg6 : memref<64x128xf32, #tpu.memory_space<vmem>>) dst(%dma_wait3A_61 : memref<64x128xf32, #tpu.memory_space<vmem_shared>>)
      tpu.yield
    }) : () -> ()
    %mul3A_40 = arith.constant 640 : i32
    %mul3A_41 = arith.muli %arg1, %mul3A_40 : i32
    %add3A_42 = arith.constant 576 : i32
    %add3A_43 = arith.addi %mul3A_41, %add3A_42 : i32
    "tpu.region"() ({
      %run_scoped3A = tpu.sem_alloc : memref<!tpu.dma_semaphore, #tpu.memory_space<semaphore_mem>>
      %dma_start3A = arith.constant 0 : i32
      %dma_start3A_56 = tpu.memref_slice %arg10[%add3A_43, %dma_start3A] : memref<10240x128xf32, #tpu.memory_space<vmem_shared>> -> memref<64x128xf32, #tpu.memory_space<vmem_shared>>
      %dma_start3A_57 = arith.constant 0 : i32
      %dma_start3A_58 = tpu.memref_slice %arg10[%add3A_43, %dma_start3A_57] : memref<10240x128xf32, #tpu.memory_space<vmem_shared>> -> memref<64x128xf32, #tpu.memory_space<vmem_shared>>
      tpu.enqueue_dma source(%arg6 : memref<64x128xf32, #tpu.memory_space<vmem>>) target(%dma_start3A_58 : memref<64x128xf32, #tpu.memory_space<vmem_shared>>) target_semaphore(%run_scoped3A : memref<!tpu.dma_semaphore, #tpu.memory_space<semaphore_mem>>)
      %dma_wait3A = arith.constant 0 : i32
      %dma_wait3A_59 = tpu.memref_slice %arg10[%add3A_43, %dma_wait3A] : memref<10240x128xf32, #tpu.memory_space<vmem_shared>> -> memref<64x128xf32, #tpu.memory_space<vmem_shared>>
      %dma_wait3A_60 = arith.constant 0 : i32
      %dma_wait3A_61 = tpu.memref_slice %arg10[%add3A_43, %dma_wait3A_60] : memref<10240x128xf32, #tpu.memory_space<vmem_shared>> -> memref<64x128xf32, #tpu.memory_space<vmem_shared>>
      tpu.wait_dma2 semaphore(%run_scoped3A : memref<!tpu.dma_semaphore, #tpu.memory_space<semaphore_mem>>) src(%arg6 : memref<64x128xf32, #tpu.memory_space<vmem>>) dst(%dma_wait3A_61 : memref<64x128xf32, #tpu.memory_space<vmem_shared>>)
      tpu.yield
    }) : () -> ()
    %barrier3A = arith.constant 0 : index
    tpu.barrier barrier_id(%barrier3A)
    %eq3A = arith.constant 0 : i32
    %eq3A_44 = arith.cmpi eq, %arg0, %eq3A : i32
    %convert_element_type3A = arith.extui %eq3A_44 : i1 to i32
    %cond3A = arith.constant 0 : i32
    %cond3A_45 = arith.cmpi ne, %convert_element_type3A, %cond3A : i32
    scf.if %cond3A_45 {
      %mul3A_56 = arith.constant 296 : i32
      %mul3A_57 = arith.muli %arg1, %mul3A_56 : i32
      %run_scoped3A = arith.constant 0 : i32
      "tpu.region"() ({
        %run_scoped3A_153 = tpu.sem_alloc : memref<!tpu.dma_semaphore, #tpu.memory_space<semaphore_mem>>
        %dma_start3A_154 = arith.constant 0 : i32
        %dma_start3A_155 = arith.constant 0 : i32
        %dma_start3A_156 = arith.constant 0 : i32
        %dma_start3A_157 = tpu.memref_slice %arg5[%run_scoped3A, %dma_start3A_154, %dma_start3A_155, %dma_start3A_156] : memref<2x4x2x64xi32, #tpu.memory_space<vmem>> -> memref<1x4x2x64xi32, #tpu.memory_space<vmem>>
        %dma_start3A_158 = tpu.memref_squeeze %dma_start3A_157 : memref<1x4x2x64xi32, #tpu.memory_space<vmem>> -> memref<4x2x64xi32, #tpu.memory_space<vmem>>
        %dma_start3A_159 = arith.constant 0 : i32
        %dma_start3A_160 = arith.constant 0 : i32
        %dma_start3A_161 = tpu.memref_slice %arg3[%mul3A_57, %dma_start3A_159, %dma_start3A_160] : memref<5120x2x64xi32, #tpu.memory_space<hbm>> -> memref<4x2x64xi32, #tpu.memory_space<hbm>>
        %dma_start3A_162 = arith.constant 0 : i32
        %dma_start3A_163 = arith.constant 0 : i32
        %dma_start3A_164 = arith.constant 0 : i32
        %dma_start3A_165 = tpu.memref_slice %arg5[%run_scoped3A, %dma_start3A_162, %dma_start3A_163, %dma_start3A_164] : memref<2x4x2x64xi32, #tpu.memory_space<vmem>> -> memref<1x4x2x64xi32, #tpu.memory_space<vmem>>
        %dma_start3A_166 = tpu.memref_squeeze %dma_start3A_165 : memref<1x4x2x64xi32, #tpu.memory_space<vmem>> -> memref<4x2x64xi32, #tpu.memory_space<vmem>>
        %dma_start3A_167 = arith.constant 0 : i32
        %dma_start3A_168 = arith.constant 0 : i32
        %dma_start3A_169 = tpu.memref_slice %arg3[%mul3A_57, %dma_start3A_167, %dma_start3A_168] : memref<5120x2x64xi32, #tpu.memory_space<hbm>> -> memref<4x2x64xi32, #tpu.memory_space<hbm>>
        tpu.enqueue_dma source(%dma_start3A_169 : memref<4x2x64xi32, #tpu.memory_space<hbm>>) target(%dma_start3A_166 : memref<4x2x64xi32, #tpu.memory_space<vmem>>) target_semaphore(%run_scoped3A_153 : memref<!tpu.dma_semaphore, #tpu.memory_space<semaphore_mem>>)
        %dma_wait3A_170 = arith.constant 0 : i32
        %dma_wait3A_171 = arith.constant 0 : i32
        %dma_wait3A_172 = arith.constant 0 : i32
        %dma_wait3A_173 = tpu.memref_slice %arg5[%run_scoped3A, %dma_wait3A_170, %dma_wait3A_171, %dma_wait3A_172] : memref<2x4x2x64xi32, #tpu.memory_space<vmem>> -> memref<1x4x2x64xi32, #tpu.memory_space<vmem>>
        %dma_wait3A_174 = tpu.memref_squeeze %dma_wait3A_173 : memref<1x4x2x64xi32, #tpu.memory_space<vmem>> -> memref<4x2x64xi32, #tpu.memory_space<vmem>>
        %dma_wait3A_175 = arith.constant 0 : i32
        %dma_wait3A_176 = arith.constant 0 : i32
        %dma_wait3A_177 = tpu.memref_slice %arg3[%mul3A_57, %dma_wait3A_175, %dma_wait3A_176] : memref<5120x2x64xi32, #tpu.memory_space<hbm>> -> memref<4x2x64xi32, #tpu.memory_space<hbm>>
        %dma_wait3A_178 = arith.constant 0 : i32
        %dma_wait3A_179 = arith.constant 0 : i32
        %dma_wait3A_180 = arith.constant 0 : i32
        %dma_wait3A_181 = tpu.memref_slice %arg5[%run_scoped3A, %dma_wait3A_178, %dma_wait3A_179, %dma_wait3A_180] : memref<2x4x2x64xi32, #tpu.memory_space<vmem>> -> memref<1x4x2x64xi32, #tpu.memory_space<vmem>>
        %dma_wait3A_182 = tpu.memref_squeeze %dma_wait3A_181 : memref<1x4x2x64xi32, #tpu.memory_space<vmem>> -> memref<4x2x64xi32, #tpu.memory_space<vmem>>
        %dma_wait3A_183 = arith.constant 0 : i32
        %dma_wait3A_184 = arith.constant 0 : i32
        %dma_wait3A_185 = tpu.memref_slice %arg3[%mul3A_57, %dma_wait3A_183, %dma_wait3A_184] : memref<5120x2x64xi32, #tpu.memory_space<hbm>> -> memref<4x2x64xi32, #tpu.memory_space<hbm>>
        tpu.wait_dma2 semaphore(%run_scoped3A_153 : memref<!tpu.dma_semaphore, #tpu.memory_space<semaphore_mem>>) src(%dma_wait3A_185 : memref<4x2x64xi32, #tpu.memory_space<hbm>>) dst(%dma_wait3A_182 : memref<4x2x64xi32, #tpu.memory_space<vmem>>)
        tpu.yield
      }) : () -> ()
      %add3A_58 = arith.constant 4 : i32
      %add3A_59 = arith.addi %mul3A_57, %add3A_58 : i32
      %dma_start3A = arith.constant 1 : i32
      %dma_start3A_60 = arith.constant 0 : i32
      %dma_start3A_61 = arith.constant 0 : i32
      %dma_start3A_62 = arith.constant 0 : i32
      %dma_start3A_63 = tpu.memref_slice %arg5[%dma_start3A, %dma_start3A_60, %dma_start3A_61, %dma_start3A_62] : memref<2x4x2x64xi32, #tpu.memory_space<vmem>> -> memref<1x4x2x64xi32, #tpu.memory_space<vmem>>
      %dma_start3A_64 = tpu.memref_squeeze %dma_start3A_63 : memref<1x4x2x64xi32, #tpu.memory_space<vmem>> -> memref<4x2x64xi32, #tpu.memory_space<vmem>>
      %dma_start3A_65 = arith.constant 0 : i32
      %dma_start3A_66 = arith.constant 0 : i32
      %dma_start3A_67 = tpu.memref_slice %arg3[%add3A_59, %dma_start3A_65, %dma_start3A_66] : memref<5120x2x64xi32, #tpu.memory_space<hbm>> -> memref<4x2x64xi32, #tpu.memory_space<hbm>>
      %dma_start3A_68 = arith.constant 0 : i32
      %dma_start3A_69 = arith.constant 0 : i32
      %dma_start3A_70 = arith.constant 0 : i32
      %dma_start3A_71 = tpu.memref_slice %arg5[%dma_start3A, %dma_start3A_68, %dma_start3A_69, %dma_start3A_70] : memref<2x4x2x64xi32, #tpu.memory_space<vmem>> -> memref<1x4x2x64xi32, #tpu.memory_space<vmem>>
      %dma_start3A_72 = tpu.memref_squeeze %dma_start3A_71 : memref<1x4x2x64xi32, #tpu.memory_space<vmem>> -> memref<4x2x64xi32, #tpu.memory_space<vmem>>
      %dma_start3A_73 = arith.constant 0 : i32
      %dma_start3A_74 = arith.constant 0 : i32
      %dma_start3A_75 = tpu.memref_slice %arg3[%add3A_59, %dma_start3A_73, %dma_start3A_74] : memref<5120x2x64xi32, #tpu.memory_space<hbm>> -> memref<4x2x64xi32, #tpu.memory_space<hbm>>
      tpu.enqueue_dma source(%dma_start3A_75 : memref<4x2x64xi32, #tpu.memory_space<hbm>>) target(%dma_start3A_72 : memref<4x2x64xi32, #tpu.memory_space<vmem>>) target_semaphore(%arg19 : memref<!tpu.dma_semaphore, #tpu.memory_space<semaphore_mem>>)
      %dma_start3A_76 = arith.constant 0 : i32
      %dma_start3A_77 = arith.constant 0 : i32
      %dma_start3A_78 = arith.constant 0 : i32
      %dma_start3A_79 = arith.constant 0 : i32
      %dma_start3A_80 = tpu.memref_slice %arg5[%dma_start3A_76, %dma_start3A_77, %dma_start3A_78, %dma_start3A_79] : memref<2x4x2x64xi32, #tpu.memory_space<vmem>> -> memref<1x1x1x64xi32, #tpu.memory_space<vmem>>
      %dma_start3A_81 = tpu.memref_squeeze %dma_start3A_80 : memref<1x1x1x64xi32, #tpu.memory_space<vmem>> -> memref<64xi32, #tpu.memory_space<vmem>>
      %dma_start3A_82 = arith.constant 0 : i32
      %dma_start3A_83 = arith.constant 0 : i32
      %dma_start3A_84 = tpu.memref_slice %arg2[%dma_start3A_82, %dma_start3A_83] : memref<10240x128xf32, #tpu.memory_space<hbm>> -> memref<10240x128xf32, #tpu.memory_space<hbm>>
      tpu.enqueue_indirect_dma source(%dma_start3A_84 : memref<10240x128xf32, #tpu.memory_space<hbm>>) target(%arg6 : memref<64x128xf32, #tpu.memory_space<vmem>>) offsets(%dma_start3A_81 : memref<64xi32, #tpu.memory_space<vmem>>) semaphore(%arg11 : memref<!tpu.dma_semaphore, #tpu.memory_space<semaphore_mem>>)
      %dma_start3A_85 = arith.constant 0 : i32
      %dma_start3A_86 = arith.constant 1 : i32
      %dma_start3A_87 = arith.constant 0 : i32
      %dma_start3A_88 = arith.constant 0 : i32
      %dma_start3A_89 = tpu.memref_slice %arg5[%dma_start3A_85, %dma_start3A_86, %dma_start3A_87, %dma_start3A_88] : memref<2x4x2x64xi32, #tpu.memory_space<vmem>> -> memref<1x1x1x64xi32, #tpu.memory_space<vmem>>
      %dma_start3A_90 = tpu.memref_squeeze %dma_start3A_89 : memref<1x1x1x64xi32, #tpu.memory_space<vmem>> -> memref<64xi32, #tpu.memory_space<vmem>>
      %dma_start3A_91 = arith.constant 0 : i32
      %dma_start3A_92 = arith.constant 0 : i32
      %dma_start3A_93 = tpu.memref_slice %arg2[%dma_start3A_91, %dma_start3A_92] : memref<10240x128xf32, #tpu.memory_space<hbm>> -> memref<10240x128xf32, #tpu.memory_space<hbm>>
      tpu.enqueue_indirect_dma source(%dma_start3A_93 : memref<10240x128xf32, #tpu.memory_space<hbm>>) target(%arg7 : memref<64x128xf32, #tpu.memory_space<vmem>>) offsets(%dma_start3A_90 : memref<64xi32, #tpu.memory_space<vmem>>) semaphore(%arg12 : memref<!tpu.dma_semaphore, #tpu.memory_space<semaphore_mem>>)
      %dma_start3A_94 = arith.constant 0 : i32
      %dma_start3A_95 = arith.constant 2 : i32
      %dma_start3A_96 = arith.constant 0 : i32
      %dma_start3A_97 = arith.constant 0 : i32
      %dma_start3A_98 = tpu.memref_slice %arg5[%dma_start3A_94, %dma_start3A_95, %dma_start3A_96, %dma_start3A_97] : memref<2x4x2x64xi32, #tpu.memory_space<vmem>> -> memref<1x1x1x64xi32, #tpu.memory_space<vmem>>
      %dma_start3A_99 = tpu.memref_squeeze %dma_start3A_98 : memref<1x1x1x64xi32, #tpu.memory_space<vmem>> -> memref<64xi32, #tpu.memory_space<vmem>>
      %dma_start3A_100 = arith.constant 0 : i32
      %dma_start3A_101 = arith.constant 0 : i32
      %dma_start3A_102 = tpu.memref_slice %arg2[%dma_start3A_100, %dma_start3A_101] : memref<10240x128xf32, #tpu.memory_space<hbm>> -> memref<10240x128xf32, #tpu.memory_space<hbm>>
      tpu.enqueue_indirect_dma source(%dma_start3A_102 : memref<10240x128xf32, #tpu.memory_space<hbm>>) target(%arg8 : memref<64x128xf32, #tpu.memory_space<vmem>>) offsets(%dma_start3A_99 : memref<64xi32, #tpu.memory_space<vmem>>) semaphore(%arg13 : memref<!tpu.dma_semaphore, #tpu.memory_space<semaphore_mem>>)
      %dma_start3A_103 = arith.constant 0 : i32
      %dma_start3A_104 = arith.constant 3 : i32
      %dma_start3A_105 = arith.constant 0 : i32
      %dma_start3A_106 = arith.constant 0 : i32
      %dma_start3A_107 = tpu.memref_slice %arg5[%dma_start3A_103, %dma_start3A_104, %dma_start3A_105, %dma_start3A_106] : memref<2x4x2x64xi32, #tpu.memory_space<vmem>> -> memref<1x1x1x64xi32, #tpu.memory_space<vmem>>
      %dma_start3A_108 = tpu.memref_squeeze %dma_start3A_107 : memref<1x1x1x64xi32, #tpu.memory_space<vmem>> -> memref<64xi32, #tpu.memory_space<vmem>>
      %dma_start3A_109 = arith.constant 0 : i32
      %dma_start3A_110 = arith.constant 0 : i32
      %dma_start3A_111 = tpu.memref_slice %arg2[%dma_start3A_109, %dma_start3A_110] : memref<10240x128xf32, #tpu.memory_space<hbm>> -> memref<10240x128xf32, #tpu.memory_space<hbm>>
      tpu.enqueue_indirect_dma source(%dma_start3A_111 : memref<10240x128xf32, #tpu.memory_space<hbm>>) target(%arg9 : memref<64x128xf32, #tpu.memory_space<vmem>>) offsets(%dma_start3A_108 : memref<64xi32, #tpu.memory_space<vmem>>) semaphore(%arg14 : memref<!tpu.dma_semaphore, #tpu.memory_space<semaphore_mem>>)
      %scan3A_112 = arith.constant 0 : i32
      %scan3A_113 = arith.constant 0 : i32
      %scan3A_114 = arith.constant 74 : i32
      %scan3A_115 = arith.addi %scan3A_113, %scan3A_114 : i32
      %scan3A_116 = arith.constant 1 : i32
      scf.for %scan3A_153 = %scan3A_113 to %scan3A_115 step %scan3A_116  : i32 {
        %rem3A = arith.constant 2 : i32
        %rem3A_154 = arith.remsi %scan3A_153, %rem3A : i32
        %sub3A = arith.constant 1 : i32
        %sub3A_155 = arith.subi %sub3A, %rem3A_154 : i32
        %dma_wait3A_156 = arith.constant 0 : i32
        %dma_wait3A_157 = arith.constant 0 : i32
        %dma_wait3A_158 = arith.constant 0 : i32
        %dma_wait3A_159 = tpu.memref_slice %arg5[%rem3A_154, %dma_wait3A_156, %dma_wait3A_157, %dma_wait3A_158] : memref<2x4x2x64xi32, #tpu.memory_space<vmem>> -> memref<1x1x1x64xi32, #tpu.memory_space<vmem>>
        %dma_wait3A_160 = tpu.memref_squeeze %dma_wait3A_159 : memref<1x1x1x64xi32, #tpu.memory_space<vmem>> -> memref<64xi32, #tpu.memory_space<vmem>>
        %dma_wait3A_161 = arith.constant 0 : i32
        %dma_wait3A_162 = arith.constant 0 : i32
        %dma_wait3A_163 = tpu.memref_slice %arg2[%dma_wait3A_161, %dma_wait3A_162] : memref<10240x128xf32, #tpu.memory_space<hbm>> -> memref<10240x128xf32, #tpu.memory_space<hbm>>
        tpu.wait_indirect_dma semaphore(%arg11 : memref<!tpu.dma_semaphore, #tpu.memory_space<semaphore_mem>>) src(%dma_wait3A_163 : memref<10240x128xf32, #tpu.memory_space<hbm>>) dst(%arg6 : memref<64x128xf32, #tpu.memory_space<vmem>>)
        %dma_start3A_164 = arith.constant 0 : i32
        %dma_start3A_165 = arith.constant 1 : i32
        %dma_start3A_166 = arith.constant 0 : i32
        %dma_start3A_167 = tpu.memref_slice %arg5[%rem3A_154, %dma_start3A_164, %dma_start3A_165, %dma_start3A_166] : memref<2x4x2x64xi32, #tpu.memory_space<vmem>> -> memref<1x1x1x64xi32, #tpu.memory_space<vmem>>
        %dma_start3A_168 = tpu.memref_squeeze %dma_start3A_167 : memref<1x1x1x64xi32, #tpu.memory_space<vmem>> -> memref<64xi32, #tpu.memory_space<vmem>>
        %dma_start3A_169 = arith.constant 0 : i32
        %dma_start3A_170 = arith.constant 0 : i32
        %dma_start3A_171 = tpu.memref_slice %arg10[%dma_start3A_169, %dma_start3A_170] : memref<10240x128xf32, #tpu.memory_space<vmem_shared>> -> memref<10240x128xf32, #tpu.memory_space<vmem_shared>>
        tpu.enqueue_indirect_dma source(%arg6 : memref<64x128xf32, #tpu.memory_space<vmem>>) target(%dma_start3A_171 : memref<10240x128xf32, #tpu.memory_space<vmem_shared>>) offsets(%dma_start3A_168 : memref<64xi32, #tpu.memory_space<vmem>>) semaphore(%arg15 : memref<!tpu.dma_semaphore, #tpu.memory_space<semaphore_mem>>) {add = true}
        %dma_wait3A_172 = arith.constant 1 : i32
        %dma_wait3A_173 = arith.constant 0 : i32
        %dma_wait3A_174 = arith.constant 0 : i32
        %dma_wait3A_175 = tpu.memref_slice %arg5[%rem3A_154, %dma_wait3A_172, %dma_wait3A_173, %dma_wait3A_174] : memref<2x4x2x64xi32, #tpu.memory_space<vmem>> -> memref<1x1x1x64xi32, #tpu.memory_space<vmem>>
        %dma_wait3A_176 = tpu.memref_squeeze %dma_wait3A_175 : memref<1x1x1x64xi32, #tpu.memory_space<vmem>> -> memref<64xi32, #tpu.memory_space<vmem>>
        %dma_wait3A_177 = arith.constant 0 : i32
        %dma_wait3A_178 = arith.constant 0 : i32
        %dma_wait3A_179 = tpu.memref_slice %arg2[%dma_wait3A_177, %dma_wait3A_178] : memref<10240x128xf32, #tpu.memory_space<hbm>> -> memref<10240x128xf32, #tpu.memory_space<hbm>>
        tpu.wait_indirect_dma semaphore(%arg12 : memref<!tpu.dma_semaphore, #tpu.memory_space<semaphore_mem>>) src(%dma_wait3A_179 : memref<10240x128xf32, #tpu.memory_space<hbm>>) dst(%arg7 : memref<64x128xf32, #tpu.memory_space<vmem>>)
        %dma_start3A_180 = arith.constant 1 : i32
        %dma_start3A_181 = arith.constant 1 : i32
        %dma_start3A_182 = arith.constant 0 : i32
        %dma_start3A_183 = tpu.memref_slice %arg5[%rem3A_154, %dma_start3A_180, %dma_start3A_181, %dma_start3A_182] : memref<2x4x2x64xi32, #tpu.memory_space<vmem>> -> memref<1x1x1x64xi32, #tpu.memory_space<vmem>>
        %dma_start3A_184 = tpu.memref_squeeze %dma_start3A_183 : memref<1x1x1x64xi32, #tpu.memory_space<vmem>> -> memref<64xi32, #tpu.memory_space<vmem>>
        %dma_start3A_185 = arith.constant 0 : i32
        %dma_start3A_186 = arith.constant 0 : i32
        %dma_start3A_187 = tpu.memref_slice %arg10[%dma_start3A_185, %dma_start3A_186] : memref<10240x128xf32, #tpu.memory_space<vmem_shared>> -> memref<10240x128xf32, #tpu.memory_space<vmem_shared>>
        tpu.enqueue_indirect_dma source(%arg7 : memref<64x128xf32, #tpu.memory_space<vmem>>) target(%dma_start3A_187 : memref<10240x128xf32, #tpu.memory_space<vmem_shared>>) offsets(%dma_start3A_184 : memref<64xi32, #tpu.memory_space<vmem>>) semaphore(%arg16 : memref<!tpu.dma_semaphore, #tpu.memory_space<semaphore_mem>>) {add = true}
        %dma_wait3A_188 = arith.constant 2 : i32
        %dma_wait3A_189 = arith.constant 0 : i32
        %dma_wait3A_190 = arith.constant 0 : i32
        %dma_wait3A_191 = tpu.memref_slice %arg5[%rem3A_154, %dma_wait3A_188, %dma_wait3A_189, %dma_wait3A_190] : memref<2x4x2x64xi32, #tpu.memory_space<vmem>> -> memref<1x1x1x64xi32, #tpu.memory_space<vmem>>
        %dma_wait3A_192 = tpu.memref_squeeze %dma_wait3A_191 : memref<1x1x1x64xi32, #tpu.memory_space<vmem>> -> memref<64xi32, #tpu.memory_space<vmem>>
        %dma_wait3A_193 = arith.constant 0 : i32
        %dma_wait3A_194 = arith.constant 0 : i32
        %dma_wait3A_195 = tpu.memref_slice %arg2[%dma_wait3A_193, %dma_wait3A_194] : memref<10240x128xf32, #tpu.memory_space<hbm>> -> memref<10240x128xf32, #tpu.memory_space<hbm>>
        tpu.wait_indirect_dma semaphore(%arg13 : memref<!tpu.dma_semaphore, #tpu.memory_space<semaphore_mem>>) src(%dma_wait3A_195 : memref<10240x128xf32, #tpu.memory_space<hbm>>) dst(%arg8 : memref<64x128xf32, #tpu.memory_space<vmem>>)
        %dma_start3A_196 = arith.constant 2 : i32
        %dma_start3A_197 = arith.constant 1 : i32
        %dma_start3A_198 = arith.constant 0 : i32
        %dma_start3A_199 = tpu.memref_slice %arg5[%rem3A_154, %dma_start3A_196, %dma_start3A_197, %dma_start3A_198] : memref<2x4x2x64xi32, #tpu.memory_space<vmem>> -> memref<1x1x1x64xi32, #tpu.memory_space<vmem>>
        %dma_start3A_200 = tpu.memref_squeeze %dma_start3A_199 : memref<1x1x1x64xi32, #tpu.memory_space<vmem>> -> memref<64xi32, #tpu.memory_space<vmem>>
        %dma_start3A_201 = arith.constant 0 : i32
        %dma_start3A_202 = arith.constant 0 : i32
        %dma_start3A_203 = tpu.memref_slice %arg10[%dma_start3A_201, %dma_start3A_202] : memref<10240x128xf32, #tpu.memory_space<vmem_shared>> -> memref<10240x128xf32, #tpu.memory_space<vmem_shared>>
        tpu.enqueue_indirect_dma source(%arg8 : memref<64x128xf32, #tpu.memory_space<vmem>>) target(%dma_start3A_203 : memref<10240x128xf32, #tpu.memory_space<vmem_shared>>) offsets(%dma_start3A_200 : memref<64xi32, #tpu.memory_space<vmem>>) semaphore(%arg17 : memref<!tpu.dma_semaphore, #tpu.memory_space<semaphore_mem>>) {add = true}
        %dma_wait3A_204 = arith.constant 3 : i32
        %dma_wait3A_205 = arith.constant 0 : i32
        %dma_wait3A_206 = arith.constant 0 : i32
        %dma_wait3A_207 = tpu.memref_slice %arg5[%rem3A_154, %dma_wait3A_204, %dma_wait3A_205, %dma_wait3A_206] : memref<2x4x2x64xi32, #tpu.memory_space<vmem>> -> memref<1x1x1x64xi32, #tpu.memory_space<vmem>>
        %dma_wait3A_208 = tpu.memref_squeeze %dma_wait3A_207 : memref<1x1x1x64xi32, #tpu.memory_space<vmem>> -> memref<64xi32, #tpu.memory_space<vmem>>
        %dma_wait3A_209 = arith.constant 0 : i32
        %dma_wait3A_210 = arith.constant 0 : i32
        %dma_wait3A_211 = tpu.memref_slice %arg2[%dma_wait3A_209, %dma_wait3A_210] : memref<10240x128xf32, #tpu.memory_space<hbm>> -> memref<10240x128xf32, #tpu.memory_space<hbm>>
        tpu.wait_indirect_dma semaphore(%arg14 : memref<!tpu.dma_semaphore, #tpu.memory_space<semaphore_mem>>) src(%dma_wait3A_211 : memref<10240x128xf32, #tpu.memory_space<hbm>>) dst(%arg9 : memref<64x128xf32, #tpu.memory_space<vmem>>)
        %dma_start3A_212 = arith.constant 3 : i32
        %dma_start3A_213 = arith.constant 1 : i32
        %dma_start3A_214 = arith.constant 0 : i32
        %dma_start3A_215 = tpu.memref_slice %arg5[%rem3A_154, %dma_start3A_212, %dma_start3A_213, %dma_start3A_214] : memref<2x4x2x64xi32, #tpu.memory_space<vmem>> -> memref<1x1x1x64xi32, #tpu.memory_space<vmem>>
        %dma_start3A_216 = tpu.memref_squeeze %dma_start3A_215 : memref<1x1x1x64xi32, #tpu.memory_space<vmem>> -> memref<64xi32, #tpu.memory_space<vmem>>
        %dma_start3A_217 = arith.constant 0 : i32
        %dma_start3A_218 = arith.constant 0 : i32
        %dma_start3A_219 = tpu.memref_slice %arg10[%dma_start3A_217, %dma_start3A_218] : memref<10240x128xf32, #tpu.memory_space<vmem_shared>> -> memref<10240x128xf32, #tpu.memory_space<vmem_shared>>
        tpu.enqueue_indirect_dma source(%arg9 : memref<64x128xf32, #tpu.memory_space<vmem>>) target(%dma_start3A_219 : memref<10240x128xf32, #tpu.memory_space<vmem_shared>>) offsets(%dma_start3A_216 : memref<64xi32, #tpu.memory_space<vmem>>) semaphore(%arg18 : memref<!tpu.dma_semaphore, #tpu.memory_space<semaphore_mem>>) {add = true}
        %add3A_220 = arith.constant 1 : i32
        %add3A_221 = arith.addi %scan3A_153, %add3A_220 : i32
        %lt3A = arith.constant 74 : i32
        %lt3A_222 = arith.cmpi slt, %add3A_221, %lt3A : i32
        %convert_element_type3A_223 = arith.extui %lt3A_222 : i1 to i32
        %cond3A_224 = arith.constant 0 : i32
        %cond3A_225 = arith.cmpi ne, %convert_element_type3A_223, %cond3A_224 : i32
        scf.if %cond3A_225 {
          %dma_wait3A_233 = arith.constant 0 : i32
          %dma_wait3A_234 = arith.constant 0 : i32
          %dma_wait3A_235 = arith.constant 0 : i32
          %dma_wait3A_236 = tpu.memref_slice %arg5[%sub3A_155, %dma_wait3A_233, %dma_wait3A_234, %dma_wait3A_235] : memref<2x4x2x64xi32, #tpu.memory_space<vmem>> -> memref<1x4x2x64xi32, #tpu.memory_space<vmem>>
          %dma_wait3A_237 = tpu.memref_squeeze %dma_wait3A_236 : memref<1x4x2x64xi32, #tpu.memory_space<vmem>> -> memref<4x2x64xi32, #tpu.memory_space<vmem>>
          %dma_wait3A_238 = arith.constant 0 : i32
          %dma_wait3A_239 = arith.constant 0 : i32
          %dma_wait3A_240 = tpu.memref_slice %arg3[%mul3A_57, %dma_wait3A_238, %dma_wait3A_239] : memref<5120x2x64xi32, #tpu.memory_space<hbm>> -> memref<4x2x64xi32, #tpu.memory_space<hbm>>
          %dma_wait3A_241 = arith.constant 0 : i32
          %dma_wait3A_242 = arith.constant 0 : i32
          %dma_wait3A_243 = arith.constant 0 : i32
          %dma_wait3A_244 = tpu.memref_slice %arg5[%sub3A_155, %dma_wait3A_241, %dma_wait3A_242, %dma_wait3A_243] : memref<2x4x2x64xi32, #tpu.memory_space<vmem>> -> memref<1x4x2x64xi32, #tpu.memory_space<vmem>>
          %dma_wait3A_245 = tpu.memref_squeeze %dma_wait3A_244 : memref<1x4x2x64xi32, #tpu.memory_space<vmem>> -> memref<4x2x64xi32, #tpu.memory_space<vmem>>
          %dma_wait3A_246 = arith.constant 0 : i32
          %dma_wait3A_247 = arith.constant 0 : i32
          %dma_wait3A_248 = tpu.memref_slice %arg3[%mul3A_57, %dma_wait3A_246, %dma_wait3A_247] : memref<5120x2x64xi32, #tpu.memory_space<hbm>> -> memref<4x2x64xi32, #tpu.memory_space<hbm>>
          tpu.wait_dma2 semaphore(%arg19 : memref<!tpu.dma_semaphore, #tpu.memory_space<semaphore_mem>>) src(%dma_wait3A_248 : memref<4x2x64xi32, #tpu.memory_space<hbm>>) dst(%dma_wait3A_245 : memref<4x2x64xi32, #tpu.memory_space<vmem>>)
          %dma_wait3A_249 = arith.constant 0 : i32
          %dma_wait3A_250 = arith.constant 1 : i32
          %dma_wait3A_251 = arith.constant 0 : i32
          %dma_wait3A_252 = tpu.memref_slice %arg5[%rem3A_154, %dma_wait3A_249, %dma_wait3A_250, %dma_wait3A_251] : memref<2x4x2x64xi32, #tpu.memory_space<vmem>> -> memref<1x1x1x64xi32, #tpu.memory_space<vmem>>
          %dma_wait3A_253 = tpu.memref_squeeze %dma_wait3A_252 : memref<1x1x1x64xi32, #tpu.memory_space<vmem>> -> memref<64xi32, #tpu.memory_space<vmem>>
          %dma_wait3A_254 = arith.constant 0 : i32
          %dma_wait3A_255 = arith.constant 0 : i32
          %dma_wait3A_256 = tpu.memref_slice %arg10[%dma_wait3A_254, %dma_wait3A_255] : memref<10240x128xf32, #tpu.memory_space<vmem_shared>> -> memref<10240x128xf32, #tpu.memory_space<vmem_shared>>
          tpu.wait_indirect_dma semaphore(%arg15 : memref<!tpu.dma_semaphore, #tpu.memory_space<semaphore_mem>>) src(%arg6 : memref<64x128xf32, #tpu.memory_space<vmem>>) dst(%dma_wait3A_256 : memref<10240x128xf32, #tpu.memory_space<vmem_shared>>)
          %dma_start3A_257 = arith.constant 0 : i32
          %dma_start3A_258 = arith.constant 0 : i32
          %dma_start3A_259 = arith.constant 0 : i32
          %dma_start3A_260 = tpu.memref_slice %arg5[%sub3A_155, %dma_start3A_257, %dma_start3A_258, %dma_start3A_259] : memref<2x4x2x64xi32, #tpu.memory_space<vmem>> -> memref<1x1x1x64xi32, #tpu.memory_space<vmem>>
          %dma_start3A_261 = tpu.memref_squeeze %dma_start3A_260 : memref<1x1x1x64xi32, #tpu.memory_space<vmem>> -> memref<64xi32, #tpu.memory_space<vmem>>
          %dma_start3A_262 = arith.constant 0 : i32
          %dma_start3A_263 = arith.constant 0 : i32
          %dma_start3A_264 = tpu.memref_slice %arg2[%dma_start3A_262, %dma_start3A_263] : memref<10240x128xf32, #tpu.memory_space<hbm>> -> memref<10240x128xf32, #tpu.memory_space<hbm>>
          tpu.enqueue_indirect_dma source(%dma_start3A_264 : memref<10240x128xf32, #tpu.memory_space<hbm>>) target(%arg6 : memref<64x128xf32, #tpu.memory_space<vmem>>) offsets(%dma_start3A_261 : memref<64xi32, #tpu.memory_space<vmem>>) semaphore(%arg11 : memref<!tpu.dma_semaphore, #tpu.memory_space<semaphore_mem>>)
          %dma_wait3A_265 = arith.constant 1 : i32
          %dma_wait3A_266 = arith.constant 1 : i32
          %dma_wait3A_267 = arith.constant 0 : i32
          %dma_wait3A_268 = tpu.memref_slice %arg5[%rem3A_154, %dma_wait3A_265, %dma_wait3A_266, %dma_wait3A_267] : memref<2x4x2x64xi32, #tpu.memory_space<vmem>> -> memref<1x1x1x64xi32, #tpu.memory_space<vmem>>
          %dma_wait3A_269 = tpu.memref_squeeze %dma_wait3A_268 : memref<1x1x1x64xi32, #tpu.memory_space<vmem>> -> memref<64xi32, #tpu.memory_space<vmem>>
          %dma_wait3A_270 = arith.constant 0 : i32
          %dma_wait3A_271 = arith.constant 0 : i32
          %dma_wait3A_272 = tpu.memref_slice %arg10[%dma_wait3A_270, %dma_wait3A_271] : memref<10240x128xf32, #tpu.memory_space<vmem_shared>> -> memref<10240x128xf32, #tpu.memory_space<vmem_shared>>
          tpu.wait_indirect_dma semaphore(%arg16 : memref<!tpu.dma_semaphore, #tpu.memory_space<semaphore_mem>>) src(%arg7 : memref<64x128xf32, #tpu.memory_space<vmem>>) dst(%dma_wait3A_272 : memref<10240x128xf32, #tpu.memory_space<vmem_shared>>)
          %dma_start3A_273 = arith.constant 1 : i32
          %dma_start3A_274 = arith.constant 0 : i32
          %dma_start3A_275 = arith.constant 0 : i32
          %dma_start3A_276 = tpu.memref_slice %arg5[%sub3A_155, %dma_start3A_273, %dma_start3A_274, %dma_start3A_275] : memref<2x4x2x64xi32, #tpu.memory_space<vmem>> -> memref<1x1x1x64xi32, #tpu.memory_space<vmem>>
          %dma_start3A_277 = tpu.memref_squeeze %dma_start3A_276 : memref<1x1x1x64xi32, #tpu.memory_space<vmem>> -> memref<64xi32, #tpu.memory_space<vmem>>
          %dma_start3A_278 = arith.constant 0 : i32
          %dma_start3A_279 = arith.constant 0 : i32
          %dma_start3A_280 = tpu.memref_slice %arg2[%dma_start3A_278, %dma_start3A_279] : memref<10240x128xf32, #tpu.memory_space<hbm>> -> memref<10240x128xf32, #tpu.memory_space<hbm>>
          tpu.enqueue_indirect_dma source(%dma_start3A_280 : memref<10240x128xf32, #tpu.memory_space<hbm>>) target(%arg7 : memref<64x128xf32, #tpu.memory_space<vmem>>) offsets(%dma_start3A_277 : memref<64xi32, #tpu.memory_space<vmem>>) semaphore(%arg12 : memref<!tpu.dma_semaphore, #tpu.memory_space<semaphore_mem>>)
          %dma_wait3A_281 = arith.constant 2 : i32
          %dma_wait3A_282 = arith.constant 1 : i32
          %dma_wait3A_283 = arith.constant 0 : i32
          %dma_wait3A_284 = tpu.memref_slice %arg5[%rem3A_154, %dma_wait3A_281, %dma_wait3A_282, %dma_wait3A_283] : memref<2x4x2x64xi32, #tpu.memory_space<vmem>> -> memref<1x1x1x64xi32, #tpu.memory_space<vmem>>
          %dma_wait3A_285 = tpu.memref_squeeze %dma_wait3A_284 : memref<1x1x1x64xi32, #tpu.memory_space<vmem>> -> memref<64xi32, #tpu.memory_space<vmem>>
          %dma_wait3A_286 = arith.constant 0 : i32
          %dma_wait3A_287 = arith.constant 0 : i32
          %dma_wait3A_288 = tpu.memref_slice %arg10[%dma_wait3A_286, %dma_wait3A_287] : memref<10240x128xf32, #tpu.memory_space<vmem_shared>> -> memref<10240x128xf32, #tpu.memory_space<vmem_shared>>
          tpu.wait_indirect_dma semaphore(%arg17 : memref<!tpu.dma_semaphore, #tpu.memory_space<semaphore_mem>>) src(%arg8 : memref<64x128xf32, #tpu.memory_space<vmem>>) dst(%dma_wait3A_288 : memref<10240x128xf32, #tpu.memory_space<vmem_shared>>)
          %dma_start3A_289 = arith.constant 2 : i32
          %dma_start3A_290 = arith.constant 0 : i32
          %dma_start3A_291 = arith.constant 0 : i32
          %dma_start3A_292 = tpu.memref_slice %arg5[%sub3A_155, %dma_start3A_289, %dma_start3A_290, %dma_start3A_291] : memref<2x4x2x64xi32, #tpu.memory_space<vmem>> -> memref<1x1x1x64xi32, #tpu.memory_space<vmem>>
          %dma_start3A_293 = tpu.memref_squeeze %dma_start3A_292 : memref<1x1x1x64xi32, #tpu.memory_space<vmem>> -> memref<64xi32, #tpu.memory_space<vmem>>
          %dma_start3A_294 = arith.constant 0 : i32
          %dma_start3A_295 = arith.constant 0 : i32
          %dma_start3A_296 = tpu.memref_slice %arg2[%dma_start3A_294, %dma_start3A_295] : memref<10240x128xf32, #tpu.memory_space<hbm>> -> memref<10240x128xf32, #tpu.memory_space<hbm>>
          tpu.enqueue_indirect_dma source(%dma_start3A_296 : memref<10240x128xf32, #tpu.memory_space<hbm>>) target(%arg8 : memref<64x128xf32, #tpu.memory_space<vmem>>) offsets(%dma_start3A_293 : memref<64xi32, #tpu.memory_space<vmem>>) semaphore(%arg13 : memref<!tpu.dma_semaphore, #tpu.memory_space<semaphore_mem>>)
          %dma_wait3A_297 = arith.constant 3 : i32
          %dma_wait3A_298 = arith.constant 1 : i32
          %dma_wait3A_299 = arith.constant 0 : i32
          %dma_wait3A_300 = tpu.memref_slice %arg5[%rem3A_154, %dma_wait3A_297, %dma_wait3A_298, %dma_wait3A_299] : memref<2x4x2x64xi32, #tpu.memory_space<vmem>> -> memref<1x1x1x64xi32, #tpu.memory_space<vmem>>
          %dma_wait3A_301 = tpu.memref_squeeze %dma_wait3A_300 : memref<1x1x1x64xi32, #tpu.memory_space<vmem>> -> memref<64xi32, #tpu.memory_space<vmem>>
          %dma_wait3A_302 = arith.constant 0 : i32
          %dma_wait3A_303 = arith.constant 0 : i32
          %dma_wait3A_304 = tpu.memref_slice %arg10[%dma_wait3A_302, %dma_wait3A_303] : memref<10240x128xf32, #tpu.memory_space<vmem_shared>> -> memref<10240x128xf32, #tpu.memory_space<vmem_shared>>
          tpu.wait_indirect_dma semaphore(%arg18 : memref<!tpu.dma_semaphore, #tpu.memory_space<semaphore_mem>>) src(%arg9 : memref<64x128xf32, #tpu.memory_space<vmem>>) dst(%dma_wait3A_304 : memref<10240x128xf32, #tpu.memory_space<vmem_shared>>)
          %dma_start3A_305 = arith.constant 3 : i32
          %dma_start3A_306 = arith.constant 0 : i32
          %dma_start3A_307 = arith.constant 0 : i32
          %dma_start3A_308 = tpu.memref_slice %arg5[%sub3A_155, %dma_start3A_305, %dma_start3A_306, %dma_start3A_307] : memref<2x4x2x64xi32, #tpu.memory_space<vmem>> -> memref<1x1x1x64xi32, #tpu.memory_space<vmem>>
          %dma_start3A_309 = tpu.memref_squeeze %dma_start3A_308 : memref<1x1x1x64xi32, #tpu.memory_space<vmem>> -> memref<64xi32, #tpu.memory_space<vmem>>
          %dma_start3A_310 = arith.constant 0 : i32
          %dma_start3A_311 = arith.constant 0 : i32
          %dma_start3A_312 = tpu.memref_slice %arg2[%dma_start3A_310, %dma_start3A_311] : memref<10240x128xf32, #tpu.memory_space<hbm>> -> memref<10240x128xf32, #tpu.memory_space<hbm>>
          tpu.enqueue_indirect_dma source(%dma_start3A_312 : memref<10240x128xf32, #tpu.memory_space<hbm>>) target(%arg9 : memref<64x128xf32, #tpu.memory_space<vmem>>) offsets(%dma_start3A_309 : memref<64xi32, #tpu.memory_space<vmem>>) semaphore(%arg14 : memref<!tpu.dma_semaphore, #tpu.memory_space<semaphore_mem>>)
        } else {
        }
        %add3A_226 = arith.constant 2 : i32
        %add3A_227 = arith.addi %scan3A_153, %add3A_226 : i32
        %lt3A_228 = arith.constant 74 : i32
        %lt3A_229 = arith.cmpi slt, %add3A_227, %lt3A_228 : i32
        %convert_element_type3A_230 = arith.extui %lt3A_229 : i1 to i32
        %cond3A_231 = arith.constant 0 : i32
        %cond3A_232 = arith.cmpi ne, %convert_element_type3A_230, %cond3A_231 : i32
        scf.if %cond3A_232 {
          %add3A_233 = arith.constant 2 : i32
          %add3A_234 = arith.addi %scan3A_153, %add3A_233 : i32
          %mul3A_235 = arith.constant 4 : i32
          %mul3A_236 = arith.muli %add3A_234, %mul3A_235 : i32
          %add3A_237 = arith.addi %mul3A_57, %mul3A_236 : i32
          %dma_start3A_238 = arith.constant 0 : i32
          %dma_start3A_239 = arith.constant 0 : i32
          %dma_start3A_240 = arith.constant 0 : i32
          %dma_start3A_241 = tpu.memref_slice %arg5[%rem3A_154, %dma_start3A_238, %dma_start3A_239, %dma_start3A_240] : memref<2x4x2x64xi32, #tpu.memory_space<vmem>> -> memref<1x4x2x64xi32, #tpu.memory_space<vmem>>
          %dma_start3A_242 = tpu.memref_squeeze %dma_start3A_241 : memref<1x4x2x64xi32, #tpu.memory_space<vmem>> -> memref<4x2x64xi32, #tpu.memory_space<vmem>>
          %dma_start3A_243 = arith.constant 0 : i32
          %dma_start3A_244 = arith.constant 0 : i32
          %dma_start3A_245 = tpu.memref_slice %arg3[%add3A_237, %dma_start3A_243, %dma_start3A_244] : memref<5120x2x64xi32, #tpu.memory_space<hbm>> -> memref<4x2x64xi32, #tpu.memory_space<hbm>>
          %dma_start3A_246 = arith.constant 0 : i32
          %dma_start3A_247 = arith.constant 0 : i32
          %dma_start3A_248 = arith.constant 0 : i32
          %dma_start3A_249 = tpu.memref_slice %arg5[%rem3A_154, %dma_start3A_246, %dma_start3A_247, %dma_start3A_248] : memref<2x4x2x64xi32, #tpu.memory_space<vmem>> -> memref<1x4x2x64xi32, #tpu.memory_space<vmem>>
          %dma_start3A_250 = tpu.memref_squeeze %dma_start3A_249 : memref<1x4x2x64xi32, #tpu.memory_space<vmem>> -> memref<4x2x64xi32, #tpu.memory_space<vmem>>
          %dma_start3A_251 = arith.constant 0 : i32
          %dma_start3A_252 = arith.constant 0 : i32
          %dma_start3A_253 = tpu.memref_slice %arg3[%add3A_237, %dma_start3A_251, %dma_start3A_252] : memref<5120x2x64xi32, #tpu.memory_space<hbm>> -> memref<4x2x64xi32, #tpu.memory_space<hbm>>
          tpu.enqueue_dma source(%dma_start3A_253 : memref<4x2x64xi32, #tpu.memory_space<hbm>>) target(%dma_start3A_250 : memref<4x2x64xi32, #tpu.memory_space<vmem>>) target_semaphore(%arg19 : memref<!tpu.dma_semaphore, #tpu.memory_space<semaphore_mem>>)
        } else {
        }
      }
      %scan3A_117 = arith.constant 74 : i32
      %dma_wait3A = arith.constant 0 : i32
      %dma_wait3A_118 = arith.constant 0 : i32
      %dma_wait3A_119 = arith.constant 1 : i32
      %dma_wait3A_120 = arith.constant 0 : i32
      %dma_wait3A_121 = tpu.memref_slice %arg5[%dma_wait3A, %dma_wait3A_118, %dma_wait3A_119, %dma_wait3A_120] : memref<2x4x2x64xi32, #tpu.memory_space<vmem>> -> memref<1x1x1x64xi32, #tpu.memory_space<vmem>>
      %dma_wait3A_122 = tpu.memref_squeeze %dma_wait3A_121 : memref<1x1x1x64xi32, #tpu.memory_space<vmem>> -> memref<64xi32, #tpu.memory_space<vmem>>
      %dma_wait3A_123 = arith.constant 0 : i32
      %dma_wait3A_124 = arith.constant 0 : i32
      %dma_wait3A_125 = tpu.memref_slice %arg10[%dma_wait3A_123, %dma_wait3A_124] : memref<10240x128xf32, #tpu.memory_space<vmem_shared>> -> memref<10240x128xf32, #tpu.memory_space<vmem_shared>>
      tpu.wait_indirect_dma semaphore(%arg15 : memref<!tpu.dma_semaphore, #tpu.memory_space<semaphore_mem>>) src(%arg6 : memref<64x128xf32, #tpu.memory_space<vmem>>) dst(%dma_wait3A_125 : memref<10240x128xf32, #tpu.memory_space<vmem_shared>>)
      %dma_wait3A_126 = arith.constant 0 : i32
      %dma_wait3A_127 = arith.constant 1 : i32
      %dma_wait3A_128 = arith.constant 1 : i32
      %dma_wait3A_129 = arith.constant 0 : i32
      %dma_wait3A_130 = tpu.memref_slice %arg5[%dma_wait3A_126, %dma_wait3A_127, %dma_wait3A_128, %dma_wait3A_129] : memref<2x4x2x64xi32, #tpu.memory_space<vmem>> -> memref<1x1x1x64xi32, #tpu.memory_space<vmem>>
      %dma_wait3A_131 = tpu.memref_squeeze %dma_wait3A_130 : memref<1x1x1x64xi32, #tpu.memory_space<vmem>> -> memref<64xi32, #tpu.memory_space<vmem>>
      %dma_wait3A_132 = arith.constant 0 : i32
      %dma_wait3A_133 = arith.constant 0 : i32
      %dma_wait3A_134 = tpu.memref_slice %arg10[%dma_wait3A_132, %dma_wait3A_133] : memref<10240x128xf32, #tpu.memory_space<vmem_shared>> -> memref<10240x128xf32, #tpu.memory_space<vmem_shared>>
      tpu.wait_indirect_dma semaphore(%arg16 : memref<!tpu.dma_semaphore, #tpu.memory_space<semaphore_mem>>) src(%arg7 : memref<64x128xf32, #tpu.memory_space<vmem>>) dst(%dma_wait3A_134 : memref<10240x128xf32, #tpu.memory_space<vmem_shared>>)
      %dma_wait3A_135 = arith.constant 0 : i32
      %dma_wait3A_136 = arith.constant 2 : i32
      %dma_wait3A_137 = arith.constant 1 : i32
      %dma_wait3A_138 = arith.constant 0 : i32
      %dma_wait3A_139 = tpu.memref_slice %arg5[%dma_wait3A_135, %dma_wait3A_136, %dma_wait3A_137, %dma_wait3A_138] : memref<2x4x2x64xi32, #tpu.memory_space<vmem>> -> memref<1x1x1x64xi32, #tpu.memory_space<vmem>>
      %dma_wait3A_140 = tpu.memref_squeeze %dma_wait3A_139 : memref<1x1x1x64xi32, #tpu.memory_space<vmem>> -> memref<64xi32, #tpu.memory_space<vmem>>
      %dma_wait3A_141 = arith.constant 0 : i32
      %dma_wait3A_142 = arith.constant 0 : i32
      %dma_wait3A_143 = tpu.memref_slice %arg10[%dma_wait3A_141, %dma_wait3A_142] : memref<10240x128xf32, #tpu.memory_space<vmem_shared>> -> memref<10240x128xf32, #tpu.memory_space<vmem_shared>>
      tpu.wait_indirect_dma semaphore(%arg17 : memref<!tpu.dma_semaphore, #tpu.memory_space<semaphore_mem>>) src(%arg8 : memref<64x128xf32, #tpu.memory_space<vmem>>) dst(%dma_wait3A_143 : memref<10240x128xf32, #tpu.memory_space<vmem_shared>>)
      %dma_wait3A_144 = arith.constant 0 : i32
      %dma_wait3A_145 = arith.constant 3 : i32
      %dma_wait3A_146 = arith.constant 1 : i32
      %dma_wait3A_147 = arith.constant 0 : i32
      %dma_wait3A_148 = tpu.memref_slice %arg5[%dma_wait3A_144, %dma_wait3A_145, %dma_wait3A_146, %dma_wait3A_147] : memref<2x4x2x64xi32, #tpu.memory_space<vmem>> -> memref<1x1x1x64xi32, #tpu.memory_space<vmem>>
      %dma_wait3A_149 = tpu.memref_squeeze %dma_wait3A_148 : memref<1x1x1x64xi32, #tpu.memory_space<vmem>> -> memref<64xi32, #tpu.memory_space<vmem>>
      %dma_wait3A_150 = arith.constant 0 : i32
      %dma_wait3A_151 = arith.constant 0 : i32
      %dma_wait3A_152 = tpu.memref_slice %arg10[%dma_wait3A_150, %dma_wait3A_151] : memref<10240x128xf32, #tpu.memory_space<vmem_shared>> -> memref<10240x128xf32, #tpu.memory_space<vmem_shared>>
      tpu.wait_indirect_dma semaphore(%arg18 : memref<!tpu.dma_semaphore, #tpu.memory_space<semaphore_mem>>) src(%arg9 : memref<64x128xf32, #tpu.memory_space<vmem>>) dst(%dma_wait3A_152 : memref<10240x128xf32, #tpu.memory_space<vmem_shared>>)
    } else {
    }
    %eq3A_46 = arith.constant 1 : i32
    %eq3A_47 = arith.cmpi eq, %arg0, %eq3A_46 : i32
    %convert_element_type3A_48 = arith.extui %eq3A_47 : i1 to i32
    %cond3A_49 = arith.constant 0 : i32
    %cond3A_50 = arith.cmpi ne, %convert_element_type3A_48, %cond3A_49 : i32
    scf.if %cond3A_50 {
      %mul3A_56 = arith.constant 24 : i32
      %mul3A_57 = arith.muli %arg1, %mul3A_56 : i32
      %add3A_58 = arith.constant 4736 : i32
      %add3A_59 = arith.addi %add3A_58, %mul3A_57 : i32
      %run_scoped3A = arith.constant 0 : i32
      "tpu.region"() ({
        %run_scoped3A_155 = tpu.sem_alloc : memref<!tpu.dma_semaphore, #tpu.memory_space<semaphore_mem>>
        %dma_start3A_156 = arith.constant 0 : i32
        %dma_start3A_157 = arith.constant 0 : i32
        %dma_start3A_158 = arith.constant 0 : i32
        %dma_start3A_159 = tpu.memref_slice %arg5[%run_scoped3A, %dma_start3A_156, %dma_start3A_157, %dma_start3A_158] : memref<2x4x2x64xi32, #tpu.memory_space<vmem>> -> memref<1x4x2x64xi32, #tpu.memory_space<vmem>>
        %dma_start3A_160 = tpu.memref_squeeze %dma_start3A_159 : memref<1x4x2x64xi32, #tpu.memory_space<vmem>> -> memref<4x2x64xi32, #tpu.memory_space<vmem>>
        %dma_start3A_161 = arith.constant 0 : i32
        %dma_start3A_162 = arith.constant 0 : i32
        %dma_start3A_163 = tpu.memref_slice %arg3[%add3A_59, %dma_start3A_161, %dma_start3A_162] : memref<5120x2x64xi32, #tpu.memory_space<hbm>> -> memref<4x2x64xi32, #tpu.memory_space<hbm>>
        %dma_start3A_164 = arith.constant 0 : i32
        %dma_start3A_165 = arith.constant 0 : i32
        %dma_start3A_166 = arith.constant 0 : i32
        %dma_start3A_167 = tpu.memref_slice %arg5[%run_scoped3A, %dma_start3A_164, %dma_start3A_165, %dma_start3A_166] : memref<2x4x2x64xi32, #tpu.memory_space<vmem>> -> memref<1x4x2x64xi32, #tpu.memory_space<vmem>>
        %dma_start3A_168 = tpu.memref_squeeze %dma_start3A_167 : memref<1x4x2x64xi32, #tpu.memory_space<vmem>> -> memref<4x2x64xi32, #tpu.memory_space<vmem>>
        %dma_start3A_169 = arith.constant 0 : i32
        %dma_start3A_170 = arith.constant 0 : i32
        %dma_start3A_171 = tpu.memref_slice %arg3[%add3A_59, %dma_start3A_169, %dma_start3A_170] : memref<5120x2x64xi32, #tpu.memory_space<hbm>> -> memref<4x2x64xi32, #tpu.memory_space<hbm>>
        tpu.enqueue_dma source(%dma_start3A_171 : memref<4x2x64xi32, #tpu.memory_space<hbm>>) target(%dma_start3A_168 : memref<4x2x64xi32, #tpu.memory_space<vmem>>) target_semaphore(%run_scoped3A_155 : memref<!tpu.dma_semaphore, #tpu.memory_space<semaphore_mem>>)
        %dma_wait3A_172 = arith.constant 0 : i32
        %dma_wait3A_173 = arith.constant 0 : i32
        %dma_wait3A_174 = arith.constant 0 : i32
        %dma_wait3A_175 = tpu.memref_slice %arg5[%run_scoped3A, %dma_wait3A_172, %dma_wait3A_173, %dma_wait3A_174] : memref<2x4x2x64xi32, #tpu.memory_space<vmem>> -> memref<1x4x2x64xi32, #tpu.memory_space<vmem>>
        %dma_wait3A_176 = tpu.memref_squeeze %dma_wait3A_175 : memref<1x4x2x64xi32, #tpu.memory_space<vmem>> -> memref<4x2x64xi32, #tpu.memory_space<vmem>>
        %dma_wait3A_177 = arith.constant 0 : i32
        %dma_wait3A_178 = arith.constant 0 : i32
        %dma_wait3A_179 = tpu.memref_slice %arg3[%add3A_59, %dma_wait3A_177, %dma_wait3A_178] : memref<5120x2x64xi32, #tpu.memory_space<hbm>> -> memref<4x2x64xi32, #tpu.memory_space<hbm>>
        %dma_wait3A_180 = arith.constant 0 : i32
        %dma_wait3A_181 = arith.constant 0 : i32
        %dma_wait3A_182 = arith.constant 0 : i32
        %dma_wait3A_183 = tpu.memref_slice %arg5[%run_scoped3A, %dma_wait3A_180, %dma_wait3A_181, %dma_wait3A_182] : memref<2x4x2x64xi32, #tpu.memory_space<vmem>> -> memref<1x4x2x64xi32, #tpu.memory_space<vmem>>
        %dma_wait3A_184 = tpu.memref_squeeze %dma_wait3A_183 : memref<1x4x2x64xi32, #tpu.memory_space<vmem>> -> memref<4x2x64xi32, #tpu.memory_space<vmem>>
        %dma_wait3A_185 = arith.constant 0 : i32
        %dma_wait3A_186 = arith.constant 0 : i32
        %dma_wait3A_187 = tpu.memref_slice %arg3[%add3A_59, %dma_wait3A_185, %dma_wait3A_186] : memref<5120x2x64xi32, #tpu.memory_space<hbm>> -> memref<4x2x64xi32, #tpu.memory_space<hbm>>
        tpu.wait_dma2 semaphore(%run_scoped3A_155 : memref<!tpu.dma_semaphore, #tpu.memory_space<semaphore_mem>>) src(%dma_wait3A_187 : memref<4x2x64xi32, #tpu.memory_space<hbm>>) dst(%dma_wait3A_184 : memref<4x2x64xi32, #tpu.memory_space<vmem>>)
        tpu.yield
      }) : () -> ()
      %add3A_60 = arith.constant 4 : i32
      %add3A_61 = arith.addi %add3A_59, %add3A_60 : i32
      %dma_start3A = arith.constant 1 : i32
      %dma_start3A_62 = arith.constant 0 : i32
      %dma_start3A_63 = arith.constant 0 : i32
      %dma_start3A_64 = arith.constant 0 : i32
      %dma_start3A_65 = tpu.memref_slice %arg5[%dma_start3A, %dma_start3A_62, %dma_start3A_63, %dma_start3A_64] : memref<2x4x2x64xi32, #tpu.memory_space<vmem>> -> memref<1x4x2x64xi32, #tpu.memory_space<vmem>>
      %dma_start3A_66 = tpu.memref_squeeze %dma_start3A_65 : memref<1x4x2x64xi32, #tpu.memory_space<vmem>> -> memref<4x2x64xi32, #tpu.memory_space<vmem>>
      %dma_start3A_67 = arith.constant 0 : i32
      %dma_start3A_68 = arith.constant 0 : i32
      %dma_start3A_69 = tpu.memref_slice %arg3[%add3A_61, %dma_start3A_67, %dma_start3A_68] : memref<5120x2x64xi32, #tpu.memory_space<hbm>> -> memref<4x2x64xi32, #tpu.memory_space<hbm>>
      %dma_start3A_70 = arith.constant 0 : i32
      %dma_start3A_71 = arith.constant 0 : i32
      %dma_start3A_72 = arith.constant 0 : i32
      %dma_start3A_73 = tpu.memref_slice %arg5[%dma_start3A, %dma_start3A_70, %dma_start3A_71, %dma_start3A_72] : memref<2x4x2x64xi32, #tpu.memory_space<vmem>> -> memref<1x4x2x64xi32, #tpu.memory_space<vmem>>
      %dma_start3A_74 = tpu.memref_squeeze %dma_start3A_73 : memref<1x4x2x64xi32, #tpu.memory_space<vmem>> -> memref<4x2x64xi32, #tpu.memory_space<vmem>>
      %dma_start3A_75 = arith.constant 0 : i32
      %dma_start3A_76 = arith.constant 0 : i32
      %dma_start3A_77 = tpu.memref_slice %arg3[%add3A_61, %dma_start3A_75, %dma_start3A_76] : memref<5120x2x64xi32, #tpu.memory_space<hbm>> -> memref<4x2x64xi32, #tpu.memory_space<hbm>>
      tpu.enqueue_dma source(%dma_start3A_77 : memref<4x2x64xi32, #tpu.memory_space<hbm>>) target(%dma_start3A_74 : memref<4x2x64xi32, #tpu.memory_space<vmem>>) target_semaphore(%arg19 : memref<!tpu.dma_semaphore, #tpu.memory_space<semaphore_mem>>)
      %dma_start3A_78 = arith.constant 0 : i32
      %dma_start3A_79 = arith.constant 0 : i32
      %dma_start3A_80 = arith.constant 0 : i32
      %dma_start3A_81 = arith.constant 0 : i32
      %dma_start3A_82 = tpu.memref_slice %arg5[%dma_start3A_78, %dma_start3A_79, %dma_start3A_80, %dma_start3A_81] : memref<2x4x2x64xi32, #tpu.memory_space<vmem>> -> memref<1x1x1x64xi32, #tpu.memory_space<vmem>>
      %dma_start3A_83 = tpu.memref_squeeze %dma_start3A_82 : memref<1x1x1x64xi32, #tpu.memory_space<vmem>> -> memref<64xi32, #tpu.memory_space<vmem>>
      %dma_start3A_84 = arith.constant 0 : i32
      %dma_start3A_85 = arith.constant 0 : i32
      %dma_start3A_86 = tpu.memref_slice %arg2[%dma_start3A_84, %dma_start3A_85] : memref<10240x128xf32, #tpu.memory_space<hbm>> -> memref<10240x128xf32, #tpu.memory_space<hbm>>
      tpu.enqueue_indirect_dma source(%dma_start3A_86 : memref<10240x128xf32, #tpu.memory_space<hbm>>) target(%arg6 : memref<64x128xf32, #tpu.memory_space<vmem>>) offsets(%dma_start3A_83 : memref<64xi32, #tpu.memory_space<vmem>>) semaphore(%arg11 : memref<!tpu.dma_semaphore, #tpu.memory_space<semaphore_mem>>)
      %dma_start3A_87 = arith.constant 0 : i32
      %dma_start3A_88 = arith.constant 1 : i32
      %dma_start3A_89 = arith.constant 0 : i32
      %dma_start3A_90 = arith.constant 0 : i32
      %dma_start3A_91 = tpu.memref_slice %arg5[%dma_start3A_87, %dma_start3A_88, %dma_start3A_89, %dma_start3A_90] : memref<2x4x2x64xi32, #tpu.memory_space<vmem>> -> memref<1x1x1x64xi32, #tpu.memory_space<vmem>>
      %dma_start3A_92 = tpu.memref_squeeze %dma_start3A_91 : memref<1x1x1x64xi32, #tpu.memory_space<vmem>> -> memref<64xi32, #tpu.memory_space<vmem>>
      %dma_start3A_93 = arith.constant 0 : i32
      %dma_start3A_94 = arith.constant 0 : i32
      %dma_start3A_95 = tpu.memref_slice %arg2[%dma_start3A_93, %dma_start3A_94] : memref<10240x128xf32, #tpu.memory_space<hbm>> -> memref<10240x128xf32, #tpu.memory_space<hbm>>
      tpu.enqueue_indirect_dma source(%dma_start3A_95 : memref<10240x128xf32, #tpu.memory_space<hbm>>) target(%arg7 : memref<64x128xf32, #tpu.memory_space<vmem>>) offsets(%dma_start3A_92 : memref<64xi32, #tpu.memory_space<vmem>>) semaphore(%arg12 : memref<!tpu.dma_semaphore, #tpu.memory_space<semaphore_mem>>)
      %dma_start3A_96 = arith.constant 0 : i32
      %dma_start3A_97 = arith.constant 2 : i32
      %dma_start3A_98 = arith.constant 0 : i32
      %dma_start3A_99 = arith.constant 0 : i32
      %dma_start3A_100 = tpu.memref_slice %arg5[%dma_start3A_96, %dma_start3A_97, %dma_start3A_98, %dma_start3A_99] : memref<2x4x2x64xi32, #tpu.memory_space<vmem>> -> memref<1x1x1x64xi32, #tpu.memory_space<vmem>>
      %dma_start3A_101 = tpu.memref_squeeze %dma_start3A_100 : memref<1x1x1x64xi32, #tpu.memory_space<vmem>> -> memref<64xi32, #tpu.memory_space<vmem>>
      %dma_start3A_102 = arith.constant 0 : i32
      %dma_start3A_103 = arith.constant 0 : i32
      %dma_start3A_104 = tpu.memref_slice %arg2[%dma_start3A_102, %dma_start3A_103] : memref<10240x128xf32, #tpu.memory_space<hbm>> -> memref<10240x128xf32, #tpu.memory_space<hbm>>
      tpu.enqueue_indirect_dma source(%dma_start3A_104 : memref<10240x128xf32, #tpu.memory_space<hbm>>) target(%arg8 : memref<64x128xf32, #tpu.memory_space<vmem>>) offsets(%dma_start3A_101 : memref<64xi32, #tpu.memory_space<vmem>>) semaphore(%arg13 : memref<!tpu.dma_semaphore, #tpu.memory_space<semaphore_mem>>)
      %dma_start3A_105 = arith.constant 0 : i32
      %dma_start3A_106 = arith.constant 3 : i32
      %dma_start3A_107 = arith.constant 0 : i32
      %dma_start3A_108 = arith.constant 0 : i32
      %dma_start3A_109 = tpu.memref_slice %arg5[%dma_start3A_105, %dma_start3A_106, %dma_start3A_107, %dma_start3A_108] : memref<2x4x2x64xi32, #tpu.memory_space<vmem>> -> memref<1x1x1x64xi32, #tpu.memory_space<vmem>>
      %dma_start3A_110 = tpu.memref_squeeze %dma_start3A_109 : memref<1x1x1x64xi32, #tpu.memory_space<vmem>> -> memref<64xi32, #tpu.memory_space<vmem>>
      %dma_start3A_111 = arith.constant 0 : i32
      %dma_start3A_112 = arith.constant 0 : i32
      %dma_start3A_113 = tpu.memref_slice %arg2[%dma_start3A_111, %dma_start3A_112] : memref<10240x128xf32, #tpu.memory_space<hbm>> -> memref<10240x128xf32, #tpu.memory_space<hbm>>
      tpu.enqueue_indirect_dma source(%dma_start3A_113 : memref<10240x128xf32, #tpu.memory_space<hbm>>) target(%arg9 : memref<64x128xf32, #tpu.memory_space<vmem>>) offsets(%dma_start3A_110 : memref<64xi32, #tpu.memory_space<vmem>>) semaphore(%arg14 : memref<!tpu.dma_semaphore, #tpu.memory_space<semaphore_mem>>)
      %scan3A_114 = arith.constant 0 : i32
      %scan3A_115 = arith.constant 0 : i32
      %scan3A_116 = arith.constant 6 : i32
      %scan3A_117 = arith.addi %scan3A_115, %scan3A_116 : i32
      %scan3A_118 = arith.constant 1 : i32
      scf.for %scan3A_155 = %scan3A_115 to %scan3A_117 step %scan3A_118  : i32 {
        %rem3A = arith.constant 2 : i32
        %rem3A_156 = arith.remsi %scan3A_155, %rem3A : i32
        %sub3A = arith.constant 1 : i32
        %sub3A_157 = arith.subi %sub3A, %rem3A_156 : i32
        %dma_wait3A_158 = arith.constant 0 : i32
        %dma_wait3A_159 = arith.constant 0 : i32
        %dma_wait3A_160 = arith.constant 0 : i32
        %dma_wait3A_161 = tpu.memref_slice %arg5[%rem3A_156, %dma_wait3A_158, %dma_wait3A_159, %dma_wait3A_160] : memref<2x4x2x64xi32, #tpu.memory_space<vmem>> -> memref<1x1x1x64xi32, #tpu.memory_space<vmem>>
        %dma_wait3A_162 = tpu.memref_squeeze %dma_wait3A_161 : memref<1x1x1x64xi32, #tpu.memory_space<vmem>> -> memref<64xi32, #tpu.memory_space<vmem>>
        %dma_wait3A_163 = arith.constant 0 : i32
        %dma_wait3A_164 = arith.constant 0 : i32
        %dma_wait3A_165 = tpu.memref_slice %arg2[%dma_wait3A_163, %dma_wait3A_164] : memref<10240x128xf32, #tpu.memory_space<hbm>> -> memref<10240x128xf32, #tpu.memory_space<hbm>>
        tpu.wait_indirect_dma semaphore(%arg11 : memref<!tpu.dma_semaphore, #tpu.memory_space<semaphore_mem>>) src(%dma_wait3A_165 : memref<10240x128xf32, #tpu.memory_space<hbm>>) dst(%arg6 : memref<64x128xf32, #tpu.memory_space<vmem>>)
        %dma_start3A_166 = arith.constant 0 : i32
        %dma_start3A_167 = arith.constant 1 : i32
        %dma_start3A_168 = arith.constant 0 : i32
        %dma_start3A_169 = tpu.memref_slice %arg5[%rem3A_156, %dma_start3A_166, %dma_start3A_167, %dma_start3A_168] : memref<2x4x2x64xi32, #tpu.memory_space<vmem>> -> memref<1x1x1x64xi32, #tpu.memory_space<vmem>>
        %dma_start3A_170 = tpu.memref_squeeze %dma_start3A_169 : memref<1x1x1x64xi32, #tpu.memory_space<vmem>> -> memref<64xi32, #tpu.memory_space<vmem>>
        %dma_start3A_171 = arith.constant 0 : i32
        %dma_start3A_172 = arith.constant 0 : i32
        %dma_start3A_173 = tpu.memref_slice %arg10[%dma_start3A_171, %dma_start3A_172] : memref<10240x128xf32, #tpu.memory_space<vmem_shared>> -> memref<10240x128xf32, #tpu.memory_space<vmem_shared>>
        tpu.enqueue_indirect_dma source(%arg6 : memref<64x128xf32, #tpu.memory_space<vmem>>) target(%dma_start3A_173 : memref<10240x128xf32, #tpu.memory_space<vmem_shared>>) offsets(%dma_start3A_170 : memref<64xi32, #tpu.memory_space<vmem>>) semaphore(%arg15 : memref<!tpu.dma_semaphore, #tpu.memory_space<semaphore_mem>>) {add = true}
        %dma_wait3A_174 = arith.constant 1 : i32
        %dma_wait3A_175 = arith.constant 0 : i32
        %dma_wait3A_176 = arith.constant 0 : i32
        %dma_wait3A_177 = tpu.memref_slice %arg5[%rem3A_156, %dma_wait3A_174, %dma_wait3A_175, %dma_wait3A_176] : memref<2x4x2x64xi32, #tpu.memory_space<vmem>> -> memref<1x1x1x64xi32, #tpu.memory_space<vmem>>
        %dma_wait3A_178 = tpu.memref_squeeze %dma_wait3A_177 : memref<1x1x1x64xi32, #tpu.memory_space<vmem>> -> memref<64xi32, #tpu.memory_space<vmem>>
        %dma_wait3A_179 = arith.constant 0 : i32
        %dma_wait3A_180 = arith.constant 0 : i32
        %dma_wait3A_181 = tpu.memref_slice %arg2[%dma_wait3A_179, %dma_wait3A_180] : memref<10240x128xf32, #tpu.memory_space<hbm>> -> memref<10240x128xf32, #tpu.memory_space<hbm>>
        tpu.wait_indirect_dma semaphore(%arg12 : memref<!tpu.dma_semaphore, #tpu.memory_space<semaphore_mem>>) src(%dma_wait3A_181 : memref<10240x128xf32, #tpu.memory_space<hbm>>) dst(%arg7 : memref<64x128xf32, #tpu.memory_space<vmem>>)
        %dma_start3A_182 = arith.constant 1 : i32
        %dma_start3A_183 = arith.constant 1 : i32
        %dma_start3A_184 = arith.constant 0 : i32
        %dma_start3A_185 = tpu.memref_slice %arg5[%rem3A_156, %dma_start3A_182, %dma_start3A_183, %dma_start3A_184] : memref<2x4x2x64xi32, #tpu.memory_space<vmem>> -> memref<1x1x1x64xi32, #tpu.memory_space<vmem>>
        %dma_start3A_186 = tpu.memref_squeeze %dma_start3A_185 : memref<1x1x1x64xi32, #tpu.memory_space<vmem>> -> memref<64xi32, #tpu.memory_space<vmem>>
        %dma_start3A_187 = arith.constant 0 : i32
        %dma_start3A_188 = arith.constant 0 : i32
        %dma_start3A_189 = tpu.memref_slice %arg10[%dma_start3A_187, %dma_start3A_188] : memref<10240x128xf32, #tpu.memory_space<vmem_shared>> -> memref<10240x128xf32, #tpu.memory_space<vmem_shared>>
        tpu.enqueue_indirect_dma source(%arg7 : memref<64x128xf32, #tpu.memory_space<vmem>>) target(%dma_start3A_189 : memref<10240x128xf32, #tpu.memory_space<vmem_shared>>) offsets(%dma_start3A_186 : memref<64xi32, #tpu.memory_space<vmem>>) semaphore(%arg16 : memref<!tpu.dma_semaphore, #tpu.memory_space<semaphore_mem>>) {add = true}
        %dma_wait3A_190 = arith.constant 2 : i32
        %dma_wait3A_191 = arith.constant 0 : i32
        %dma_wait3A_192 = arith.constant 0 : i32
        %dma_wait3A_193 = tpu.memref_slice %arg5[%rem3A_156, %dma_wait3A_190, %dma_wait3A_191, %dma_wait3A_192] : memref<2x4x2x64xi32, #tpu.memory_space<vmem>> -> memref<1x1x1x64xi32, #tpu.memory_space<vmem>>
        %dma_wait3A_194 = tpu.memref_squeeze %dma_wait3A_193 : memref<1x1x1x64xi32, #tpu.memory_space<vmem>> -> memref<64xi32, #tpu.memory_space<vmem>>
        %dma_wait3A_195 = arith.constant 0 : i32
        %dma_wait3A_196 = arith.constant 0 : i32
        %dma_wait3A_197 = tpu.memref_slice %arg2[%dma_wait3A_195, %dma_wait3A_196] : memref<10240x128xf32, #tpu.memory_space<hbm>> -> memref<10240x128xf32, #tpu.memory_space<hbm>>
        tpu.wait_indirect_dma semaphore(%arg13 : memref<!tpu.dma_semaphore, #tpu.memory_space<semaphore_mem>>) src(%dma_wait3A_197 : memref<10240x128xf32, #tpu.memory_space<hbm>>) dst(%arg8 : memref<64x128xf32, #tpu.memory_space<vmem>>)
        %dma_start3A_198 = arith.constant 2 : i32
        %dma_start3A_199 = arith.constant 1 : i32
        %dma_start3A_200 = arith.constant 0 : i32
        %dma_start3A_201 = tpu.memref_slice %arg5[%rem3A_156, %dma_start3A_198, %dma_start3A_199, %dma_start3A_200] : memref<2x4x2x64xi32, #tpu.memory_space<vmem>> -> memref<1x1x1x64xi32, #tpu.memory_space<vmem>>
        %dma_start3A_202 = tpu.memref_squeeze %dma_start3A_201 : memref<1x1x1x64xi32, #tpu.memory_space<vmem>> -> memref<64xi32, #tpu.memory_space<vmem>>
        %dma_start3A_203 = arith.constant 0 : i32
        %dma_start3A_204 = arith.constant 0 : i32
        %dma_start3A_205 = tpu.memref_slice %arg10[%dma_start3A_203, %dma_start3A_204] : memref<10240x128xf32, #tpu.memory_space<vmem_shared>> -> memref<10240x128xf32, #tpu.memory_space<vmem_shared>>
        tpu.enqueue_indirect_dma source(%arg8 : memref<64x128xf32, #tpu.memory_space<vmem>>) target(%dma_start3A_205 : memref<10240x128xf32, #tpu.memory_space<vmem_shared>>) offsets(%dma_start3A_202 : memref<64xi32, #tpu.memory_space<vmem>>) semaphore(%arg17 : memref<!tpu.dma_semaphore, #tpu.memory_space<semaphore_mem>>) {add = true}
        %dma_wait3A_206 = arith.constant 3 : i32
        %dma_wait3A_207 = arith.constant 0 : i32
        %dma_wait3A_208 = arith.constant 0 : i32
        %dma_wait3A_209 = tpu.memref_slice %arg5[%rem3A_156, %dma_wait3A_206, %dma_wait3A_207, %dma_wait3A_208] : memref<2x4x2x64xi32, #tpu.memory_space<vmem>> -> memref<1x1x1x64xi32, #tpu.memory_space<vmem>>
        %dma_wait3A_210 = tpu.memref_squeeze %dma_wait3A_209 : memref<1x1x1x64xi32, #tpu.memory_space<vmem>> -> memref<64xi32, #tpu.memory_space<vmem>>
        %dma_wait3A_211 = arith.constant 0 : i32
        %dma_wait3A_212 = arith.constant 0 : i32
        %dma_wait3A_213 = tpu.memref_slice %arg2[%dma_wait3A_211, %dma_wait3A_212] : memref<10240x128xf32, #tpu.memory_space<hbm>> -> memref<10240x128xf32, #tpu.memory_space<hbm>>
        tpu.wait_indirect_dma semaphore(%arg14 : memref<!tpu.dma_semaphore, #tpu.memory_space<semaphore_mem>>) src(%dma_wait3A_213 : memref<10240x128xf32, #tpu.memory_space<hbm>>) dst(%arg9 : memref<64x128xf32, #tpu.memory_space<vmem>>)
        %dma_start3A_214 = arith.constant 3 : i32
        %dma_start3A_215 = arith.constant 1 : i32
        %dma_start3A_216 = arith.constant 0 : i32
        %dma_start3A_217 = tpu.memref_slice %arg5[%rem3A_156, %dma_start3A_214, %dma_start3A_215, %dma_start3A_216] : memref<2x4x2x64xi32, #tpu.memory_space<vmem>> -> memref<1x1x1x64xi32, #tpu.memory_space<vmem>>
        %dma_start3A_218 = tpu.memref_squeeze %dma_start3A_217 : memref<1x1x1x64xi32, #tpu.memory_space<vmem>> -> memref<64xi32, #tpu.memory_space<vmem>>
        %dma_start3A_219 = arith.constant 0 : i32
        %dma_start3A_220 = arith.constant 0 : i32
        %dma_start3A_221 = tpu.memref_slice %arg10[%dma_start3A_219, %dma_start3A_220] : memref<10240x128xf32, #tpu.memory_space<vmem_shared>> -> memref<10240x128xf32, #tpu.memory_space<vmem_shared>>
        tpu.enqueue_indirect_dma source(%arg9 : memref<64x128xf32, #tpu.memory_space<vmem>>) target(%dma_start3A_221 : memref<10240x128xf32, #tpu.memory_space<vmem_shared>>) offsets(%dma_start3A_218 : memref<64xi32, #tpu.memory_space<vmem>>) semaphore(%arg18 : memref<!tpu.dma_semaphore, #tpu.memory_space<semaphore_mem>>) {add = true}
        %add3A_222 = arith.constant 1 : i32
        %add3A_223 = arith.addi %scan3A_155, %add3A_222 : i32
        %lt3A = arith.constant 6 : i32
        %lt3A_224 = arith.cmpi slt, %add3A_223, %lt3A : i32
        %convert_element_type3A_225 = arith.extui %lt3A_224 : i1 to i32
        %cond3A_226 = arith.constant 0 : i32
        %cond3A_227 = arith.cmpi ne, %convert_element_type3A_225, %cond3A_226 : i32
        scf.if %cond3A_227 {
          %dma_wait3A_235 = arith.constant 0 : i32
          %dma_wait3A_236 = arith.constant 0 : i32
          %dma_wait3A_237 = arith.constant 0 : i32
          %dma_wait3A_238 = tpu.memref_slice %arg5[%sub3A_157, %dma_wait3A_235, %dma_wait3A_236, %dma_wait3A_237] : memref<2x4x2x64xi32, #tpu.memory_space<vmem>> -> memref<1x4x2x64xi32, #tpu.memory_space<vmem>>
          %dma_wait3A_239 = tpu.memref_squeeze %dma_wait3A_238 : memref<1x4x2x64xi32, #tpu.memory_space<vmem>> -> memref<4x2x64xi32, #tpu.memory_space<vmem>>
          %dma_wait3A_240 = arith.constant 0 : i32
          %dma_wait3A_241 = arith.constant 0 : i32
          %dma_wait3A_242 = tpu.memref_slice %arg3[%add3A_59, %dma_wait3A_240, %dma_wait3A_241] : memref<5120x2x64xi32, #tpu.memory_space<hbm>> -> memref<4x2x64xi32, #tpu.memory_space<hbm>>
          %dma_wait3A_243 = arith.constant 0 : i32
          %dma_wait3A_244 = arith.constant 0 : i32
          %dma_wait3A_245 = arith.constant 0 : i32
          %dma_wait3A_246 = tpu.memref_slice %arg5[%sub3A_157, %dma_wait3A_243, %dma_wait3A_244, %dma_wait3A_245] : memref<2x4x2x64xi32, #tpu.memory_space<vmem>> -> memref<1x4x2x64xi32, #tpu.memory_space<vmem>>
          %dma_wait3A_247 = tpu.memref_squeeze %dma_wait3A_246 : memref<1x4x2x64xi32, #tpu.memory_space<vmem>> -> memref<4x2x64xi32, #tpu.memory_space<vmem>>
          %dma_wait3A_248 = arith.constant 0 : i32
          %dma_wait3A_249 = arith.constant 0 : i32
          %dma_wait3A_250 = tpu.memref_slice %arg3[%add3A_59, %dma_wait3A_248, %dma_wait3A_249] : memref<5120x2x64xi32, #tpu.memory_space<hbm>> -> memref<4x2x64xi32, #tpu.memory_space<hbm>>
          tpu.wait_dma2 semaphore(%arg19 : memref<!tpu.dma_semaphore, #tpu.memory_space<semaphore_mem>>) src(%dma_wait3A_250 : memref<4x2x64xi32, #tpu.memory_space<hbm>>) dst(%dma_wait3A_247 : memref<4x2x64xi32, #tpu.memory_space<vmem>>)
          %dma_wait3A_251 = arith.constant 0 : i32
          %dma_wait3A_252 = arith.constant 1 : i32
          %dma_wait3A_253 = arith.constant 0 : i32
          %dma_wait3A_254 = tpu.memref_slice %arg5[%rem3A_156, %dma_wait3A_251, %dma_wait3A_252, %dma_wait3A_253] : memref<2x4x2x64xi32, #tpu.memory_space<vmem>> -> memref<1x1x1x64xi32, #tpu.memory_space<vmem>>
          %dma_wait3A_255 = tpu.memref_squeeze %dma_wait3A_254 : memref<1x1x1x64xi32, #tpu.memory_space<vmem>> -> memref<64xi32, #tpu.memory_space<vmem>>
          %dma_wait3A_256 = arith.constant 0 : i32
          %dma_wait3A_257 = arith.constant 0 : i32
          %dma_wait3A_258 = tpu.memref_slice %arg10[%dma_wait3A_256, %dma_wait3A_257] : memref<10240x128xf32, #tpu.memory_space<vmem_shared>> -> memref<10240x128xf32, #tpu.memory_space<vmem_shared>>
          tpu.wait_indirect_dma semaphore(%arg15 : memref<!tpu.dma_semaphore, #tpu.memory_space<semaphore_mem>>) src(%arg6 : memref<64x128xf32, #tpu.memory_space<vmem>>) dst(%dma_wait3A_258 : memref<10240x128xf32, #tpu.memory_space<vmem_shared>>)
          %dma_start3A_259 = arith.constant 0 : i32
          %dma_start3A_260 = arith.constant 0 : i32
          %dma_start3A_261 = arith.constant 0 : i32
          %dma_start3A_262 = tpu.memref_slice %arg5[%sub3A_157, %dma_start3A_259, %dma_start3A_260, %dma_start3A_261] : memref<2x4x2x64xi32, #tpu.memory_space<vmem>> -> memref<1x1x1x64xi32, #tpu.memory_space<vmem>>
          %dma_start3A_263 = tpu.memref_squeeze %dma_start3A_262 : memref<1x1x1x64xi32, #tpu.memory_space<vmem>> -> memref<64xi32, #tpu.memory_space<vmem>>
          %dma_start3A_264 = arith.constant 0 : i32
          %dma_start3A_265 = arith.constant 0 : i32
          %dma_start3A_266 = tpu.memref_slice %arg2[%dma_start3A_264, %dma_start3A_265] : memref<10240x128xf32, #tpu.memory_space<hbm>> -> memref<10240x128xf32, #tpu.memory_space<hbm>>
          tpu.enqueue_indirect_dma source(%dma_start3A_266 : memref<10240x128xf32, #tpu.memory_space<hbm>>) target(%arg6 : memref<64x128xf32, #tpu.memory_space<vmem>>) offsets(%dma_start3A_263 : memref<64xi32, #tpu.memory_space<vmem>>) semaphore(%arg11 : memref<!tpu.dma_semaphore, #tpu.memory_space<semaphore_mem>>)
          %dma_wait3A_267 = arith.constant 1 : i32
          %dma_wait3A_268 = arith.constant 1 : i32
          %dma_wait3A_269 = arith.constant 0 : i32
          %dma_wait3A_270 = tpu.memref_slice %arg5[%rem3A_156, %dma_wait3A_267, %dma_wait3A_268, %dma_wait3A_269] : memref<2x4x2x64xi32, #tpu.memory_space<vmem>> -> memref<1x1x1x64xi32, #tpu.memory_space<vmem>>
          %dma_wait3A_271 = tpu.memref_squeeze %dma_wait3A_270 : memref<1x1x1x64xi32, #tpu.memory_space<vmem>> -> memref<64xi32, #tpu.memory_space<vmem>>
          %dma_wait3A_272 = arith.constant 0 : i32
          %dma_wait3A_273 = arith.constant 0 : i32
          %dma_wait3A_274 = tpu.memref_slice %arg10[%dma_wait3A_272, %dma_wait3A_273] : memref<10240x128xf32, #tpu.memory_space<vmem_shared>> -> memref<10240x128xf32, #tpu.memory_space<vmem_shared>>
          tpu.wait_indirect_dma semaphore(%arg16 : memref<!tpu.dma_semaphore, #tpu.memory_space<semaphore_mem>>) src(%arg7 : memref<64x128xf32, #tpu.memory_space<vmem>>) dst(%dma_wait3A_274 : memref<10240x128xf32, #tpu.memory_space<vmem_shared>>)
          %dma_start3A_275 = arith.constant 1 : i32
          %dma_start3A_276 = arith.constant 0 : i32
          %dma_start3A_277 = arith.constant 0 : i32
          %dma_start3A_278 = tpu.memref_slice %arg5[%sub3A_157, %dma_start3A_275, %dma_start3A_276, %dma_start3A_277] : memref<2x4x2x64xi32, #tpu.memory_space<vmem>> -> memref<1x1x1x64xi32, #tpu.memory_space<vmem>>
          %dma_start3A_279 = tpu.memref_squeeze %dma_start3A_278 : memref<1x1x1x64xi32, #tpu.memory_space<vmem>> -> memref<64xi32, #tpu.memory_space<vmem>>
          %dma_start3A_280 = arith.constant 0 : i32
          %dma_start3A_281 = arith.constant 0 : i32
          %dma_start3A_282 = tpu.memref_slice %arg2[%dma_start3A_280, %dma_start3A_281] : memref<10240x128xf32, #tpu.memory_space<hbm>> -> memref<10240x128xf32, #tpu.memory_space<hbm>>
          tpu.enqueue_indirect_dma source(%dma_start3A_282 : memref<10240x128xf32, #tpu.memory_space<hbm>>) target(%arg7 : memref<64x128xf32, #tpu.memory_space<vmem>>) offsets(%dma_start3A_279 : memref<64xi32, #tpu.memory_space<vmem>>) semaphore(%arg12 : memref<!tpu.dma_semaphore, #tpu.memory_space<semaphore_mem>>)
          %dma_wait3A_283 = arith.constant 2 : i32
          %dma_wait3A_284 = arith.constant 1 : i32
          %dma_wait3A_285 = arith.constant 0 : i32
          %dma_wait3A_286 = tpu.memref_slice %arg5[%rem3A_156, %dma_wait3A_283, %dma_wait3A_284, %dma_wait3A_285] : memref<2x4x2x64xi32, #tpu.memory_space<vmem>> -> memref<1x1x1x64xi32, #tpu.memory_space<vmem>>
          %dma_wait3A_287 = tpu.memref_squeeze %dma_wait3A_286 : memref<1x1x1x64xi32, #tpu.memory_space<vmem>> -> memref<64xi32, #tpu.memory_space<vmem>>
          %dma_wait3A_288 = arith.constant 0 : i32
          %dma_wait3A_289 = arith.constant 0 : i32
          %dma_wait3A_290 = tpu.memref_slice %arg10[%dma_wait3A_288, %dma_wait3A_289] : memref<10240x128xf32, #tpu.memory_space<vmem_shared>> -> memref<10240x128xf32, #tpu.memory_space<vmem_shared>>
          tpu.wait_indirect_dma semaphore(%arg17 : memref<!tpu.dma_semaphore, #tpu.memory_space<semaphore_mem>>) src(%arg8 : memref<64x128xf32, #tpu.memory_space<vmem>>) dst(%dma_wait3A_290 : memref<10240x128xf32, #tpu.memory_space<vmem_shared>>)
          %dma_start3A_291 = arith.constant 2 : i32
          %dma_start3A_292 = arith.constant 0 : i32
          %dma_start3A_293 = arith.constant 0 : i32
          %dma_start3A_294 = tpu.memref_slice %arg5[%sub3A_157, %dma_start3A_291, %dma_start3A_292, %dma_start3A_293] : memref<2x4x2x64xi32, #tpu.memory_space<vmem>> -> memref<1x1x1x64xi32, #tpu.memory_space<vmem>>
          %dma_start3A_295 = tpu.memref_squeeze %dma_start3A_294 : memref<1x1x1x64xi32, #tpu.memory_space<vmem>> -> memref<64xi32, #tpu.memory_space<vmem>>
          %dma_start3A_296 = arith.constant 0 : i32
          %dma_start3A_297 = arith.constant 0 : i32
          %dma_start3A_298 = tpu.memref_slice %arg2[%dma_start3A_296, %dma_start3A_297] : memref<10240x128xf32, #tpu.memory_space<hbm>> -> memref<10240x128xf32, #tpu.memory_space<hbm>>
          tpu.enqueue_indirect_dma source(%dma_start3A_298 : memref<10240x128xf32, #tpu.memory_space<hbm>>) target(%arg8 : memref<64x128xf32, #tpu.memory_space<vmem>>) offsets(%dma_start3A_295 : memref<64xi32, #tpu.memory_space<vmem>>) semaphore(%arg13 : memref<!tpu.dma_semaphore, #tpu.memory_space<semaphore_mem>>)
          %dma_wait3A_299 = arith.constant 3 : i32
          %dma_wait3A_300 = arith.constant 1 : i32
          %dma_wait3A_301 = arith.constant 0 : i32
          %dma_wait3A_302 = tpu.memref_slice %arg5[%rem3A_156, %dma_wait3A_299, %dma_wait3A_300, %dma_wait3A_301] : memref<2x4x2x64xi32, #tpu.memory_space<vmem>> -> memref<1x1x1x64xi32, #tpu.memory_space<vmem>>
          %dma_wait3A_303 = tpu.memref_squeeze %dma_wait3A_302 : memref<1x1x1x64xi32, #tpu.memory_space<vmem>> -> memref<64xi32, #tpu.memory_space<vmem>>
          %dma_wait3A_304 = arith.constant 0 : i32
          %dma_wait3A_305 = arith.constant 0 : i32
          %dma_wait3A_306 = tpu.memref_slice %arg10[%dma_wait3A_304, %dma_wait3A_305] : memref<10240x128xf32, #tpu.memory_space<vmem_shared>> -> memref<10240x128xf32, #tpu.memory_space<vmem_shared>>
          tpu.wait_indirect_dma semaphore(%arg18 : memref<!tpu.dma_semaphore, #tpu.memory_space<semaphore_mem>>) src(%arg9 : memref<64x128xf32, #tpu.memory_space<vmem>>) dst(%dma_wait3A_306 : memref<10240x128xf32, #tpu.memory_space<vmem_shared>>)
          %dma_start3A_307 = arith.constant 3 : i32
          %dma_start3A_308 = arith.constant 0 : i32
          %dma_start3A_309 = arith.constant 0 : i32
          %dma_start3A_310 = tpu.memref_slice %arg5[%sub3A_157, %dma_start3A_307, %dma_start3A_308, %dma_start3A_309] : memref<2x4x2x64xi32, #tpu.memory_space<vmem>> -> memref<1x1x1x64xi32, #tpu.memory_space<vmem>>
          %dma_start3A_311 = tpu.memref_squeeze %dma_start3A_310 : memref<1x1x1x64xi32, #tpu.memory_space<vmem>> -> memref<64xi32, #tpu.memory_space<vmem>>
          %dma_start3A_312 = arith.constant 0 : i32
          %dma_start3A_313 = arith.constant 0 : i32
          %dma_start3A_314 = tpu.memref_slice %arg2[%dma_start3A_312, %dma_start3A_313] : memref<10240x128xf32, #tpu.memory_space<hbm>> -> memref<10240x128xf32, #tpu.memory_space<hbm>>
          tpu.enqueue_indirect_dma source(%dma_start3A_314 : memref<10240x128xf32, #tpu.memory_space<hbm>>) target(%arg9 : memref<64x128xf32, #tpu.memory_space<vmem>>) offsets(%dma_start3A_311 : memref<64xi32, #tpu.memory_space<vmem>>) semaphore(%arg14 : memref<!tpu.dma_semaphore, #tpu.memory_space<semaphore_mem>>)
        } else {
        }
        %add3A_228 = arith.constant 2 : i32
        %add3A_229 = arith.addi %scan3A_155, %add3A_228 : i32
        %lt3A_230 = arith.constant 6 : i32
        %lt3A_231 = arith.cmpi slt, %add3A_229, %lt3A_230 : i32
        %convert_element_type3A_232 = arith.extui %lt3A_231 : i1 to i32
        %cond3A_233 = arith.constant 0 : i32
        %cond3A_234 = arith.cmpi ne, %convert_element_type3A_232, %cond3A_233 : i32
        scf.if %cond3A_234 {
          %add3A_235 = arith.constant 2 : i32
          %add3A_236 = arith.addi %scan3A_155, %add3A_235 : i32
          %mul3A_237 = arith.constant 4 : i32
          %mul3A_238 = arith.muli %add3A_236, %mul3A_237 : i32
          %add3A_239 = arith.addi %add3A_59, %mul3A_238 : i32
          %dma_start3A_240 = arith.constant 0 : i32
          %dma_start3A_241 = arith.constant 0 : i32
          %dma_start3A_242 = arith.constant 0 : i32
          %dma_start3A_243 = tpu.memref_slice %arg5[%rem3A_156, %dma_start3A_240, %dma_start3A_241, %dma_start3A_242] : memref<2x4x2x64xi32, #tpu.memory_space<vmem>> -> memref<1x4x2x64xi32, #tpu.memory_space<vmem>>
          %dma_start3A_244 = tpu.memref_squeeze %dma_start3A_243 : memref<1x4x2x64xi32, #tpu.memory_space<vmem>> -> memref<4x2x64xi32, #tpu.memory_space<vmem>>
          %dma_start3A_245 = arith.constant 0 : i32
          %dma_start3A_246 = arith.constant 0 : i32
          %dma_start3A_247 = tpu.memref_slice %arg3[%add3A_239, %dma_start3A_245, %dma_start3A_246] : memref<5120x2x64xi32, #tpu.memory_space<hbm>> -> memref<4x2x64xi32, #tpu.memory_space<hbm>>
          %dma_start3A_248 = arith.constant 0 : i32
          %dma_start3A_249 = arith.constant 0 : i32
          %dma_start3A_250 = arith.constant 0 : i32
          %dma_start3A_251 = tpu.memref_slice %arg5[%rem3A_156, %dma_start3A_248, %dma_start3A_249, %dma_start3A_250] : memref<2x4x2x64xi32, #tpu.memory_space<vmem>> -> memref<1x4x2x64xi32, #tpu.memory_space<vmem>>
          %dma_start3A_252 = tpu.memref_squeeze %dma_start3A_251 : memref<1x4x2x64xi32, #tpu.memory_space<vmem>> -> memref<4x2x64xi32, #tpu.memory_space<vmem>>
          %dma_start3A_253 = arith.constant 0 : i32
          %dma_start3A_254 = arith.constant 0 : i32
          %dma_start3A_255 = tpu.memref_slice %arg3[%add3A_239, %dma_start3A_253, %dma_start3A_254] : memref<5120x2x64xi32, #tpu.memory_space<hbm>> -> memref<4x2x64xi32, #tpu.memory_space<hbm>>
          tpu.enqueue_dma source(%dma_start3A_255 : memref<4x2x64xi32, #tpu.memory_space<hbm>>) target(%dma_start3A_252 : memref<4x2x64xi32, #tpu.memory_space<vmem>>) target_semaphore(%arg19 : memref<!tpu.dma_semaphore, #tpu.memory_space<semaphore_mem>>)
        } else {
        }
      }
      %scan3A_119 = arith.constant 6 : i32
      %dma_wait3A = arith.constant 0 : i32
      %dma_wait3A_120 = arith.constant 0 : i32
      %dma_wait3A_121 = arith.constant 1 : i32
      %dma_wait3A_122 = arith.constant 0 : i32
      %dma_wait3A_123 = tpu.memref_slice %arg5[%dma_wait3A, %dma_wait3A_120, %dma_wait3A_121, %dma_wait3A_122] : memref<2x4x2x64xi32, #tpu.memory_space<vmem>> -> memref<1x1x1x64xi32, #tpu.memory_space<vmem>>
      %dma_wait3A_124 = tpu.memref_squeeze %dma_wait3A_123 : memref<1x1x1x64xi32, #tpu.memory_space<vmem>> -> memref<64xi32, #tpu.memory_space<vmem>>
      %dma_wait3A_125 = arith.constant 0 : i32
      %dma_wait3A_126 = arith.constant 0 : i32
      %dma_wait3A_127 = tpu.memref_slice %arg10[%dma_wait3A_125, %dma_wait3A_126] : memref<10240x128xf32, #tpu.memory_space<vmem_shared>> -> memref<10240x128xf32, #tpu.memory_space<vmem_shared>>
      tpu.wait_indirect_dma semaphore(%arg15 : memref<!tpu.dma_semaphore, #tpu.memory_space<semaphore_mem>>) src(%arg6 : memref<64x128xf32, #tpu.memory_space<vmem>>) dst(%dma_wait3A_127 : memref<10240x128xf32, #tpu.memory_space<vmem_shared>>)
      %dma_wait3A_128 = arith.constant 0 : i32
      %dma_wait3A_129 = arith.constant 1 : i32
      %dma_wait3A_130 = arith.constant 1 : i32
      %dma_wait3A_131 = arith.constant 0 : i32
      %dma_wait3A_132 = tpu.memref_slice %arg5[%dma_wait3A_128, %dma_wait3A_129, %dma_wait3A_130, %dma_wait3A_131] : memref<2x4x2x64xi32, #tpu.memory_space<vmem>> -> memref<1x1x1x64xi32, #tpu.memory_space<vmem>>
      %dma_wait3A_133 = tpu.memref_squeeze %dma_wait3A_132 : memref<1x1x1x64xi32, #tpu.memory_space<vmem>> -> memref<64xi32, #tpu.memory_space<vmem>>
      %dma_wait3A_134 = arith.constant 0 : i32
      %dma_wait3A_135 = arith.constant 0 : i32
      %dma_wait3A_136 = tpu.memref_slice %arg10[%dma_wait3A_134, %dma_wait3A_135] : memref<10240x128xf32, #tpu.memory_space<vmem_shared>> -> memref<10240x128xf32, #tpu.memory_space<vmem_shared>>
      tpu.wait_indirect_dma semaphore(%arg16 : memref<!tpu.dma_semaphore, #tpu.memory_space<semaphore_mem>>) src(%arg7 : memref<64x128xf32, #tpu.memory_space<vmem>>) dst(%dma_wait3A_136 : memref<10240x128xf32, #tpu.memory_space<vmem_shared>>)
      %dma_wait3A_137 = arith.constant 0 : i32
      %dma_wait3A_138 = arith.constant 2 : i32
      %dma_wait3A_139 = arith.constant 1 : i32
      %dma_wait3A_140 = arith.constant 0 : i32
      %dma_wait3A_141 = tpu.memref_slice %arg5[%dma_wait3A_137, %dma_wait3A_138, %dma_wait3A_139, %dma_wait3A_140] : memref<2x4x2x64xi32, #tpu.memory_space<vmem>> -> memref<1x1x1x64xi32, #tpu.memory_space<vmem>>
      %dma_wait3A_142 = tpu.memref_squeeze %dma_wait3A_141 : memref<1x1x1x64xi32, #tpu.memory_space<vmem>> -> memref<64xi32, #tpu.memory_space<vmem>>
      %dma_wait3A_143 = arith.constant 0 : i32
      %dma_wait3A_144 = arith.constant 0 : i32
      %dma_wait3A_145 = tpu.memref_slice %arg10[%dma_wait3A_143, %dma_wait3A_144] : memref<10240x128xf32, #tpu.memory_space<vmem_shared>> -> memref<10240x128xf32, #tpu.memory_space<vmem_shared>>
      tpu.wait_indirect_dma semaphore(%arg17 : memref<!tpu.dma_semaphore, #tpu.memory_space<semaphore_mem>>) src(%arg8 : memref<64x128xf32, #tpu.memory_space<vmem>>) dst(%dma_wait3A_145 : memref<10240x128xf32, #tpu.memory_space<vmem_shared>>)
      %dma_wait3A_146 = arith.constant 0 : i32
      %dma_wait3A_147 = arith.constant 3 : i32
      %dma_wait3A_148 = arith.constant 1 : i32
      %dma_wait3A_149 = arith.constant 0 : i32
      %dma_wait3A_150 = tpu.memref_slice %arg5[%dma_wait3A_146, %dma_wait3A_147, %dma_wait3A_148, %dma_wait3A_149] : memref<2x4x2x64xi32, #tpu.memory_space<vmem>> -> memref<1x1x1x64xi32, #tpu.memory_space<vmem>>
      %dma_wait3A_151 = tpu.memref_squeeze %dma_wait3A_150 : memref<1x1x1x64xi32, #tpu.memory_space<vmem>> -> memref<64xi32, #tpu.memory_space<vmem>>
      %dma_wait3A_152 = arith.constant 0 : i32
      %dma_wait3A_153 = arith.constant 0 : i32
      %dma_wait3A_154 = tpu.memref_slice %arg10[%dma_wait3A_152, %dma_wait3A_153] : memref<10240x128xf32, #tpu.memory_space<vmem_shared>> -> memref<10240x128xf32, #tpu.memory_space<vmem_shared>>
      tpu.wait_indirect_dma semaphore(%arg18 : memref<!tpu.dma_semaphore, #tpu.memory_space<semaphore_mem>>) src(%arg9 : memref<64x128xf32, #tpu.memory_space<vmem>>) dst(%dma_wait3A_154 : memref<10240x128xf32, #tpu.memory_space<vmem_shared>>)
    } else {
    }
    %barrier3A_51 = arith.constant 0 : index
    tpu.barrier barrier_id(%barrier3A_51)
    %mul3A_52 = arith.constant 640 : i32
    %mul3A_53 = arith.muli %arg1, %mul3A_52 : i32
    %mul3A_54 = arith.constant 640 : i32
    %mul3A_55 = arith.muli %arg1, %mul3A_54 : i32
    "tpu.region"() ({
      %run_scoped3A = tpu.sem_alloc : memref<!tpu.dma_semaphore, #tpu.memory_space<semaphore_mem>>
      %dma_start3A = arith.constant 0 : i32
      %dma_start3A_56 = tpu.memref_slice %arg4[%arg0, %mul3A_55, %dma_start3A] : memref<2x10240x128xf32, #tpu.memory_space<hbm>> -> memref<1x640x128xf32, #tpu.memory_space<hbm>>
      %dma_start3A_57 = tpu.memref_squeeze %dma_start3A_56 : memref<1x640x128xf32, #tpu.memory_space<hbm>> -> memref<640x128xf32, #tpu.memory_space<hbm>>
      %dma_start3A_58 = arith.constant 0 : i32
      %dma_start3A_59 = tpu.memref_slice %arg10[%mul3A_53, %dma_start3A_58] : memref<10240x128xf32, #tpu.memory_space<vmem_shared>> -> memref<640x128xf32, #tpu.memory_space<vmem_shared>>
      tpu.enqueue_dma source(%dma_start3A_59 : memref<640x128xf32, #tpu.memory_space<vmem_shared>>) target(%dma_start3A_57 : memref<640x128xf32, #tpu.memory_space<hbm>>) target_semaphore(%run_scoped3A : memref<!tpu.dma_semaphore, #tpu.memory_space<semaphore_mem>>)
      %dma_wait3A = arith.constant 0 : i32
      %dma_wait3A_60 = tpu.memref_slice %arg4[%arg0, %mul3A_55, %dma_wait3A] : memref<2x10240x128xf32, #tpu.memory_space<hbm>> -> memref<1x640x128xf32, #tpu.memory_space<hbm>>
      %dma_wait3A_61 = tpu.memref_squeeze %dma_wait3A_60 : memref<1x640x128xf32, #tpu.memory_space<hbm>> -> memref<640x128xf32, #tpu.memory_space<hbm>>
      %dma_wait3A_62 = arith.constant 0 : i32
      %dma_wait3A_63 = tpu.memref_slice %arg10[%mul3A_53, %dma_wait3A_62] : memref<10240x128xf32, #tpu.memory_space<vmem_shared>> -> memref<640x128xf32, #tpu.memory_space<vmem_shared>>
      tpu.wait_dma2 semaphore(%run_scoped3A : memref<!tpu.dma_semaphore, #tpu.memory_space<semaphore_mem>>) src(%dma_wait3A_63 : memref<640x128xf32, #tpu.memory_space<vmem_shared>>) dst(%dma_wait3A_61 : memref<640x128xf32, #tpu.memory_space<hbm>>)
      tpu.yield
    }) : () -> ()
    return
  }
}

module attributes {stable_mosaic.version = 14 : i64} {
  func.func @_mlp_body(%arg0: i32, %arg1: memref<2048x128xf32, #tpu.memory_space<vmem>>, %arg2: memref<128x128xf32, #tpu.memory_space<vmem>>, %arg3: memref<1x128xf32, #tpu.memory_space<vmem>>, %arg4: memref<128x128xf32, #tpu.memory_space<vmem>>, %arg5: memref<1x128xf32, #tpu.memory_space<vmem>>, %arg6: memref<128x128xf32, #tpu.memory_space<vmem>>, %arg7: memref<1x128xf32, #tpu.memory_space<vmem>>, %arg8: memref<2048x128xf32, #tpu.memory_space<vmem>>, %arg9: memref<2048x128xf32, #tpu.memory_space<vmem>>) attributes {dimension_semantics = [#tpu.dimension_semantics<arbitrary>], iteration_bounds = array<i64: 5>, scalar_prefetch = 0 : i64, scratch_operands = 0 : i64, tpu.core_type = #tpu.core_type<tc>, window_params = [{transform_indices = @transform_0, window_bounds = array<i64: 2048, 128>}, {pipeline_mode = #tpu.pipeline_mode<synchronous>, transform_indices = @transform_1, window_bounds = array<i64: 128, 128>}, {pipeline_mode = #tpu.pipeline_mode<synchronous>, transform_indices = @transform_2, window_bounds = array<i64: 1, 128>}, {pipeline_mode = #tpu.pipeline_mode<synchronous>, transform_indices = @transform_3, window_bounds = array<i64: 128, 128>}, {pipeline_mode = #tpu.pipeline_mode<synchronous>, transform_indices = @transform_4, window_bounds = array<i64: 1, 128>}, {pipeline_mode = #tpu.pipeline_mode<synchronous>, transform_indices = @transform_5, window_bounds = array<i64: 128, 128>}, {pipeline_mode = #tpu.pipeline_mode<synchronous>, transform_indices = @transform_6, window_bounds = array<i64: 1, 128>}, {transform_indices = @transform_7, window_bounds = array<i64: 2048, 128>}, {transform_indices = @transform_8, window_bounds = array<i64: 2048, 128>}]} {
    %get3A = arith.constant 0 : index
    %get3A_0 = arith.constant 0 : index
    %get3A_1 = vector.load %arg1[%get3A, %get3A_0] : memref<2048x128xf32, #tpu.memory_space<vmem>>, vector<2048x128xf32>
    %get3A_2 = arith.constant 0 : index
    %get3A_3 = arith.constant 0 : index
    %get3A_4 = vector.load %arg2[%get3A_2, %get3A_3] : memref<128x128xf32, #tpu.memory_space<vmem>>, vector<128x128xf32>
    %dot_general3A = arith.constant dense<0.000000e+00> : vector<2048x128xf32>
    %dot_general3A_5 = tpu.matmul %get3A_1, %get3A_4, %dot_general3A {dimension_numbers = #tpu.dot_dimension_numbers<[1], [0], [0], [1], [0, 0, 1, 1], [], []>, transpose_lhs_hint = false} : vector<2048x128xf32>, vector<128x128xf32>, vector<2048x128xf32> -> vector<2048x128xf32>
    %get3A_6 = arith.constant 0 : index
    %get3A_7 = arith.constant 0 : index
    %get3A_8 = vector.load %arg3[%get3A_6, %get3A_7] : memref<1x128xf32, #tpu.memory_space<vmem>>, vector<1x128xf32>
    %add3A = vector.broadcast %get3A_8 : vector<1x128xf32> to vector<2048x128xf32>
    %add3A_9 = arith.addf %dot_general3A_5, %add3A : vector<2048x128xf32>
    %max3A = arith.constant 0.000000e+00 : f32
    %max3A_10 = vector.broadcast %max3A : f32 to vector<2048x128xf32>
    %max3A_11 = arith.maximumf %add3A_9, %max3A_10 : vector<2048x128xf32>
    %get3A_12 = arith.constant 0 : index
    %get3A_13 = arith.constant 0 : index
    %get3A_14 = vector.load %arg4[%get3A_12, %get3A_13] : memref<128x128xf32, #tpu.memory_space<vmem>>, vector<128x128xf32>
    %dot_general3A_15 = arith.constant dense<0.000000e+00> : vector<2048x128xf32>
    %dot_general3A_16 = tpu.matmul %max3A_11, %get3A_14, %dot_general3A_15 {dimension_numbers = #tpu.dot_dimension_numbers<[1], [0], [0], [1], [0, 0, 1, 1], [], []>, transpose_lhs_hint = false} : vector<2048x128xf32>, vector<128x128xf32>, vector<2048x128xf32> -> vector<2048x128xf32>
    %get3A_17 = arith.constant 0 : index
    %get3A_18 = arith.constant 0 : index
    %get3A_19 = vector.load %arg5[%get3A_17, %get3A_18] : memref<1x128xf32, #tpu.memory_space<vmem>>, vector<1x128xf32>
    %add3A_20 = vector.broadcast %get3A_19 : vector<1x128xf32> to vector<2048x128xf32>
    %add3A_21 = arith.addf %dot_general3A_16, %add3A_20 : vector<2048x128xf32>
    %max3A_22 = arith.constant 0.000000e+00 : f32
    %max3A_23 = vector.broadcast %max3A_22 : f32 to vector<2048x128xf32>
    %max3A_24 = arith.maximumf %add3A_21, %max3A_23 : vector<2048x128xf32>
    %swap3A = arith.constant 0 : index
    %swap3A_25 = arith.constant 0 : index
    %swap3A_26 = vector.load %arg8[%swap3A, %swap3A_25] : memref<2048x128xf32, #tpu.memory_space<vmem>>, vector<2048x128xf32>
    tpu.vector_store %arg8[%swap3A, %swap3A_25], %max3A_24 {strides = array<i32>} : memref<2048x128xf32, #tpu.memory_space<vmem>>, vector<2048x128xf32>,
    %get3A_27 = arith.constant 0 : index
    %get3A_28 = arith.constant 0 : index
    %get3A_29 = vector.load %arg6[%get3A_27, %get3A_28] : memref<128x128xf32, #tpu.memory_space<vmem>>, vector<128x128xf32>
    %dot_general3A_30 = arith.constant dense<0.000000e+00> : vector<2048x128xf32>
    %dot_general3A_31 = tpu.matmul %max3A_24, %get3A_29, %dot_general3A_30 {dimension_numbers = #tpu.dot_dimension_numbers<[1], [0], [0], [1], [0, 0, 1, 1], [], []>, transpose_lhs_hint = false} : vector<2048x128xf32>, vector<128x128xf32>, vector<2048x128xf32> -> vector<2048x128xf32>
    %get3A_32 = arith.constant 0 : index
    %get3A_33 = arith.constant 0 : index
    %get3A_34 = vector.load %arg7[%get3A_32, %get3A_33] : memref<1x128xf32, #tpu.memory_space<vmem>>, vector<1x128xf32>
    %add3A_35 = vector.broadcast %get3A_34 : vector<1x128xf32> to vector<2048x128xf32>
    %add3A_36 = arith.addf %dot_general3A_31, %add3A_35 : vector<2048x128xf32>
    %swap3A_37 = arith.constant 0 : index
    %swap3A_38 = arith.constant 0 : index
    %swap3A_39 = vector.load %arg9[%swap3A_37, %swap3A_38] : memref<2048x128xf32, #tpu.memory_space<vmem>>, vector<2048x128xf32>
    tpu.vector_store %arg9[%swap3A_37, %swap3A_38], %add3A_36 {strides = array<i32>} : memref<2048x128xf32, #tpu.memory_space<vmem>>, vector<2048x128xf32>,
    return
  }
  func.func @transform_0(%arg0: i32) -> (i32, i32) {
    %c0_i32 = arith.constant 0 : i32
    %c0_i32_0 = arith.constant 0 : i32
    return %arg0, %c0_i32 : i32, i32
  }
  func.func @transform_1(%arg0: i32) -> (i32, i32) {
    %c0_i32 = arith.constant 0 : i32
    %c0_i32_0 = arith.constant 0 : i32
    %c0_i32_1 = arith.constant 0 : i32
    return %c0_i32, %c0_i32_0 : i32, i32
  }
  func.func @transform_2(%arg0: i32) -> (i32, i32) {
    %c0_i32 = arith.constant 0 : i32
    %c0_i32_0 = arith.constant 0 : i32
    %c0_i32_1 = arith.constant 0 : i32
    return %c0_i32, %c0_i32_0 : i32, i32
  }
  func.func @transform_3(%arg0: i32) -> (i32, i32) {
    %c0_i32 = arith.constant 0 : i32
    %c0_i32_0 = arith.constant 0 : i32
    %c0_i32_1 = arith.constant 0 : i32
    return %c0_i32, %c0_i32_0 : i32, i32
  }
  func.func @transform_4(%arg0: i32) -> (i32, i32) {
    %c0_i32 = arith.constant 0 : i32
    %c0_i32_0 = arith.constant 0 : i32
    %c0_i32_1 = arith.constant 0 : i32
    return %c0_i32, %c0_i32_0 : i32, i32
  }
  func.func @transform_5(%arg0: i32) -> (i32, i32) {
    %c0_i32 = arith.constant 0 : i32
    %c0_i32_0 = arith.constant 0 : i32
    %c0_i32_1 = arith.constant 0 : i32
    return %c0_i32, %c0_i32_0 : i32, i32
  }
  func.func @transform_6(%arg0: i32) -> (i32, i32) {
    %c0_i32 = arith.constant 0 : i32
    %c0_i32_0 = arith.constant 0 : i32
    %c0_i32_1 = arith.constant 0 : i32
    return %c0_i32, %c0_i32_0 : i32, i32
  }
  func.func @transform_7(%arg0: i32) -> (i32, i32) {
    %c0_i32 = arith.constant 0 : i32
    %c0_i32_0 = arith.constant 0 : i32
    return %arg0, %c0_i32 : i32, i32
  }
  func.func @transform_8(%arg0: i32) -> (i32, i32) {
    %c0_i32 = arith.constant 0 : i32
    %c0_i32_0 = arith.constant 0 : i32
    return %arg0, %c0_i32 : i32, i32
  }
}

module attributes {stable_mosaic.version = 14 : i64} {
  func.func @_scale_body(%arg0: i32, %arg1: memref<32x2048xf32, #tpu.memory_space<vmem>>, %arg2: memref<2048x128xf32, #tpu.memory_space<vmem>>, %arg3: memref<2048xf32, #tpu.memory_space<vmem>>, %arg4: memref<2048x128xf32, #tpu.memory_space<vmem>>) attributes {dimension_semantics = [#tpu.dimension_semantics<arbitrary>], iteration_bounds = array<i64: 5>, scalar_prefetch = 0 : i64, scratch_operands = 0 : i64, tpu.core_type = #tpu.core_type<tc>, window_params = [{transform_indices = @transform_0, window_bounds = array<i64: 32, 2048>}, {transform_indices = @transform_1, window_bounds = array<i64: 2048, 128>}, {transform_indices = @transform_2, window_bounds = array<i64: 2048>}, {transform_indices = @transform_3, window_bounds = array<i64: 2048, 128>}]} {
    %get3A = arith.constant 0 : index
    %get3A_0 = arith.constant 0 : index
    %get3A_1 = vector.load %arg1[%get3A, %get3A_0] : memref<32x2048xf32, #tpu.memory_space<vmem>>, vector<32x2048xf32>
    %reduce_sum3A = arith.constant dense<0.000000e+00> : vector<2048xf32>
    %reduce_sum3A_2 = vector.multi_reduction <add>, %get3A_1, %reduce_sum3A [0] : vector<32x2048xf32> to vector<2048xf32>
    %max3A = arith.constant 1.000000e+00 : f32
    %max3A_3 = vector.broadcast %max3A : f32 to vector<2048xf32>
    %max3A_4 = arith.maximumf %reduce_sum3A_2, %max3A_3 : vector<2048xf32>
    %rsqrt3A = math.rsqrt %max3A_4 : vector<2048xf32>
    %swap3A = arith.constant 0 : index
    %swap3A_5 = vector.load %arg3[%swap3A] : memref<2048xf32, #tpu.memory_space<vmem>>, vector<2048xf32>
    tpu.vector_store %arg3[%swap3A], %rsqrt3A {strides = array<i32>} : memref<2048xf32, #tpu.memory_space<vmem>>, vector<2048xf32>,
    %get3A_6 = arith.constant 0 : index
    %get3A_7 = arith.constant 0 : index
    %get3A_8 = vector.load %arg2[%get3A_6, %get3A_7] : memref<2048x128xf32, #tpu.memory_space<vmem>>, vector<2048x128xf32>
    %broadcast_in_dim3A = vector.shape_cast %rsqrt3A : vector<2048xf32> to vector<2048x1xf32>
    %mul3A = vector.broadcast %broadcast_in_dim3A : vector<2048x1xf32> to vector<2048x128xf32>
    %mul3A_9 = arith.mulf %get3A_8, %mul3A : vector<2048x128xf32>
    %swap3A_10 = arith.constant 0 : index
    %swap3A_11 = arith.constant 0 : index
    %swap3A_12 = vector.load %arg4[%swap3A_10, %swap3A_11] : memref<2048x128xf32, #tpu.memory_space<vmem>>, vector<2048x128xf32>
    tpu.vector_store %arg4[%swap3A_10, %swap3A_11], %mul3A_9 {strides = array<i32>} : memref<2048x128xf32, #tpu.memory_space<vmem>>, vector<2048x128xf32>,
    return
  }
  func.func @transform_0(%arg0: i32) -> (i32, i32) {
    %c0_i32 = arith.constant 0 : i32
    %c0_i32_0 = arith.constant 0 : i32
    return %c0_i32, %arg0 : i32, i32
  }
  func.func @transform_1(%arg0: i32) -> (i32, i32) {
    %c0_i32 = arith.constant 0 : i32
    %c0_i32_0 = arith.constant 0 : i32
    return %arg0, %c0_i32 : i32, i32
  }
  func.func @transform_2(%arg0: i32) -> i32 {
    %c0_i32 = arith.constant 0 : i32
    return %arg0 : i32
  }
  func.func @transform_3(%arg0: i32) -> (i32, i32) {
    %c0_i32 = arith.constant 0 : i32
    %c0_i32_0 = arith.constant 0 : i32
    return %arg0, %c0_i32 : i32, i32
  }
}

module attributes {stable_mosaic.version = 14 : i64} {
  func.func @_update_body(%arg0: i32, %arg1: memref<2x2048x128xf32, #tpu.memory_space<vmem>>, %arg2: memref<2048x128xf32, #tpu.memory_space<vmem>>, %arg3: memref<2048xf32, #tpu.memory_space<vmem>>, %arg4: memref<2048x128xf32, #tpu.memory_space<vmem>>, %arg5: memref<2048x128xf32, #tpu.memory_space<vmem>>) attributes {dimension_semantics = [#tpu.dimension_semantics<arbitrary>], iteration_bounds = array<i64: 5>, scalar_prefetch = 0 : i64, scratch_operands = 0 : i64, tpu.core_type = #tpu.core_type<tc>, window_params = [{transform_indices = @transform_0, window_bounds = array<i64: 2, 2048, 128>}, {transform_indices = @transform_1, window_bounds = array<i64: 2048, 128>}, {transform_indices = @transform_2, window_bounds = array<i64: 2048>}, {transform_indices = @transform_3, window_bounds = array<i64: 2048, 128>}, {transform_indices = @transform_4, window_bounds = array<i64: 2048, 128>}]} {
    %get3A = arith.constant 0 : index
    %get3A_0 = arith.constant 0 : index
    %get3A_1 = arith.constant 0 : index
    %get3A_2 = vector.load %arg1[%get3A, %get3A_0, %get3A_1] : memref<2x2048x128xf32, #tpu.memory_space<vmem>>, vector<1x2048x128xf32>
    %get3A_3 = vector.shape_cast %get3A_2 : vector<1x2048x128xf32> to vector<2048x128xf32>
    %get3A_4 = arith.constant 1 : index
    %get3A_5 = arith.constant 0 : index
    %get3A_6 = arith.constant 0 : index
    %get3A_7 = vector.load %arg1[%get3A_4, %get3A_5, %get3A_6] : memref<2x2048x128xf32, #tpu.memory_space<vmem>>, vector<1x2048x128xf32>
    %get3A_8 = vector.shape_cast %get3A_7 : vector<1x2048x128xf32> to vector<2048x128xf32>
    %add3A = arith.addf %get3A_3, %get3A_8 : vector<2048x128xf32>
    %get3A_9 = arith.constant 0 : index
    %get3A_10 = vector.load %arg3[%get3A_9] : memref<2048xf32, #tpu.memory_space<vmem>>, vector<2048xf32>
    %broadcast_in_dim3A = vector.shape_cast %get3A_10 : vector<2048xf32> to vector<2048x1xf32>
    %get3A_11 = arith.constant 0 : index
    %get3A_12 = arith.constant 0 : index
    %get3A_13 = vector.load %arg2[%get3A_11, %get3A_12] : memref<2048x128xf32, #tpu.memory_space<vmem>>, vector<2048x128xf32>
    %mul3A = vector.broadcast %broadcast_in_dim3A : vector<2048x1xf32> to vector<2048x128xf32>
    %mul3A_14 = arith.mulf %add3A, %mul3A : vector<2048x128xf32>
    %sub3A = arith.subf %get3A_13, %mul3A_14 : vector<2048x128xf32>
    %swap3A = arith.constant 0 : index
    %swap3A_15 = arith.constant 0 : index
    %swap3A_16 = vector.load %arg4[%swap3A, %swap3A_15] : memref<2048x128xf32, #tpu.memory_space<vmem>>, vector<2048x128xf32>
    tpu.vector_store %arg4[%swap3A, %swap3A_15], %sub3A {strides = array<i32>} : memref<2048x128xf32, #tpu.memory_space<vmem>>, vector<2048x128xf32>,
    %mul3A_17 = vector.broadcast %broadcast_in_dim3A : vector<2048x1xf32> to vector<2048x128xf32>
    %mul3A_18 = arith.mulf %sub3A, %mul3A_17 : vector<2048x128xf32>
    %swap3A_19 = arith.constant 0 : index
    %swap3A_20 = arith.constant 0 : index
    %swap3A_21 = vector.load %arg5[%swap3A_19, %swap3A_20] : memref<2048x128xf32, #tpu.memory_space<vmem>>, vector<2048x128xf32>
    tpu.vector_store %arg5[%swap3A_19, %swap3A_20], %mul3A_18 {strides = array<i32>} : memref<2048x128xf32, #tpu.memory_space<vmem>>, vector<2048x128xf32>,
    return
  }
  func.func @transform_0(%arg0: i32) -> (i32, i32, i32) {
    %c0_i32 = arith.constant 0 : i32
    %c0_i32_0 = arith.constant 0 : i32
    %c0_i32_1 = arith.constant 0 : i32
    return %c0_i32, %arg0, %c0_i32_0 : i32, i32, i32
  }
  func.func @transform_1(%arg0: i32) -> (i32, i32) {
    %c0_i32 = arith.constant 0 : i32
    %c0_i32_0 = arith.constant 0 : i32
    return %arg0, %c0_i32 : i32, i32
  }
  func.func @transform_2(%arg0: i32) -> i32 {
    %c0_i32 = arith.constant 0 : i32
    return %arg0 : i32
  }
  func.func @transform_3(%arg0: i32) -> (i32, i32) {
    %c0_i32 = arith.constant 0 : i32
    %c0_i32_0 = arith.constant 0 : i32
    return %arg0, %c0_i32 : i32, i32
  }
  func.func @transform_4(%arg0: i32) -> (i32, i32) {
    %c0_i32 = arith.constant 0 : i32
    %c0_i32_0 = arith.constant 0 : i32
    return %arg0, %c0_i32 : i32, i32
  }
}

module attributes {stable_mosaic.version = 14 : i64} {
  func.func @_final_body(%arg0: i32, %arg1: memref<2x2048x128xf32, #tpu.memory_space<vmem>>, %arg2: memref<2048x128xf32, #tpu.memory_space<vmem>>, %arg3: memref<2048x128xf32, #tpu.memory_space<vmem>>, %arg4: memref<2048xf32, #tpu.memory_space<vmem>>, %arg5: memref<2048x128xf32, #tpu.memory_space<vmem>>, %arg6: memref<128x1xf32, #tpu.memory_space<vmem>>, %arg7: memref<1x1xf32, #tpu.memory_space<vmem>>, %arg8: memref<256x128xf32, #tpu.memory_space<vmem>>, %arg9: memref<1x128xf32, #tpu.memory_space<vmem>>, %arg10: memref<128x1xf32, #tpu.memory_space<vmem>>, %arg11: memref<1x1xf32, #tpu.memory_space<vmem>>, %arg12: memref<128x128xf32, #tpu.memory_space<vmem>>, %arg13: memref<1x128xf32, #tpu.memory_space<vmem>>, %arg14: memref<128x2xf32, #tpu.memory_space<vmem>>, %arg15: memref<1x2xf32, #tpu.memory_space<vmem>>, %arg16: memref<2048x2xf32, #tpu.memory_space<vmem>>) attributes {dimension_semantics = [#tpu.dimension_semantics<arbitrary>], iteration_bounds = array<i64: 5>, scalar_prefetch = 0 : i64, scratch_operands = 0 : i64, tpu.core_type = #tpu.core_type<tc>, window_params = [{transform_indices = @transform_0, window_bounds = array<i64: 2, 2048, 128>}, {transform_indices = @transform_1, window_bounds = array<i64: 2048, 128>}, {transform_indices = @transform_2, window_bounds = array<i64: 2048, 128>}, {transform_indices = @transform_3, window_bounds = array<i64: 2048>}, {transform_indices = @transform_4, window_bounds = array<i64: 2048, 128>}, {pipeline_mode = #tpu.pipeline_mode<synchronous>, transform_indices = @transform_5, window_bounds = array<i64: 128, 1>}, {pipeline_mode = #tpu.pipeline_mode<synchronous>, transform_indices = @transform_6, window_bounds = array<i64: 1, 1>}, {pipeline_mode = #tpu.pipeline_mode<synchronous>, transform_indices = @transform_7, window_bounds = array<i64: 256, 128>}, {pipeline_mode = #tpu.pipeline_mode<synchronous>, transform_indices = @transform_8, window_bounds = array<i64: 1, 128>}, {pipeline_mode = #tpu.pipeline_mode<synchronous>, transform_indices = @transform_9, window_bounds = array<i64: 128, 1>}, {pipeline_mode = #tpu.pipeline_mode<synchronous>, transform_indices = @transform_10, window_bounds = array<i64: 1, 1>}, {pipeline_mode = #tpu.pipeline_mode<synchronous>, transform_indices = @transform_11, window_bounds = array<i64: 128, 128>}, {pipeline_mode = #tpu.pipeline_mode<synchronous>, transform_indices = @transform_12, window_bounds = array<i64: 1, 128>}, {pipeline_mode = #tpu.pipeline_mode<synchronous>, transform_indices = @transform_13, window_bounds = array<i64: 128, 2>}, {pipeline_mode = #tpu.pipeline_mode<synchronous>, transform_indices = @transform_14, window_bounds = array<i64: 1, 2>}, {transform_indices = @transform_15, window_bounds = array<i64: 2048, 2>}]} {
    %get3A = arith.constant 0 : index
    %get3A_0 = vector.load %arg4[%get3A] : memref<2048xf32, #tpu.memory_space<vmem>>, vector<2048xf32>
    %broadcast_in_dim3A = vector.shape_cast %get3A_0 : vector<2048xf32> to vector<2048x1xf32>
    %get3A_1 = arith.constant 0 : index
    %get3A_2 = arith.constant 0 : index
    %get3A_3 = vector.load %arg2[%get3A_1, %get3A_2] : memref<2048x128xf32, #tpu.memory_space<vmem>>, vector<2048x128xf32>
    %get3A_4 = arith.constant 0 : index
    %get3A_5 = arith.constant 0 : index
    %get3A_6 = vector.load %arg3[%get3A_4, %get3A_5] : memref<2048x128xf32, #tpu.memory_space<vmem>>, vector<2048x128xf32>
    %get3A_7 = arith.constant 0 : index
    %get3A_8 = arith.constant 0 : index
    %get3A_9 = arith.constant 0 : index
    %get3A_10 = vector.load %arg1[%get3A_7, %get3A_8, %get3A_9] : memref<2x2048x128xf32, #tpu.memory_space<vmem>>, vector<1x2048x128xf32>
    %get3A_11 = vector.shape_cast %get3A_10 : vector<1x2048x128xf32> to vector<2048x128xf32>
    %get3A_12 = arith.constant 1 : index
    %get3A_13 = arith.constant 0 : index
    %get3A_14 = arith.constant 0 : index
    %get3A_15 = vector.load %arg1[%get3A_12, %get3A_13, %get3A_14] : memref<2x2048x128xf32, #tpu.memory_space<vmem>>, vector<1x2048x128xf32>
    %get3A_16 = vector.shape_cast %get3A_15 : vector<1x2048x128xf32> to vector<2048x128xf32>
    %add3A = arith.addf %get3A_11, %get3A_16 : vector<2048x128xf32>
    %mul3A = vector.broadcast %broadcast_in_dim3A : vector<2048x1xf32> to vector<2048x128xf32>
    %mul3A_17 = arith.mulf %add3A, %mul3A : vector<2048x128xf32>
    %sub3A = arith.subf %get3A_6, %mul3A_17 : vector<2048x128xf32>
    %mul3A_18 = arith.constant 3.000000e+00 : f32
    %mul3A_19 = vector.broadcast %mul3A_18 : f32 to vector<2048x128xf32>
    %mul3A_20 = arith.mulf %mul3A_19, %get3A_3 : vector<2048x128xf32>
    %mul3A_21 = arith.constant 3.000000e+00 : f32
    %mul3A_22 = vector.broadcast %mul3A_21 : f32 to vector<2048x128xf32>
    %mul3A_23 = arith.mulf %mul3A_22, %get3A_6 : vector<2048x128xf32>
    %sub3A_24 = arith.subf %mul3A_20, %mul3A_23 : vector<2048x128xf32>
    %mul3A_25 = arith.constant 7.500000e-01 : f32
    %mul3A_26 = vector.broadcast %mul3A_25 : f32 to vector<2048x128xf32>
    %mul3A_27 = arith.mulf %mul3A_26, %sub3A : vector<2048x128xf32>
    %add3A_28 = arith.addf %sub3A_24, %mul3A_27 : vector<2048x128xf32>
    %mul3A_29 = arith.constant 3.000000e+00 : f32
    %mul3A_30 = vector.broadcast %mul3A_29 : f32 to vector<2048x128xf32>
    %mul3A_31 = arith.mulf %mul3A_30, %get3A_6 : vector<2048x128xf32>
    %mul3A_32 = arith.constant 1.500000e+00 : f32
    %mul3A_33 = vector.broadcast %mul3A_32 : f32 to vector<2048x128xf32>
    %mul3A_34 = arith.mulf %mul3A_33, %sub3A : vector<2048x128xf32>
    %sub3A_35 = arith.subf %mul3A_31, %mul3A_34 : vector<2048x128xf32>
    %mul3A_36 = arith.constant 7.500000e-01 : f32
    %mul3A_37 = vector.broadcast %mul3A_36 : f32 to vector<2048x128xf32>
    %mul3A_38 = arith.mulf %mul3A_37, %sub3A : vector<2048x128xf32>
    %get3A_39 = arith.constant 0 : index
    %get3A_40 = arith.constant 0 : index
    %get3A_41 = vector.load %arg6[%get3A_39, %get3A_40] : memref<128x1xf32, #tpu.memory_space<vmem>>, vector<128x1xf32>
    %get3A_42 = arith.constant 0 : index
    %get3A_43 = arith.constant 0 : index
    %get3A_44 = vector.load %arg7[%get3A_42, %get3A_43] : memref<1x1xf32, #tpu.memory_space<vmem>>, vector<1x1xf32>
    %dot_general3A = arith.constant dense<0.000000e+00> : vector<2048x1xf32>
    %dot_general3A_45 = tpu.matmul %add3A_28, %get3A_41, %dot_general3A {dimension_numbers = #tpu.dot_dimension_numbers<[1], [0], [0], [1], [0, 0, 1, 1], [], []>, transpose_lhs_hint = false} : vector<2048x128xf32>, vector<128x1xf32>, vector<2048x1xf32> -> vector<2048x1xf32>
    %add3A_46 = vector.broadcast %get3A_44 : vector<1x1xf32> to vector<2048x1xf32>
    %add3A_47 = arith.addf %dot_general3A_45, %add3A_46 : vector<2048x1xf32>
    %dot_general3A_48 = arith.constant dense<0.000000e+00> : vector<2048x1xf32>
    %dot_general3A_49 = tpu.matmul %sub3A_35, %get3A_41, %dot_general3A_48 {dimension_numbers = #tpu.dot_dimension_numbers<[1], [0], [0], [1], [0, 0, 1, 1], [], []>, transpose_lhs_hint = false} : vector<2048x128xf32>, vector<128x1xf32>, vector<2048x1xf32> -> vector<2048x1xf32>
    %add3A_50 = vector.broadcast %get3A_44 : vector<1x1xf32> to vector<2048x1xf32>
    %add3A_51 = arith.addf %dot_general3A_49, %add3A_50 : vector<2048x1xf32>
    %dot_general3A_52 = arith.constant dense<0.000000e+00> : vector<2048x1xf32>
    %dot_general3A_53 = tpu.matmul %mul3A_38, %get3A_41, %dot_general3A_52 {dimension_numbers = #tpu.dot_dimension_numbers<[1], [0], [0], [1], [0, 0, 1, 1], [], []>, transpose_lhs_hint = false} : vector<2048x128xf32>, vector<128x1xf32>, vector<2048x1xf32> -> vector<2048x1xf32>
    %add3A_54 = vector.broadcast %get3A_44 : vector<1x1xf32> to vector<2048x1xf32>
    %add3A_55 = arith.addf %dot_general3A_53, %add3A_54 : vector<2048x1xf32>
    %max3A = arith.maximumf %add3A_47, %add3A_51 : vector<2048x1xf32>
    %max3A_56 = arith.maximumf %max3A, %add3A_55 : vector<2048x1xf32>
    %sub3A_57 = arith.subf %add3A_47, %max3A_56 : vector<2048x1xf32>
    %exp3A = math.exp %sub3A_57 : vector<2048x1xf32>
    %sub3A_58 = arith.subf %add3A_51, %max3A_56 : vector<2048x1xf32>
    %exp3A_59 = math.exp %sub3A_58 : vector<2048x1xf32>
    %sub3A_60 = arith.subf %add3A_55, %max3A_56 : vector<2048x1xf32>
    %exp3A_61 = math.exp %sub3A_60 : vector<2048x1xf32>
    %add3A_62 = arith.addf %exp3A, %exp3A_59 : vector<2048x1xf32>
    %add3A_63 = arith.addf %add3A_62, %exp3A_61 : vector<2048x1xf32>
    %mul3A_64 = vector.broadcast %exp3A : vector<2048x1xf32> to vector<2048x128xf32>
    %mul3A_65 = arith.mulf %mul3A_64, %add3A_28 : vector<2048x128xf32>
    %mul3A_66 = vector.broadcast %exp3A_59 : vector<2048x1xf32> to vector<2048x128xf32>
    %mul3A_67 = arith.mulf %mul3A_66, %sub3A_35 : vector<2048x128xf32>
    %add3A_68 = arith.addf %mul3A_65, %mul3A_67 : vector<2048x128xf32>
    %mul3A_69 = vector.broadcast %exp3A_61 : vector<2048x1xf32> to vector<2048x128xf32>
    %mul3A_70 = arith.mulf %mul3A_69, %mul3A_38 : vector<2048x128xf32>
    %add3A_71 = arith.addf %add3A_68, %mul3A_70 : vector<2048x128xf32>
    %div3A = vector.broadcast %add3A_63 : vector<2048x1xf32> to vector<2048x128xf32>
    %div3A_72 = arith.divf %add3A_71, %div3A : vector<2048x128xf32>
    %add3A_73 = arith.addf %add3A_28, %sub3A_35 : vector<2048x128xf32>
    %add3A_74 = arith.addf %add3A_73, %mul3A_38 : vector<2048x128xf32>
    %mul3A_75 = arith.constant 0.333333343 : f32
    %mul3A_76 = vector.broadcast %mul3A_75 : f32 to vector<2048x128xf32>
    %mul3A_77 = arith.mulf %add3A_74, %mul3A_76 : vector<2048x128xf32>
    %get3A_78 = arith.constant 0 : index
    %get3A_79 = arith.constant 0 : index
    %get3A_80 = vector.load %arg8[%get3A_78, %get3A_79] : memref<256x128xf32, #tpu.memory_space<vmem>>, vector<128x128xf32>
    %dot_general3A_81 = arith.constant dense<0.000000e+00> : vector<2048x128xf32>
    %dot_general3A_82 = tpu.matmul %div3A_72, %get3A_80, %dot_general3A_81 {dimension_numbers = #tpu.dot_dimension_numbers<[1], [0], [0], [1], [0, 0, 1, 1], [], []>, transpose_lhs_hint = false} : vector<2048x128xf32>, vector<128x128xf32>, vector<2048x128xf32> -> vector<2048x128xf32>
    %get3A_83 = arith.constant 128 : index
    %get3A_84 = arith.constant 0 : index
    %get3A_85 = vector.load %arg8[%get3A_83, %get3A_84] : memref<256x128xf32, #tpu.memory_space<vmem>>, vector<128x128xf32>
    %dot_general3A_86 = arith.constant dense<0.000000e+00> : vector<2048x128xf32>
    %dot_general3A_87 = tpu.matmul %mul3A_77, %get3A_85, %dot_general3A_86 {dimension_numbers = #tpu.dot_dimension_numbers<[1], [0], [0], [1], [0, 0, 1, 1], [], []>, transpose_lhs_hint = false} : vector<2048x128xf32>, vector<128x128xf32>, vector<2048x128xf32> -> vector<2048x128xf32>
    %add3A_88 = arith.addf %dot_general3A_82, %dot_general3A_87 : vector<2048x128xf32>
    %get3A_89 = arith.constant 0 : index
    %get3A_90 = arith.constant 0 : index
    %get3A_91 = vector.load %arg9[%get3A_89, %get3A_90] : memref<1x128xf32, #tpu.memory_space<vmem>>, vector<1x128xf32>
    %add3A_92 = vector.broadcast %get3A_91 : vector<1x128xf32> to vector<2048x128xf32>
    %add3A_93 = arith.addf %add3A_88, %add3A_92 : vector<2048x128xf32>
    %max3A_94 = arith.constant 0.000000e+00 : f32
    %max3A_95 = vector.broadcast %max3A_94 : f32 to vector<2048x128xf32>
    %max3A_96 = arith.maximumf %add3A_93, %max3A_95 : vector<2048x128xf32>
    %get3A_97 = arith.constant 0 : index
    %get3A_98 = arith.constant 0 : index
    %get3A_99 = vector.load %arg10[%get3A_97, %get3A_98] : memref<128x1xf32, #tpu.memory_space<vmem>>, vector<128x1xf32>
    %dot_general3A_100 = arith.constant dense<0.000000e+00> : vector<2048x1xf32>
    %dot_general3A_101 = tpu.matmul %max3A_96, %get3A_99, %dot_general3A_100 {dimension_numbers = #tpu.dot_dimension_numbers<[1], [0], [0], [1], [0, 0, 1, 1], [], []>, transpose_lhs_hint = false} : vector<2048x128xf32>, vector<128x1xf32>, vector<2048x1xf32> -> vector<2048x1xf32>
    %get3A_102 = arith.constant 0 : index
    %get3A_103 = arith.constant 0 : index
    %get3A_104 = vector.load %arg11[%get3A_102, %get3A_103] : memref<1x1xf32, #tpu.memory_space<vmem>>, vector<1x1xf32>
    %add3A_105 = vector.broadcast %get3A_104 : vector<1x1xf32> to vector<2048x1xf32>
    %add3A_106 = arith.addf %dot_general3A_101, %add3A_105 : vector<2048x1xf32>
    %neg3A = arith.constant 0.000000e+00 : f32
    %neg3A_107 = vector.broadcast %neg3A : f32 to vector<2048x1xf32>
    %neg3A_108 = arith.subf %neg3A_107, %add3A_106 : vector<2048x1xf32>
    %exp3A_109 = math.exp %neg3A_108 : vector<2048x1xf32>
    %add3A_110 = arith.constant 1.000000e+00 : f32
    %add3A_111 = vector.broadcast %add3A_110 : f32 to vector<2048x1xf32>
    %add3A_112 = arith.addf %add3A_111, %exp3A_109 : vector<2048x1xf32>
    %div3A_113 = arith.constant 1.000000e+00 : f32
    %div3A_114 = vector.broadcast %div3A_113 : f32 to vector<2048x1xf32>
    %div3A_115 = arith.divf %div3A_114, %add3A_112 : vector<2048x1xf32>
    %mul3A_116 = arith.constant 1.000000e-01 : f32
    %mul3A_117 = vector.broadcast %mul3A_116 : f32 to vector<2048x1xf32>
    %mul3A_118 = arith.mulf %mul3A_117, %div3A_115 : vector<2048x1xf32>
    %mul3A_119 = vector.broadcast %mul3A_118 : vector<2048x1xf32> to vector<2048x128xf32>
    %mul3A_120 = arith.mulf %mul3A_119, %div3A_72 : vector<2048x128xf32>
    %sub3A_121 = arith.constant 1.000000e+00 : f32
    %sub3A_122 = vector.broadcast %sub3A_121 : f32 to vector<2048x1xf32>
    %sub3A_123 = arith.subf %sub3A_122, %div3A_115 : vector<2048x1xf32>
    %mul3A_124 = vector.broadcast %sub3A_123 : vector<2048x1xf32> to vector<2048x128xf32>
    %mul3A_125 = arith.mulf %mul3A_124, %mul3A_77 : vector<2048x128xf32>
    %add3A_126 = arith.addf %mul3A_120, %mul3A_125 : vector<2048x128xf32>
    %get3A_127 = arith.constant 0 : index
    %get3A_128 = arith.constant 0 : index
    %get3A_129 = vector.load %arg5[%get3A_127, %get3A_128] : memref<2048x128xf32, #tpu.memory_space<vmem>>, vector<2048x128xf32>
    %mul3A_130 = arith.constant 8.000000e-01 : f32
    %mul3A_131 = vector.broadcast %mul3A_130 : f32 to vector<2048x128xf32>
    %mul3A_132 = arith.mulf %mul3A_131, %get3A_129 : vector<2048x128xf32>
    %add3A_133 = arith.addf %add3A_126, %mul3A_132 : vector<2048x128xf32>
    %get3A_134 = arith.constant 0 : index
    %get3A_135 = arith.constant 0 : index
    %get3A_136 = vector.load %arg12[%get3A_134, %get3A_135] : memref<128x128xf32, #tpu.memory_space<vmem>>, vector<128x128xf32>
    %dot_general3A_137 = arith.constant dense<0.000000e+00> : vector<2048x128xf32>
    %dot_general3A_138 = tpu.matmul %add3A_133, %get3A_136, %dot_general3A_137 {dimension_numbers = #tpu.dot_dimension_numbers<[1], [0], [0], [1], [0, 0, 1, 1], [], []>, transpose_lhs_hint = false} : vector<2048x128xf32>, vector<128x128xf32>, vector<2048x128xf32> -> vector<2048x128xf32>
    %get3A_139 = arith.constant 0 : index
    %get3A_140 = arith.constant 0 : index
    %get3A_141 = vector.load %arg13[%get3A_139, %get3A_140] : memref<1x128xf32, #tpu.memory_space<vmem>>, vector<1x128xf32>
    %add3A_142 = vector.broadcast %get3A_141 : vector<1x128xf32> to vector<2048x128xf32>
    %add3A_143 = arith.addf %dot_general3A_138, %add3A_142 : vector<2048x128xf32>
    %max3A_144 = arith.constant 0.000000e+00 : f32
    %max3A_145 = vector.broadcast %max3A_144 : f32 to vector<2048x128xf32>
    %max3A_146 = arith.maximumf %add3A_143, %max3A_145 : vector<2048x128xf32>
    %get3A_147 = arith.constant 0 : index
    %get3A_148 = arith.constant 0 : index
    %get3A_149 = vector.load %arg14[%get3A_147, %get3A_148] : memref<128x2xf32, #tpu.memory_space<vmem>>, vector<128x2xf32>
    %dot_general3A_150 = arith.constant dense<0.000000e+00> : vector<2048x2xf32>
    %dot_general3A_151 = tpu.matmul %max3A_146, %get3A_149, %dot_general3A_150 {dimension_numbers = #tpu.dot_dimension_numbers<[1], [0], [0], [1], [0, 0, 1, 1], [], []>, transpose_lhs_hint = false} : vector<2048x128xf32>, vector<128x2xf32>, vector<2048x2xf32> -> vector<2048x2xf32>
    %get3A_152 = arith.constant 0 : index
    %get3A_153 = arith.constant 0 : index
    %get3A_154 = vector.load %arg15[%get3A_152, %get3A_153] : memref<1x2xf32, #tpu.memory_space<vmem>>, vector<1x2xf32>
    %add3A_155 = vector.broadcast %get3A_154 : vector<1x2xf32> to vector<2048x2xf32>
    %add3A_156 = arith.addf %dot_general3A_151, %add3A_155 : vector<2048x2xf32>
    %swap3A = arith.constant 0 : index
    %swap3A_157 = arith.constant 0 : index
    %swap3A_158 = vector.load %arg16[%swap3A, %swap3A_157] : memref<2048x2xf32, #tpu.memory_space<vmem>>, vector<2048x2xf32>
    tpu.vector_store %arg16[%swap3A, %swap3A_157], %add3A_156 {strides = array<i32>} : memref<2048x2xf32, #tpu.memory_space<vmem>>, vector<2048x2xf32>,
    return
  }
  func.func @transform_0(%arg0: i32) -> (i32, i32, i32) {
    %c0_i32 = arith.constant 0 : i32
    %c0_i32_0 = arith.constant 0 : i32
    %c0_i32_1 = arith.constant 0 : i32
    return %c0_i32, %arg0, %c0_i32_0 : i32, i32, i32
  }
  func.func @transform_1(%arg0: i32) -> (i32, i32) {
    %c0_i32 = arith.constant 0 : i32
    %c0_i32_0 = arith.constant 0 : i32
    return %arg0, %c0_i32 : i32, i32
  }
  func.func @transform_2(%arg0: i32) -> (i32, i32) {
    %c0_i32 = arith.constant 0 : i32
    %c0_i32_0 = arith.constant 0 : i32
    return %arg0, %c0_i32 : i32, i32
  }
  func.func @transform_3(%arg0: i32) -> i32 {
    %c0_i32 = arith.constant 0 : i32
    return %arg0 : i32
  }
  func.func @transform_4(%arg0: i32) -> (i32, i32) {
    %c0_i32 = arith.constant 0 : i32
    %c0_i32_0 = arith.constant 0 : i32
    return %arg0, %c0_i32 : i32, i32
  }
  func.func @transform_5(%arg0: i32) -> (i32, i32) {
    %c0_i32 = arith.constant 0 : i32
    %c0_i32_0 = arith.constant 0 : i32
    %c0_i32_1 = arith.constant 0 : i32
    return %c0_i32, %c0_i32_0 : i32, i32
  }
  func.func @transform_6(%arg0: i32) -> (i32, i32) {
    %c0_i32 = arith.constant 0 : i32
    %c0_i32_0 = arith.constant 0 : i32
    %c0_i32_1 = arith.constant 0 : i32
    return %c0_i32, %c0_i32_0 : i32, i32
  }
  func.func @transform_7(%arg0: i32) -> (i32, i32) {
    %c0_i32 = arith.constant 0 : i32
    %c0_i32_0 = arith.constant 0 : i32
    %c0_i32_1 = arith.constant 0 : i32
    return %c0_i32, %c0_i32_0 : i32, i32
  }
  func.func @transform_8(%arg0: i32) -> (i32, i32) {
    %c0_i32 = arith.constant 0 : i32
    %c0_i32_0 = arith.constant 0 : i32
    %c0_i32_1 = arith.constant 0 : i32
    return %c0_i32, %c0_i32_0 : i32, i32
  }
  func.func @transform_9(%arg0: i32) -> (i32, i32) {
    %c0_i32 = arith.constant 0 : i32
    %c0_i32_0 = arith.constant 0 : i32
    %c0_i32_1 = arith.constant 0 : i32
    return %c0_i32, %c0_i32_0 : i32, i32
  }
  func.func @transform_10(%arg0: i32) -> (i32, i32) {
    %c0_i32 = arith.constant 0 : i32
    %c0_i32_0 = arith.constant 0 : i32
    %c0_i32_1 = arith.constant 0 : i32
    return %c0_i32, %c0_i32_0 : i32, i32
  }
  func.func @transform_11(%arg0: i32) -> (i32, i32) {
    %c0_i32 = arith.constant 0 : i32
    %c0_i32_0 = arith.constant 0 : i32
    %c0_i32_1 = arith.constant 0 : i32
    return %c0_i32, %c0_i32_0 : i32, i32
  }
  func.func @transform_12(%arg0: i32) -> (i32, i32) {
    %c0_i32 = arith.constant 0 : i32
    %c0_i32_0 = arith.constant 0 : i32
    %c0_i32_1 = arith.constant 0 : i32
    return %c0_i32, %c0_i32_0 : i32, i32
  }
  func.func @transform_13(%arg0: i32) -> (i32, i32) {
    %c0_i32 = arith.constant 0 : i32
    %c0_i32_0 = arith.constant 0 : i32
    %c0_i32_1 = arith.constant 0 : i32
    return %c0_i32, %c0_i32_0 : i32, i32
  }
  func.func @transform_14(%arg0: i32) -> (i32, i32) {
    %c0_i32 = arith.constant 0 : i32
    %c0_i32_0 = arith.constant 0 : i32
    %c0_i32_1 = arith.constant 0 : i32
    return %c0_i32, %c0_i32_0 : i32, i32
  }
  func.func @transform_15(%arg0: i32) -> (i32, i32) {
    %c0_i32 = arith.constant 0 : i32
    %c0_i32_0 = arith.constant 0 : i32
    return %arg0, %c0_i32 : i32, i32
  }
}

</mosaic_0001>

<sc_bundles>
// kernel: kernel.12.cloned.1.call-start
scs
__scs_entry_jumppad:
0x0: {  	(pc) =	sbr.rel $0x88, $3  }
0x1: {  	(tag) =	ssettag $0x0;
	lr =	simm.s32 $0x1  }
0x2: {  	[smem:$0x3F8F] =	sst lr;
	_ =	strace $0xD0000000  }
0x3: {  	_ = 	snop  }
0x4: {  	_ = 	snop  }
0x5: {  	_ = 	snop  }
0x6: {  	_ = 	snop  }
0x7: {  	_ = 	snop  }
__scs_overlays_trampoline_lowered:
0x8: {  	[smem:$0x3F9E] =	sst s0  }
0x9: {  	[smem:$0x3F9F] =	sst s1  }
0xa: {  	[smem:$0x3FA0] =	sst s2  }
0xb: {  	[smem:$0x3FA1] =	sst s3  }
0xc: {  	[smem:$0x3FA2] =	sst s4  }
0xd: {  	[smem:$0x3FA3] =	sst s5  }
0xe: {  	[smem:$0x3FA4] =	sst s6  }
0xf: {  	[smem:$0x3FA5] =	sst s7  }
0x10: {  	[smem:$0x3FA6] =	sst s8  }
0x11: {  	[smem:$0x3FA7] =	sst s9;
	s0 =	simm.s32 @!p0 $0x0  }
0x12: {  	s1 =	sld [smem:$0x3F8D];
	s0 =	simm.s32 @p0 $0x1  }
0x13: {  	[smem:$0x3FA8] =	sst s0;
	s0 =	simm.s32 @!p1 $0x0  }
0x14: {  	s2 =	sld [smem:$0x3F8C];
	s0 =	simm.s32 @p1 $0x1  }
0x15: {  	[smem:$0x3FA9] =	sst s0;
	s0 =	simm.s32 @!p2 $0x0  }
0x16: {  	s3 =	sld [smem:$0x3FDB];
	s0 =	simm.s32 @p2 $0x1  }
0x17: {  	s4 =	simm.s32 $0x1BF5;
	[smem:$0x3FAB] =	sst s0  }
0x18: {  	s0 =	sld [smem:$0x3F8E];
	_ =	swait.ge [sflag:s4], $0x0  }
0x19: {  	s7 =	sld [smem:$0x3F8F]  }
0x1a: {  	s8 =	sadd.s32 $0xFFFFE003, lr  }
0x1b: {  	s9 =	sadd.s32 $0xFFFFFEF7, lr;
	s5 =	simm.s32 $0xFFFFFFFF;
	p2 =	slt.u32 s8, $0xFFFFF086  }
0x1c: {  	p1 =	slt.u32 s9, $0xF7A;
	s5 =	simm.s32 @!p2 $0x0  }
0x1d: {  	s5 =	simm.s32 @p1 $0x1;
	p0 =	seq.s32 s7, s2  }
0x1e: {  	s7 =	smul.u32 @!p0 $0xF7A, s2;
	p2 =	seq.s32 @!p0 s5, $0x0  }
0x1f: {  	s9 =	smul.u32 $0xF7A, s1;
	s8 =	simm.s32 @!p0 $0x1BF5;
	p2 =	por !p2, p0  }
0x20: {  	[sflag:s8] =	ssyncset.s32 @!p0 $0xFFFFF086;
	s6 =	sadd.s32 @!p0 s3, s7;
	s7 =	simm.s32 @!p0 $0x108  }
0x21: {  	s3 =	sadd.s32 s3, s9;
	s6 =	sadd.s32 @!p0 $0x88, s6;
	s7 =	simm.s32 @p2 $0x1082  }
0x22: {  	[simem:s7], [sflag:s8] =	dma.local @!p0 [hbm:s6], $0xF7A  }
0x23: {  	s9 =	sor.u32 $0xD0000000, s2;
	s6 =	simm.s32 $0x108;
	_ =	swait.ge @!p0 [sflag:s8], $0x0  }
0x24: {  	s3 =	sadd.s32 $0x88, s3;
	s6 =	simm.s32 @!p1 $0x1082;
	[sflag:s4] =	ssyncset.s32 $0xFFFFF086  }
0x25: {  	[simem:s6], [sflag:s4] =	dma.local [hbm:s3], $0xF7A  }
0x26: {  	[smem:$0x3F8F] =	sst s1;
	(tag) =	ssettag s2;
	_ =	strace s9  }
0x27: {  	s1 =	sld [smem:$0x3F9F]  }
0x28: {  	s2 =	sld [smem:$0x3FA0]  }
0x29: {  	s4 =	sld [smem:$0x3FA2]  }
0x2a: {  	p0 =	seq.s32 s5, $0x0;
	s5 =	sld [smem:$0x3FA3]  }
0x2b: {  	s6 =	sld [smem:$0x3FA4]  }
0x2c: {  	s7 =	sld [smem:$0x3FA5]  }
0x2d: {  	s3 =	simm.s32 $0x108;
	s8 =	sld [smem:$0x3FA6]  }
0x2e: {  	s3 =	simm.s32 @!p0 $0x1082;
	s9 =	sld [smem:$0x3FA7]  }
0x2f: {  	lr =	sadd.s32 s0, s3;
	s0 =	sld [smem:$0x3F9E]  }
0x30: {  	s3 =	sld [smem:$0x3FA1]  }
0x31: {  	[smem:$0x3FAA] =	sst s10  }
0x32: {  	s10 =	sld [smem:$0x3FA8];
	_ =	sdelay $0x3  }
0x33: {  	p0 =	seq.s32 s10, $0x1;
	s10 =	sld [smem:$0x3FAA];
	_ =	sdelay $0x3  }
0x34: {  	[smem:$0x3FAA] =	sst s10  }
0x35: {  	s10 =	sld [smem:$0x3FA9];
	_ =	sdelay $0x3  }
0x36: {  	p1 =	seq.s32 s10, $0x1;
	s10 =	sld [smem:$0x3FAA];
	_ =	sdelay $0x3  }
0x37: {  	[smem:$0x3FAA] =	sst s10  }
0x38: {  	s10 =	sld [smem:$0x3FAB]  }
0x39: {  	_ = 	snop;
	(pc) =	sbr.ind lr, $3  }
0x3a: {  	_ = 	snop  }
0x3b: {  	_ = 	snop  }
0x3c: {  	p2 =	seq.s32 s10, $0x1;
	s10 =	sld [smem:$0x3FAA]  }
0x3d: {  	_ =	shalt  }
0x3e: {  	_ =	shalt  }
0x3f: {  	_ =	shalt  }
0x40: {  	_ =	shalt  }
0x41: {  	_ =	shalt  }
0x42: {  	_ =	shalt  }
0x43: {  	_ =	shalt  }
0x44: {  	_ =	shalt  }
0x45: {  	_ =	shalt  }
0x46: {  	_ =	shalt  }
0x47: {  	_ =	shalt  }
0x48: {  	_ =	shalt  }
0x49: {  	_ =	shalt  }
0x4a: {  	_ =	shalt  }
0x4b: {  	_ =	shalt  }
0x4c: {  	_ =	shalt  }
0x4d: {  	_ =	shalt  }
0x4e: {  	_ =	shalt  }
0x4f: {  	_ =	shalt  }
0x50: {  	_ =	shalt  }
0x51: {  	_ =	shalt  }
0x52: {  	_ =	shalt  }
0x53: {  	_ =	shalt  }
0x54: {  	_ =	shalt  }
0x55: {  	_ =	shalt  }
0x56: {  	_ =	shalt  }
0x57: {  	_ =	shalt  }
0x58: {  	_ =	shalt  }
0x59: {  	_ =	shalt  }
0x5a: {  	_ =	shalt  }
0x5b: {  	_ =	shalt  }
0x5c: {  	_ =	shalt  }
0x5d: {  	_ =	shalt  }
0x5e: {  	_ =	shalt  }
0x5f: {  	_ =	shalt  }
0x60: {  	_ =	shalt  }
0x61: {  	_ =	shalt  }
0x62: {  	_ =	shalt  }
0x63: {  	_ =	shalt  }
0x64: {  	_ =	shalt  }
0x65: {  	_ =	shalt  }
0x66: {  	_ =	shalt  }
0x67: {  	_ =	shalt  }
0x68: {  	_ =	shalt  }
0x69: {  	_ =	shalt  }
0x6a: {  	_ =	shalt  }
0x6b: {  	_ =	shalt  }
0x6c: {  	_ =	shalt  }
0x6d: {  	_ =	shalt  }
0x6e: {  	_ =	shalt  }
0x6f: {  	_ =	shalt  }
0x70: {  	_ =	shalt  }
0x71: {  	_ =	shalt  }
0x72: {  	_ =	shalt  }
0x73: {  	_ =	shalt  }
0x74: {  	_ =	shalt  }
0x75: {  	_ =	shalt  }
0x76: {  	_ =	shalt  }
0x77: {  	_ =	shalt  }
0x78: {  	_ =	shalt  }
0x79: {  	_ =	shalt  }
0x7a: {  	_ =	shalt  }
0x7b: {  	_ =	shalt  }
0x7c: {  	_ =	shalt  }
0x7d: {  	_ =	shalt  }
0x7e: {  	_ =	shalt  }
0x7f: {  	_ =	shalt  }
0x80: {  	_ =	shalt  }
0x81: {  	_ =	shalt  }
0x82: {  	_ =	shalt  }
0x83: {  	_ =	shalt  }
0x84: {  	_ =	shalt  }
0x85: {  	_ =	shalt  }
0x86: {  	_ =	shalt  }
0x87: {  	_ =	shalt  }
.Lfunc_end0:
.L_simem_size_0:
called_computation.1_lowered:
.L_overlay_start_0:
0x88: {  	s2 =	sld [smem:$0x3FD9]  }
0x89: {  	s3 =	sld [smem:$0x3FFE];
	_ =	sdelay $0x1  }
0x8a: {  	s1 =	srdreg.scid  }
0x8b: {  	s0 =	sand.u32 $0x1, s1  }
0x8c: {  	s16 =	sshll.u32 s0, $0xA;
	s2 =	sadd.s32 s3, s2  }
0x8d: {  	s2 =	sadd.s32 s2, s16  }
0x8e: {  	[smem:$0x3FB6] =	sst s2  }
0x8f: {  	_ = 	snop  }
0x90: {  	(tm) =	ssettm $0x1  }
0x91: {  	s17 =	sld [smem:$0x3FFB];
	_ =	sdelay $0x3  }
0x92: {  	_ =	strace s17  }
0x93: {  	s2 =	sld [smem:$0x3FFC];
	_ =	sdelay $0x3  }
0x94: {  	_ =	strace s2  }
0x95: {  	s2 =	sld [smem:$0x3FFD];
	_ =	sdelay $0x3  }
0x96: {  	_ =	strace s2  }
0x97: {  	_ =	strace $0x8FFFFFFF  }
0x98: {  	s18 =	sld [smem:$0x3FDB];
	_ =	sdelay $0x1  }
0x99: {  	s19 =	simm.s32 $_scs_section_size  }
0x9a: {  	s4 =	simm.s32 $_size__tile_overlayer_lowered;
	s5 =	simm.s32 $_tile_overlayer_lowered  }
0x9b: {  	s22 =	simm.s32 $0x1BFF;
	s21 =	sshll.u32 s5, $0x1;
	s2 =	sadd.s32 s19, s18  }
0x9c: {  	s6 =	simm.s32 $0x0;
	s20 =	sshll.u32 s4, $0x1;
	s4 =	sadd.s32 s21, s2  }
0x9d: {  	[timem:s6], [sflag:s22] =	dma.local [hbm:s4], s20  }
0x9e: {  	_ =	swait.ge [sflag:s22], s20  }
0x9f: {  	s3 =	ssub.s32 $0x0, s20;
	[sflag:s22] =	ssyncset.done $0x0  }
0xa0: {  	[sflag:s22] =	ssyncadd.s32 s3;
	_ =	sdelay $0x1  }
0xa1: {  	s23 =	simm.s32 $0x1B8B  }
0xa2: {  	_ =	swait.ge [sflag:s23], $0x1  }
0xa3: {  	[sflag:s23] =	ssyncset.done $0x0  }
0xa4: {  	s25 =	simm.s32 $0x1B8E;
	s24 =	sld [smem:$0x3FFE];
	[sflag:s23] =	ssyncadd.s32 $0xFFFFFFFF  }
0xa5: {  	s26 =	simm.s32 $execute0_lowered;
	[smem:$0x3FD2] =	sst s25  }
0xa6: {  	s4 =	sshll.u32 s26, $0x1;
	_ =	strace $0x80000049;
	[dreg:$0x1] =	wrdreg $0xFFFFFFFF  }
0xa7: {  	s28 =	simm.s32 $_size_execute0_lowered;
	s2 =	sadd.s32 s2, s4;
	[dreg:$0x0] =	wrdreg $0x0  }
0xa8: {  	s4 =	sshll.u32 s28, $0x1;
	[dreg:$0x2] =	wrdreg s2  }
0xa9: {  	[dreg:$0x3] =	wrdreg s4  }
0xaa: {  	[dreg:$0x4] =	wrdreg $0xC0  }
0xab: {  	_ =	task [dreg:s6], $0x5FFFF  }
0xac: {  	[dreg:$0x1] =	wrdreg $0xFFFFFFFF  }
0xad: {  	[dreg:$0x0] =	wrdreg $0x60  }
0xae: {  	[dreg:$0x2] =	wrdreg s24  }
0xaf: {  	[dreg:$0x3] =	wrdreg $0x88000  }
0xb0: {  	[dreg:$0x4] =	wrdreg $0x9  }
0xb1: {  	_ =	task.clear_ibuf [dreg:s6], $0x5FFFF;
	_ =	strace $0x90000049  }
0xb2: {  	s29 =	simm.s32 $0x9;
	_ =	strace $0x8000004B  }
0xb3: {  	_ =	swait.ge [sflag:s29], $0x1  }
0xb4: {  	[sflag:s29] =	ssyncadd.s32 $0xFFFFFFFF  }
0xb5: {  	_ =	strace $0x9000004B  }
0xb6: {  	_ =	sfence  }
0xb7: {  	s30 =	sld [smem:$0x0];
	_ =	sdelay $0x2  }
0xb8: {  	s31 =	sshll.u32 s1, $0xD;
	s1 =	sshrl.u32 s1, $0x2  }
0xb9: {  	s3 =	sand.u32 $0x4000, s31;
	s1 =	sadd.s32 s1, s30  }
0xba: {  	s0 =	sor.u32 s3, s0;
	s1 =	sshll.u32 s1, $0x11  }
0xbb: {  	s0 =	sor.u32 s1, s0  }
0xbc: {  	s0 =	sadd.s32 $0x8F2B, s0  }
0xbd: {  	[sflag:s0] =	ssyncadd.remote.s32 $0x1  }
0xbe: {  	_ =	sfence.sel $0xFFFF  }
0xbf: {  	[dreg:$0x0] =	wrdreg $0xFFFFFFFF;
	(pc) =	sbr.abs _section_cstart, $3  }
0xc0: {  	[dreg:$0x1] =	wrdreg $0xFFFFFFFF  }
0xc1: {  	_ =	task.clear_ibuf [dreg:s6], $0x2FFFF;
	_ =	strace $0x9FFFFFFF  }
0xc2: {  	(tm) =	ssettm $0x7FFFFFFF  }
0xc3: {  	_ =	shalt  }
tec
execute0_lowered:
.L_overlay_start_1:
0x0: {  	(tag) =	ssettag $0x1  }
0x1: {  	s0 =	rddreg [dreg:$0x0];
	s12 =	stileid.u32  }
0x2: {  	s1 =	rddreg [dreg:$0x1];
	s6 =	smul.u32 $0x14000, s12  }
0x3: {  	s2 =	srdreg.scid;
	s3 =	simm.s32 $0x0;
	s7 =	smul.u32 $0x50000, s12  }
0x4: {  	s28 =	simm.s32 $0xA;
	s29 =	simm.s32 $0x400;
	s26 =	smul.u32 $0x2500, s12  }
0x5: {  	s30 =	simm.s32 $0x40;
	s31 =	simm.s32 $0x380;
	s15 =	smul.u32 $0x300, s12  }
0x6: {  	s2 =	sand.u32 $0x1, s2;
	[smem:$0x7FF] =	sst s3;
	s17 =	smul.u32 $0x1800, s12  }
0x7: {  	s8 =	sadd.s32 $0x21200, s0;
	s5 =	smul.u32 $0x140000, s2;
	_ =	strace $0x8000004A  }
0x8: {  	s22 =	ssub.s32 $0x2, s2;
	p0 =	seq.s32 s2, $0x1;
	s7 =	sshrl.u32 s7, $0x2  }
0x9: {  	s10 =	sshrl.u32 s22, $0x1;
	s19 =	sadd.s32 s8, s26;
	s20 =	sadd.s32 $0x25000, s15  }
0xa: {  	s21 =	sshrl.u32 s17, $0x3;
	s5 =	sadd.s32 s6, s5;
	s6 =	ssub.s32 s22, s10  }
0xb: {  	[dreg:$0xc] =	wrdreg s19;
	s2 =	sadd.s32 $0x80, s19;
	s22 =	sadd.s32 s8, s20  }
0xc: {  	s8 =	sadd.s32 s8, s21;
	s5 =	sshrl.u32 s5, $0x3;
	[dreg:$0xd] =	wrdreg s2  }
0xd: {  	[dreg:$0xe] =	wrdreg s22;
	s8 =	sadd.s32 $0x25080, s8;
	s6 =	smax.u32 s6, $0x1  }
0xe: {  	s9 =	sadd.s32 s5, s0;
	s5 =	sadd.s32 s7, s1;
	[dreg:$0xf] =	wrdreg s8  }
0xf: {  	s4 =	sadd.s32 $0x49200, s0;
	[dreg:$0x12] =	wrdreg s6;
	s7 =	sadd.s32 $0x2000, s5  }
0x10: {  	s17 =	simm.s32 $0x4800;
	s23 =	sadd.s32 $0x4000, s5;
	[dreg:$0x3] =	wrdreg s7  }
0x11: {  	s15 =	simm.s32 $0x2;
	s24 =	sadd.s32 $0x6000, s5;
	[dreg:$0x4] =	wrdreg s23  }
0x12: {  	s19 =	simm.s32 $0x3;
	s25 =	sadd.s32 $0x8000, s5;
	[dreg:$0x5] =	wrdreg s24  }
0x13: {  	s10 =	simm.s32 $0x5;
	s13 =	sadd.s32 $0xA000, s5;
	[dreg:$0x6] =	wrdreg s25  }
0x14: {  	s21 =	simm.s32 $0x700;
	s14 =	sadd.s32 $0xC000, s5;
	[dreg:$0x7] =	wrdreg s13  }
0x15: {  	s22 =	simm.s32 $0x6800;
	s11 =	sadd.s32 $0xE000, s5;
	[dreg:$0x8] =	wrdreg s14  }
0x16: {  	s0 =	sadd.s32 $0x21300, s0;
	s16 =	sadd.s32 $0x10000, s5;
	[dreg:$0x9] =	wrdreg s11  }
0x17: {  	s18 =	sadd.s32 $0x12000, s5;
	s2 =	sadd.s32 s20, s0;
	[dreg:$0xa] =	wrdreg s16  }
0x18: {  	s0 =	sadd.s32 s26, s0;
	s20 =	simm.s32 $0x8;
	[dreg:$0xb] =	wrdreg s18  }
0x19: {  	s23 =	sadd.s32 $0x71200, s9;
	s24 =	sadd.s32 $0x80, s2;
	[dreg:$0x15] =	wrdreg s0  }
0x1a: {  	s25 =	sadd.s32 $0x100, s2;
	[dreg:$0x10] =	wrdreg s2;
	s26 =	sadd.s32 $0x180, s2  }
.Ltmp0:
0x1b: {  	s0 =	simm.s32 $0x2800;
	[dreg:$0x11] =	wrdreg s23;
	(pc) =	sbr.rel .LBB2_1-.Ltmp0, $4  }
0x1c: {  	s7 =	simm.s32 $0x4;
	s9 =	simm.s32 $0x9;
	[dreg:$0x13] =	wrdreg s24  }
0x1d: {  	s11 =	simm.s32 $0x6;
	s16 =	simm.s32 $0x500;
	[dreg:$0x14] =	wrdreg s25  }
0x1e: {  	s13 =	simm.s32 $0x7;
	s18 =	simm.s32 $0x600;
	[dreg:$0x16] =	wrdreg s26  }
0x1f: {  	v0 =	vimm.f32 $0.0e+00;
	s26 =	simm.s32 $0x800;
	s23 =	simm.s32 $0x1;
	s24 =	simm.s32 $0x0  }
.LBB2_9:
0x20: {  	s2 =	rddreg [dreg:$0xe]  }
0x21: {  	[tilespmem:s3], [sflag:$0xA] =	stream.linear.gather [hbm4b:s2+s3], $0x400, $0x38;
	[tilespmem:$0x1C800] =	vst v63  }
0x22: {  	_ =	swait.ge [sflag:s28], $0x400  }
0x23: {  	[sflag:s28] =	ssyncset.done $0x0  }
0x24: {  	s8 =	rddreg [dreg:$0xf];
	[sflag:s28] =	ssyncadd.s32 $0xFFFFFC00  }
0x25: {  	[tilespmem:s29], [sflag:$0x9] =	stream.linear.gather [hbm4b:s8+s3], $0x400, $0x38;
	[tilespmem:$0x1C800] =	vst v63  }
0x26: {  	_ = 	snop  }
0x27: {  	[tilespmem:s26], [sflag:$0x1] =	stream.indirect.gather [hbm4b:s4+s30], $0x80, s3, s30, $0xb8;
	[tilespmem:$0x1C800] =	vst v63  }
0x28: {  	s16 =	simm.s32 $0x100  }
0x29: {  	[tilespmem:s0], [sflag:$0x2] =	stream.indirect.gather [hbm4b:s4+s30], $0x80, s16, s30, $0xb8;
	[tilespmem:$0x1C800] =	vst v63  }
0x2a: {  	s18 =	simm.s32 $0x200  }
0x2b: {  	[tilespmem:s17], [sflag:$0x3] =	stream.indirect.gather [hbm4b:s4+s30], $0x80, s18, s30, $0xb8;
	[tilespmem:$0x1C800] =	vst v63  }
0x2c: {  	s21 =	simm.s32 $0x300  }
0x2d: {  	[tilespmem:s22], [sflag:$0x4] =	stream.indirect.gather [hbm4b:s4+s30], $0x80, s21, s30, $0xb8;
	[tilespmem:$0x1C800] =	vst v63  }
0x2e: {  	_ =	swait.ge [sflag:s23], $0x2000  }
0x2f: {  	[sflag:s23] =	ssyncset.done $0x0  }
0x30: {  	s12 =	simm.s32 $0x80;
	[sflag:s23] =	ssyncadd.s32 $0xFFFFE000  }
0x31: {  	[spmem:s1] =	stream.indirect.scatter.add.f32 [tilespmem:s26], [sflag:$0x5], $0x80, s12, s30, $0xb8;
	[tilespmem:$0x1C800] =	vst v63  }
0x32: {  	_ =	swait.ge [sflag:s15], $0x2000  }
0x33: {  	[sflag:s15] =	ssyncset.done $0x0  }
0x34: {  	s14 =	simm.s32 $0x180;
	[sflag:s15] =	ssyncadd.s32 $0xFFFFE000  }
0x35: {  	[spmem:s1] =	stream.indirect.scatter.add.f32 [tilespmem:s0], [sflag:$0x6], $0x80, s14, s30, $0xb8;
	[tilespmem:$0x1C800] =	vst v63  }
0x36: {  	_ =	swait.ge [sflag:s19], $0x2000  }
0x37: {  	[sflag:s19] =	ssyncset.done $0x0  }
0x38: {  	s31 =	simm.s32 $0x280;
	[sflag:s19] =	ssyncadd.s32 $0xFFFFE000  }
0x39: {  	[spmem:s1] =	stream.indirect.scatter.add.f32 [tilespmem:s17], [sflag:$0x7], $0x80, s31, s30, $0xb8;
	[tilespmem:$0x1C800] =	vst v63  }
0x3a: {  	_ =	swait.ge [sflag:s7], $0x2000  }
0x3b: {  	[sflag:s7] =	ssyncset.done $0x0  }
0x3c: {  	s25 =	simm.s32 $0x380;
	[sflag:s7] =	ssyncadd.s32 $0xFFFFE000  }
0x3d: {  	[spmem:s1] =	stream.indirect.scatter.add.f32 [tilespmem:s22], [sflag:$0x8], $0x80, s25, s30, $0xb8;
	[tilespmem:$0x1C800] =	vst v63  }
0x3e: {  	_ =	swait.ge [sflag:s9], $0x400  }
0x3f: {  	[sflag:s9] =	ssyncset.done $0x0  }
0x40: {  	[sflag:s9] =	ssyncadd.s32 $0xFFFFFC00  }
0x41: {  	_ =	swait.ge [sflag:s10], $0x2000  }
0x42: {  	[sflag:s10] =	ssyncset.done $0x0  }
0x43: {  	[sflag:s10] =	ssyncadd.s32 $0xFFFFE000  }
0x44: {  	[tilespmem:s26], [sflag:$0x1] =	stream.indirect.gather [hbm4b:s4+s30], $0x80, s29, s30, $0xb8;
	[tilespmem:$0x1C800] =	vst v63  }
0x45: {  	_ =	swait.ge [sflag:s11], $0x2000  }
0x46: {  	[sflag:s11] =	ssyncset.done $0x0  }
0x47: {  	s6 =	simm.s32 $0x500;
	[sflag:s11] =	ssyncadd.s32 $0xFFFFE000  }
0x48: {  	[tilespmem:s0], [sflag:$0x2] =	stream.indirect.gather [hbm4b:s4+s30], $0x80, s6, s30, $0xb8;
	[tilespmem:$0x1C800] =	vst v63  }
0x49: {  	_ =	swait.ge [sflag:s13], $0x2000  }
0x4a: {  	[sflag:s13] =	ssyncset.done $0x0  }
0x4b: {  	s29 =	simm.s32 $0x600;
	[sflag:s13] =	ssyncadd.s32 $0xFFFFE000  }
0x4c: {  	[tilespmem:s17], [sflag:$0x3] =	stream.indirect.gather [hbm4b:s4+s30], $0x80, s29, s30, $0xb8;
	[tilespmem:$0x1C800] =	vst v63  }
0x4d: {  	_ =	swait.ge [sflag:s20], $0x2000  }
0x4e: {  	[sflag:s20] =	ssyncset.done $0x0  }
0x4f: {  	s8 =	simm.s32 $0x700;
	[sflag:s20] =	ssyncadd.s32 $0xFFFFE000  }
0x50: {  	[tilespmem:s22], [sflag:$0x4] =	stream.indirect.gather [hbm4b:s4+s30], $0x80, s8, s30, $0xb8;
	[tilespmem:$0x1C800] =	vst v63  }
0x51: {  	s12 =	rddreg [dreg:$0x10]  }
0x52: {  	[tilespmem:s3], [sflag:$0x9] =	stream.linear.gather [hbm4b:s12+s3], $0x400, $0x38;
	[tilespmem:$0x1C800] =	vst v63  }
0x53: {  	_ =	swait.ge [sflag:s23], $0x2000  }
0x54: {  	[sflag:s23] =	ssyncset.done $0x0  }
0x55: {  	s6 =	simm.s32 $0x480;
	[sflag:s23] =	ssyncadd.s32 $0xFFFFE000  }
0x56: {  	[spmem:s1] =	stream.indirect.scatter.add.f32 [tilespmem:s26], [sflag:$0x5], $0x80, s6, s30, $0xb8;
	[tilespmem:$0x1C800] =	vst v63  }
0x57: {  	_ =	swait.ge [sflag:s15], $0x2000  }
0x58: {  	[sflag:s15] =	ssyncset.done $0x0  }
0x59: {  	s8 =	simm.s32 $0x580;
	[sflag:s15] =	ssyncadd.s32 $0xFFFFE000  }
0x5a: {  	[spmem:s1] =	stream.indirect.scatter.add.f32 [tilespmem:s0], [sflag:$0x6], $0x80, s8, s30, $0xb8;
	[tilespmem:$0x1C800] =	vst v63  }
0x5b: {  	_ =	swait.ge [sflag:s19], $0x2000  }
0x5c: {  	[sflag:s19] =	ssyncset.done $0x0  }
0x5d: {  	s12 =	simm.s32 $0x680;
	[sflag:s19] =	ssyncadd.s32 $0xFFFFE000  }
0x5e: {  	[spmem:s1] =	stream.indirect.scatter.add.f32 [tilespmem:s17], [sflag:$0x7], $0x80, s12, s30, $0xb8;
	[tilespmem:$0x1C800] =	vst v63  }
0x5f: {  	_ =	swait.ge [sflag:s7], $0x2000  }
0x60: {  	[sflag:s7] =	ssyncset.done $0x0  }
0x61: {  	s25 =	simm.s32 $0x780;
	[sflag:s7] =	ssyncadd.s32 $0xFFFFE000  }
0x62: {  	[spmem:s1] =	stream.indirect.scatter.add.f32 [tilespmem:s22], [sflag:$0x8], $0x80, s25, s30, $0xb8;
	[tilespmem:$0x1C800] =	vst v63  }
0x63: {  	_ =	swait.ge [sflag:s9], $0x400  }
0x64: {  	[sflag:s9] =	ssyncset.done $0x0  }
0x65: {  	[sflag:s9] =	ssyncadd.s32 $0xFFFFFC00  }
0x66: {  	_ =	swait.ge [sflag:s10], $0x2000  }
0x67: {  	[sflag:s10] =	ssyncset.done $0x0  }
0x68: {  	[sflag:s10] =	ssyncadd.s32 $0xFFFFE000  }
0x69: {  	[tilespmem:s26], [sflag:$0x1] =	stream.indirect.gather [hbm4b:s4+s30], $0x80, s3, s30, $0xb8;
	[tilespmem:$0x1C800] =	vst v63  }
0x6a: {  	_ =	swait.ge [sflag:s11], $0x2000  }
0x6b: {  	[sflag:s11] =	ssyncset.done $0x0  }
0x6c: {  	[sflag:s11] =	ssyncadd.s32 $0xFFFFE000  }
0x6d: {  	[tilespmem:s0], [sflag:$0x2] =	stream.indirect.gather [hbm4b:s4+s30], $0x80, s16, s30, $0xb8;
	[tilespmem:$0x1C800] =	vst v63  }
0x6e: {  	_ =	swait.ge [sflag:s13], $0x2000  }
0x6f: {  	[sflag:s13] =	ssyncset.done $0x0  }
0x70: {  	[sflag:s13] =	ssyncadd.s32 $0xFFFFE000  }
0x71: {  	[tilespmem:s17], [sflag:$0x3] =	stream.indirect.gather [hbm4b:s4+s30], $0x80, s18, s30, $0xb8;
	[tilespmem:$0x1C800] =	vst v63  }
0x72: {  	_ =	swait.ge [sflag:s20], $0x2000  }
0x73: {  	[sflag:s20] =	ssyncset.done $0x0  }
0x74: {  	[sflag:s20] =	ssyncadd.s32 $0xFFFFE000  }
0x75: {  	[tilespmem:s22], [sflag:$0x4] =	stream.indirect.gather [hbm4b:s4+s30], $0x80, s21, s30, $0xb8;
	[tilespmem:$0x1C800] =	vst v63  }
0x76: {  	s14 =	smov.u32 s5;
	s5 =	simm.s32 $0x400;
	s2 =	rddreg [dreg:$0x13]  }
0x77: {  	[tilespmem:s5], [sflag:$0x9] =	stream.linear.gather [hbm4b:s2+s3], $0x400, $0x38;
	[tilespmem:$0x1C800] =	vst v63  }
0x78: {  	_ =	swait.ge [sflag:s23], $0x2000  }
0x79: {  	[sflag:s23] =	ssyncset.done $0x0  }
0x7a: {  	s2 =	simm.s32 $0x80;
	[sflag:s23] =	ssyncadd.s32 $0xFFFFE000  }
0x7b: {  	[spmem:s1] =	stream.indirect.scatter.add.f32 [tilespmem:s26], [sflag:$0x5], $0x80, s2, s30, $0xb8;
	[tilespmem:$0x1C800] =	vst v63  }
0x7c: {  	_ =	swait.ge [sflag:s15], $0x2000  }
0x7d: {  	[sflag:s15] =	ssyncset.done $0x0  }
0x7e: {  	s2 =	simm.s32 $0x180;
	[sflag:s15] =	ssyncadd.s32 $0xFFFFE000  }
0x7f: {  	[spmem:s1] =	stream.indirect.scatter.add.f32 [tilespmem:s0], [sflag:$0x6], $0x80, s2, s30, $0xb8;
	[tilespmem:$0x1C800] =	vst v63  }
0x80: {  	_ =	swait.ge [sflag:s19], $0x2000  }
0x81: {  	[sflag:s19] =	ssyncset.done $0x0  }
0x82: {  	[sflag:s19] =	ssyncadd.s32 $0xFFFFE000  }
0x83: {  	[spmem:s1] =	stream.indirect.scatter.add.f32 [tilespmem:s17], [sflag:$0x7], $0x80, s31, s30, $0xb8;
	[tilespmem:$0x1C800] =	vst v63  }
0x84: {  	_ =	swait.ge [sflag:s7], $0x2000  }
0x85: {  	[sflag:s7] =	ssyncset.done $0x0  }
0x86: {  	s2 =	simm.s32 $0x380;
	[sflag:s7] =	ssyncadd.s32 $0xFFFFE000  }
0x87: {  	[spmem:s1] =	stream.indirect.scatter.add.f32 [tilespmem:s22], [sflag:$0x8], $0x80, s2, s30, $0xb8;
	[tilespmem:$0x1C800] =	vst v63  }
0x88: {  	_ =	swait.ge [sflag:s9], $0x400  }
0x89: {  	[sflag:s9] =	ssyncset.done $0x0  }
0x8a: {  	[sflag:s9] =	ssyncadd.s32 $0xFFFFFC00  }
0x8b: {  	_ =	swait.ge [sflag:s10], $0x2000  }
0x8c: {  	[sflag:s10] =	ssyncset.done $0x0  }
0x8d: {  	[sflag:s10] =	ssyncadd.s32 $0xFFFFE000  }
0x8e: {  	[tilespmem:s26], [sflag:$0x1] =	stream.indirect.gather [hbm4b:s4+s30], $0x80, s5, s30, $0xb8;
	[tilespmem:$0x1C800] =	vst v63  }
0x8f: {  	_ =	swait.ge [sflag:s11], $0x2000  }
0x90: {  	[sflag:s11] =	ssyncset.done $0x0  }
0x91: {  	s2 =	simm.s32 $0x500;
	[sflag:s11] =	ssyncadd.s32 $0xFFFFE000  }
0x92: {  	[tilespmem:s0], [sflag:$0x2] =	stream.indirect.gather [hbm4b:s4+s30], $0x80, s2, s30, $0xb8;
	[tilespmem:$0x1C800] =	vst v63  }
0x93: {  	_ =	swait.ge [sflag:s13], $0x2000  }
0x94: {  	[sflag:s13] =	ssyncset.done $0x0  }
0x95: {  	[sflag:s13] =	ssyncadd.s32 $0xFFFFE000  }
0x96: {  	[tilespmem:s17], [sflag:$0x3] =	stream.indirect.gather [hbm4b:s4+s30], $0x80, s29, s30, $0xb8;
	[tilespmem:$0x1C800] =	vst v63  }
0x97: {  	_ =	swait.ge [sflag:s20], $0x2000  }
0x98: {  	[sflag:s20] =	ssyncset.done $0x0  }
0x99: {  	s2 =	simm.s32 $0x700;
	[sflag:s20] =	ssyncadd.s32 $0xFFFFE000  }
0x9a: {  	[tilespmem:s22], [sflag:$0x4] =	stream.indirect.gather [hbm4b:s4+s30], $0x80, s2, s30, $0xb8;
	[tilespmem:$0x1C800] =	vst v63  }
0x9b: {  	s2 =	rddreg [dreg:$0x14]  }
0x9c: {  	[tilespmem:s3], [sflag:$0x9] =	stream.linear.gather [hbm4b:s2+s3], $0x400, $0x38;
	[tilespmem:$0x1C800] =	vst v63  }
0x9d: {  	_ =	swait.ge [sflag:s23], $0x2000  }
0x9e: {  	[sflag:s23] =	ssyncset.done $0x0  }
0x9f: {  	[sflag:s23] =	ssyncadd.s32 $0xFFFFE000  }
0xa0: {  	[spmem:s1] =	stream.indirect.scatter.add.f32 [tilespmem:s26], [sflag:$0x5], $0x80, s6, s30, $0xb8;
	[tilespmem:$0x1C800] =	vst v63  }
0xa1: {  	_ =	swait.ge [sflag:s15], $0x2000  }
0xa2: {  	[sflag:s15] =	ssyncset.done $0x0  }
0xa3: {  	[sflag:s15] =	ssyncadd.s32 $0xFFFFE000  }
0xa4: {  	[spmem:s1] =	stream.indirect.scatter.add.f32 [tilespmem:s0], [sflag:$0x6], $0x80, s8, s30, $0xb8;
	[tilespmem:$0x1C800] =	vst v63  }
0xa5: {  	_ =	swait.ge [sflag:s19], $0x2000  }
0xa6: {  	[sflag:s19] =	ssyncset.done $0x0  }
0xa7: {  	[sflag:s19] =	ssyncadd.s32 $0xFFFFE000  }
0xa8: {  	[spmem:s1] =	stream.indirect.scatter.add.f32 [tilespmem:s17], [sflag:$0x7], $0x80, s12, s30, $0xb8;
	[tilespmem:$0x1C800] =	vst v63  }
0xa9: {  	_ =	swait.ge [sflag:s7], $0x2000  }
0xaa: {  	[sflag:s7] =	ssyncset.done $0x0  }
0xab: {  	[sflag:s7] =	ssyncadd.s32 $0xFFFFE000  }
0xac: {  	[spmem:s1] =	stream.indirect.scatter.add.f32 [tilespmem:s22], [sflag:$0x8], $0x80, s25, s30, $0xb8;
	[tilespmem:$0x1C800] =	vst v63  }
0xad: {  	_ =	swait.ge [sflag:s9], $0x400  }
0xae: {  	[sflag:s9] =	ssyncset.done $0x0  }
0xaf: {  	[sflag:s9] =	ssyncadd.s32 $0xFFFFFC00  }
0xb0: {  	_ =	swait.ge [sflag:s10], $0x2000  }
0xb1: {  	[sflag:s10] =	ssyncset.done $0x0  }
0xb2: {  	[sflag:s10] =	ssyncadd.s32 $0xFFFFE000  }
0xb3: {  	[tilespmem:s26], [sflag:$0x1] =	stream.indirect.gather [hbm4b:s4+s30], $0x80, s3, s30, $0xb8;
	[tilespmem:$0x1C800] =	vst v63  }
0xb4: {  	_ =	swait.ge [sflag:s11], $0x2000  }
0xb5: {  	[sflag:s11] =	ssyncset.done $0x0  }
0xb6: {  	[sflag:s11] =	ssyncadd.s32 $0xFFFFE000  }
0xb7: {  	[tilespmem:s0], [sflag:$0x2] =	stream.indirect.gather [hbm4b:s4+s30], $0x80, s16, s30, $0xb8;
	[tilespmem:$0x1C800] =	vst v63  }
0xb8: {  	_ =	swait.ge [sflag:s13], $0x2000  }
0xb9: {  	[sflag:s13] =	ssyncset.done $0x0  }
0xba: {  	[sflag:s13] =	ssyncadd.s32 $0xFFFFE000  }
0xbb: {  	[tilespmem:s17], [sflag:$0x3] =	stream.indirect.gather [hbm4b:s4+s30], $0x80, s18, s30, $0xb8;
	[tilespmem:$0x1C800] =	vst v63  }
0xbc: {  	_ =	swait.ge [sflag:s20], $0x2000  }
0xbd: {  	[sflag:s20] =	ssyncset.done $0x0  }
0xbe: {  	[sflag:s20] =	ssyncadd.s32 $0xFFFFE000  }
0xbf: {  	[tilespmem:s22], [sflag:$0x4] =	stream.indirect.gather [hbm4b:s4+s30], $0x80, s21, s30, $0xb8;
	[tilespmem:$0x1C800] =	vst v63  }
0xc0: {  	s18 =	rddreg [dreg:$0x16]  }
0xc1: {  	[tilespmem:s5], [sflag:$0x9] =	stream.linear.gather [hbm4b:s18+s3], $0x400, $0x38;
	[tilespmem:$0x1C800] =	vst v63  }
0xc2: {  	_ =	swait.ge [sflag:s23], $0x2000  }
0xc3: {  	[sflag:s23] =	ssyncset.done $0x0  }
0xc4: {  	s21 =	simm.s32 $0x80;
	[sflag:s23] =	ssyncadd.s32 $0xFFFFE000  }
0xc5: {  	[spmem:s1] =	stream.indirect.scatter.add.f32 [tilespmem:s26], [sflag:$0x5], $0x80, s21, s30, $0xb8;
	[tilespmem:$0x1C800] =	vst v63  }
0xc6: {  	_ =	swait.ge [sflag:s15], $0x2000  }
0xc7: {  	[sflag:s15] =	ssyncset.done $0x0  }
0xc8: {  	s16 =	simm.s32 $0x180;
	[sflag:s15] =	ssyncadd.s32 $0xFFFFE000  }
0xc9: {  	[spmem:s1] =	stream.indirect.scatter.add.f32 [tilespmem:s0], [sflag:$0x6], $0x80, s16, s30, $0xb8;
	[tilespmem:$0x1C800] =	vst v63  }
0xca: {  	_ =	swait.ge [sflag:s19], $0x2000  }
0xcb: {  	[sflag:s19] =	ssyncset.done $0x0  }
0xcc: {  	[sflag:s19] =	ssyncadd.s32 $0xFFFFE000  }
0xcd: {  	[spmem:s1] =	stream.indirect.scatter.add.f32 [tilespmem:s17], [sflag:$0x7], $0x80, s31, s30, $0xb8;
	[tilespmem:$0x1C800] =	vst v63  }
0xce: {  	_ =	swait.ge [sflag:s7], $0x2000  }
0xcf: {  	[sflag:s7] =	ssyncset.done $0x0  }
0xd0: {  	s18 =	simm.s32 $0x380;
	[sflag:s7] =	ssyncadd.s32 $0xFFFFE000  }
0xd1: {  	[spmem:s1] =	stream.indirect.scatter.add.f32 [tilespmem:s22], [sflag:$0x8], $0x80, s18, s30, $0xb8;
	[tilespmem:$0x1C800] =	vst v63  }
0xd2: {  	_ =	swait.ge [sflag:s9], $0x400  }
0xd3: {  	[sflag:s9] =	ssyncset.done $0x0  }
0xd4: {  	[sflag:s9] =	ssyncadd.s32 $0xFFFFFC00  }
0xd5: {  	_ =	swait.ge [sflag:s10], $0x2000  }
0xd6: {  	[sflag:s10] =	ssyncset.done $0x0  }
0xd7: {  	[sflag:s10] =	ssyncadd.s32 $0xFFFFE000  }
0xd8: {  	[tilespmem:s26], [sflag:$0x1] =	stream.indirect.gather [hbm4b:s4+s30], $0x80, s5, s30, $0xb8;
	[tilespmem:$0x1C800] =	vst v63  }
0xd9: {  	_ =	swait.ge [sflag:s11], $0x2000  }
0xda: {  	[sflag:s11] =	ssyncset.done $0x0  }
0xdb: {  	s21 =	simm.s32 $0x500;
	[sflag:s11] =	ssyncadd.s32 $0xFFFFE000  }
0xdc: {  	[tilespmem:s0], [sflag:$0x2] =	stream.indirect.gather [hbm4b:s4+s30], $0x80, s21, s30, $0xb8;
	[tilespmem:$0x1C800] =	vst v63  }
0xdd: {  	s2 =	simm.s32 $0x700;
	_ =	swait.ge [sflag:s13], $0x2000  }
0xde: {  	s6 =	simm.s32 $0x480;
	s8 =	simm.s32 $0x580;
	[sflag:s13] =	ssyncset.done $0x0  }
0xdf: {  	s12 =	simm.s32 $0x680;
	s16 =	simm.s32 $0x500;
	[sflag:s13] =	ssyncadd.s32 $0xFFFFE000  }
0xe0: {  	[tilespmem:s17], [sflag:$0x3] =	stream.indirect.gather [hbm4b:s4+s30], $0x80, s29, s30, $0xb8;
	[tilespmem:$0x1C800] =	vst v63  }
0xe1: {  	s31 =	simm.s32 $0x380;
	s18 =	simm.s32 $0x600;
	_ =	swait.ge [sflag:s20], $0x2000  }
0xe2: {  	s5 =	smov.u32 s14;
	s14 =	stileid.u32;
	[sflag:s20] =	ssyncset.done $0x0  }
0xe3: {  	s21 =	simm.s32 $0x700;
	s29 =	simm.s32 $0x400;
	[sflag:s20] =	ssyncadd.s32 $0xFFFFE000  }
0xe4: {  	[tilespmem:s22], [sflag:$0x4] =	stream.indirect.gather [hbm4b:s4+s30], $0x80, s2, s30, $0xb8;
	[tilespmem:$0x1C800] =	vst v63  }
.LBB2_7:
0xe5: {  	_ =	swait.ge [sflag:s23], $0x2000  }
0xe6: {  	[sflag:s23] =	ssyncset.done $0x0  }
0xe7: {  	[sflag:s23] =	ssyncadd.s32 $0xFFFFE000  }
0xe8: {  	[spmem:s1] =	stream.indirect.scatter.add.f32 [tilespmem:s26], [sflag:$0x5], $0x80, s6, s30, $0xb8;
	[tilespmem:$0x1C800] =	vst v63  }
0xe9: {  	_ =	swait.ge [sflag:s15], $0x2000  }
0xea: {  	[sflag:s15] =	ssyncset.done $0x0  }
0xeb: {  	[sflag:s15] =	ssyncadd.s32 $0xFFFFE000  }
0xec: {  	[spmem:s1] =	stream.indirect.scatter.add.f32 [tilespmem:s0], [sflag:$0x6], $0x80, s8, s30, $0xb8;
	[tilespmem:$0x1C800] =	vst v63  }
0xed: {  	_ =	swait.ge [sflag:s19], $0x2000  }
0xee: {  	[sflag:s19] =	ssyncset.done $0x0  }
0xef: {  	[sflag:s19] =	ssyncadd.s32 $0xFFFFE000  }
0xf0: {  	[spmem:s1] =	stream.indirect.scatter.add.f32 [tilespmem:s17], [sflag:$0x7], $0x80, s12, s30, $0xb8;
	[tilespmem:$0x1C800] =	vst v63  }
0xf1: {  	_ =	swait.ge [sflag:s7], $0x2000  }
0xf2: {  	[sflag:s7] =	ssyncset.done $0x0  }
0xf3: {  	[sflag:s7] =	ssyncadd.s32 $0xFFFFE000  }
0xf4: {  	[spmem:s1] =	stream.indirect.scatter.add.f32 [tilespmem:s22], [sflag:$0x8], $0x80, s25, s30, $0xb8;
	[tilespmem:$0x1C800] =	vst v63  }
0xf5: {  	_ =	swait.ge [sflag:s10], $0x2000  }
0xf6: {  	[sflag:s10] =	ssyncset.done $0x0  }
0xf7: {  	[sflag:s10] =	ssyncadd.s32 $0xFFFFE000  }
0xf8: {  	_ =	swait.ge [sflag:s11], $0x2000  }
0xf9: {  	[sflag:s11] =	ssyncset.done $0x0  }
0xfa: {  	[sflag:s11] =	ssyncadd.s32 $0xFFFFE000  }
0xfb: {  	_ =	swait.ge [sflag:s13], $0x2000  }
0xfc: {  	[sflag:s13] =	ssyncset.done $0x0  }
0xfd: {  	[sflag:s13] =	ssyncadd.s32 $0xFFFFE000  }
0xfe: {  	_ =	swait.ge [sflag:s20], $0x2000  }
0xff: {  	[sflag:s20] =	ssyncset.done $0x0  }
0x100: {  	[sflag:s20] =	ssyncadd.s32 $0xFFFFE000  }
0x101: {  	s2 =	sshll.u32 s14, $0x6;
	[bflag:$0x0] =	sbarrier.arrive $0xFFFF  }
0x102: {  	s2 =	sor.u32 $0x1C0A, s2;
	s8 =	sshrl.u32 s5, $0x3;
	s12 =	rddreg [dreg:$0x11]  }
0x103: {  	[hbm:s12], [sflag:s2] =	dma.local [spmem:s8], $0x2800  }
0x104: {  	_ =	swait.ge [sflag:s28], $0x2800  }
0x105: {  	s24 =	sadd.s32 $0x1, s24;
	s25 =	rddreg [dreg:$0x12]  }
0x106: {  	p1 =	sne.s32 s24, s25  }
.Ltmp1:
0x107: {  	_ = 	snop;
	(pc) =	sbr.rel @!p1 .LBB2_8-.Ltmp1, $3  }
0x108: {  	_ =	sdelay $0x1  }
0x109: {  	[sflag:s28] =	ssyncset.done $0x0  }
0x10a: {  	[sflag:s28] =	ssyncadd.s32 $0xFFFFD800  }
.LBB2_1:
0x10b: {  	s2 =	sand.u32 $0x7E00, s3  }
0x10c: {  	s6 =	sand.u32 $0x70, s3;
	s8 =	sshrl.u32 s2, $0x2  }
0x10d: {  	s2 =	simm.s32 $0x40;
	s8 =	sor.u32 s6, s8;
	s6 =	simm.s32 $0x0  }
.LBB2_2:
0x10e: {  	p1 =	sne.s32 s2, $0x7FC0  }
0x10f: {  	[tilespmem:s8+$0x800] =	vst v0;
	s6 =	sadd.s32 $0x10, s6;
	s8 =	smov.u32 s2;
	s2 =	sadd.s32 $0x40, s2  }
.Ltmp2:
0x110: {  	(pc) =	sbr.rel @p1 .LBB2_2-.Ltmp2, $4  }
0x111: {  	_ = 	snop  }
0x112: {  	s8 =	sand.u32 $0x7E00, s8  }
0x113: {  	s12 =	sand.u32 $0x70, s6;
	s8 =	sshrl.u32 s8, $0x2  }
0x114: {  	s8 =	sor.u32 s12, s8  }
0x115: {  	[tilespmem:s8+$0x800] =	vst v0  }
0x116: {  	[spmem:s5] =	stream.linear.scatter [tilespmem:s26], [sflag:$0xA], $0x2000, $0x38;
	[tilespmem:$0x1C800] =	vst v63  }
0x117: {  	_ =	swait.ge [sflag:s28], $0x2000  }
0x118: {  	[sflag:s28] =	ssyncset.done $0x0  }
0x119: {  	s2 =	rddreg [dreg:$0x3];
	[sflag:s28] =	ssyncadd.s32 $0xFFFFE000  }
0x11a: {  	[spmem:s2] =	stream.linear.scatter [tilespmem:s26], [sflag:$0xA], $0x2000, $0x38;
	[tilespmem:$0x1C800] =	vst v63  }
0x11b: {  	_ =	swait.ge [sflag:s28], $0x2000  }
0x11c: {  	[sflag:s28] =	ssyncset.done $0x0  }
0x11d: {  	s12 =	rddreg [dreg:$0x4];
	[sflag:s28] =	ssyncadd.s32 $0xFFFFE000  }
0x11e: {  	[spmem:s12] =	stream.linear.scatter [tilespmem:s26], [sflag:$0xA], $0x2000, $0x38;
	[tilespmem:$0x1C800] =	vst v63  }
0x11f: {  	_ =	swait.ge [sflag:s28], $0x2000  }
0x120: {  	[sflag:s28] =	ssyncset.done $0x0  }
0x121: {  	s14 =	rddreg [dreg:$0x5];
	[sflag:s28] =	ssyncadd.s32 $0xFFFFE000  }
0x122: {  	[spmem:s14] =	stream.linear.scatter [tilespmem:s26], [sflag:$0xA], $0x2000, $0x38;
	[tilespmem:$0x1C800] =	vst v63  }
0x123: {  	_ =	swait.ge [sflag:s28], $0x2000  }
0x124: {  	[sflag:s28] =	ssyncset.done $0x0  }
0x125: {  	s25 =	rddreg [dreg:$0x6];
	[sflag:s28] =	ssyncadd.s32 $0xFFFFE000  }
0x126: {  	[spmem:s25] =	stream.linear.scatter [tilespmem:s26], [sflag:$0xA], $0x2000, $0x38;
	[tilespmem:$0x1C800] =	vst v63  }
0x127: {  	_ =	swait.ge [sflag:s28], $0x2000  }
0x128: {  	[sflag:s28] =	ssyncset.done $0x0  }
0x129: {  	s6 =	rddreg [dreg:$0x7];
	[sflag:s28] =	ssyncadd.s32 $0xFFFFE000  }
0x12a: {  	[spmem:s6] =	stream.linear.scatter [tilespmem:s26], [sflag:$0xA], $0x2000, $0x38;
	[tilespmem:$0x1C800] =	vst v63  }
0x12b: {  	_ =	swait.ge [sflag:s28], $0x2000  }
0x12c: {  	[sflag:s28] =	ssyncset.done $0x0  }
0x12d: {  	s8 =	rddreg [dreg:$0x8];
	[sflag:s28] =	ssyncadd.s32 $0xFFFFE000  }
0x12e: {  	[spmem:s8] =	stream.linear.scatter [tilespmem:s26], [sflag:$0xA], $0x2000, $0x38;
	[tilespmem:$0x1C800] =	vst v63  }
0x12f: {  	_ =	swait.ge [sflag:s28], $0x2000  }
0x130: {  	[sflag:s28] =	ssyncset.done $0x0  }
0x131: {  	s12 =	rddreg [dreg:$0x9];
	[sflag:s28] =	ssyncadd.s32 $0xFFFFE000  }
0x132: {  	[spmem:s12] =	stream.linear.scatter [tilespmem:s26], [sflag:$0xA], $0x2000, $0x38;
	[tilespmem:$0x1C800] =	vst v63  }
0x133: {  	_ =	swait.ge [sflag:s28], $0x2000  }
0x134: {  	[sflag:s28] =	ssyncset.done $0x0  }
0x135: {  	s14 =	rddreg [dreg:$0xa];
	[sflag:s28] =	ssyncadd.s32 $0xFFFFE000  }
0x136: {  	[spmem:s14] =	stream.linear.scatter [tilespmem:s26], [sflag:$0xA], $0x2000, $0x38;
	[tilespmem:$0x1C800] =	vst v63  }
0x137: {  	_ =	swait.ge [sflag:s28], $0x2000  }
0x138: {  	[sflag:s28] =	ssyncset.done $0x0  }
0x139: {  	s25 =	rddreg [dreg:$0xb];
	[sflag:s28] =	ssyncadd.s32 $0xFFFFE000  }
0x13a: {  	[spmem:s25] =	stream.linear.scatter [tilespmem:s26], [sflag:$0xA], $0x2000, $0x38;
	[tilespmem:$0x1C800] =	vst v63  }
.Ltmp3:
0x13b: {  	_ =	swait.ge [sflag:s28], $0x2000;
	(pc) =	sbr.rel @p0 .LBB2_9-.Ltmp3, $3  }
0x13c: {  	[sflag:s28] =	ssyncset.done $0x0  }
0x13d: {  	[sflag:s28] =	ssyncadd.s32 $0xFFFFE000  }
0x13e: {  	[bflag:$0x0] =	sbarrier.arrive $0xFFFF;
	_ =	sdelay $0x1  }
0x13f: {  	s2 =	simm.s32 $0x0;
	s6 =	rddreg [dreg:$0xc]  }
0x140: {  	[tilespmem:s2], [sflag:$0xA] =	stream.linear.gather [hbm4b:s6+s2], $0x400, $0x38;
	[tilespmem:$0x1C800] =	vst v63  }
0x141: {  	_ =	swait.ge [sflag:s28], $0x400  }
0x142: {  	[sflag:s28] =	ssyncset.done $0x0  }
0x143: {  	s8 =	rddreg [dreg:$0xd];
	[sflag:s28] =	ssyncadd.s32 $0xFFFFFC00  }
0x144: {  	[tilespmem:s29], [sflag:$0x9] =	stream.linear.gather [hbm4b:s8+s2], $0x400, $0x38;
	[tilespmem:$0x1C800] =	vst v63  }
0x145: {  	_ = 	snop  }
0x146: {  	[tilespmem:s26], [sflag:$0x1] =	stream.indirect.gather [hbm4b:s4+s30], $0x80, s2, s30, $0xb8;
	[tilespmem:$0x1C800] =	vst v63  }
0x147: {  	s12 =	simm.s32 $0x100  }
0x148: {  	[tilespmem:s0], [sflag:$0x2] =	stream.indirect.gather [hbm4b:s4+s30], $0x80, s12, s30, $0xb8;
	[tilespmem:$0x1C800] =	vst v63  }
0x149: {  	s14 =	simm.s32 $0x200  }
0x14a: {  	[tilespmem:s17], [sflag:$0x3] =	stream.indirect.gather [hbm4b:s4+s30], $0x80, s14, s30, $0xb8;
	[tilespmem:$0x1C800] =	vst v63  }
0x14b: {  	s25 =	simm.s32 $0x300  }
0x14c: {  	[tilespmem:s22], [sflag:$0x4] =	stream.indirect.gather [hbm4b:s4+s30], $0x80, s25, s30, $0xb8;
	[tilespmem:$0x1C800] =	vst v63  }
0x14d: {  	_ =	swait.ge [sflag:s23], $0x2000  }
0x14e: {  	s2 =	sand.u32 $0x400, s2;
	[sflag:s23] =	ssyncset.done $0x0  }
0x14f: {  	s8 =	sor.u32 $0x80, s2;
	[sflag:s23] =	ssyncadd.s32 $0xFFFFE000  }
0x150: {  	[spmem:s1] =	stream.indirect.scatter.add.f32 [tilespmem:s26], [sflag:$0x5], $0x80, s8, s30, $0xb8;
	[tilespmem:$0x1C800] =	vst v63  }
0x151: {  	_ =	swait.ge [sflag:s15], $0x2000  }
0x152: {  	[sflag:s15] =	ssyncset.done $0x0  }
0x153: {  	s12 =	sor.u32 $0x180, s2;
	[sflag:s15] =	ssyncadd.s32 $0xFFFFE000  }
0x154: {  	[spmem:s1] =	stream.indirect.scatter.add.f32 [tilespmem:s0], [sflag:$0x6], $0x80, s12, s30, $0xb8;
	[tilespmem:$0x1C800] =	vst v63  }
0x155: {  	_ =	swait.ge [sflag:s19], $0x2000  }
0x156: {  	[sflag:s19] =	ssyncset.done $0x0  }
0x157: {  	s14 =	sor.u32 $0x280, s2;
	[sflag:s19] =	ssyncadd.s32 $0xFFFFE000  }
0x158: {  	[spmem:s1] =	stream.indirect.scatter.add.f32 [tilespmem:s17], [sflag:$0x7], $0x80, s14, s30, $0xb8;
	[tilespmem:$0x1C800] =	vst v63  }
0x159: {  	_ =	swait.ge [sflag:s7], $0x2000  }
0x15a: {  	[sflag:s7] =	ssyncset.done $0x0  }
0x15b: {  	s25 =	sor.u32 $0x380, s2;
	[sflag:s7] =	ssyncadd.s32 $0xFFFFE000  }
0x15c: {  	[spmem:s1] =	stream.indirect.scatter.add.f32 [tilespmem:s22], [sflag:$0x8], $0x80, s25, s30, $0xb8;
	[tilespmem:$0x1C800] =	vst v63  }
0x15d: {  	_ =	swait.ge [sflag:s9], $0x400  }
0x15e: {  	[sflag:s9] =	ssyncset.done $0x0  }
0x15f: {  	[sflag:s9] =	ssyncadd.s32 $0xFFFFFC00  }
0x160: {  	_ =	swait.ge [sflag:s10], $0x2000  }
0x161: {  	[sflag:s10] =	ssyncset.done $0x0  }
0x162: {  	s8 =	sxor.u32 $0x400, s2;
	[sflag:s10] =	ssyncadd.s32 $0xFFFFE000  }
0x163: {  	[tilespmem:s26], [sflag:$0x1] =	stream.indirect.gather [hbm4b:s4+s30], $0x80, s8, s30, $0xb8;
	[tilespmem:$0x1C800] =	vst v63  }
0x164: {  	_ =	swait.ge [sflag:s11], $0x2000  }
0x165: {  	[sflag:s11] =	ssyncset.done $0x0  }
0x166: {  	s12 =	sxor.u32 $0x500, s2;
	[sflag:s11] =	ssyncadd.s32 $0xFFFFE000  }
0x167: {  	[tilespmem:s0], [sflag:$0x2] =	stream.indirect.gather [hbm4b:s4+s30], $0x80, s12, s30, $0xb8;
	[tilespmem:$0x1C800] =	vst v63  }
0x168: {  	_ =	swait.ge [sflag:s13], $0x2000  }
0x169: {  	[sflag:s13] =	ssyncset.done $0x0  }
0x16a: {  	s14 =	sxor.u32 $0x600, s2;
	[sflag:s13] =	ssyncadd.s32 $0xFFFFE000  }
0x16b: {  	[tilespmem:s17], [sflag:$0x3] =	stream.indirect.gather [hbm4b:s4+s30], $0x80, s14, s30, $0xb8;
	[tilespmem:$0x1C800] =	vst v63  }
0x16c: {  	_ =	swait.ge [sflag:s20], $0x2000  }
0x16d: {  	s6 =	simm.s32 $0x400;
	[sflag:s20] =	ssyncset.done $0x0;
	s12 =	rddreg [dreg:$0x15]  }
0x16e: {  	s25 =	sxor.u32 $0x700, s2;
	[sflag:s20] =	ssyncadd.s32 $0xFFFFE000;
	s8 =	sadd.s32 $0x80, s12  }
0x16f: {  	[tilespmem:s22], [sflag:$0x4] =	stream.indirect.gather [hbm4b:s4+s30], $0x80, s25, s30, $0xb8;
	[tilespmem:$0x1C800] =	vst v63  }
.LBB2_5:
0x170: {  	[tilespmem:s2], [sflag:$0x9] =	stream.linear.gather [hbm4b:s12+s3], $0x400, $0x38;
	[tilespmem:$0x1C800] =	vst v63  }
0x171: {  	s2 =	smov.u32 s6;
	s12 =	smov.u32 s8  }
0x172: {  	p1 =	seq.s32 s6, $0x11C00;
	s6 =	sadd.s32 $0x400, s6;
	_ =	swait.ge [sflag:s23], $0x2000  }
0x173: {  	s2 =	sand.u32 $0x400, s2;
	[sflag:s23] =	ssyncset.done $0x0  }
0x174: {  	s14 =	sor.u32 $0x80, s2;
	[sflag:s23] =	ssyncadd.s32 $0xFFFFE000  }
0x175: {  	[spmem:s1] =	stream.indirect.scatter.add.f32 [tilespmem:s26], [sflag:$0x5], $0x80, s14, s30, $0xb8;
	[tilespmem:$0x1C800] =	vst v63  }
0x176: {  	_ =	swait.ge [sflag:s15], $0x2000  }
0x177: {  	[sflag:s15] =	ssyncset.done $0x0  }
0x178: {  	s14 =	sor.u32 $0x180, s2;
	[sflag:s15] =	ssyncadd.s32 $0xFFFFE000  }
0x179: {  	[spmem:s1] =	stream.indirect.scatter.add.f32 [tilespmem:s0], [sflag:$0x6], $0x80, s14, s30, $0xb8;
	[tilespmem:$0x1C800] =	vst v63  }
0x17a: {  	_ =	swait.ge [sflag:s19], $0x2000  }
0x17b: {  	[sflag:s19] =	ssyncset.done $0x0  }
0x17c: {  	s14 =	sor.u32 $0x280, s2;
	[sflag:s19] =	ssyncadd.s32 $0xFFFFE000  }
0x17d: {  	[spmem:s1] =	stream.indirect.scatter.add.f32 [tilespmem:s17], [sflag:$0x7], $0x80, s14, s30, $0xb8;
	[tilespmem:$0x1C800] =	vst v63  }
0x17e: {  	_ =	swait.ge [sflag:s7], $0x2000  }
0x17f: {  	[sflag:s7] =	ssyncset.done $0x0  }
0x180: {  	s14 =	sor.u32 $0x380, s2;
	[sflag:s7] =	ssyncadd.s32 $0xFFFFE000  }
0x181: {  	[spmem:s1] =	stream.indirect.scatter.add.f32 [tilespmem:s22], [sflag:$0x8], $0x80, s14, s30, $0xb8;
	[tilespmem:$0x1C800] =	vst v63  }
0x182: {  	_ =	swait.ge [sflag:s9], $0x400  }
0x183: {  	[sflag:s9] =	ssyncset.done $0x0  }
0x184: {  	[sflag:s9] =	ssyncadd.s32 $0xFFFFFC00  }
0x185: {  	_ =	swait.ge [sflag:s10], $0x2000  }
0x186: {  	[sflag:s10] =	ssyncset.done $0x0  }
0x187: {  	s14 =	sxor.u32 $0x400, s2;
	[sflag:s10] =	ssyncadd.s32 $0xFFFFE000  }
0x188: {  	[tilespmem:s26], [sflag:$0x1] =	stream.indirect.gather [hbm4b:s4+s30], $0x80, s14, s30, $0xb8;
	[tilespmem:$0x1C800] =	vst v63  }
0x189: {  	_ =	swait.ge [sflag:s11], $0x2000  }
0x18a: {  	[sflag:s11] =	ssyncset.done $0x0  }
0x18b: {  	s14 =	sxor.u32 $0x500, s2;
	[sflag:s11] =	ssyncadd.s32 $0xFFFFE000  }
0x18c: {  	[tilespmem:s0], [sflag:$0x2] =	stream.indirect.gather [hbm4b:s4+s30], $0x80, s14, s30, $0xb8;
	[tilespmem:$0x1C800] =	vst v63  }
0x18d: {  	_ =	swait.ge [sflag:s13], $0x2000  }
0x18e: {  	[sflag:s13] =	ssyncset.done $0x0  }
0x18f: {  	s14 =	sxor.u32 $0x600, s2;
	[sflag:s13] =	ssyncadd.s32 $0xFFFFE000  }
0x190: {  	[tilespmem:s17], [sflag:$0x3] =	stream.indirect.gather [hbm4b:s4+s30], $0x80, s14, s30, $0xb8;
	[tilespmem:$0x1C800] =	vst v63  }
.Ltmp4:
0x191: {  	_ =	swait.ge [sflag:s20], $0x2000;
	(pc) =	sbr.rel @!p1 .LBB2_5-.Ltmp4, $4  }
0x192: {  	[sflag:s20] =	ssyncset.done $0x0  }
0x193: {  	s14 =	sxor.u32 $0x700, s2;
	[sflag:s20] =	ssyncadd.s32 $0xFFFFE000  }
0x194: {  	[tilespmem:s22], [sflag:$0x4] =	stream.indirect.gather [hbm4b:s4+s30], $0x80, s14, s30, $0xb8;
	[tilespmem:$0x1C800] =	vst v63  }
0x195: {  	s8 =	sadd.s32 $0x80, s8  }
0x196: {  	[tilespmem:s2], [sflag:$0x9] =	stream.linear.gather [hbm4b:s12+s3], $0x400, $0x38;
	[tilespmem:$0x1C800] =	vst v63  }
0x197: {  	_ =	swait.ge [sflag:s23], $0x2000  }
0x198: {  	[sflag:s23] =	ssyncset.done $0x0  }
0x199: {  	s12 =	simm.s32 $0x80;
	[sflag:s23] =	ssyncadd.s32 $0xFFFFE000  }
0x19a: {  	[spmem:s1] =	stream.indirect.scatter.add.f32 [tilespmem:s26], [sflag:$0x5], $0x80, s12, s30, $0xb8;
	[tilespmem:$0x1C800] =	vst v63  }
0x19b: {  	_ =	swait.ge [sflag:s15], $0x2000  }
0x19c: {  	[sflag:s15] =	ssyncset.done $0x0  }
0x19d: {  	s14 =	simm.s32 $0x180;
	[sflag:s15] =	ssyncadd.s32 $0xFFFFE000  }
0x19e: {  	[spmem:s1] =	stream.indirect.scatter.add.f32 [tilespmem:s0], [sflag:$0x6], $0x80, s14, s30, $0xb8;
	[tilespmem:$0x1C800] =	vst v63  }
0x19f: {  	_ =	swait.ge [sflag:s19], $0x2000  }
0x1a0: {  	[sflag:s19] =	ssyncset.done $0x0  }
0x1a1: {  	s25 =	simm.s32 $0x280;
	[sflag:s19] =	ssyncadd.s32 $0xFFFFE000  }
0x1a2: {  	[spmem:s1] =	stream.indirect.scatter.add.f32 [tilespmem:s17], [sflag:$0x7], $0x80, s25, s30, $0xb8;
	[tilespmem:$0x1C800] =	vst v63  }
0x1a3: {  	_ =	swait.ge [sflag:s7], $0x2000  }
0x1a4: {  	[sflag:s7] =	ssyncset.done $0x0  }
0x1a5: {  	[sflag:s7] =	ssyncadd.s32 $0xFFFFE000  }
0x1a6: {  	[spmem:s1] =	stream.indirect.scatter.add.f32 [tilespmem:s22], [sflag:$0x8], $0x80, s31, s30, $0xb8;
	[tilespmem:$0x1C800] =	vst v63  }
0x1a7: {  	_ =	swait.ge [sflag:s9], $0x400  }
0x1a8: {  	[sflag:s9] =	ssyncset.done $0x0  }
0x1a9: {  	[sflag:s9] =	ssyncadd.s32 $0xFFFFFC00  }
0x1aa: {  	_ =	swait.ge [sflag:s10], $0x2000  }
0x1ab: {  	[sflag:s10] =	ssyncset.done $0x0  }
0x1ac: {  	[sflag:s10] =	ssyncadd.s32 $0xFFFFE000  }
0x1ad: {  	[tilespmem:s26], [sflag:$0x1] =	stream.indirect.gather [hbm4b:s4+s30], $0x80, s29, s30, $0xb8;
	[tilespmem:$0x1C800] =	vst v63  }
0x1ae: {  	_ =	swait.ge [sflag:s11], $0x2000  }
0x1af: {  	[sflag:s11] =	ssyncset.done $0x0  }
0x1b0: {  	[sflag:s11] =	ssyncadd.s32 $0xFFFFE000  }
0x1b1: {  	[tilespmem:s0], [sflag:$0x2] =	stream.indirect.gather [hbm4b:s4+s30], $0x80, s16, s30, $0xb8;
	[tilespmem:$0x1C800] =	vst v63  }
0x1b2: {  	_ =	swait.ge [sflag:s13], $0x2000  }
0x1b3: {  	[sflag:s13] =	ssyncset.done $0x0  }
0x1b4: {  	[sflag:s13] =	ssyncadd.s32 $0xFFFFE000  }
0x1b5: {  	[tilespmem:s17], [sflag:$0x3] =	stream.indirect.gather [hbm4b:s4+s30], $0x80, s18, s30, $0xb8;
	[tilespmem:$0x1C800] =	vst v63  }
.Ltmp5:
0x1b6: {  	_ = 	snop;
	(pc) =	sbr.rel .LBB2_7-.Ltmp5, $4  }
0x1b7: {  	s6 =	simm.s32 $0x480;
	_ =	swait.ge [sflag:s20], $0x2000  }
0x1b8: {  	s8 =	simm.s32 $0x580;
	s12 =	simm.s32 $0x680;
	[sflag:s20] =	ssyncset.done $0x0  }
0x1b9: {  	s14 =	stileid.u32;
	s25 =	simm.s32 $0x780;
	[sflag:s20] =	ssyncadd.s32 $0xFFFFE000  }
0x1ba: {  	[tilespmem:s22], [sflag:$0x4] =	stream.indirect.gather [hbm4b:s4+s30], $0x80, s21, s30, $0xb8;
	[tilespmem:$0x1C800] =	vst v63  }
.LBB2_8:
0x1bb: {  	_ =	sfence.sel $0x180000  }
0x1bc: {  	[bflag:$0x0] =	sbarrier.arrive $0xFFFF  }
0x1bd: {  	_ =	strace $0x9000004A  }
0x1be: {  	[bflag:$0x2] =	sbarrier.arrive $0xFFFF  }
0x1bf: {  	p0 =	sne.s32 s14, $0x0;
	s0 =	rddreg [dreg:$0x2]  }
0x1c0: {  	s0 =	sadd.s32 @!p0 $0x100000, s0  }
0x1c1: {  	[sflag:s0] =	ssyncadd.tile.s32 @!p0 $0x1;
	_ =	shalt  }
.Lfunc_end2:
_tile_overlayer_lowered:
.L_overlay_start_2:
0x1c2: {  	(tag) =	ssettag $0x2  }
0x1c3: {  	s0 =	rddreg [dreg:$0x0];
	s2 =	stileid.u32  }
0x1c4: {  	s1 =	rddreg [dreg:$0x1];
	p0 =	sne.s32 s2, $0x0  }
0x1c5: {  	s3 =	rddreg [dreg:$0x2];
	[bflag:$0x3] =	sbarrier.arrive $0xFFFF;
	s2 =	simm.s32 @!p0 $0x1C0A  }
0x1c6: {  	[timem:s3], [sflag:s2] =	dma.local @!p0 [hbm:s0], s1  }
0x1c7: {  	s0 =	simm.s32 @!p0 $0xA  }
0x1c8: {  	_ =	swait.ge @!p0 [sflag:s0], s1  }
0x1c9: {  	s1 =	ssub.s32 @!p0 $0x0, s1;
	[sflag:s0] =	ssyncset.done @!p0 $0x0  }
0x1ca: {  	[sflag:s0] =	ssyncadd.s32 @!p0 s1  }
0x1cb: {  	[bflag:$0x3] =	sbarrier.arrive $0xFFFF  }
0x1cc: {  	_ =	shalt  }

// kernel: kernel.15.cloned.1.call-start
scs
__scs_entry_jumppad:
0x0: {  	(pc) =	sbr.rel $0x88, $3  }
0x1: {  	(tag) =	ssettag $0x0;
	lr =	simm.s32 $0x1  }
0x2: {  	[smem:$0x3F8F] =	sst lr;
	_ =	strace $0xD0000000  }
0x3: {  	_ = 	snop  }
0x4: {  	_ = 	snop  }
0x5: {  	_ = 	snop  }
0x6: {  	_ = 	snop  }
0x7: {  	_ = 	snop  }
__scs_overlays_trampoline_lowered:
0x8: {  	[smem:$0x3F9E] =	sst s0  }
0x9: {  	[smem:$0x3F9F] =	sst s1  }
0xa: {  	[smem:$0x3FA0] =	sst s2  }
0xb: {  	[smem:$0x3FA1] =	sst s3  }
0xc: {  	[smem:$0x3FA2] =	sst s4  }
0xd: {  	[smem:$0x3FA3] =	sst s5  }
0xe: {  	[smem:$0x3FA4] =	sst s6  }
0xf: {  	[smem:$0x3FA5] =	sst s7  }
0x10: {  	[smem:$0x3FA6] =	sst s8  }
0x11: {  	[smem:$0x3FA7] =	sst s9;
	s0 =	simm.s32 @!p0 $0x0  }
0x12: {  	s1 =	sld [smem:$0x3F8D];
	s0 =	simm.s32 @p0 $0x1  }
0x13: {  	[smem:$0x3FA8] =	sst s0;
	s0 =	simm.s32 @!p1 $0x0  }
0x14: {  	s2 =	sld [smem:$0x3F8C];
	s0 =	simm.s32 @p1 $0x1  }
0x15: {  	[smem:$0x3FA9] =	sst s0;
	s0 =	simm.s32 @!p2 $0x0  }
0x16: {  	s3 =	sld [smem:$0x3FDB];
	s0 =	simm.s32 @p2 $0x1  }
0x17: {  	s4 =	simm.s32 $0x1BF5;
	[smem:$0x3FAB] =	sst s0  }
0x18: {  	s0 =	sld [smem:$0x3F8E];
	_ =	swait.ge [sflag:s4], $0x0  }
0x19: {  	s7 =	sld [smem:$0x3F8F]  }
0x1a: {  	s8 =	sadd.s32 $0xFFFFE003, lr  }
0x1b: {  	s9 =	sadd.s32 $0xFFFFFEF7, lr;
	s5 =	simm.s32 $0xFFFFFFFF;
	p2 =	slt.u32 s8, $0xFFFFF086  }
0x1c: {  	p1 =	slt.u32 s9, $0xF7A;
	s5 =	simm.s32 @!p2 $0x0  }
0x1d: {  	s5 =	simm.s32 @p1 $0x1;
	p0 =	seq.s32 s7, s2  }
0x1e: {  	s7 =	smul.u32 @!p0 $0xF7A, s2;
	p2 =	seq.s32 @!p0 s5, $0x0  }
0x1f: {  	s9 =	smul.u32 $0xF7A, s1;
	s8 =	simm.s32 @!p0 $0x1BF5;
	p2 =	por !p2, p0  }
0x20: {  	[sflag:s8] =	ssyncset.s32 @!p0 $0xFFFFF086;
	s6 =	sadd.s32 @!p0 s3, s7;
	s7 =	simm.s32 @!p0 $0x108  }
0x21: {  	s3 =	sadd.s32 s3, s9;
	s6 =	sadd.s32 @!p0 $0x88, s6;
	s7 =	simm.s32 @p2 $0x1082  }
0x22: {  	[simem:s7], [sflag:s8] =	dma.local @!p0 [hbm:s6], $0xF7A  }
0x23: {  	s9 =	sor.u32 $0xD0000000, s2;
	s6 =	simm.s32 $0x108;
	_ =	swait.ge @!p0 [sflag:s8], $0x0  }
0x24: {  	s3 =	sadd.s32 $0x88, s3;
	s6 =	simm.s32 @!p1 $0x1082;
	[sflag:s4] =	ssyncset.s32 $0xFFFFF086  }
0x25: {  	[simem:s6], [sflag:s4] =	dma.local [hbm:s3], $0xF7A  }
0x26: {  	[smem:$0x3F8F] =	sst s1;
	(tag) =	ssettag s2;
	_ =	strace s9  }
0x27: {  	s1 =	sld [smem:$0x3F9F]  }
0x28: {  	s2 =	sld [smem:$0x3FA0]  }
0x29: {  	s4 =	sld [smem:$0x3FA2]  }
0x2a: {  	p0 =	seq.s32 s5, $0x0;
	s5 =	sld [smem:$0x3FA3]  }
0x2b: {  	s6 =	sld [smem:$0x3FA4]  }
0x2c: {  	s7 =	sld [smem:$0x3FA5]  }
0x2d: {  	s3 =	simm.s32 $0x108;
	s8 =	sld [smem:$0x3FA6]  }
0x2e: {  	s3 =	simm.s32 @!p0 $0x1082;
	s9 =	sld [smem:$0x3FA7]  }
0x2f: {  	lr =	sadd.s32 s0, s3;
	s0 =	sld [smem:$0x3F9E]  }
0x30: {  	s3 =	sld [smem:$0x3FA1]  }
0x31: {  	[smem:$0x3FAA] =	sst s10  }
0x32: {  	s10 =	sld [smem:$0x3FA8];
	_ =	sdelay $0x3  }
0x33: {  	p0 =	seq.s32 s10, $0x1;
	s10 =	sld [smem:$0x3FAA];
	_ =	sdelay $0x3  }
0x34: {  	[smem:$0x3FAA] =	sst s10  }
0x35: {  	s10 =	sld [smem:$0x3FA9];
	_ =	sdelay $0x3  }
0x36: {  	p1 =	seq.s32 s10, $0x1;
	s10 =	sld [smem:$0x3FAA];
	_ =	sdelay $0x3  }
0x37: {  	[smem:$0x3FAA] =	sst s10  }
0x38: {  	s10 =	sld [smem:$0x3FAB]  }
0x39: {  	_ = 	snop;
	(pc) =	sbr.ind lr, $3  }
0x3a: {  	_ = 	snop  }
0x3b: {  	_ = 	snop  }
0x3c: {  	p2 =	seq.s32 s10, $0x1;
	s10 =	sld [smem:$0x3FAA]  }
0x3d: {  	_ =	shalt  }
0x3e: {  	_ =	shalt  }
0x3f: {  	_ =	shalt  }
0x40: {  	_ =	shalt  }
0x41: {  	_ =	shalt  }
0x42: {  	_ =	shalt  }
0x43: {  	_ =	shalt  }
0x44: {  	_ =	shalt  }
0x45: {  	_ =	shalt  }
0x46: {  	_ =	shalt  }
0x47: {  	_ =	shalt  }
0x48: {  	_ =	shalt  }
0x49: {  	_ =	shalt  }
0x4a: {  	_ =	shalt  }
0x4b: {  	_ =	shalt  }
0x4c: {  	_ =	shalt  }
0x4d: {  	_ =	shalt  }
0x4e: {  	_ =	shalt  }
0x4f: {  	_ =	shalt  }
0x50: {  	_ =	shalt  }
0x51: {  	_ =	shalt  }
0x52: {  	_ =	shalt  }
0x53: {  	_ =	shalt  }
0x54: {  	_ =	shalt  }
0x55: {  	_ =	shalt  }
0x56: {  	_ =	shalt  }
0x57: {  	_ =	shalt  }
0x58: {  	_ =	shalt  }
0x59: {  	_ =	shalt  }
0x5a: {  	_ =	shalt  }
0x5b: {  	_ =	shalt  }
0x5c: {  	_ =	shalt  }
0x5d: {  	_ =	shalt  }
0x5e: {  	_ =	shalt  }
0x5f: {  	_ =	shalt  }
0x60: {  	_ =	shalt  }
0x61: {  	_ =	shalt  }
0x62: {  	_ =	shalt  }
0x63: {  	_ =	shalt  }
0x64: {  	_ =	shalt  }
0x65: {  	_ =	shalt  }
0x66: {  	_ =	shalt  }
0x67: {  	_ =	shalt  }
0x68: {  	_ =	shalt  }
0x69: {  	_ =	shalt  }
0x6a: {  	_ =	shalt  }
0x6b: {  	_ =	shalt  }
0x6c: {  	_ =	shalt  }
0x6d: {  	_ =	shalt  }
0x6e: {  	_ =	shalt  }
0x6f: {  	_ =	shalt  }
0x70: {  	_ =	shalt  }
0x71: {  	_ =	shalt  }
0x72: {  	_ =	shalt  }
0x73: {  	_ =	shalt  }
0x74: {  	_ =	shalt  }
0x75: {  	_ =	shalt  }
0x76: {  	_ =	shalt  }
0x77: {  	_ =	shalt  }
0x78: {  	_ =	shalt  }
0x79: {  	_ =	shalt  }
0x7a: {  	_ =	shalt  }
0x7b: {  	_ =	shalt  }
0x7c: {  	_ =	shalt  }
0x7d: {  	_ =	shalt  }
0x7e: {  	_ =	shalt  }
0x7f: {  	_ =	shalt  }
0x80: {  	_ =	shalt  }
0x81: {  	_ =	shalt  }
0x82: {  	_ =	shalt  }
0x83: {  	_ =	shalt  }
0x84: {  	_ =	shalt  }
0x85: {  	_ =	shalt  }
0x86: {  	_ =	shalt  }
0x87: {  	_ =	shalt  }
.Lfunc_end0:
.L_simem_size_0:
called_computation.2_lowered:
.L_overlay_start_0:
0x88: {  	s2 =	sld [smem:$0x3FD9]  }
0x89: {  	s3 =	sld [smem:$0x3FFE];
	_ =	sdelay $0x1  }
0x8a: {  	s1 =	srdreg.scid  }
0x8b: {  	s0 =	sand.u32 $0x1, s1  }
0x8c: {  	s16 =	sshll.u32 s0, $0xA;
	s2 =	sadd.s32 s3, s2  }
0x8d: {  	s2 =	sadd.s32 s2, s16  }
0x8e: {  	[smem:$0x3FB6] =	sst s2  }
0x8f: {  	_ = 	snop  }
0x90: {  	(tm) =	ssettm $0x1  }
0x91: {  	s17 =	sld [smem:$0x3FFB];
	_ =	sdelay $0x3  }
0x92: {  	_ =	strace s17  }
0x93: {  	s2 =	sld [smem:$0x3FFC];
	_ =	sdelay $0x3  }
0x94: {  	_ =	strace s2  }
0x95: {  	s2 =	sld [smem:$0x3FFD];
	_ =	sdelay $0x3  }
0x96: {  	_ =	strace s2  }
0x97: {  	_ =	strace $0x8FFFFFFF  }
0x98: {  	s18 =	sld [smem:$0x3FDB];
	_ =	sdelay $0x1  }
0x99: {  	s19 =	simm.s32 $_scs_section_size  }
0x9a: {  	s4 =	simm.s32 $_size__tile_overlayer_lowered;
	s5 =	simm.s32 $_tile_overlayer_lowered  }
0x9b: {  	s22 =	simm.s32 $0x1BFF;
	s21 =	sshll.u32 s5, $0x1;
	s2 =	sadd.s32 s19, s18  }
0x9c: {  	s6 =	simm.s32 $0x0;
	s20 =	sshll.u32 s4, $0x1;
	s4 =	sadd.s32 s21, s2  }
0x9d: {  	[timem:s6], [sflag:s22] =	dma.local [hbm:s4], s20  }
0x9e: {  	_ =	swait.ge [sflag:s22], s20  }
0x9f: {  	s3 =	ssub.s32 $0x0, s20;
	[sflag:s22] =	ssyncset.done $0x0  }
0xa0: {  	[sflag:s22] =	ssyncadd.s32 s3;
	_ =	sdelay $0x1  }
0xa1: {  	s23 =	simm.s32 $0x1B8B  }
0xa2: {  	_ =	swait.ge [sflag:s23], $0x1  }
0xa3: {  	[sflag:s23] =	ssyncset.done $0x0  }
0xa4: {  	s25 =	simm.s32 $0x1B8E;
	s24 =	sld [smem:$0x3FFE];
	[sflag:s23] =	ssyncadd.s32 $0xFFFFFFFF  }
0xa5: {  	s26 =	simm.s32 $execute0_lowered;
	[smem:$0x3FD2] =	sst s25  }
0xa6: {  	s4 =	sshll.u32 s26, $0x1;
	_ =	strace $0x8000004C;
	[dreg:$0x1] =	wrdreg $0xFFFFFFFF  }
0xa7: {  	s28 =	simm.s32 $_size_execute0_lowered;
	s2 =	sadd.s32 s2, s4;
	[dreg:$0x0] =	wrdreg $0x0  }
0xa8: {  	s4 =	sshll.u32 s28, $0x1;
	[dreg:$0x2] =	wrdreg s2  }
0xa9: {  	[dreg:$0x3] =	wrdreg s4  }
0xaa: {  	[dreg:$0x4] =	wrdreg $0xC0  }
0xab: {  	_ =	task [dreg:s6], $0x5FFFF  }
0xac: {  	[dreg:$0x1] =	wrdreg $0xFFFFFFFF  }
0xad: {  	[dreg:$0x0] =	wrdreg $0x60  }
0xae: {  	[dreg:$0x2] =	wrdreg s24  }
0xaf: {  	[dreg:$0x3] =	wrdreg $0x88000  }
0xb0: {  	[dreg:$0x4] =	wrdreg $0x9  }
0xb1: {  	_ =	task.clear_ibuf [dreg:s6], $0x5FFFF;
	_ =	strace $0x9000004C  }
0xb2: {  	s29 =	simm.s32 $0x9;
	_ =	strace $0x8000004E  }
0xb3: {  	_ =	swait.ge [sflag:s29], $0x1  }
0xb4: {  	[sflag:s29] =	ssyncadd.s32 $0xFFFFFFFF  }
0xb5: {  	_ =	strace $0x9000004E  }
0xb6: {  	_ =	sfence  }
0xb7: {  	s30 =	sld [smem:$0x0];
	_ =	sdelay $0x2  }
0xb8: {  	s31 =	sshll.u32 s1, $0xD;
	s1 =	sshrl.u32 s1, $0x2  }
0xb9: {  	s3 =	sand.u32 $0x4000, s31;
	s1 =	sadd.s32 s1, s30  }
0xba: {  	s0 =	sor.u32 s3, s0;
	s1 =	sshll.u32 s1, $0x11  }
0xbb: {  	s0 =	sor.u32 s1, s0  }
0xbc: {  	s0 =	sadd.s32 $0x8F2B, s0  }
0xbd: {  	[sflag:s0] =	ssyncadd.remote.s32 $0x1  }
0xbe: {  	_ =	sfence.sel $0xFFFF  }
0xbf: {  	[dreg:$0x0] =	wrdreg $0xFFFFFFFF;
	(pc) =	sbr.abs _section_cstart, $3  }
0xc0: {  	[dreg:$0x1] =	wrdreg $0xFFFFFFFF  }
0xc1: {  	_ =	task.clear_ibuf [dreg:s6], $0x2FFFF;
	_ =	strace $0x9FFFFFFF  }
0xc2: {  	(tm) =	ssettm $0x7FFFFFFF  }
0xc3: {  	_ =	shalt  }
tec
execute0_lowered:
.L_overlay_start_1:
0x0: {  	(tag) =	ssettag $0x1  }
0x1: {  	s0 =	rddreg [dreg:$0x0];
	s12 =	stileid.u32  }
0x2: {  	s1 =	rddreg [dreg:$0x1];
	s6 =	smul.u32 $0x14000, s12  }
0x3: {  	s2 =	srdreg.scid;
	s3 =	simm.s32 $0x0;
	s7 =	smul.u32 $0x50000, s12  }
0x4: {  	s28 =	simm.s32 $0xA;
	s29 =	simm.s32 $0x400;
	s26 =	smul.u32 $0x2500, s12  }
0x5: {  	s30 =	simm.s32 $0x40;
	s31 =	simm.s32 $0x380;
	s15 =	smul.u32 $0x300, s12  }
0x6: {  	s2 =	sand.u32 $0x1, s2;
	[smem:$0x7FF] =	sst s3;
	s17 =	smul.u32 $0x1800, s12  }
0x7: {  	s8 =	sadd.s32 $0x21200, s0;
	s5 =	smul.u32 $0x140000, s2;
	_ =	strace $0x8000004D  }
0x8: {  	s22 =	ssub.s32 $0x2, s2;
	p0 =	seq.s32 s2, $0x1;
	s7 =	sshrl.u32 s7, $0x2  }
0x9: {  	s10 =	sshrl.u32 s22, $0x1;
	s19 =	sadd.s32 s8, s26;
	s20 =	sadd.s32 $0x25000, s15  }
0xa: {  	s21 =	sshrl.u32 s17, $0x3;
	s5 =	sadd.s32 s6, s5;
	s6 =	ssub.s32 s22, s10  }
0xb: {  	[dreg:$0xc] =	wrdreg s19;
	s2 =	sadd.s32 $0x80, s19;
	s22 =	sadd.s32 s8, s20  }
0xc: {  	s8 =	sadd.s32 s8, s21;
	s5 =	sshrl.u32 s5, $0x3;
	[dreg:$0xd] =	wrdreg s2  }
0xd: {  	[dreg:$0xe] =	wrdreg s22;
	s8 =	sadd.s32 $0x25080, s8;
	s6 =	smax.u32 s6, $0x1  }
0xe: {  	s9 =	sadd.s32 s5, s0;
	s5 =	sadd.s32 s7, s1;
	[dreg:$0xf] =	wrdreg s8  }
0xf: {  	s4 =	sadd.s32 $0x49200, s0;
	[dreg:$0x12] =	wrdreg s6;
	s7 =	sadd.s32 $0x2000, s5  }
0x10: {  	s17 =	simm.s32 $0x4800;
	s23 =	sadd.s32 $0x4000, s5;
	[dreg:$0x3] =	wrdreg s7  }
0x11: {  	s15 =	simm.s32 $0x2;
	s24 =	sadd.s32 $0x6000, s5;
	[dreg:$0x4] =	wrdreg s23  }
0x12: {  	s19 =	simm.s32 $0x3;
	s25 =	sadd.s32 $0x8000, s5;
	[dreg:$0x5] =	wrdreg s24  }
0x13: {  	s10 =	simm.s32 $0x5;
	s13 =	sadd.s32 $0xA000, s5;
	[dreg:$0x6] =	wrdreg s25  }
0x14: {  	s21 =	simm.s32 $0x700;
	s14 =	sadd.s32 $0xC000, s5;
	[dreg:$0x7] =	wrdreg s13  }
0x15: {  	s22 =	simm.s32 $0x6800;
	s11 =	sadd.s32 $0xE000, s5;
	[dreg:$0x8] =	wrdreg s14  }
0x16: {  	s0 =	sadd.s32 $0x21300, s0;
	s16 =	sadd.s32 $0x10000, s5;
	[dreg:$0x9] =	wrdreg s11  }
0x17: {  	s18 =	sadd.s32 $0x12000, s5;
	s2 =	sadd.s32 s20, s0;
	[dreg:$0xa] =	wrdreg s16  }
0x18: {  	s0 =	sadd.s32 s26, s0;
	s20 =	simm.s32 $0x8;
	[dreg:$0xb] =	wrdreg s18  }
0x19: {  	s23 =	sadd.s32 $0x71200, s9;
	s24 =	sadd.s32 $0x80, s2;
	[dreg:$0x15] =	wrdreg s0  }
0x1a: {  	s25 =	sadd.s32 $0x100, s2;
	[dreg:$0x10] =	wrdreg s2;
	s26 =	sadd.s32 $0x180, s2  }
.Ltmp0:
0x1b: {  	s0 =	simm.s32 $0x2800;
	[dreg:$0x11] =	wrdreg s23;
	(pc) =	sbr.rel .LBB2_1-.Ltmp0, $4  }
0x1c: {  	s7 =	simm.s32 $0x4;
	s9 =	simm.s32 $0x9;
	[dreg:$0x13] =	wrdreg s24  }
0x1d: {  	s11 =	simm.s32 $0x6;
	s16 =	simm.s32 $0x500;
	[dreg:$0x14] =	wrdreg s25  }
0x1e: {  	s13 =	simm.s32 $0x7;
	s18 =	simm.s32 $0x600;
	[dreg:$0x16] =	wrdreg s26  }
0x1f: {  	v0 =	vimm.f32 $0.0e+00;
	s26 =	simm.s32 $0x800;
	s23 =	simm.s32 $0x1;
	s24 =	simm.s32 $0x0  }
.LBB2_9:
0x20: {  	s2 =	rddreg [dreg:$0xe]  }
0x21: {  	[tilespmem:s3], [sflag:$0xA] =	stream.linear.gather [hbm4b:s2+s3], $0x400, $0x38;
	[tilespmem:$0x1C800] =	vst v63  }
0x22: {  	_ =	swait.ge [sflag:s28], $0x400  }
0x23: {  	[sflag:s28] =	ssyncset.done $0x0  }
0x24: {  	s8 =	rddreg [dreg:$0xf];
	[sflag:s28] =	ssyncadd.s32 $0xFFFFFC00  }
0x25: {  	[tilespmem:s29], [sflag:$0x9] =	stream.linear.gather [hbm4b:s8+s3], $0x400, $0x38;
	[tilespmem:$0x1C800] =	vst v63  }
0x26: {  	_ = 	snop  }
0x27: {  	[tilespmem:s26], [sflag:$0x1] =	stream.indirect.gather [hbm4b:s4+s30], $0x80, s3, s30, $0xb8;
	[tilespmem:$0x1C800] =	vst v63  }
0x28: {  	s16 =	simm.s32 $0x100  }
0x29: {  	[tilespmem:s0], [sflag:$0x2] =	stream.indirect.gather [hbm4b:s4+s30], $0x80, s16, s30, $0xb8;
	[tilespmem:$0x1C800] =	vst v63  }
0x2a: {  	s18 =	simm.s32 $0x200  }
0x2b: {  	[tilespmem:s17], [sflag:$0x3] =	stream.indirect.gather [hbm4b:s4+s30], $0x80, s18, s30, $0xb8;
	[tilespmem:$0x1C800] =	vst v63  }
0x2c: {  	s21 =	simm.s32 $0x300  }
0x2d: {  	[tilespmem:s22], [sflag:$0x4] =	stream.indirect.gather [hbm4b:s4+s30], $0x80, s21, s30, $0xb8;
	[tilespmem:$0x1C800] =	vst v63  }
0x2e: {  	_ =	swait.ge [sflag:s23], $0x2000  }
0x2f: {  	[sflag:s23] =	ssyncset.done $0x0  }
0x30: {  	s12 =	simm.s32 $0x80;
	[sflag:s23] =	ssyncadd.s32 $0xFFFFE000  }
0x31: {  	[spmem:s1] =	stream.indirect.scatter.add.f32 [tilespmem:s26], [sflag:$0x5], $0x80, s12, s30, $0xb8;
	[tilespmem:$0x1C800] =	vst v63  }
0x32: {  	_ =	swait.ge [sflag:s15], $0x2000  }
0x33: {  	[sflag:s15] =	ssyncset.done $0x0  }
0x34: {  	s14 =	simm.s32 $0x180;
	[sflag:s15] =	ssyncadd.s32 $0xFFFFE000  }
0x35: {  	[spmem:s1] =	stream.indirect.scatter.add.f32 [tilespmem:s0], [sflag:$0x6], $0x80, s14, s30, $0xb8;
	[tilespmem:$0x1C800] =	vst v63  }
0x36: {  	_ =	swait.ge [sflag:s19], $0x2000  }
0x37: {  	[sflag:s19] =	ssyncset.done $0x0  }
0x38: {  	s31 =	simm.s32 $0x280;
	[sflag:s19] =	ssyncadd.s32 $0xFFFFE000  }
0x39: {  	[spmem:s1] =	stream.indirect.scatter.add.f32 [tilespmem:s17], [sflag:$0x7], $0x80, s31, s30, $0xb8;
	[tilespmem:$0x1C800] =	vst v63  }
0x3a: {  	_ =	swait.ge [sflag:s7], $0x2000  }
0x3b: {  	[sflag:s7] =	ssyncset.done $0x0  }
0x3c: {  	s25 =	simm.s32 $0x380;
	[sflag:s7] =	ssyncadd.s32 $0xFFFFE000  }
0x3d: {  	[spmem:s1] =	stream.indirect.scatter.add.f32 [tilespmem:s22], [sflag:$0x8], $0x80, s25, s30, $0xb8;
	[tilespmem:$0x1C800] =	vst v63  }
0x3e: {  	_ =	swait.ge [sflag:s9], $0x400  }
0x3f: {  	[sflag:s9] =	ssyncset.done $0x0  }
0x40: {  	[sflag:s9] =	ssyncadd.s32 $0xFFFFFC00  }
0x41: {  	_ =	swait.ge [sflag:s10], $0x2000  }
0x42: {  	[sflag:s10] =	ssyncset.done $0x0  }
0x43: {  	[sflag:s10] =	ssyncadd.s32 $0xFFFFE000  }
0x44: {  	[tilespmem:s26], [sflag:$0x1] =	stream.indirect.gather [hbm4b:s4+s30], $0x80, s29, s30, $0xb8;
	[tilespmem:$0x1C800] =	vst v63  }
0x45: {  	_ =	swait.ge [sflag:s11], $0x2000  }
0x46: {  	[sflag:s11] =	ssyncset.done $0x0  }
0x47: {  	s6 =	simm.s32 $0x500;
	[sflag:s11] =	ssyncadd.s32 $0xFFFFE000  }
0x48: {  	[tilespmem:s0], [sflag:$0x2] =	stream.indirect.gather [hbm4b:s4+s30], $0x80, s6, s30, $0xb8;
	[tilespmem:$0x1C800] =	vst v63  }
0x49: {  	_ =	swait.ge [sflag:s13], $0x2000  }
0x4a: {  	[sflag:s13] =	ssyncset.done $0x0  }
0x4b: {  	s29 =	simm.s32 $0x600;
	[sflag:s13] =	ssyncadd.s32 $0xFFFFE000  }
0x4c: {  	[tilespmem:s17], [sflag:$0x3] =	stream.indirect.gather [hbm4b:s4+s30], $0x80, s29, s30, $0xb8;
	[tilespmem:$0x1C800] =	vst v63  }
0x4d: {  	_ =	swait.ge [sflag:s20], $0x2000  }
0x4e: {  	[sflag:s20] =	ssyncset.done $0x0  }
0x4f: {  	s8 =	simm.s32 $0x700;
	[sflag:s20] =	ssyncadd.s32 $0xFFFFE000  }
0x50: {  	[tilespmem:s22], [sflag:$0x4] =	stream.indirect.gather [hbm4b:s4+s30], $0x80, s8, s30, $0xb8;
	[tilespmem:$0x1C800] =	vst v63  }
0x51: {  	s12 =	rddreg [dreg:$0x10]  }
0x52: {  	[tilespmem:s3], [sflag:$0x9] =	stream.linear.gather [hbm4b:s12+s3], $0x400, $0x38;
	[tilespmem:$0x1C800] =	vst v63  }
0x53: {  	_ =	swait.ge [sflag:s23], $0x2000  }
0x54: {  	[sflag:s23] =	ssyncset.done $0x0  }
0x55: {  	s6 =	simm.s32 $0x480;
	[sflag:s23] =	ssyncadd.s32 $0xFFFFE000  }
0x56: {  	[spmem:s1] =	stream.indirect.scatter.add.f32 [tilespmem:s26], [sflag:$0x5], $0x80, s6, s30, $0xb8;
	[tilespmem:$0x1C800] =	vst v63  }
0x57: {  	_ =	swait.ge [sflag:s15], $0x2000  }
0x58: {  	[sflag:s15] =	ssyncset.done $0x0  }
0x59: {  	s8 =	simm.s32 $0x580;
	[sflag:s15] =	ssyncadd.s32 $0xFFFFE000  }
0x5a: {  	[spmem:s1] =	stream.indirect.scatter.add.f32 [tilespmem:s0], [sflag:$0x6], $0x80, s8, s30, $0xb8;
	[tilespmem:$0x1C800] =	vst v63  }
0x5b: {  	_ =	swait.ge [sflag:s19], $0x2000  }
0x5c: {  	[sflag:s19] =	ssyncset.done $0x0  }
0x5d: {  	s12 =	simm.s32 $0x680;
	[sflag:s19] =	ssyncadd.s32 $0xFFFFE000  }
0x5e: {  	[spmem:s1] =	stream.indirect.scatter.add.f32 [tilespmem:s17], [sflag:$0x7], $0x80, s12, s30, $0xb8;
	[tilespmem:$0x1C800] =	vst v63  }
0x5f: {  	_ =	swait.ge [sflag:s7], $0x2000  }
0x60: {  	[sflag:s7] =	ssyncset.done $0x0  }
0x61: {  	s25 =	simm.s32 $0x780;
	[sflag:s7] =	ssyncadd.s32 $0xFFFFE000  }
0x62: {  	[spmem:s1] =	stream.indirect.scatter.add.f32 [tilespmem:s22], [sflag:$0x8], $0x80, s25, s30, $0xb8;
	[tilespmem:$0x1C800] =	vst v63  }
0x63: {  	_ =	swait.ge [sflag:s9], $0x400  }
0x64: {  	[sflag:s9] =	ssyncset.done $0x0  }
0x65: {  	[sflag:s9] =	ssyncadd.s32 $0xFFFFFC00  }
0x66: {  	_ =	swait.ge [sflag:s10], $0x2000  }
0x67: {  	[sflag:s10] =	ssyncset.done $0x0  }
0x68: {  	[sflag:s10] =	ssyncadd.s32 $0xFFFFE000  }
0x69: {  	[tilespmem:s26], [sflag:$0x1] =	stream.indirect.gather [hbm4b:s4+s30], $0x80, s3, s30, $0xb8;
	[tilespmem:$0x1C800] =	vst v63  }
0x6a: {  	_ =	swait.ge [sflag:s11], $0x2000  }
0x6b: {  	[sflag:s11] =	ssyncset.done $0x0  }
0x6c: {  	[sflag:s11] =	ssyncadd.s32 $0xFFFFE000  }
0x6d: {  	[tilespmem:s0], [sflag:$0x2] =	stream.indirect.gather [hbm4b:s4+s30], $0x80, s16, s30, $0xb8;
	[tilespmem:$0x1C800] =	vst v63  }
0x6e: {  	_ =	swait.ge [sflag:s13], $0x2000  }
0x6f: {  	[sflag:s13] =	ssyncset.done $0x0  }
0x70: {  	[sflag:s13] =	ssyncadd.s32 $0xFFFFE000  }
0x71: {  	[tilespmem:s17], [sflag:$0x3] =	stream.indirect.gather [hbm4b:s4+s30], $0x80, s18, s30, $0xb8;
	[tilespmem:$0x1C800] =	vst v63  }
0x72: {  	_ =	swait.ge [sflag:s20], $0x2000  }
0x73: {  	[sflag:s20] =	ssyncset.done $0x0  }
0x74: {  	[sflag:s20] =	ssyncadd.s32 $0xFFFFE000  }
0x75: {  	[tilespmem:s22], [sflag:$0x4] =	stream.indirect.gather [hbm4b:s4+s30], $0x80, s21, s30, $0xb8;
	[tilespmem:$0x1C800] =	vst v63  }
0x76: {  	s14 =	smov.u32 s5;
	s5 =	simm.s32 $0x400;
	s2 =	rddreg [dreg:$0x13]  }
0x77: {  	[tilespmem:s5], [sflag:$0x9] =	stream.linear.gather [hbm4b:s2+s3], $0x400, $0x38;
	[tilespmem:$0x1C800] =	vst v63  }
0x78: {  	_ =	swait.ge [sflag:s23], $0x2000  }
0x79: {  	[sflag:s23] =	ssyncset.done $0x0  }
0x7a: {  	s2 =	simm.s32 $0x80;
	[sflag:s23] =	ssyncadd.s32 $0xFFFFE000  }
0x7b: {  	[spmem:s1] =	stream.indirect.scatter.add.f32 [tilespmem:s26], [sflag:$0x5], $0x80, s2, s30, $0xb8;
	[tilespmem:$0x1C800] =	vst v63  }
0x7c: {  	_ =	swait.ge [sflag:s15], $0x2000  }
0x7d: {  	[sflag:s15] =	ssyncset.done $0x0  }
0x7e: {  	s2 =	simm.s32 $0x180;
	[sflag:s15] =	ssyncadd.s32 $0xFFFFE000  }
0x7f: {  	[spmem:s1] =	stream.indirect.scatter.add.f32 [tilespmem:s0], [sflag:$0x6], $0x80, s2, s30, $0xb8;
	[tilespmem:$0x1C800] =	vst v63  }
0x80: {  	_ =	swait.ge [sflag:s19], $0x2000  }
0x81: {  	[sflag:s19] =	ssyncset.done $0x0  }
0x82: {  	[sflag:s19] =	ssyncadd.s32 $0xFFFFE000  }
0x83: {  	[spmem:s1] =	stream.indirect.scatter.add.f32 [tilespmem:s17], [sflag:$0x7], $0x80, s31, s30, $0xb8;
	[tilespmem:$0x1C800] =	vst v63  }
0x84: {  	_ =	swait.ge [sflag:s7], $0x2000  }
0x85: {  	[sflag:s7] =	ssyncset.done $0x0  }
0x86: {  	s2 =	simm.s32 $0x380;
	[sflag:s7] =	ssyncadd.s32 $0xFFFFE000  }
0x87: {  	[spmem:s1] =	stream.indirect.scatter.add.f32 [tilespmem:s22], [sflag:$0x8], $0x80, s2, s30, $0xb8;
	[tilespmem:$0x1C800] =	vst v63  }
0x88: {  	_ =	swait.ge [sflag:s9], $0x400  }
0x89: {  	[sflag:s9] =	ssyncset.done $0x0  }
0x8a: {  	[sflag:s9] =	ssyncadd.s32 $0xFFFFFC00  }
0x8b: {  	_ =	swait.ge [sflag:s10], $0x2000  }
0x8c: {  	[sflag:s10] =	ssyncset.done $0x0  }
0x8d: {  	[sflag:s10] =	ssyncadd.s32 $0xFFFFE000  }
0x8e: {  	[tilespmem:s26], [sflag:$0x1] =	stream.indirect.gather [hbm4b:s4+s30], $0x80, s5, s30, $0xb8;
	[tilespmem:$0x1C800] =	vst v63  }
0x8f: {  	_ =	swait.ge [sflag:s11], $0x2000  }
0x90: {  	[sflag:s11] =	ssyncset.done $0x0  }
0x91: {  	s2 =	simm.s32 $0x500;
	[sflag:s11] =	ssyncadd.s32 $0xFFFFE000  }
0x92: {  	[tilespmem:s0], [sflag:$0x2] =	stream.indirect.gather [hbm4b:s4+s30], $0x80, s2, s30, $0xb8;
	[tilespmem:$0x1C800] =	vst v63  }
0x93: {  	_ =	swait.ge [sflag:s13], $0x2000  }
0x94: {  	[sflag:s13] =	ssyncset.done $0x0  }
0x95: {  	[sflag:s13] =	ssyncadd.s32 $0xFFFFE000  }
0x96: {  	[tilespmem:s17], [sflag:$0x3] =	stream.indirect.gather [hbm4b:s4+s30], $0x80, s29, s30, $0xb8;
	[tilespmem:$0x1C800] =	vst v63  }
0x97: {  	_ =	swait.ge [sflag:s20], $0x2000  }
0x98: {  	[sflag:s20] =	ssyncset.done $0x0  }
0x99: {  	s2 =	simm.s32 $0x700;
	[sflag:s20] =	ssyncadd.s32 $0xFFFFE000  }
0x9a: {  	[tilespmem:s22], [sflag:$0x4] =	stream.indirect.gather [hbm4b:s4+s30], $0x80, s2, s30, $0xb8;
	[tilespmem:$0x1C800] =	vst v63  }
0x9b: {  	s2 =	rddreg [dreg:$0x14]  }
0x9c: {  	[tilespmem:s3], [sflag:$0x9] =	stream.linear.gather [hbm4b:s2+s3], $0x400, $0x38;
	[tilespmem:$0x1C800] =	vst v63  }
0x9d: {  	_ =	swait.ge [sflag:s23], $0x2000  }
0x9e: {  	[sflag:s23] =	ssyncset.done $0x0  }
0x9f: {  	[sflag:s23] =	ssyncadd.s32 $0xFFFFE000  }
0xa0: {  	[spmem:s1] =	stream.indirect.scatter.add.f32 [tilespmem:s26], [sflag:$0x5], $0x80, s6, s30, $0xb8;
	[tilespmem:$0x1C800] =	vst v63  }
0xa1: {  	_ =	swait.ge [sflag:s15], $0x2000  }
0xa2: {  	[sflag:s15] =	ssyncset.done $0x0  }
0xa3: {  	[sflag:s15] =	ssyncadd.s32 $0xFFFFE000  }
0xa4: {  	[spmem:s1] =	stream.indirect.scatter.add.f32 [tilespmem:s0], [sflag:$0x6], $0x80, s8, s30, $0xb8;
	[tilespmem:$0x1C800] =	vst v63  }
0xa5: {  	_ =	swait.ge [sflag:s19], $0x2000  }
0xa6: {  	[sflag:s19] =	ssyncset.done $0x0  }
0xa7: {  	[sflag:s19] =	ssyncadd.s32 $0xFFFFE000  }
0xa8: {  	[spmem:s1] =	stream.indirect.scatter.add.f32 [tilespmem:s17], [sflag:$0x7], $0x80, s12, s30, $0xb8;
	[tilespmem:$0x1C800] =	vst v63  }
0xa9: {  	_ =	swait.ge [sflag:s7], $0x2000  }
0xaa: {  	[sflag:s7] =	ssyncset.done $0x0  }
0xab: {  	[sflag:s7] =	ssyncadd.s32 $0xFFFFE000  }
0xac: {  	[spmem:s1] =	stream.indirect.scatter.add.f32 [tilespmem:s22], [sflag:$0x8], $0x80, s25, s30, $0xb8;
	[tilespmem:$0x1C800] =	vst v63  }
0xad: {  	_ =	swait.ge [sflag:s9], $0x400  }
0xae: {  	[sflag:s9] =	ssyncset.done $0x0  }
0xaf: {  	[sflag:s9] =	ssyncadd.s32 $0xFFFFFC00  }
0xb0: {  	_ =	swait.ge [sflag:s10], $0x2000  }
0xb1: {  	[sflag:s10] =	ssyncset.done $0x0  }
0xb2: {  	[sflag:s10] =	ssyncadd.s32 $0xFFFFE000  }
0xb3: {  	[tilespmem:s26], [sflag:$0x1] =	stream.indirect.gather [hbm4b:s4+s30], $0x80, s3, s30, $0xb8;
	[tilespmem:$0x1C800] =	vst v63  }
0xb4: {  	_ =	swait.ge [sflag:s11], $0x2000  }
0xb5: {  	[sflag:s11] =	ssyncset.done $0x0  }
0xb6: {  	[sflag:s11] =	ssyncadd.s32 $0xFFFFE000  }
0xb7: {  	[tilespmem:s0], [sflag:$0x2] =	stream.indirect.gather [hbm4b:s4+s30], $0x80, s16, s30, $0xb8;
	[tilespmem:$0x1C800] =	vst v63  }
0xb8: {  	_ =	swait.ge [sflag:s13], $0x2000  }
0xb9: {  	[sflag:s13] =	ssyncset.done $0x0  }
0xba: {  	[sflag:s13] =	ssyncadd.s32 $0xFFFFE000  }
0xbb: {  	[tilespmem:s17], [sflag:$0x3] =	stream.indirect.gather [hbm4b:s4+s30], $0x80, s18, s30, $0xb8;
	[tilespmem:$0x1C800] =	vst v63  }
0xbc: {  	_ =	swait.ge [sflag:s20], $0x2000  }
0xbd: {  	[sflag:s20] =	ssyncset.done $0x0  }
0xbe: {  	[sflag:s20] =	ssyncadd.s32 $0xFFFFE000  }
0xbf: {  	[tilespmem:s22], [sflag:$0x4] =	stream.indirect.gather [hbm4b:s4+s30], $0x80, s21, s30, $0xb8;
	[tilespmem:$0x1C800] =	vst v63  }
0xc0: {  	s18 =	rddreg [dreg:$0x16]  }
0xc1: {  	[tilespmem:s5], [sflag:$0x9] =	stream.linear.gather [hbm4b:s18+s3], $0x400, $0x38;
	[tilespmem:$0x1C800] =	vst v63  }
0xc2: {  	_ =	swait.ge [sflag:s23], $0x2000  }
0xc3: {  	[sflag:s23] =	ssyncset.done $0x0  }
0xc4: {  	s21 =	simm.s32 $0x80;
	[sflag:s23] =	ssyncadd.s32 $0xFFFFE000  }
0xc5: {  	[spmem:s1] =	stream.indirect.scatter.add.f32 [tilespmem:s26], [sflag:$0x5], $0x80, s21, s30, $0xb8;
	[tilespmem:$0x1C800] =	vst v63  }
0xc6: {  	_ =	swait.ge [sflag:s15], $0x2000  }
0xc7: {  	[sflag:s15] =	ssyncset.done $0x0  }
0xc8: {  	s16 =	simm.s32 $0x180;
	[sflag:s15] =	ssyncadd.s32 $0xFFFFE000  }
0xc9: {  	[spmem:s1] =	stream.indirect.scatter.add.f32 [tilespmem:s0], [sflag:$0x6], $0x80, s16, s30, $0xb8;
	[tilespmem:$0x1C800] =	vst v63  }
0xca: {  	_ =	swait.ge [sflag:s19], $0x2000  }
0xcb: {  	[sflag:s19] =	ssyncset.done $0x0  }
0xcc: {  	[sflag:s19] =	ssyncadd.s32 $0xFFFFE000  }
0xcd: {  	[spmem:s1] =	stream.indirect.scatter.add.f32 [tilespmem:s17], [sflag:$0x7], $0x80, s31, s30, $0xb8;
	[tilespmem:$0x1C800] =	vst v63  }
0xce: {  	_ =	swait.ge [sflag:s7], $0x2000  }
0xcf: {  	[sflag:s7] =	ssyncset.done $0x0  }
0xd0: {  	s18 =	simm.s32 $0x380;
	[sflag:s7] =	ssyncadd.s32 $0xFFFFE000  }
0xd1: {  	[spmem:s1] =	stream.indirect.scatter.add.f32 [tilespmem:s22], [sflag:$0x8], $0x80, s18, s30, $0xb8;
	[tilespmem:$0x1C800] =	vst v63  }
0xd2: {  	_ =	swait.ge [sflag:s9], $0x400  }
0xd3: {  	[sflag:s9] =	ssyncset.done $0x0  }
0xd4: {  	[sflag:s9] =	ssyncadd.s32 $0xFFFFFC00  }
0xd5: {  	_ =	swait.ge [sflag:s10], $0x2000  }
0xd6: {  	[sflag:s10] =	ssyncset.done $0x0  }
0xd7: {  	[sflag:s10] =	ssyncadd.s32 $0xFFFFE000  }
0xd8: {  	[tilespmem:s26], [sflag:$0x1] =	stream.indirect.gather [hbm4b:s4+s30], $0x80, s5, s30, $0xb8;
	[tilespmem:$0x1C800] =	vst v63  }
0xd9: {  	_ =	swait.ge [sflag:s11], $0x2000  }
0xda: {  	[sflag:s11] =	ssyncset.done $0x0  }
0xdb: {  	s21 =	simm.s32 $0x500;
	[sflag:s11] =	ssyncadd.s32 $0xFFFFE000  }
0xdc: {  	[tilespmem:s0], [sflag:$0x2] =	stream.indirect.gather [hbm4b:s4+s30], $0x80, s21, s30, $0xb8;
	[tilespmem:$0x1C800] =	vst v63  }
0xdd: {  	s2 =	simm.s32 $0x700;
	_ =	swait.ge [sflag:s13], $0x2000  }
0xde: {  	s6 =	simm.s32 $0x480;
	s8 =	simm.s32 $0x580;
	[sflag:s13] =	ssyncset.done $0x0  }
0xdf: {  	s12 =	simm.s32 $0x680;
	s16 =	simm.s32 $0x500;
	[sflag:s13] =	ssyncadd.s32 $0xFFFFE000  }
0xe0: {  	[tilespmem:s17], [sflag:$0x3] =	stream.indirect.gather [hbm4b:s4+s30], $0x80, s29, s30, $0xb8;
	[tilespmem:$0x1C800] =	vst v63  }
0xe1: {  	s31 =	simm.s32 $0x380;
	s18 =	simm.s32 $0x600;
	_ =	swait.ge [sflag:s20], $0x2000  }
0xe2: {  	s5 =	smov.u32 s14;
	s14 =	stileid.u32;
	[sflag:s20] =	ssyncset.done $0x0  }
0xe3: {  	s21 =	simm.s32 $0x700;
	s29 =	simm.s32 $0x400;
	[sflag:s20] =	ssyncadd.s32 $0xFFFFE000  }
0xe4: {  	[tilespmem:s22], [sflag:$0x4] =	stream.indirect.gather [hbm4b:s4+s30], $0x80, s2, s30, $0xb8;
	[tilespmem:$0x1C800] =	vst v63  }
.LBB2_7:
0xe5: {  	_ =	swait.ge [sflag:s23], $0x2000  }
0xe6: {  	[sflag:s23] =	ssyncset.done $0x0  }
0xe7: {  	[sflag:s23] =	ssyncadd.s32 $0xFFFFE000  }
0xe8: {  	[spmem:s1] =	stream.indirect.scatter.add.f32 [tilespmem:s26], [sflag:$0x5], $0x80, s6, s30, $0xb8;
	[tilespmem:$0x1C800] =	vst v63  }
0xe9: {  	_ =	swait.ge [sflag:s15], $0x2000  }
0xea: {  	[sflag:s15] =	ssyncset.done $0x0  }
0xeb: {  	[sflag:s15] =	ssyncadd.s32 $0xFFFFE000  }
0xec: {  	[spmem:s1] =	stream.indirect.scatter.add.f32 [tilespmem:s0], [sflag:$0x6], $0x80, s8, s30, $0xb8;
	[tilespmem:$0x1C800] =	vst v63  }
0xed: {  	_ =	swait.ge [sflag:s19], $0x2000  }
0xee: {  	[sflag:s19] =	ssyncset.done $0x0  }
0xef: {  	[sflag:s19] =	ssyncadd.s32 $0xFFFFE000  }
0xf0: {  	[spmem:s1] =	stream.indirect.scatter.add.f32 [tilespmem:s17], [sflag:$0x7], $0x80, s12, s30, $0xb8;
	[tilespmem:$0x1C800] =	vst v63  }
0xf1: {  	_ =	swait.ge [sflag:s7], $0x2000  }
0xf2: {  	[sflag:s7] =	ssyncset.done $0x0  }
0xf3: {  	[sflag:s7] =	ssyncadd.s32 $0xFFFFE000  }
0xf4: {  	[spmem:s1] =	stream.indirect.scatter.add.f32 [tilespmem:s22], [sflag:$0x8], $0x80, s25, s30, $0xb8;
	[tilespmem:$0x1C800] =	vst v63  }
0xf5: {  	_ =	swait.ge [sflag:s10], $0x2000  }
0xf6: {  	[sflag:s10] =	ssyncset.done $0x0  }
0xf7: {  	[sflag:s10] =	ssyncadd.s32 $0xFFFFE000  }
0xf8: {  	_ =	swait.ge [sflag:s11], $0x2000  }
0xf9: {  	[sflag:s11] =	ssyncset.done $0x0  }
0xfa: {  	[sflag:s11] =	ssyncadd.s32 $0xFFFFE000  }
0xfb: {  	_ =	swait.ge [sflag:s13], $0x2000  }
0xfc: {  	[sflag:s13] =	ssyncset.done $0x0  }
0xfd: {  	[sflag:s13] =	ssyncadd.s32 $0xFFFFE000  }
0xfe: {  	_ =	swait.ge [sflag:s20], $0x2000  }
0xff: {  	[sflag:s20] =	ssyncset.done $0x0  }
0x100: {  	[sflag:s20] =	ssyncadd.s32 $0xFFFFE000  }
0x101: {  	s2 =	sshll.u32 s14, $0x6;
	[bflag:$0x0] =	sbarrier.arrive $0xFFFF  }
0x102: {  	s2 =	sor.u32 $0x1C0A, s2;
	s8 =	sshrl.u32 s5, $0x3;
	s12 =	rddreg [dreg:$0x11]  }
0x103: {  	[hbm:s12], [sflag:s2] =	dma.local [spmem:s8], $0x2800  }
0x104: {  	_ =	swait.ge [sflag:s28], $0x2800  }
0x105: {  	s24 =	sadd.s32 $0x1, s24;
	s25 =	rddreg [dreg:$0x12]  }
0x106: {  	p1 =	sne.s32 s24, s25  }
.Ltmp1:
0x107: {  	_ = 	snop;
	(pc) =	sbr.rel @!p1 .LBB2_8-.Ltmp1, $3  }
0x108: {  	_ =	sdelay $0x1  }
0x109: {  	[sflag:s28] =	ssyncset.done $0x0  }
0x10a: {  	[sflag:s28] =	ssyncadd.s32 $0xFFFFD800  }
.LBB2_1:
0x10b: {  	s2 =	sand.u32 $0x7E00, s3  }
0x10c: {  	s6 =	sand.u32 $0x70, s3;
	s8 =	sshrl.u32 s2, $0x2  }
0x10d: {  	s2 =	simm.s32 $0x40;
	s8 =	sor.u32 s6, s8;
	s6 =	simm.s32 $0x0  }
.LBB2_2:
0x10e: {  	p1 =	sne.s32 s2, $0x7FC0  }
0x10f: {  	[tilespmem:s8+$0x800] =	vst v0;
	s6 =	sadd.s32 $0x10, s6;
	s8 =	smov.u32 s2;
	s2 =	sadd.s32 $0x40, s2  }
.Ltmp2:
0x110: {  	(pc) =	sbr.rel @p1 .LBB2_2-.Ltmp2, $4  }
0x111: {  	_ = 	snop  }
0x112: {  	s8 =	sand.u32 $0x7E00, s8  }
0x113: {  	s12 =	sand.u32 $0x70, s6;
	s8 =	sshrl.u32 s8, $0x2  }
0x114: {  	s8 =	sor.u32 s12, s8  }
0x115: {  	[tilespmem:s8+$0x800] =	vst v0  }
0x116: {  	[spmem:s5] =	stream.linear.scatter [tilespmem:s26], [sflag:$0xA], $0x2000, $0x38;
	[tilespmem:$0x1C800] =	vst v63  }
0x117: {  	_ =	swait.ge [sflag:s28], $0x2000  }
0x118: {  	[sflag:s28] =	ssyncset.done $0x0  }
0x119: {  	s2 =	rddreg [dreg:$0x3];
	[sflag:s28] =	ssyncadd.s32 $0xFFFFE000  }
0x11a: {  	[spmem:s2] =	stream.linear.scatter [tilespmem:s26], [sflag:$0xA], $0x2000, $0x38;
	[tilespmem:$0x1C800] =	vst v63  }
0x11b: {  	_ =	swait.ge [sflag:s28], $0x2000  }
0x11c: {  	[sflag:s28] =	ssyncset.done $0x0  }
0x11d: {  	s12 =	rddreg [dreg:$0x4];
	[sflag:s28] =	ssyncadd.s32 $0xFFFFE000  }
0x11e: {  	[spmem:s12] =	stream.linear.scatter [tilespmem:s26], [sflag:$0xA], $0x2000, $0x38;
	[tilespmem:$0x1C800] =	vst v63  }
0x11f: {  	_ =	swait.ge [sflag:s28], $0x2000  }
0x120: {  	[sflag:s28] =	ssyncset.done $0x0  }
0x121: {  	s14 =	rddreg [dreg:$0x5];
	[sflag:s28] =	ssyncadd.s32 $0xFFFFE000  }
0x122: {  	[spmem:s14] =	stream.linear.scatter [tilespmem:s26], [sflag:$0xA], $0x2000, $0x38;
	[tilespmem:$0x1C800] =	vst v63  }
0x123: {  	_ =	swait.ge [sflag:s28], $0x2000  }
0x124: {  	[sflag:s28] =	ssyncset.done $0x0  }
0x125: {  	s25 =	rddreg [dreg:$0x6];
	[sflag:s28] =	ssyncadd.s32 $0xFFFFE000  }
0x126: {  	[spmem:s25] =	stream.linear.scatter [tilespmem:s26], [sflag:$0xA], $0x2000, $0x38;
	[tilespmem:$0x1C800] =	vst v63  }
0x127: {  	_ =	swait.ge [sflag:s28], $0x2000  }
0x128: {  	[sflag:s28] =	ssyncset.done $0x0  }
0x129: {  	s6 =	rddreg [dreg:$0x7];
	[sflag:s28] =	ssyncadd.s32 $0xFFFFE000  }
0x12a: {  	[spmem:s6] =	stream.linear.scatter [tilespmem:s26], [sflag:$0xA], $0x2000, $0x38;
	[tilespmem:$0x1C800] =	vst v63  }
0x12b: {  	_ =	swait.ge [sflag:s28], $0x2000  }
0x12c: {  	[sflag:s28] =	ssyncset.done $0x0  }
0x12d: {  	s8 =	rddreg [dreg:$0x8];
	[sflag:s28] =	ssyncadd.s32 $0xFFFFE000  }
0x12e: {  	[spmem:s8] =	stream.linear.scatter [tilespmem:s26], [sflag:$0xA], $0x2000, $0x38;
	[tilespmem:$0x1C800] =	vst v63  }
0x12f: {  	_ =	swait.ge [sflag:s28], $0x2000  }
0x130: {  	[sflag:s28] =	ssyncset.done $0x0  }
0x131: {  	s12 =	rddreg [dreg:$0x9];
	[sflag:s28] =	ssyncadd.s32 $0xFFFFE000  }
0x132: {  	[spmem:s12] =	stream.linear.scatter [tilespmem:s26], [sflag:$0xA], $0x2000, $0x38;
	[tilespmem:$0x1C800] =	vst v63  }
0x133: {  	_ =	swait.ge [sflag:s28], $0x2000  }
0x134: {  	[sflag:s28] =	ssyncset.done $0x0  }
0x135: {  	s14 =	rddreg [dreg:$0xa];
	[sflag:s28] =	ssyncadd.s32 $0xFFFFE000  }
0x136: {  	[spmem:s14] =	stream.linear.scatter [tilespmem:s26], [sflag:$0xA], $0x2000, $0x38;
	[tilespmem:$0x1C800] =	vst v63  }
0x137: {  	_ =	swait.ge [sflag:s28], $0x2000  }
0x138: {  	[sflag:s28] =	ssyncset.done $0x0  }
0x139: {  	s25 =	rddreg [dreg:$0xb];
	[sflag:s28] =	ssyncadd.s32 $0xFFFFE000  }
0x13a: {  	[spmem:s25] =	stream.linear.scatter [tilespmem:s26], [sflag:$0xA], $0x2000, $0x38;
	[tilespmem:$0x1C800] =	vst v63  }
.Ltmp3:
0x13b: {  	_ =	swait.ge [sflag:s28], $0x2000;
	(pc) =	sbr.rel @p0 .LBB2_9-.Ltmp3, $3  }
0x13c: {  	[sflag:s28] =	ssyncset.done $0x0  }
0x13d: {  	[sflag:s28] =	ssyncadd.s32 $0xFFFFE000  }
0x13e: {  	[bflag:$0x0] =	sbarrier.arrive $0xFFFF;
	_ =	sdelay $0x1  }
0x13f: {  	s2 =	simm.s32 $0x0;
	s6 =	rddreg [dreg:$0xc]  }
0x140: {  	[tilespmem:s2], [sflag:$0xA] =	stream.linear.gather [hbm4b:s6+s2], $0x400, $0x38;
	[tilespmem:$0x1C800] =	vst v63  }
0x141: {  	_ =	swait.ge [sflag:s28], $0x400  }
0x142: {  	[sflag:s28] =	ssyncset.done $0x0  }
0x143: {  	s8 =	rddreg [dreg:$0xd];
	[sflag:s28] =	ssyncadd.s32 $0xFFFFFC00  }
0x144: {  	[tilespmem:s29], [sflag:$0x9] =	stream.linear.gather [hbm4b:s8+s2], $0x400, $0x38;
	[tilespmem:$0x1C800] =	vst v63  }
0x145: {  	_ = 	snop  }
0x146: {  	[tilespmem:s26], [sflag:$0x1] =	stream.indirect.gather [hbm4b:s4+s30], $0x80, s2, s30, $0xb8;
	[tilespmem:$0x1C800] =	vst v63  }
0x147: {  	s12 =	simm.s32 $0x100  }
0x148: {  	[tilespmem:s0], [sflag:$0x2] =	stream.indirect.gather [hbm4b:s4+s30], $0x80, s12, s30, $0xb8;
	[tilespmem:$0x1C800] =	vst v63  }
0x149: {  	s14 =	simm.s32 $0x200  }
0x14a: {  	[tilespmem:s17], [sflag:$0x3] =	stream.indirect.gather [hbm4b:s4+s30], $0x80, s14, s30, $0xb8;
	[tilespmem:$0x1C800] =	vst v63  }
0x14b: {  	s25 =	simm.s32 $0x300  }
0x14c: {  	[tilespmem:s22], [sflag:$0x4] =	stream.indirect.gather [hbm4b:s4+s30], $0x80, s25, s30, $0xb8;
	[tilespmem:$0x1C800] =	vst v63  }
0x14d: {  	_ =	swait.ge [sflag:s23], $0x2000  }
0x14e: {  	s2 =	sand.u32 $0x400, s2;
	[sflag:s23] =	ssyncset.done $0x0  }
0x14f: {  	s8 =	sor.u32 $0x80, s2;
	[sflag:s23] =	ssyncadd.s32 $0xFFFFE000  }
0x150: {  	[spmem:s1] =	stream.indirect.scatter.add.f32 [tilespmem:s26], [sflag:$0x5], $0x80, s8, s30, $0xb8;
	[tilespmem:$0x1C800] =	vst v63  }
0x151: {  	_ =	swait.ge [sflag:s15], $0x2000  }
0x152: {  	[sflag:s15] =	ssyncset.done $0x0  }
0x153: {  	s12 =	sor.u32 $0x180, s2;
	[sflag:s15] =	ssyncadd.s32 $0xFFFFE000  }
0x154: {  	[spmem:s1] =	stream.indirect.scatter.add.f32 [tilespmem:s0], [sflag:$0x6], $0x80, s12, s30, $0xb8;
	[tilespmem:$0x1C800] =	vst v63  }
0x155: {  	_ =	swait.ge [sflag:s19], $0x2000  }
0x156: {  	[sflag:s19] =	ssyncset.done $0x0  }
0x157: {  	s14 =	sor.u32 $0x280, s2;
	[sflag:s19] =	ssyncadd.s32 $0xFFFFE000  }
0x158: {  	[spmem:s1] =	stream.indirect.scatter.add.f32 [tilespmem:s17], [sflag:$0x7], $0x80, s14, s30, $0xb8;
	[tilespmem:$0x1C800] =	vst v63  }
0x159: {  	_ =	swait.ge [sflag:s7], $0x2000  }
0x15a: {  	[sflag:s7] =	ssyncset.done $0x0  }
0x15b: {  	s25 =	sor.u32 $0x380, s2;
	[sflag:s7] =	ssyncadd.s32 $0xFFFFE000  }
0x15c: {  	[spmem:s1] =	stream.indirect.scatter.add.f32 [tilespmem:s22], [sflag:$0x8], $0x80, s25, s30, $0xb8;
	[tilespmem:$0x1C800] =	vst v63  }
0x15d: {  	_ =	swait.ge [sflag:s9], $0x400  }
0x15e: {  	[sflag:s9] =	ssyncset.done $0x0  }
0x15f: {  	[sflag:s9] =	ssyncadd.s32 $0xFFFFFC00  }
0x160: {  	_ =	swait.ge [sflag:s10], $0x2000  }
0x161: {  	[sflag:s10] =	ssyncset.done $0x0  }
0x162: {  	s8 =	sxor.u32 $0x400, s2;
	[sflag:s10] =	ssyncadd.s32 $0xFFFFE000  }
0x163: {  	[tilespmem:s26], [sflag:$0x1] =	stream.indirect.gather [hbm4b:s4+s30], $0x80, s8, s30, $0xb8;
	[tilespmem:$0x1C800] =	vst v63  }
0x164: {  	_ =	swait.ge [sflag:s11], $0x2000  }
0x165: {  	[sflag:s11] =	ssyncset.done $0x0  }
0x166: {  	s12 =	sxor.u32 $0x500, s2;
	[sflag:s11] =	ssyncadd.s32 $0xFFFFE000  }
0x167: {  	[tilespmem:s0], [sflag:$0x2] =	stream.indirect.gather [hbm4b:s4+s30], $0x80, s12, s30, $0xb8;
	[tilespmem:$0x1C800] =	vst v63  }
0x168: {  	_ =	swait.ge [sflag:s13], $0x2000  }
0x169: {  	[sflag:s13] =	ssyncset.done $0x0  }
0x16a: {  	s14 =	sxor.u32 $0x600, s2;
	[sflag:s13] =	ssyncadd.s32 $0xFFFFE000  }
0x16b: {  	[tilespmem:s17], [sflag:$0x3] =	stream.indirect.gather [hbm4b:s4+s30], $0x80, s14, s30, $0xb8;
	[tilespmem:$0x1C800] =	vst v63  }
0x16c: {  	_ =	swait.ge [sflag:s20], $0x2000  }
0x16d: {  	s6 =	simm.s32 $0x400;
	[sflag:s20] =	ssyncset.done $0x0;
	s12 =	rddreg [dreg:$0x15]  }
0x16e: {  	s25 =	sxor.u32 $0x700, s2;
	[sflag:s20] =	ssyncadd.s32 $0xFFFFE000;
	s8 =	sadd.s32 $0x80, s12  }
0x16f: {  	[tilespmem:s22], [sflag:$0x4] =	stream.indirect.gather [hbm4b:s4+s30], $0x80, s25, s30, $0xb8;
	[tilespmem:$0x1C800] =	vst v63  }
.LBB2_5:
0x170: {  	[tilespmem:s2], [sflag:$0x9] =	stream.linear.gather [hbm4b:s12+s3], $0x400, $0x38;
	[tilespmem:$0x1C800] =	vst v63  }
0x171: {  	s2 =	smov.u32 s6;
	s12 =	smov.u32 s8  }
0x172: {  	p1 =	seq.s32 s6, $0x11C00;
	s6 =	sadd.s32 $0x400, s6;
	_ =	swait.ge [sflag:s23], $0x2000  }
0x173: {  	s2 =	sand.u32 $0x400, s2;
	[sflag:s23] =	ssyncset.done $0x0  }
0x174: {  	s14 =	sor.u32 $0x80, s2;
	[sflag:s23] =	ssyncadd.s32 $0xFFFFE000  }
0x175: {  	[spmem:s1] =	stream.indirect.scatter.add.f32 [tilespmem:s26], [sflag:$0x5], $0x80, s14, s30, $0xb8;
	[tilespmem:$0x1C800] =	vst v63  }
0x176: {  	_ =	swait.ge [sflag:s15], $0x2000  }
0x177: {  	[sflag:s15] =	ssyncset.done $0x0  }
0x178: {  	s14 =	sor.u32 $0x180, s2;
	[sflag:s15] =	ssyncadd.s32 $0xFFFFE000  }
0x179: {  	[spmem:s1] =	stream.indirect.scatter.add.f32 [tilespmem:s0], [sflag:$0x6], $0x80, s14, s30, $0xb8;
	[tilespmem:$0x1C800] =	vst v63  }
0x17a: {  	_ =	swait.ge [sflag:s19], $0x2000  }
0x17b: {  	[sflag:s19] =	ssyncset.done $0x0  }
0x17c: {  	s14 =	sor.u32 $0x280, s2;
	[sflag:s19] =	ssyncadd.s32 $0xFFFFE000  }
0x17d: {  	[spmem:s1] =	stream.indirect.scatter.add.f32 [tilespmem:s17], [sflag:$0x7], $0x80, s14, s30, $0xb8;
	[tilespmem:$0x1C800] =	vst v63  }
0x17e: {  	_ =	swait.ge [sflag:s7], $0x2000  }
0x17f: {  	[sflag:s7] =	ssyncset.done $0x0  }
0x180: {  	s14 =	sor.u32 $0x380, s2;
	[sflag:s7] =	ssyncadd.s32 $0xFFFFE000  }
0x181: {  	[spmem:s1] =	stream.indirect.scatter.add.f32 [tilespmem:s22], [sflag:$0x8], $0x80, s14, s30, $0xb8;
	[tilespmem:$0x1C800] =	vst v63  }
0x182: {  	_ =	swait.ge [sflag:s9], $0x400  }
0x183: {  	[sflag:s9] =	ssyncset.done $0x0  }
0x184: {  	[sflag:s9] =	ssyncadd.s32 $0xFFFFFC00  }
0x185: {  	_ =	swait.ge [sflag:s10], $0x2000  }
0x186: {  	[sflag:s10] =	ssyncset.done $0x0  }
0x187: {  	s14 =	sxor.u32 $0x400, s2;
	[sflag:s10] =	ssyncadd.s32 $0xFFFFE000  }
0x188: {  	[tilespmem:s26], [sflag:$0x1] =	stream.indirect.gather [hbm4b:s4+s30], $0x80, s14, s30, $0xb8;
	[tilespmem:$0x1C800] =	vst v63  }
0x189: {  	_ =	swait.ge [sflag:s11], $0x2000  }
0x18a: {  	[sflag:s11] =	ssyncset.done $0x0  }
0x18b: {  	s14 =	sxor.u32 $0x500, s2;
	[sflag:s11] =	ssyncadd.s32 $0xFFFFE000  }
0x18c: {  	[tilespmem:s0], [sflag:$0x2] =	stream.indirect.gather [hbm4b:s4+s30], $0x80, s14, s30, $0xb8;
	[tilespmem:$0x1C800] =	vst v63  }
0x18d: {  	_ =	swait.ge [sflag:s13], $0x2000  }
0x18e: {  	[sflag:s13] =	ssyncset.done $0x0  }
0x18f: {  	s14 =	sxor.u32 $0x600, s2;
	[sflag:s13] =	ssyncadd.s32 $0xFFFFE000  }
0x190: {  	[tilespmem:s17], [sflag:$0x3] =	stream.indirect.gather [hbm4b:s4+s30], $0x80, s14, s30, $0xb8;
	[tilespmem:$0x1C800] =	vst v63  }
.Ltmp4:
0x191: {  	_ =	swait.ge [sflag:s20], $0x2000;
	(pc) =	sbr.rel @!p1 .LBB2_5-.Ltmp4, $4  }
0x192: {  	[sflag:s20] =	ssyncset.done $0x0  }
0x193: {  	s14 =	sxor.u32 $0x700, s2;
	[sflag:s20] =	ssyncadd.s32 $0xFFFFE000  }
0x194: {  	[tilespmem:s22], [sflag:$0x4] =	stream.indirect.gather [hbm4b:s4+s30], $0x80, s14, s30, $0xb8;
	[tilespmem:$0x1C800] =	vst v63  }
0x195: {  	s8 =	sadd.s32 $0x80, s8  }
0x196: {  	[tilespmem:s2], [sflag:$0x9] =	stream.linear.gather [hbm4b:s12+s3], $0x400, $0x38;
	[tilespmem:$0x1C800] =	vst v63  }
0x197: {  	_ =	swait.ge [sflag:s23], $0x2000  }
0x198: {  	[sflag:s23] =	ssyncset.done $0x0  }
0x199: {  	s12 =	simm.s32 $0x80;
	[sflag:s23] =	ssyncadd.s32 $0xFFFFE000  }
0x19a: {  	[spmem:s1] =	stream.indirect.scatter.add.f32 [tilespmem:s26], [sflag:$0x5], $0x80, s12, s30, $0xb8;
	[tilespmem:$0x1C800] =	vst v63  }
0x19b: {  	_ =	swait.ge [sflag:s15], $0x2000  }
0x19c: {  	[sflag:s15] =	ssyncset.done $0x0  }
0x19d: {  	s14 =	simm.s32 $0x180;
	[sflag:s15] =	ssyncadd.s32 $0xFFFFE000  }
0x19e: {  	[spmem:s1] =	stream.indirect.scatter.add.f32 [tilespmem:s0], [sflag:$0x6], $0x80, s14, s30, $0xb8;
	[tilespmem:$0x1C800] =	vst v63  }
0x19f: {  	_ =	swait.ge [sflag:s19], $0x2000  }
0x1a0: {  	[sflag:s19] =	ssyncset.done $0x0  }
0x1a1: {  	s25 =	simm.s32 $0x280;
	[sflag:s19] =	ssyncadd.s32 $0xFFFFE000  }
0x1a2: {  	[spmem:s1] =	stream.indirect.scatter.add.f32 [tilespmem:s17], [sflag:$0x7], $0x80, s25, s30, $0xb8;
	[tilespmem:$0x1C800] =	vst v63  }
0x1a3: {  	_ =	swait.ge [sflag:s7], $0x2000  }
0x1a4: {  	[sflag:s7] =	ssyncset.done $0x0  }
0x1a5: {  	[sflag:s7] =	ssyncadd.s32 $0xFFFFE000  }
0x1a6: {  	[spmem:s1] =	stream.indirect.scatter.add.f32 [tilespmem:s22], [sflag:$0x8], $0x80, s31, s30, $0xb8;
	[tilespmem:$0x1C800] =	vst v63  }
0x1a7: {  	_ =	swait.ge [sflag:s9], $0x400  }
0x1a8: {  	[sflag:s9] =	ssyncset.done $0x0  }
0x1a9: {  	[sflag:s9] =	ssyncadd.s32 $0xFFFFFC00  }
0x1aa: {  	_ =	swait.ge [sflag:s10], $0x2000  }
0x1ab: {  	[sflag:s10] =	ssyncset.done $0x0  }
0x1ac: {  	[sflag:s10] =	ssyncadd.s32 $0xFFFFE000  }
0x1ad: {  	[tilespmem:s26], [sflag:$0x1] =	stream.indirect.gather [hbm4b:s4+s30], $0x80, s29, s30, $0xb8;
	[tilespmem:$0x1C800] =	vst v63  }
0x1ae: {  	_ =	swait.ge [sflag:s11], $0x2000  }
0x1af: {  	[sflag:s11] =	ssyncset.done $0x0  }
0x1b0: {  	[sflag:s11] =	ssyncadd.s32 $0xFFFFE000  }
0x1b1: {  	[tilespmem:s0], [sflag:$0x2] =	stream.indirect.gather [hbm4b:s4+s30], $0x80, s16, s30, $0xb8;
	[tilespmem:$0x1C800] =	vst v63  }
0x1b2: {  	_ =	swait.ge [sflag:s13], $0x2000  }
0x1b3: {  	[sflag:s13] =	ssyncset.done $0x0  }
0x1b4: {  	[sflag:s13] =	ssyncadd.s32 $0xFFFFE000  }
0x1b5: {  	[tilespmem:s17], [sflag:$0x3] =	stream.indirect.gather [hbm4b:s4+s30], $0x80, s18, s30, $0xb8;
	[tilespmem:$0x1C800] =	vst v63  }
.Ltmp5:
0x1b6: {  	_ = 	snop;
	(pc) =	sbr.rel .LBB2_7-.Ltmp5, $4  }
0x1b7: {  	s6 =	simm.s32 $0x480;
	_ =	swait.ge [sflag:s20], $0x2000  }
0x1b8: {  	s8 =	simm.s32 $0x580;
	s12 =	simm.s32 $0x680;
	[sflag:s20] =	ssyncset.done $0x0  }
0x1b9: {  	s14 =	stileid.u32;
	s25 =	simm.s32 $0x780;
	[sflag:s20] =	ssyncadd.s32 $0xFFFFE000  }
0x1ba: {  	[tilespmem:s22], [sflag:$0x4] =	stream.indirect.gather [hbm4b:s4+s30], $0x80, s21, s30, $0xb8;
	[tilespmem:$0x1C800] =	vst v63  }
.LBB2_8:
0x1bb: {  	_ =	sfence.sel $0x180000  }
0x1bc: {  	[bflag:$0x0] =	sbarrier.arrive $0xFFFF  }
0x1bd: {  	_ =	strace $0x9000004D  }
0x1be: {  	[bflag:$0x2] =	sbarrier.arrive $0xFFFF  }
0x1bf: {  	p0 =	sne.s32 s14, $0x0;
	s0 =	rddreg [dreg:$0x2]  }
0x1c0: {  	s0 =	sadd.s32 @!p0 $0x100000, s0  }
0x1c1: {  	[sflag:s0] =	ssyncadd.tile.s32 @!p0 $0x1;
	_ =	shalt  }
.Lfunc_end2:
_tile_overlayer_lowered:
.L_overlay_start_2:
0x1c2: {  	(tag) =	ssettag $0x2  }
0x1c3: {  	s0 =	rddreg [dreg:$0x0];
	s2 =	stileid.u32  }
0x1c4: {  	s1 =	rddreg [dreg:$0x1];
	p0 =	sne.s32 s2, $0x0  }
0x1c5: {  	s3 =	rddreg [dreg:$0x2];
	[bflag:$0x3] =	sbarrier.arrive $0xFFFF;
	s2 =	simm.s32 @!p0 $0x1C0A  }
0x1c6: {  	[timem:s3], [sflag:s2] =	dma.local @!p0 [hbm:s0], s1  }
0x1c7: {  	s0 =	simm.s32 @!p0 $0xA  }
0x1c8: {  	_ =	swait.ge @!p0 [sflag:s0], s1  }
0x1c9: {  	s1 =	ssub.s32 @!p0 $0x0, s1;
	[sflag:s0] =	ssyncset.done @!p0 $0x0  }
0x1ca: {  	[sflag:s0] =	ssyncadd.s32 @!p0 s1  }
0x1cb: {  	[bflag:$0x3] =	sbarrier.arrive $0xFFFF  }
0x1cc: {  	_ =	shalt  }

// kernel: kernel.9.cloned.1.call-start
scs
__scs_entry_jumppad:
0x0: {  	(pc) =	sbr.rel $0x88, $3  }
0x1: {  	(tag) =	ssettag $0x0;
	lr =	simm.s32 $0x1  }
0x2: {  	[smem:$0x3F8F] =	sst lr;
	_ =	strace $0xD0000000  }
0x3: {  	_ = 	snop  }
0x4: {  	_ = 	snop  }
0x5: {  	_ = 	snop  }
0x6: {  	_ = 	snop  }
0x7: {  	_ = 	snop  }
__scs_overlays_trampoline_lowered:
0x8: {  	[smem:$0x3F9E] =	sst s0  }
0x9: {  	[smem:$0x3F9F] =	sst s1  }
0xa: {  	[smem:$0x3FA0] =	sst s2  }
0xb: {  	[smem:$0x3FA1] =	sst s3  }
0xc: {  	[smem:$0x3FA2] =	sst s4  }
0xd: {  	[smem:$0x3FA3] =	sst s5  }
0xe: {  	[smem:$0x3FA4] =	sst s6  }
0xf: {  	[smem:$0x3FA5] =	sst s7  }
0x10: {  	[smem:$0x3FA6] =	sst s8  }
0x11: {  	[smem:$0x3FA7] =	sst s9;
	s0 =	simm.s32 @!p0 $0x0  }
0x12: {  	s1 =	sld [smem:$0x3F8D];
	s0 =	simm.s32 @p0 $0x1  }
0x13: {  	[smem:$0x3FA8] =	sst s0;
	s0 =	simm.s32 @!p1 $0x0  }
0x14: {  	s2 =	sld [smem:$0x3F8C];
	s0 =	simm.s32 @p1 $0x1  }
0x15: {  	[smem:$0x3FA9] =	sst s0;
	s0 =	simm.s32 @!p2 $0x0  }
0x16: {  	s3 =	sld [smem:$0x3FDB];
	s0 =	simm.s32 @p2 $0x1  }
0x17: {  	s4 =	simm.s32 $0x1BF5;
	[smem:$0x3FAB] =	sst s0  }
0x18: {  	s0 =	sld [smem:$0x3F8E];
	_ =	swait.ge [sflag:s4], $0x0  }
0x19: {  	s7 =	sld [smem:$0x3F8F]  }
0x1a: {  	s8 =	sadd.s32 $0xFFFFE003, lr  }
0x1b: {  	s9 =	sadd.s32 $0xFFFFFEF7, lr;
	s5 =	simm.s32 $0xFFFFFFFF;
	p2 =	slt.u32 s8, $0xFFFFF086  }
0x1c: {  	p1 =	slt.u32 s9, $0xF7A;
	s5 =	simm.s32 @!p2 $0x0  }
0x1d: {  	s5 =	simm.s32 @p1 $0x1;
	p0 =	seq.s32 s7, s2  }
0x1e: {  	s7 =	smul.u32 @!p0 $0xF7A, s2;
	p2 =	seq.s32 @!p0 s5, $0x0  }
0x1f: {  	s9 =	smul.u32 $0xF7A, s1;
	s8 =	simm.s32 @!p0 $0x1BF5;
	p2 =	por !p2, p0  }
0x20: {  	[sflag:s8] =	ssyncset.s32 @!p0 $0xFFFFF086;
	s6 =	sadd.s32 @!p0 s3, s7;
	s7 =	simm.s32 @!p0 $0x108  }
0x21: {  	s3 =	sadd.s32 s3, s9;
	s6 =	sadd.s32 @!p0 $0x88, s6;
	s7 =	simm.s32 @p2 $0x1082  }
0x22: {  	[simem:s7], [sflag:s8] =	dma.local @!p0 [hbm:s6], $0xF7A  }
0x23: {  	s9 =	sor.u32 $0xD0000000, s2;
	s6 =	simm.s32 $0x108;
	_ =	swait.ge @!p0 [sflag:s8], $0x0  }
0x24: {  	s3 =	sadd.s32 $0x88, s3;
	s6 =	simm.s32 @!p1 $0x1082;
	[sflag:s4] =	ssyncset.s32 $0xFFFFF086  }
0x25: {  	[simem:s6], [sflag:s4] =	dma.local [hbm:s3], $0xF7A  }
0x26: {  	[smem:$0x3F8F] =	sst s1;
	(tag) =	ssettag s2;
	_ =	strace s9  }
0x27: {  	s1 =	sld [smem:$0x3F9F]  }
0x28: {  	s2 =	sld [smem:$0x3FA0]  }
0x29: {  	s4 =	sld [smem:$0x3FA2]  }
0x2a: {  	p0 =	seq.s32 s5, $0x0;
	s5 =	sld [smem:$0x3FA3]  }
0x2b: {  	s6 =	sld [smem:$0x3FA4]  }
0x2c: {  	s7 =	sld [smem:$0x3FA5]  }
0x2d: {  	s3 =	simm.s32 $0x108;
	s8 =	sld [smem:$0x3FA6]  }
0x2e: {  	s3 =	simm.s32 @!p0 $0x1082;
	s9 =	sld [smem:$0x3FA7]  }
0x2f: {  	lr =	sadd.s32 s0, s3;
	s0 =	sld [smem:$0x3F9E]  }
0x30: {  	s3 =	sld [smem:$0x3FA1]  }
0x31: {  	[smem:$0x3FAA] =	sst s10  }
0x32: {  	s10 =	sld [smem:$0x3FA8];
	_ =	sdelay $0x3  }
0x33: {  	p0 =	seq.s32 s10, $0x1;
	s10 =	sld [smem:$0x3FAA];
	_ =	sdelay $0x3  }
0x34: {  	[smem:$0x3FAA] =	sst s10  }
0x35: {  	s10 =	sld [smem:$0x3FA9];
	_ =	sdelay $0x3  }
0x36: {  	p1 =	seq.s32 s10, $0x1;
	s10 =	sld [smem:$0x3FAA];
	_ =	sdelay $0x3  }
0x37: {  	[smem:$0x3FAA] =	sst s10  }
0x38: {  	s10 =	sld [smem:$0x3FAB]  }
0x39: {  	_ = 	snop;
	(pc) =	sbr.ind lr, $3  }
0x3a: {  	_ = 	snop  }
0x3b: {  	_ = 	snop  }
0x3c: {  	p2 =	seq.s32 s10, $0x1;
	s10 =	sld [smem:$0x3FAA]  }
0x3d: {  	_ =	shalt  }
0x3e: {  	_ =	shalt  }
0x3f: {  	_ =	shalt  }
0x40: {  	_ =	shalt  }
0x41: {  	_ =	shalt  }
0x42: {  	_ =	shalt  }
0x43: {  	_ =	shalt  }
0x44: {  	_ =	shalt  }
0x45: {  	_ =	shalt  }
0x46: {  	_ =	shalt  }
0x47: {  	_ =	shalt  }
0x48: {  	_ =	shalt  }
0x49: {  	_ =	shalt  }
0x4a: {  	_ =	shalt  }
0x4b: {  	_ =	shalt  }
0x4c: {  	_ =	shalt  }
0x4d: {  	_ =	shalt  }
0x4e: {  	_ =	shalt  }
0x4f: {  	_ =	shalt  }
0x50: {  	_ =	shalt  }
0x51: {  	_ =	shalt  }
0x52: {  	_ =	shalt  }
0x53: {  	_ =	shalt  }
0x54: {  	_ =	shalt  }
0x55: {  	_ =	shalt  }
0x56: {  	_ =	shalt  }
0x57: {  	_ =	shalt  }
0x58: {  	_ =	shalt  }
0x59: {  	_ =	shalt  }
0x5a: {  	_ =	shalt  }
0x5b: {  	_ =	shalt  }
0x5c: {  	_ =	shalt  }
0x5d: {  	_ =	shalt  }
0x5e: {  	_ =	shalt  }
0x5f: {  	_ =	shalt  }
0x60: {  	_ =	shalt  }
0x61: {  	_ =	shalt  }
0x62: {  	_ =	shalt  }
0x63: {  	_ =	shalt  }
0x64: {  	_ =	shalt  }
0x65: {  	_ =	shalt  }
0x66: {  	_ =	shalt  }
0x67: {  	_ =	shalt  }
0x68: {  	_ =	shalt  }
0x69: {  	_ =	shalt  }
0x6a: {  	_ =	shalt  }
0x6b: {  	_ =	shalt  }
0x6c: {  	_ =	shalt  }
0x6d: {  	_ =	shalt  }
0x6e: {  	_ =	shalt  }
0x6f: {  	_ =	shalt  }
0x70: {  	_ =	shalt  }
0x71: {  	_ =	shalt  }
0x72: {  	_ =	shalt  }
0x73: {  	_ =	shalt  }
0x74: {  	_ =	shalt  }
0x75: {  	_ =	shalt  }
0x76: {  	_ =	shalt  }
0x77: {  	_ =	shalt  }
0x78: {  	_ =	shalt  }
0x79: {  	_ =	shalt  }
0x7a: {  	_ =	shalt  }
0x7b: {  	_ =	shalt  }
0x7c: {  	_ =	shalt  }
0x7d: {  	_ =	shalt  }
0x7e: {  	_ =	shalt  }
0x7f: {  	_ =	shalt  }
0x80: {  	_ =	shalt  }
0x81: {  	_ =	shalt  }
0x82: {  	_ =	shalt  }
0x83: {  	_ =	shalt  }
0x84: {  	_ =	shalt  }
0x85: {  	_ =	shalt  }
0x86: {  	_ =	shalt  }
0x87: {  	_ =	shalt  }
.Lfunc_end0:
.L_simem_size_0:
called_computation_lowered:
.L_overlay_start_0:
0x88: {  	s2 =	sld [smem:$0x3FD9]  }
0x89: {  	s3 =	sld [smem:$0x3FFE];
	_ =	sdelay $0x1  }
0x8a: {  	s1 =	srdreg.scid  }
0x8b: {  	s0 =	sand.u32 $0x1, s1  }
0x8c: {  	s16 =	sshll.u32 s0, $0xA;
	s2 =	sadd.s32 s3, s2  }
0x8d: {  	s2 =	sadd.s32 s2, s16  }
0x8e: {  	[smem:$0x3FB6] =	sst s2  }
0x8f: {  	_ = 	snop  }
0x90: {  	(tm) =	ssettm $0x1  }
0x91: {  	s17 =	sld [smem:$0x3FFB];
	_ =	sdelay $0x3  }
0x92: {  	_ =	strace s17  }
0x93: {  	s2 =	sld [smem:$0x3FFC];
	_ =	sdelay $0x3  }
0x94: {  	_ =	strace s2  }
0x95: {  	s2 =	sld [smem:$0x3FFD];
	_ =	sdelay $0x3  }
0x96: {  	_ =	strace s2  }
0x97: {  	_ =	strace $0x8FFFFFFF  }
0x98: {  	s18 =	sld [smem:$0x3FDB];
	_ =	sdelay $0x1  }
0x99: {  	s19 =	simm.s32 $_scs_section_size  }
0x9a: {  	s4 =	simm.s32 $_size__tile_overlayer_lowered;
	s5 =	simm.s32 $_tile_overlayer_lowered  }
0x9b: {  	s22 =	simm.s32 $0x1BFF;
	s21 =	sshll.u32 s5, $0x1;
	s2 =	sadd.s32 s19, s18  }
0x9c: {  	s6 =	simm.s32 $0x0;
	s20 =	sshll.u32 s4, $0x1;
	s4 =	sadd.s32 s21, s2  }
0x9d: {  	[timem:s6], [sflag:s22] =	dma.local [hbm:s4], s20  }
0x9e: {  	_ =	swait.ge [sflag:s22], s20  }
0x9f: {  	s3 =	ssub.s32 $0x0, s20;
	[sflag:s22] =	ssyncset.done $0x0  }
0xa0: {  	[sflag:s22] =	ssyncadd.s32 s3;
	_ =	sdelay $0x1  }
0xa1: {  	s23 =	simm.s32 $0x1B8B  }
0xa2: {  	_ =	swait.ge [sflag:s23], $0x1  }
0xa3: {  	[sflag:s23] =	ssyncset.done $0x0  }
0xa4: {  	s25 =	simm.s32 $0x1B8E;
	s24 =	sld [smem:$0x3FFE];
	[sflag:s23] =	ssyncadd.s32 $0xFFFFFFFF  }
0xa5: {  	s26 =	simm.s32 $execute0_lowered;
	[smem:$0x3FD2] =	sst s25  }
0xa6: {  	s4 =	sshll.u32 s26, $0x1;
	_ =	strace $0x80000046;
	[dreg:$0x1] =	wrdreg $0xFFFFFFFF  }
0xa7: {  	s28 =	simm.s32 $_size_execute0_lowered;
	s2 =	sadd.s32 s2, s4;
	[dreg:$0x0] =	wrdreg $0x0  }
0xa8: {  	s4 =	sshll.u32 s28, $0x1;
	[dreg:$0x2] =	wrdreg s2  }
0xa9: {  	[dreg:$0x3] =	wrdreg s4  }
0xaa: {  	[dreg:$0x4] =	wrdreg $0xC0  }
0xab: {  	_ =	task [dreg:s6], $0x5FFFF  }
0xac: {  	[dreg:$0x1] =	wrdreg $0xFFFFFFFF  }
0xad: {  	[dreg:$0x0] =	wrdreg $0x60  }
0xae: {  	[dreg:$0x2] =	wrdreg s24  }
0xaf: {  	[dreg:$0x3] =	wrdreg $0x9  }
0xb0: {  	_ =	task.clear_ibuf [dreg:s6], $0x4FFFF;
	_ =	strace $0x90000046  }
0xb1: {  	s29 =	simm.s32 $0x9;
	_ =	strace $0x80000048  }
0xb2: {  	_ =	swait.ge [sflag:s29], $0x1  }
0xb3: {  	[sflag:s29] =	ssyncadd.s32 $0xFFFFFFFF  }
0xb4: {  	_ =	strace $0x90000048  }
0xb5: {  	_ =	sfence  }
0xb6: {  	s30 =	sld [smem:$0x0];
	_ =	sdelay $0x2  }
0xb7: {  	s31 =	sshll.u32 s1, $0xD;
	s1 =	sshrl.u32 s1, $0x2  }
0xb8: {  	s3 =	sand.u32 $0x4000, s31;
	s1 =	sadd.s32 s1, s30  }
0xb9: {  	s0 =	sor.u32 s3, s0;
	s1 =	sshll.u32 s1, $0x11  }
0xba: {  	s0 =	sor.u32 s1, s0  }
0xbb: {  	s0 =	sadd.s32 $0x8F2B, s0  }
0xbc: {  	[sflag:s0] =	ssyncadd.remote.s32 $0x1  }
0xbd: {  	_ =	sfence.sel $0xFFFF  }
0xbe: {  	[dreg:$0x0] =	wrdreg $0xFFFFFFFF;
	(pc) =	sbr.abs _section_cstart, $3  }
0xbf: {  	[dreg:$0x1] =	wrdreg $0xFFFFFFFF  }
0xc0: {  	_ =	task.clear_ibuf [dreg:s6], $0x2FFFF;
	_ =	strace $0x9FFFFFFF  }
0xc1: {  	(tm) =	ssettm $0x7FFFFFFF  }
tec
execute0_lowered:
.L_overlay_start_1:
0x0: {  	(tag) =	ssettag $0x1  }
0x1: {  	s1 =	srdreg.scid;
	s0 =	stileid.u32  }
0x2: {  	s4 =	rddreg [dreg:$0x0];
	s3 =	sand.u32 $0x1, s1;
	s30 =	sshll.u32 s0, $0x1  }
0x3: {  	s2 =	simm.s32 $0x0;
	s8 =	simm.s32 $0x0;
	s5 =	sor.u32 s3, s30  }
0x4: {  	s1 =	rddreg [dreg:$0x1];
	s3 =	ssub.s32 $0x2, s3;
	s6 =	smul.u32 $0xA00, s5  }
0x5: {  	[smem:$0x7FF] =	sst s2;
	s5 =	smul.u32 $0x500, s5;
	s7 =	sshrl.u32 s3, $0x1  }
0x6: {  	_ =	strace $0x80000047;
	s31 =	ssub.s32 s3, s7;
	s7 =	simm.s32 $0x5000  }
0x7: {  	s6 =	sadd.s32 s6, s4;
	s4 =	sadd.s32 s5, s4;
	s5 =	smax.u32 s31, $0x1  }
0x8: {  	v0 =	vimm.f32 $0.0e+00;
	v1 =	vimm.f32 $1.000000000e+00;
	s3 =	sadd.s32 $0x3200, s6;
	s4 =	sadd.s32 $0x17200, s4;
	s6 =	simm.s32 $0x1  }
.LBB2_1:
0x9: {  	[tilespmem:s2], [sflag:$0x1] =	stream.linear.gather [hbm4b:s3+s2], $0x5000, $0x38;
	[tilespmem:$0x7800] =	vst v63  }
0xa: {  	_ =	swait.ge [sflag:s6], $0x5000  }
0xb: {  	[sflag:s6] =	ssyncset.done $0x0  }
0xc: {  	s9 =	simm.s32 $0x0;
	[sflag:s6] =	ssyncadd.s32 $0xFFFFB000  }
.LBB2_2:
0xd: {  	p0 =	sne.s32 s9, $0x9FC0  }
.Ltmp0:
0xe: {  	_ = 	snop;
	(pc) =	sbr.rel @p0 .LBB2_2-.Ltmp0, $3  }
0xf: {  	_ =	sdelay $0x1  }
0x10: {  	s10 =	sshra.s32 s9, $0x2  }
0x11: {  	s9 =	sadd.s32 $0x40, s9;
	[tilespmem:s10+$0x5000] =	vst v0  }
0x12: {  	s9 =	simm.s32 $0x0  }
0x13: {  	s10 =	sand.u32 $0x1FE00, s9  }
0x14: {  	s9 =	sand.u32 $0x30, s9;
	s10 =	sshrl.u32 s10, $0x2  }
0x15: {  	s9 =	sor.u32 s9, s10  }
0x16: {  	v2 =	vld [tilespmem:s9+$0x0];
	_ =	sdelay $0x4  }
0x17: {  	s11 =	simm.s32 $0x80  }
0x18: {  	s11 =	sand.u32 $0x1FE00, s11;
	s10 =	simm.s32 $0x100;
	s9 =	simm.s32 $0x10  }
.LBB2_4:
0x19: {  	p0 =	sne.s32 s10, $0x13F80;
	s12 =	sand.u32 $0x30, s9;
	s11 =	sshrl.u32 s11, $0x2  }
0x1a: {  	s11 =	sor.u32 s12, s11;
	[tilespmem:v2+s7+$0x0] =	vst.idx.add.f32.msk $0xffff, v1  }
0x1b: {  	v2 =	vld [tilespmem:s11+$0x0];
	_ =	sdelay $0x1  }
.Ltmp1:
0x1c: {  	(pc) =	sbr.rel @p0 .LBB2_4-.Ltmp1, $2  }
0x1d: {  	_ =	sdelay $0x2  }
0x1e: {  	s9 =	sadd.s32 $0x10, s9;
	s11 =	sand.u32 $0x1FE00, s10;
	s10 =	sadd.s32 $0x80, s10  }
0x1f: {  	_ =	sdelay $0x2  }
0x20: {  	s9 =	sand.u32 $0x30, s9;
	s10 =	sshrl.u32 s11, $0x2  }
0x21: {  	[tilespmem:v2+s7+$0x0] =	vst.idx.add.f32.msk $0xffff, v1;
	s9 =	sor.u32 s9, s10  }
0x22: {  	v2 =	vld [tilespmem:s9+$0x0];
	_ =	sdelay $0x5  }
0x23: {  	s8 =	sadd.s32 $0x1, s8  }
0x24: {  	p0 =	sne.s32 s8, s5  }
.Ltmp2:
0x25: {  	[tilespmem:v2+s7+$0x0] =	vst.idx.add.f32.msk $0xffff, v1;
	(pc) =	sbr.rel @p0 .LBB2_1-.Ltmp2, $4  }
0x26: {  	[hbm4b:s4+s2] =	stream.linear.scatter [tilespmem:s7], [sflag:$0x1], $0x2800, $0x38;
	[tilespmem:$0x7800] =	vst v63  }
0x27: {  	_ =	swait.ge [sflag:s6], $0x2800  }
0x28: {  	[sflag:s6] =	ssyncset.done $0x0  }
0x29: {  	[sflag:s6] =	ssyncadd.s32 $0xFFFFD800  }
0x2a: {  	_ =	sfence.sel $0x180000  }
0x2b: {  	[bflag:$0x0] =	sbarrier.arrive $0xFFFF  }
0x2c: {  	p0 =	sne.s32 s0, $0x0;
	_ =	strace $0x90000047  }
0x2d: {  	s0 =	sadd.s32 @!p0 $0x100000, s1;
	[bflag:$0x2] =	sbarrier.arrive $0xFFFF  }
0x2e: {  	[sflag:s0] =	ssyncadd.tile.s32 @!p0 $0x1;
	_ =	shalt  }
.Lfunc_end2:
_tile_overlayer_lowered:
.L_overlay_start_2:
0x2f: {  	(tag) =	ssettag $0x2  }
0x30: {  	s0 =	rddreg [dreg:$0x0];
	s2 =	stileid.u32  }
0x31: {  	s1 =	rddreg [dreg:$0x1];
	p0 =	sne.s32 s2, $0x0  }
0x32: {  	s3 =	rddreg [dreg:$0x2];
	[bflag:$0x3] =	sbarrier.arrive $0xFFFF;
	s2 =	simm.s32 @!p0 $0x1C01  }
0x33: {  	[timem:s3], [sflag:s2] =	dma.local @!p0 [hbm:s0], s1  }
0x34: {  	s0 =	simm.s32 @!p0 $0x1  }
0x35: {  	_ =	swait.ge @!p0 [sflag:s0], s1  }
0x36: {  	s1 =	ssub.s32 @!p0 $0x0, s1;
	[sflag:s0] =	ssyncset.done @!p0 $0x0  }
0x37: {  	[sflag:s0] =	ssyncadd.s32 @!p0 s1  }
0x38: {  	[bflag:$0x3] =	sbarrier.arrive $0xFFFF  }
0x39: {  	_ =	shalt  }

</sc_bundles>
